<compile_context>
chip_gen: v7x
topology: tpu7x:2x2x1
jax: 0.10.2.dev20260603
libtpu: 0.0.44.dev20260713+nightly
codegen_flags: <defaults>
</compile_context>

<pallas_src>
import jax
import jax.numpy as jnp
from jax import lax
from jax.experimental import pallas as pl
from jax.experimental.pallas import tpu as pltpu
from jax.experimental.pallas import tpu_sc as plsc

NUM_GT = 8192
P = 512
R = 256
GRID = NUM_GT // R
NBINS = 50
HPAD = 64

NW = 32
ROWS_PER_W = NUM_GT // NW
RB = 32
NBLK = ROWS_PER_W // RB
NBANK = 4


def _iou(ax1, ay1, ax2, ay2, bx1, by1, bx2, by2, eps=1e-6):
    ltx = jnp.maximum(ax1, bx1)
    lty = jnp.maximum(ay1, by1)
    rbx = jnp.minimum(ax2, bx2)
    rby = jnp.minimum(ay2, by2)
    w = jnp.maximum(rbx - ltx, 0.0)
    h = jnp.maximum(rby - lty, 0.0)
    ov = w * h
    a1 = (ax2 - ax1) * (ay2 - ay1)
    a2 = (bx2 - bx1) * (by2 - by1)
    union = jnp.maximum(a1 + a2 - ov, eps)
    return ov / union




def _sc_hist_body(pb_ref, gt_ref, out_ref, buf, gtbuf, hist0, hist1, hist2,
                  hist3, flat, stg, shared, sem):
    del sem
    banks = (hist0, hist1, hist2, hist3)
    cid = lax.axis_index("c")
    sid = lax.axis_index("s")
    wid = cid * 16 + sid
    lane = lax.broadcasted_iota(jnp.int32, (16,), 0)
    zero16 = jnp.zeros((16,), jnp.float32)
    ones16 = jnp.ones((16,), jnp.float32)
    zero16i = jnp.zeros((16,), jnp.int32)

    for hb in banks:
        for k in range(16 * HPAD // 16):
            hb[pl.ds(k * 16, 16)] = zero16
    for k in range(128 // 16):
        flat[pl.ds(k * 16, 16)] = zero16

    rows0 = wid * ROWS_PER_W
    lane_off = lane * HPAD

    def blk_body(b, carry):
        base = rows0 + b * RB
        pltpu.sync_copy(pb_ref.at[:, pl.ds(base, RB), :], buf)
        pltpu.sync_copy(gt_ref.at[pl.ds(base, RB), :], gtbuf)

        def row_body(r, zcnt):
            rsp = zero16i + r
            g0 = plsc.load_gather(gtbuf, [rsp, zero16i])
            g1 = plsc.load_gather(gtbuf, [rsp, zero16i + 1])
            g2 = plsc.load_gather(gtbuf, [rsp, zero16i + 2])
            g3 = plsc.load_gather(gtbuf, [rsp, zero16i + 3])
            for c in range(P // 16):
                x1 = buf[0, r, pl.ds(c * 16, 16)]
                y1 = buf[1, r, pl.ds(c * 16, 16)]
                x2 = buf[2, r, pl.ds(c * 16, 16)]
                y2 = buf[3, r, pl.ds(c * 16, 16)]
                iou = _iou(x1, y1, x2, y2, g0, g1, g2, g3)
                bin_ = jnp.minimum((iou * float(NBINS)).astype(jnp.int32),
                                   NBINS - 1)
                nz = bin_ >= 1
                zcnt = zcnt + jnp.where(nz, 0.0, 1.0)
                plsc.addupdate_scatter(
                    banks[c % NBANK], [lane_off + bin_], ones16, mask=nz)
            return zcnt

        return lax.fori_loop(0, RB, row_body, carry)

    zcnt = lax.fori_loop(0, NBLK, blk_body, zero16)
    zsum = jnp.sum(zcnt)

    for cc in range(4):
        acc = zero16
        for hb in banks:
            for rr in range(16):
                acc = acc + hb[pl.ds(rr * HPAD + cc * 16, 16)]
        if cc == 0:
            acc = acc + jnp.where(lane == 0, zsum, 0.0)
        flat[pl.ds(cc * 16, 16)] = acc

    pltpu.sync_copy(flat, shared.at[sid])
    plsc.subcore_barrier()

    @pl.when(sid == 0)
    def _():
        pltpu.sync_copy(shared, stg)
        for cc in range(4):
            acc = zero16
            for rr in range(16):
                acc = acc + stg[rr, pl.ds(cc * 16, 16)]
            flat[pl.ds(cc * 16, 16)] = acc
        pltpu.sync_copy(flat, out_ref.at[cid])


def _sc_hist(pbt, gt_bboxes):
    mesh = plsc.VectorSubcoreMesh(core_axis_name="c", subcore_axis_name="s")
    k = pl.kernel(
        _sc_hist_body,
        out_type=jax.ShapeDtypeStruct((2, 128), jnp.float32),
        mesh=mesh,
        scratch_types=[
            pltpu.VMEM((4, RB, P), jnp.float32),
            pltpu.VMEM((RB, 4), jnp.float32),
            pltpu.VMEM((16 * HPAD,), jnp.float32),
            pltpu.VMEM((16 * HPAD,), jnp.float32),
            pltpu.VMEM((16 * HPAD,), jnp.float32),
            pltpu.VMEM((16 * HPAD,), jnp.float32),
            pltpu.VMEM((128,), jnp.float32),
            pltpu.VMEM((16, 128), jnp.float32),
            pltpu.VMEM_SHARED((16, 128), jnp.float32),
            pltpu.SemaphoreType.DMA,
        ],
        compiler_params=pltpu.CompilerParams(needs_layout_passes=False),
    )
    return k(pbt, gt_bboxes)




def _small_hist(vals, lo, hi):
    b = jnp.floor((vals - lo) * (NBINS / (hi - lo)))
    b = jnp.clip(b, 0.0, NBINS - 1.0).astype(jnp.int32)
    iota = lax.broadcasted_iota(jnp.int32, (1, HPAD), 1)
    eq = jnp.where(b == iota, 1.0, 0.0)
    return jnp.sum(eq, axis=0, keepdims=True)


def _tc_body(pbt_ref, gt_ref, mb_ref,
             minus_ref, norm_ref, hmax_ref, hmean_ref, hgt_ref, htop_ref):
    i = pl.program_id(0)

    x1 = pbt_ref[0]
    y1 = pbt_ref[1]
    x2 = pbt_ref[2]
    y2 = pbt_ref[3]
    gt = gt_ref[...]
    mb = mb_ref[...]

    g0, g1, g2, g3 = gt[:, 0:1], gt[:, 1:2], gt[:, 2:3], gt[:, 3:4]
    m0, m1, m2, m3 = mb[:, 0:1], mb[:, 1:2], mb[:, 2:3], mb[:, 3:4]

    s = _iou(g0, g1, g2, g3, m0, m1, m2, m3)

    iou1 = _iou(x1, y1, x2, y2, g0, g1, g2, g3)

    minus = iou1 - s
    norm = minus / s
    mask = (iou1 < 0.5) & (s < 0.5)
    minus_ref[...] = jnp.where(mask, 100.0, minus)
    norm_ref[...] = jnp.where(mask, 100.0, norm)

    mean_r = jnp.sum(iou1, axis=1, keepdims=True) * (1.0 / P)

    x = iou1
    acc = jnp.zeros((R, 1), jnp.float32)
    need = jnp.full((R, 1), 10.0, jnp.float32)
    maxv = None
    for k in range(10):
        m = jnp.max(x, axis=1, keepdims=True)
        if k == 0:
            maxv = m
        d = jnp.sum(jnp.where(x == m, 1.0, 0.0), axis=1, keepdims=True)
        take = jnp.minimum(d, need)
        acc += take * m
        need -= take
        if k < 9:
            x = jnp.where(x == m, -1.0, x)
    top10_mean = acc / 10.0

    @pl.when(i == 0)
    def _init():
        zero = jnp.zeros((1, HPAD), jnp.float32)
        hmax_ref[...] = zero
        hmean_ref[...] = zero
        hgt_ref[...] = zero
        htop_ref[...] = zero

    hmax_ref[...] += _small_hist(maxv, 0.0, 1.0)
    hmean_ref[...] += _small_hist(mean_r, 0.0, 1.0)
    htop_ref[...] += _small_hist(top10_mean, 0.0, 1.0)
    hgt_ref[...] += _small_hist(s, -1.0, 1.0)


def _tc_dense(pbt, gt_bboxes, merge_boxes):
    f32 = jnp.float32
    return pl.pallas_call(
        _tc_body,
        grid=(GRID,),
        in_specs=[
            pl.BlockSpec((4, R, P), lambda i: (0, i, 0)),
            pl.BlockSpec((R, 4), lambda i: (i, 0)),
            pl.BlockSpec((R, 4), lambda i: (i, 0)),
        ],
        out_specs=[
            pl.BlockSpec((R, P), lambda i: (i, 0)),
            pl.BlockSpec((R, P), lambda i: (i, 0)),
            pl.BlockSpec((1, HPAD), lambda i: (0, 0)),
            pl.BlockSpec((1, HPAD), lambda i: (0, 0)),
            pl.BlockSpec((1, HPAD), lambda i: (0, 0)),
            pl.BlockSpec((1, HPAD), lambda i: (0, 0)),
        ],
        out_shape=[
            jax.ShapeDtypeStruct((NUM_GT, P), f32),
            jax.ShapeDtypeStruct((NUM_GT, P), f32),
            jax.ShapeDtypeStruct((1, HPAD), f32),
            jax.ShapeDtypeStruct((1, HPAD), f32),
            jax.ShapeDtypeStruct((1, HPAD), f32),
            jax.ShapeDtypeStruct((1, HPAD), f32),
        ],
    )(pbt, gt_bboxes, merge_boxes)


def kernel(pseudo_boxes, gt_bboxes, merge_boxes):
    pb = pseudo_boxes.reshape(NUM_GT, P, 4)
    pbt = jnp.transpose(pb, (2, 0, 1))

    h1_part = _sc_hist(pbt, gt_bboxes)

    minus, norm, hmax, hmean, hgt, htop = _tc_dense(
        pbt, gt_bboxes, merge_boxes)

    h1 = h1_part[0, :NBINS] + h1_part[1, :NBINS]
    return (h1, hmax[0, :NBINS], hmean[0, :NBINS],
            hgt[0, :NBINS], htop[0, :NBINS], minus, norm)

# --- scband reference (transcript-rebuilt; emitter-appended) ---
"""Pipeline reference for scband-test-p2-b-iou-3-72954314490248 (READ-ONLY COPY).

The authoritative reference and input builder live on the scoring server;
editing this copy changes nothing except your own understanding.
"""

import jax, jax.numpy as jnp
import numpy as np

NUM_GT = 8192
P = 512


def _make_boxes(key, shape_prefix):
    k1, k2 = jax.random.split(key)
    xy = jax.random.uniform(k1, shape_prefix + (2,)) * 100.0
    wh = jax.random.uniform(k2, shape_prefix + (2,)) * 50.0 + 1.0
    return jnp.concatenate([xy, xy + wh], axis=-1).astype(jnp.float32)


def setup_inputs(seed: int = 0) -> dict:
    key = jax.random.key(seed)
    kp, kg, km = jax.random.split(key, 3)
    pseudo_boxes = _make_boxes(kp, (NUM_GT, P))
    gt_bboxes = _make_boxes(kg, (NUM_GT,))
    merge_boxes = _make_boxes(km, (NUM_GT,))
    return {"pseudo_boxes": pseudo_boxes, "gt_bboxes": gt_bboxes, "merge_boxes": merge_boxes}


def bbox_overlaps_aligned(b1, b2, eps=1e-6):
    # mmdet-style aligned IoU
    lt = jnp.maximum(b1[..., :2], b2[..., :2])
    rb = jnp.minimum(b1[..., 2:], b2[..., 2:])
    wh = jnp.clip(rb - lt, 0.0)
    overlap = wh[..., 0] * wh[..., 1]
    area1 = (b1[..., 2] - b1[..., 0]) * (b1[..., 3] - b1[..., 1])
    area2 = (b2[..., 2] - b2[..., 0]) * (b2[..., 3] - b2[..., 1])
    union = jnp.maximum(area1 + area2 - overlap, eps)
    return overlap / union


def _histc(x, bins, lo, hi):
    # torch.histc equivalent: values outside [lo, hi] ignored
    h, _ = jnp.histogram(x, bins=bins, range=(lo, hi))
    return h.astype(jnp.float32)


def reference(pseudo_boxes, gt_bboxes, merge_boxes):
    num_gt = gt_bboxes.shape[0]
    pb = pseudo_boxes.reshape(num_gt, -1, 4)
    mb = jnp.broadcast_to(merge_boxes.reshape(num_gt, 1, 4), pb.shape)
    gb = jnp.broadcast_to(gt_bboxes.reshape(num_gt, 1, 4), pb.shape)

    iou1 = bbox_overlaps_aligned(pb, gb).reshape(pb.shape[0], pb.shape[1])
    iou2 = bbox_overlaps_aligned(gb, mb).reshape(pb.shape[0], pb.shape[1])

    top10 = jax.lax.top_k(iou1, 10)[0]
    top10_mean = top10.mean(axis=1)
    max_iou1 = iou1.max(axis=1)
    mean_iou1 = iou1.mean(axis=1)

    iou_gt_mb = bbox_overlaps_aligned(gb, mb)
    iou_minus = iou1 - iou2
    iou_minus_norm = iou_minus / iou_gt_mb

    hist_iou1 = _histc(iou1.reshape(-1), 50, 0.0, 1.0)
    hist_iou1_max = _histc(max_iou1.reshape(-1), 50, 0.0, 1.0)
    hist_iou1_mean = _histc(mean_iou1.reshape(-1), 50, 0.0, 1.0)
    hist_iou_gt_mb = _histc(iou_gt_mb[:, 0].reshape(-1), 50, -1.0, 1.0)
    hist_top10_mean = _histc(top10_mean.reshape(-1), 50, 0.0, 1.0)

    mask = (iou1 < 0.5) & (iou2 < 0.5)
    iou_minus = jnp.where(mask, 100.0, iou_minus)
    iou_minus_norm = jnp.where(mask, 100.0, iou_minus_norm)

    # original module writes histogram buffers to a text file (side effect);
    # here we return the updated buffers plus the masked difference maps.
    return (hist_iou1, hist_iou1_max, hist_iou1_mean, hist_iou_gt_mb, hist_top10_mean, iou_minus, iou_minus_norm)

if __name__ == "__main__":
    import jax
    _d = setup_inputs()
    print(jax.jit(kernel)(*tuple(_d.values())))

</pallas_src>

<mosaic_0001>
#map = affine_map<(d0, d1) -> (0, 0, 0)>
#map1 = affine_map<(d0, d1) -> (0, 0)>
module attributes {stable_mosaic.version = 14 : i64} {
  func.func @_sc_hist_body(%arg0: i32, %arg1: i32, %arg2: memref<4x8192x512xf32, #tpu.memory_space<hbm>>, %arg3: memref<8192x4xf32, #tpu.memory_space<hbm>>, %arg4: memref<2x128xf32, #tpu.memory_space<hbm>>, %arg5: memref<4x32x512xf32, #tpu.memory_space<vmem>>, %arg6: memref<32x4xf32, #tpu.memory_space<vmem>>, %arg7: memref<1024xf32, #tpu.memory_space<vmem>>, %arg8: memref<1024xf32, #tpu.memory_space<vmem>>, %arg9: memref<1024xf32, #tpu.memory_space<vmem>>, %arg10: memref<1024xf32, #tpu.memory_space<vmem>>, %arg11: memref<128xf32, #tpu.memory_space<vmem>>, %arg12: memref<16x128xf32, #tpu.memory_space<vmem>>, %arg13: memref<16x128xf32, #tpu.memory_space<vmem_shared>>, %arg14: memref<!tpu.dma_semaphore, #tpu.memory_space<semaphore_mem>>) attributes {dimension_semantics = [#tpu.dimension_semantics<core_parallel>, #tpu.dimension_semantics<subcore_parallel>], iteration_bounds = array<i64: 2, 16>, scalar_prefetch = 0 : i64, scratch_operands = 10 : i64, tpu.core_type = #tpu.core_type<sc_vector_subcore>, window_params = [{transform_indices = #map}, {transform_indices = #map1}, {transform_indices = #map1}]} {
    %mul3A = arith.constant 16 : i32
    %mul3A_0 = arith.muli %arg0, %mul3A : i32
    %add3A = arith.addi %mul3A_0, %arg1 : i32
    %iota3A = tpu.iota {dimensions = array<i32: 0>} : vector<16xi32>
    %broadcast_in_dim3A = arith.constant 0.000000e+00 : f32
    %broadcast_in_dim3A_1 = vector.broadcast %broadcast_in_dim3A : f32 to vector<16xf32>
    %broadcast_in_dim3A_2 = arith.constant 1.000000e+00 : f32
    %broadcast_in_dim3A_3 = vector.broadcast %broadcast_in_dim3A_2 : f32 to vector<16xf32>
    %broadcast_in_dim3A_4 = arith.constant 0 : i32
    %broadcast_in_dim3A_5 = vector.broadcast %broadcast_in_dim3A_4 : i32 to vector<16xi32>
    %swap3A = arith.constant 0 : index
    %swap3A_6 = tpu.vector_load %arg7[%swap3A] {strides = array<i32>} : memref<1024xf32, #tpu.memory_space<vmem>>, vector<16xf32>,
    tpu.vector_store %arg7[%swap3A], %broadcast_in_dim3A_1 {strides = array<i32>} : memref<1024xf32, #tpu.memory_space<vmem>>, vector<16xf32>,
    %swap3A_7 = arith.constant 16 : index
    %swap3A_8 = tpu.vector_load %arg7[%swap3A_7] {strides = array<i32>} : memref<1024xf32, #tpu.memory_space<vmem>>, vector<16xf32>,
    tpu.vector_store %arg7[%swap3A_7], %broadcast_in_dim3A_1 {strides = array<i32>} : memref<1024xf32, #tpu.memory_space<vmem>>, vector<16xf32>,
    %swap3A_9 = arith.constant 32 : index
    %swap3A_10 = tpu.vector_load %arg7[%swap3A_9] {strides = array<i32>} : memref<1024xf32, #tpu.memory_space<vmem>>, vector<16xf32>,
    tpu.vector_store %arg7[%swap3A_9], %broadcast_in_dim3A_1 {strides = array<i32>} : memref<1024xf32, #tpu.memory_space<vmem>>, vector<16xf32>,
    %swap3A_11 = arith.constant 48 : index
    %swap3A_12 = tpu.vector_load %arg7[%swap3A_11] {strides = array<i32>} : memref<1024xf32, #tpu.memory_space<vmem>>, vector<16xf32>,
    tpu.vector_store %arg7[%swap3A_11], %broadcast_in_dim3A_1 {strides = array<i32>} : memref<1024xf32, #tpu.memory_space<vmem>>, vector<16xf32>,
    %swap3A_13 = arith.constant 64 : index
    %swap3A_14 = tpu.vector_load %arg7[%swap3A_13] {strides = array<i32>} : memref<1024xf32, #tpu.memory_space<vmem>>, vector<16xf32>,
    tpu.vector_store %arg7[%swap3A_13], %broadcast_in_dim3A_1 {strides = array<i32>} : memref<1024xf32, #tpu.memory_space<vmem>>, vector<16xf32>,
    %swap3A_15 = arith.constant 80 : index
    %swap3A_16 = tpu.vector_load %arg7[%swap3A_15] {strides = array<i32>} : memref<1024xf32, #tpu.memory_space<vmem>>, vector<16xf32>,
    tpu.vector_store %arg7[%swap3A_15], %broadcast_in_dim3A_1 {strides = array<i32>} : memref<1024xf32, #tpu.memory_space<vmem>>, vector<16xf32>,
    %swap3A_17 = arith.constant 96 : index
    %swap3A_18 = tpu.vector_load %arg7[%swap3A_17] {strides = array<i32>} : memref<1024xf32, #tpu.memory_space<vmem>>, vector<16xf32>,
    tpu.vector_store %arg7[%swap3A_17], %broadcast_in_dim3A_1 {strides = array<i32>} : memref<1024xf32, #tpu.memory_space<vmem>>, vector<16xf32>,
    %swap3A_19 = arith.constant 112 : index
    %swap3A_20 = tpu.vector_load %arg7[%swap3A_19] {strides = array<i32>} : memref<1024xf32, #tpu.memory_space<vmem>>, vector<16xf32>,
    tpu.vector_store %arg7[%swap3A_19], %broadcast_in_dim3A_1 {strides = array<i32>} : memref<1024xf32, #tpu.memory_space<vmem>>, vector<16xf32>,
    %swap3A_21 = arith.constant 128 : index
    %swap3A_22 = tpu.vector_load %arg7[%swap3A_21] {strides = array<i32>} : memref<1024xf32, #tpu.memory_space<vmem>>, vector<16xf32>,
    tpu.vector_store %arg7[%swap3A_21], %broadcast_in_dim3A_1 {strides = array<i32>} : memref<1024xf32, #tpu.memory_space<vmem>>, vector<16xf32>,
    %swap3A_23 = arith.constant 144 : index
    %swap3A_24 = tpu.vector_load %arg7[%swap3A_23] {strides = array<i32>} : memref<1024xf32, #tpu.memory_space<vmem>>, vector<16xf32>,
    tpu.vector_store %arg7[%swap3A_23], %broadcast_in_dim3A_1 {strides = array<i32>} : memref<1024xf32, #tpu.memory_space<vmem>>, vector<16xf32>,
    %swap3A_25 = arith.constant 160 : index
    %swap3A_26 = tpu.vector_load %arg7[%swap3A_25] {strides = array<i32>} : memref<1024xf32, #tpu.memory_space<vmem>>, vector<16xf32>,
    tpu.vector_store %arg7[%swap3A_25], %broadcast_in_dim3A_1 {strides = array<i32>} : memref<1024xf32, #tpu.memory_space<vmem>>, vector<16xf32>,
    %swap3A_27 = arith.constant 176 : index
    %swap3A_28 = tpu.vector_load %arg7[%swap3A_27] {strides = array<i32>} : memref<1024xf32, #tpu.memory_space<vmem>>, vector<16xf32>,
    tpu.vector_store %arg7[%swap3A_27], %broadcast_in_dim3A_1 {strides = array<i32>} : memref<1024xf32, #tpu.memory_space<vmem>>, vector<16xf32>,
    %swap3A_29 = arith.constant 192 : index
    %swap3A_30 = tpu.vector_load %arg7[%swap3A_29] {strides = array<i32>} : memref<1024xf32, #tpu.memory_space<vmem>>, vector<16xf32>,
    tpu.vector_store %arg7[%swap3A_29], %broadcast_in_dim3A_1 {strides = array<i32>} : memref<1024xf32, #tpu.memory_space<vmem>>, vector<16xf32>,
    %swap3A_31 = arith.constant 208 : index
    %swap3A_32 = tpu.vector_load %arg7[%swap3A_31] {strides = array<i32>} : memref<1024xf32, #tpu.memory_space<vmem>>, vector<16xf32>,
    tpu.vector_store %arg7[%swap3A_31], %broadcast_in_dim3A_1 {strides = array<i32>} : memref<1024xf32, #tpu.memory_space<vmem>>, vector<16xf32>,
    %swap3A_33 = arith.constant 224 : index
    %swap3A_34 = tpu.vector_load %arg7[%swap3A_33] {strides = array<i32>} : memref<1024xf32, #tpu.memory_space<vmem>>, vector<16xf32>,
    tpu.vector_store %arg7[%swap3A_33], %broadcast_in_dim3A_1 {strides = array<i32>} : memref<1024xf32, #tpu.memory_space<vmem>>, vector<16xf32>,
    %swap3A_35 = arith.constant 240 : index
    %swap3A_36 = tpu.vector_load %arg7[%swap3A_35] {strides = array<i32>} : memref<1024xf32, #tpu.memory_space<vmem>>, vector<16xf32>,
    tpu.vector_store %arg7[%swap3A_35], %broadcast_in_dim3A_1 {strides = array<i32>} : memref<1024xf32, #tpu.memory_space<vmem>>, vector<16xf32>,
    %swap3A_37 = arith.constant 256 : index
    %swap3A_38 = tpu.vector_load %arg7[%swap3A_37] {strides = array<i32>} : memref<1024xf32, #tpu.memory_space<vmem>>, vector<16xf32>,
    tpu.vector_store %arg7[%swap3A_37], %broadcast_in_dim3A_1 {strides = array<i32>} : memref<1024xf32, #tpu.memory_space<vmem>>, vector<16xf32>,
    %swap3A_39 = arith.constant 272 : index
    %swap3A_40 = tpu.vector_load %arg7[%swap3A_39] {strides = array<i32>} : memref<1024xf32, #tpu.memory_space<vmem>>, vector<16xf32>,
    tpu.vector_store %arg7[%swap3A_39], %broadcast_in_dim3A_1 {strides = array<i32>} : memref<1024xf32, #tpu.memory_space<vmem>>, vector<16xf32>,
    %swap3A_41 = arith.constant 288 : index
    %swap3A_42 = tpu.vector_load %arg7[%swap3A_41] {strides = array<i32>} : memref<1024xf32, #tpu.memory_space<vmem>>, vector<16xf32>,
    tpu.vector_store %arg7[%swap3A_41], %broadcast_in_dim3A_1 {strides = array<i32>} : memref<1024xf32, #tpu.memory_space<vmem>>, vector<16xf32>,
    %swap3A_43 = arith.constant 304 : index
    %swap3A_44 = tpu.vector_load %arg7[%swap3A_43] {strides = array<i32>} : memref<1024xf32, #tpu.memory_space<vmem>>, vector<16xf32>,
    tpu.vector_store %arg7[%swap3A_43], %broadcast_in_dim3A_1 {strides = array<i32>} : memref<1024xf32, #tpu.memory_space<vmem>>, vector<16xf32>,
    %swap3A_45 = arith.constant 320 : index
    %swap3A_46 = tpu.vector_load %arg7[%swap3A_45] {strides = array<i32>} : memref<1024xf32, #tpu.memory_space<vmem>>, vector<16xf32>,
    tpu.vector_store %arg7[%swap3A_45], %broadcast_in_dim3A_1 {strides = array<i32>} : memref<1024xf32, #tpu.memory_space<vmem>>, vector<16xf32>,
    %swap3A_47 = arith.constant 336 : index
    %swap3A_48 = tpu.vector_load %arg7[%swap3A_47] {strides = array<i32>} : memref<1024xf32, #tpu.memory_space<vmem>>, vector<16xf32>,
    tpu.vector_store %arg7[%swap3A_47], %broadcast_in_dim3A_1 {strides = array<i32>} : memref<1024xf32, #tpu.memory_space<vmem>>, vector<16xf32>,
    %swap3A_49 = arith.constant 352 : index
    %swap3A_50 = tpu.vector_load %arg7[%swap3A_49] {strides = array<i32>} : memref<1024xf32, #tpu.memory_space<vmem>>, vector<16xf32>,
    tpu.vector_store %arg7[%swap3A_49], %broadcast_in_dim3A_1 {strides = array<i32>} : memref<1024xf32, #tpu.memory_space<vmem>>, vector<16xf32>,
    %swap3A_51 = arith.constant 368 : index
    %swap3A_52 = tpu.vector_load %arg7[%swap3A_51] {strides = array<i32>} : memref<1024xf32, #tpu.memory_space<vmem>>, vector<16xf32>,
    tpu.vector_store %arg7[%swap3A_51], %broadcast_in_dim3A_1 {strides = array<i32>} : memref<1024xf32, #tpu.memory_space<vmem>>, vector<16xf32>,
    %swap3A_53 = arith.constant 384 : index
    %swap3A_54 = tpu.vector_load %arg7[%swap3A_53] {strides = array<i32>} : memref<1024xf32, #tpu.memory_space<vmem>>, vector<16xf32>,
    tpu.vector_store %arg7[%swap3A_53], %broadcast_in_dim3A_1 {strides = array<i32>} : memref<1024xf32, #tpu.memory_space<vmem>>, vector<16xf32>,
    %swap3A_55 = arith.constant 400 : index
    %swap3A_56 = tpu.vector_load %arg7[%swap3A_55] {strides = array<i32>} : memref<1024xf32, #tpu.memory_space<vmem>>, vector<16xf32>,
    tpu.vector_store %arg7[%swap3A_55], %broadcast_in_dim3A_1 {strides = array<i32>} : memref<1024xf32, #tpu.memory_space<vmem>>, vector<16xf32>,
    %swap3A_57 = arith.constant 416 : index
    %swap3A_58 = tpu.vector_load %arg7[%swap3A_57] {strides = array<i32>} : memref<1024xf32, #tpu.memory_space<vmem>>, vector<16xf32>,
    tpu.vector_store %arg7[%swap3A_57], %broadcast_in_dim3A_1 {strides = array<i32>} : memref<1024xf32, #tpu.memory_space<vmem>>, vector<16xf32>,
    %swap3A_59 = arith.constant 432 : index
    %swap3A_60 = tpu.vector_load %arg7[%swap3A_59] {strides = array<i32>} : memref<1024xf32, #tpu.memory_space<vmem>>, vector<16xf32>,
    tpu.vector_store %arg7[%swap3A_59], %broadcast_in_dim3A_1 {strides = array<i32>} : memref<1024xf32, #tpu.memory_space<vmem>>, vector<16xf32>,
    %swap3A_61 = arith.constant 448 : index
    %swap3A_62 = tpu.vector_load %arg7[%swap3A_61] {strides = array<i32>} : memref<1024xf32, #tpu.memory_space<vmem>>, vector<16xf32>,
    tpu.vector_store %arg7[%swap3A_61], %broadcast_in_dim3A_1 {strides = array<i32>} : memref<1024xf32, #tpu.memory_space<vmem>>, vector<16xf32>,
    %swap3A_63 = arith.constant 464 : index
    %swap3A_64 = tpu.vector_load %arg7[%swap3A_63] {strides = array<i32>} : memref<1024xf32, #tpu.memory_space<vmem>>, vector<16xf32>,
    tpu.vector_store %arg7[%swap3A_63], %broadcast_in_dim3A_1 {strides = array<i32>} : memref<1024xf32, #tpu.memory_space<vmem>>, vector<16xf32>,
    %swap3A_65 = arith.constant 480 : index
    %swap3A_66 = tpu.vector_load %arg7[%swap3A_65] {strides = array<i32>} : memref<1024xf32, #tpu.memory_space<vmem>>, vector<16xf32>,
    tpu.vector_store %arg7[%swap3A_65], %broadcast_in_dim3A_1 {strides = array<i32>} : memref<1024xf32, #tpu.memory_space<vmem>>, vector<16xf32>,
    %swap3A_67 = arith.constant 496 : index
    %swap3A_68 = tpu.vector_load %arg7[%swap3A_67] {strides = array<i32>} : memref<1024xf32, #tpu.memory_space<vmem>>, vector<16xf32>,
    tpu.vector_store %arg7[%swap3A_67], %broadcast_in_dim3A_1 {strides = array<i32>} : memref<1024xf32, #tpu.memory_space<vmem>>, vector<16xf32>,
    %swap3A_69 = arith.constant 512 : index
    %swap3A_70 = tpu.vector_load %arg7[%swap3A_69] {strides = array<i32>} : memref<1024xf32, #tpu.memory_space<vmem>>, vector<16xf32>,
    tpu.vector_store %arg7[%swap3A_69], %broadcast_in_dim3A_1 {strides = array<i32>} : memref<1024xf32, #tpu.memory_space<vmem>>, vector<16xf32>,
    %swap3A_71 = arith.constant 528 : index
    %swap3A_72 = tpu.vector_load %arg7[%swap3A_71] {strides = array<i32>} : memref<1024xf32, #tpu.memory_space<vmem>>, vector<16xf32>,
    tpu.vector_store %arg7[%swap3A_71], %broadcast_in_dim3A_1 {strides = array<i32>} : memref<1024xf32, #tpu.memory_space<vmem>>, vector<16xf32>,
    %swap3A_73 = arith.constant 544 : index
    %swap3A_74 = tpu.vector_load %arg7[%swap3A_73] {strides = array<i32>} : memref<1024xf32, #tpu.memory_space<vmem>>, vector<16xf32>,
    tpu.vector_store %arg7[%swap3A_73], %broadcast_in_dim3A_1 {strides = array<i32>} : memref<1024xf32, #tpu.memory_space<vmem>>, vector<16xf32>,
    %swap3A_75 = arith.constant 560 : index
    %swap3A_76 = tpu.vector_load %arg7[%swap3A_75] {strides = array<i32>} : memref<1024xf32, #tpu.memory_space<vmem>>, vector<16xf32>,
    tpu.vector_store %arg7[%swap3A_75], %broadcast_in_dim3A_1 {strides = array<i32>} : memref<1024xf32, #tpu.memory_space<vmem>>, vector<16xf32>,
    %swap3A_77 = arith.constant 576 : index
    %swap3A_78 = tpu.vector_load %arg7[%swap3A_77] {strides = array<i32>} : memref<1024xf32, #tpu.memory_space<vmem>>, vector<16xf32>,
    tpu.vector_store %arg7[%swap3A_77], %broadcast_in_dim3A_1 {strides = array<i32>} : memref<1024xf32, #tpu.memory_space<vmem>>, vector<16xf32>,
    %swap3A_79 = arith.constant 592 : index
    %swap3A_80 = tpu.vector_load %arg7[%swap3A_79] {strides = array<i32>} : memref<1024xf32, #tpu.memory_space<vmem>>, vector<16xf32>,
    tpu.vector_store %arg7[%swap3A_79], %broadcast_in_dim3A_1 {strides = array<i32>} : memref<1024xf32, #tpu.memory_space<vmem>>, vector<16xf32>,
    %swap3A_81 = arith.constant 608 : index
    %swap3A_82 = tpu.vector_load %arg7[%swap3A_81] {strides = array<i32>} : memref<1024xf32, #tpu.memory_space<vmem>>, vector<16xf32>,
    tpu.vector_store %arg7[%swap3A_81], %broadcast_in_dim3A_1 {strides = array<i32>} : memref<1024xf32, #tpu.memory_space<vmem>>, vector<16xf32>,
    %swap3A_83 = arith.constant 624 : index
    %swap3A_84 = tpu.vector_load %arg7[%swap3A_83] {strides = array<i32>} : memref<1024xf32, #tpu.memory_space<vmem>>, vector<16xf32>,
    tpu.vector_store %arg7[%swap3A_83], %broadcast_in_dim3A_1 {strides = array<i32>} : memref<1024xf32, #tpu.memory_space<vmem>>, vector<16xf32>,
    %swap3A_85 = arith.constant 640 : index
    %swap3A_86 = tpu.vector_load %arg7[%swap3A_85] {strides = array<i32>} : memref<1024xf32, #tpu.memory_space<vmem>>, vector<16xf32>,
    tpu.vector_store %arg7[%swap3A_85], %broadcast_in_dim3A_1 {strides = array<i32>} : memref<1024xf32, #tpu.memory_space<vmem>>, vector<16xf32>,
    %swap3A_87 = arith.constant 656 : index
    %swap3A_88 = tpu.vector_load %arg7[%swap3A_87] {strides = array<i32>} : memref<1024xf32, #tpu.memory_space<vmem>>, vector<16xf32>,
    tpu.vector_store %arg7[%swap3A_87], %broadcast_in_dim3A_1 {strides = array<i32>} : memref<1024xf32, #tpu.memory_space<vmem>>, vector<16xf32>,
    %swap3A_89 = arith.constant 672 : index
    %swap3A_90 = tpu.vector_load %arg7[%swap3A_89] {strides = array<i32>} : memref<1024xf32, #tpu.memory_space<vmem>>, vector<16xf32>,
    tpu.vector_store %arg7[%swap3A_89], %broadcast_in_dim3A_1 {strides = array<i32>} : memref<1024xf32, #tpu.memory_space<vmem>>, vector<16xf32>,
    %swap3A_91 = arith.constant 688 : index
    %swap3A_92 = tpu.vector_load %arg7[%swap3A_91] {strides = array<i32>} : memref<1024xf32, #tpu.memory_space<vmem>>, vector<16xf32>,
    tpu.vector_store %arg7[%swap3A_91], %broadcast_in_dim3A_1 {strides = array<i32>} : memref<1024xf32, #tpu.memory_space<vmem>>, vector<16xf32>,
    %swap3A_93 = arith.constant 704 : index
    %swap3A_94 = tpu.vector_load %arg7[%swap3A_93] {strides = array<i32>} : memref<1024xf32, #tpu.memory_space<vmem>>, vector<16xf32>,
    tpu.vector_store %arg7[%swap3A_93], %broadcast_in_dim3A_1 {strides = array<i32>} : memref<1024xf32, #tpu.memory_space<vmem>>, vector<16xf32>,
    %swap3A_95 = arith.constant 720 : index
    %swap3A_96 = tpu.vector_load %arg7[%swap3A_95] {strides = array<i32>} : memref<1024xf32, #tpu.memory_space<vmem>>, vector<16xf32>,
    tpu.vector_store %arg7[%swap3A_95], %broadcast_in_dim3A_1 {strides = array<i32>} : memref<1024xf32, #tpu.memory_space<vmem>>, vector<16xf32>,
    %swap3A_97 = arith.constant 736 : index
    %swap3A_98 = tpu.vector_load %arg7[%swap3A_97] {strides = array<i32>} : memref<1024xf32, #tpu.memory_space<vmem>>, vector<16xf32>,
    tpu.vector_store %arg7[%swap3A_97], %broadcast_in_dim3A_1 {strides = array<i32>} : memref<1024xf32, #tpu.memory_space<vmem>>, vector<16xf32>,
    %swap3A_99 = arith.constant 752 : index
    %swap3A_100 = tpu.vector_load %arg7[%swap3A_99] {strides = array<i32>} : memref<1024xf32, #tpu.memory_space<vmem>>, vector<16xf32>,
    tpu.vector_store %arg7[%swap3A_99], %broadcast_in_dim3A_1 {strides = array<i32>} : memref<1024xf32, #tpu.memory_space<vmem>>, vector<16xf32>,
    %swap3A_101 = arith.constant 768 : index
    %swap3A_102 = tpu.vector_load %arg7[%swap3A_101] {strides = array<i32>} : memref<1024xf32, #tpu.memory_space<vmem>>, vector<16xf32>,
    tpu.vector_store %arg7[%swap3A_101], %broadcast_in_dim3A_1 {strides = array<i32>} : memref<1024xf32, #tpu.memory_space<vmem>>, vector<16xf32>,
    %swap3A_103 = arith.constant 784 : index
    %swap3A_104 = tpu.vector_load %arg7[%swap3A_103] {strides = array<i32>} : memref<1024xf32, #tpu.memory_space<vmem>>, vector<16xf32>,
    tpu.vector_store %arg7[%swap3A_103], %broadcast_in_dim3A_1 {strides = array<i32>} : memref<1024xf32, #tpu.memory_space<vmem>>, vector<16xf32>,
    %swap3A_105 = arith.constant 800 : index
    %swap3A_106 = tpu.vector_load %arg7[%swap3A_105] {strides = array<i32>} : memref<1024xf32, #tpu.memory_space<vmem>>, vector<16xf32>,
    tpu.vector_store %arg7[%swap3A_105], %broadcast_in_dim3A_1 {strides = array<i32>} : memref<1024xf32, #tpu.memory_space<vmem>>, vector<16xf32>,
    %swap3A_107 = arith.constant 816 : index
    %swap3A_108 = tpu.vector_load %arg7[%swap3A_107] {strides = array<i32>} : memref<1024xf32, #tpu.memory_space<vmem>>, vector<16xf32>,
    tpu.vector_store %arg7[%swap3A_107], %broadcast_in_dim3A_1 {strides = array<i32>} : memref<1024xf32, #tpu.memory_space<vmem>>, vector<16xf32>,
    %swap3A_109 = arith.constant 832 : index
    %swap3A_110 = tpu.vector_load %arg7[%swap3A_109] {strides = array<i32>} : memref<1024xf32, #tpu.memory_space<vmem>>, vector<16xf32>,
    tpu.vector_store %arg7[%swap3A_109], %broadcast_in_dim3A_1 {strides = array<i32>} : memref<1024xf32, #tpu.memory_space<vmem>>, vector<16xf32>,
    %swap3A_111 = arith.constant 848 : index
    %swap3A_112 = tpu.vector_load %arg7[%swap3A_111] {strides = array<i32>} : memref<1024xf32, #tpu.memory_space<vmem>>, vector<16xf32>,
    tpu.vector_store %arg7[%swap3A_111], %broadcast_in_dim3A_1 {strides = array<i32>} : memref<1024xf32, #tpu.memory_space<vmem>>, vector<16xf32>,
    %swap3A_113 = arith.constant 864 : index
    %swap3A_114 = tpu.vector_load %arg7[%swap3A_113] {strides = array<i32>} : memref<1024xf32, #tpu.memory_space<vmem>>, vector<16xf32>,
    tpu.vector_store %arg7[%swap3A_113], %broadcast_in_dim3A_1 {strides = array<i32>} : memref<1024xf32, #tpu.memory_space<vmem>>, vector<16xf32>,
    %swap3A_115 = arith.constant 880 : index
    %swap3A_116 = tpu.vector_load %arg7[%swap3A_115] {strides = array<i32>} : memref<1024xf32, #tpu.memory_space<vmem>>, vector<16xf32>,
    tpu.vector_store %arg7[%swap3A_115], %broadcast_in_dim3A_1 {strides = array<i32>} : memref<1024xf32, #tpu.memory_space<vmem>>, vector<16xf32>,
    %swap3A_117 = arith.constant 896 : index
    %swap3A_118 = tpu.vector_load %arg7[%swap3A_117] {strides = array<i32>} : memref<1024xf32, #tpu.memory_space<vmem>>, vector<16xf32>,
    tpu.vector_store %arg7[%swap3A_117], %broadcast_in_dim3A_1 {strides = array<i32>} : memref<1024xf32, #tpu.memory_space<vmem>>, vector<16xf32>,
    %swap3A_119 = arith.constant 912 : index
    %swap3A_120 = tpu.vector_load %arg7[%swap3A_119] {strides = array<i32>} : memref<1024xf32, #tpu.memory_space<vmem>>, vector<16xf32>,
    tpu.vector_store %arg7[%swap3A_119], %broadcast_in_dim3A_1 {strides = array<i32>} : memref<1024xf32, #tpu.memory_space<vmem>>, vector<16xf32>,
    %swap3A_121 = arith.constant 928 : index
    %swap3A_122 = tpu.vector_load %arg7[%swap3A_121] {strides = array<i32>} : memref<1024xf32, #tpu.memory_space<vmem>>, vector<16xf32>,
    tpu.vector_store %arg7[%swap3A_121], %broadcast_in_dim3A_1 {strides = array<i32>} : memref<1024xf32, #tpu.memory_space<vmem>>, vector<16xf32>,
    %swap3A_123 = arith.constant 944 : index
    %swap3A_124 = tpu.vector_load %arg7[%swap3A_123] {strides = array<i32>} : memref<1024xf32, #tpu.memory_space<vmem>>, vector<16xf32>,
    tpu.vector_store %arg7[%swap3A_123], %broadcast_in_dim3A_1 {strides = array<i32>} : memref<1024xf32, #tpu.memory_space<vmem>>, vector<16xf32>,
    %swap3A_125 = arith.constant 960 : index
    %swap3A_126 = tpu.vector_load %arg7[%swap3A_125] {strides = array<i32>} : memref<1024xf32, #tpu.memory_space<vmem>>, vector<16xf32>,
    tpu.vector_store %arg7[%swap3A_125], %broadcast_in_dim3A_1 {strides = array<i32>} : memref<1024xf32, #tpu.memory_space<vmem>>, vector<16xf32>,
    %swap3A_127 = arith.constant 976 : index
    %swap3A_128 = tpu.vector_load %arg7[%swap3A_127] {strides = array<i32>} : memref<1024xf32, #tpu.memory_space<vmem>>, vector<16xf32>,
    tpu.vector_store %arg7[%swap3A_127], %broadcast_in_dim3A_1 {strides = array<i32>} : memref<1024xf32, #tpu.memory_space<vmem>>, vector<16xf32>,
    %swap3A_129 = arith.constant 992 : index
    %swap3A_130 = tpu.vector_load %arg7[%swap3A_129] {strides = array<i32>} : memref<1024xf32, #tpu.memory_space<vmem>>, vector<16xf32>,
    tpu.vector_store %arg7[%swap3A_129], %broadcast_in_dim3A_1 {strides = array<i32>} : memref<1024xf32, #tpu.memory_space<vmem>>, vector<16xf32>,
    %swap3A_131 = arith.constant 1008 : index
    %swap3A_132 = tpu.vector_load %arg7[%swap3A_131] {strides = array<i32>} : memref<1024xf32, #tpu.memory_space<vmem>>, vector<16xf32>,
    tpu.vector_store %arg7[%swap3A_131], %broadcast_in_dim3A_1 {strides = array<i32>} : memref<1024xf32, #tpu.memory_space<vmem>>, vector<16xf32>,
    %swap3A_133 = arith.constant 0 : index
    %swap3A_134 = tpu.vector_load %arg8[%swap3A_133] {strides = array<i32>} : memref<1024xf32, #tpu.memory_space<vmem>>, vector<16xf32>,
    tpu.vector_store %arg8[%swap3A_133], %broadcast_in_dim3A_1 {strides = array<i32>} : memref<1024xf32, #tpu.memory_space<vmem>>, vector<16xf32>,
    %swap3A_135 = arith.constant 16 : index
    %swap3A_136 = tpu.vector_load %arg8[%swap3A_135] {strides = array<i32>} : memref<1024xf32, #tpu.memory_space<vmem>>, vector<16xf32>,
    tpu.vector_store %arg8[%swap3A_135], %broadcast_in_dim3A_1 {strides = array<i32>} : memref<1024xf32, #tpu.memory_space<vmem>>, vector<16xf32>,
    %swap3A_137 = arith.constant 32 : index
    %swap3A_138 = tpu.vector_load %arg8[%swap3A_137] {strides = array<i32>} : memref<1024xf32, #tpu.memory_space<vmem>>, vector<16xf32>,
    tpu.vector_store %arg8[%swap3A_137], %broadcast_in_dim3A_1 {strides = array<i32>} : memref<1024xf32, #tpu.memory_space<vmem>>, vector<16xf32>,
    %swap3A_139 = arith.constant 48 : index
    %swap3A_140 = tpu.vector_load %arg8[%swap3A_139] {strides = array<i32>} : memref<1024xf32, #tpu.memory_space<vmem>>, vector<16xf32>,
    tpu.vector_store %arg8[%swap3A_139], %broadcast_in_dim3A_1 {strides = array<i32>} : memref<1024xf32, #tpu.memory_space<vmem>>, vector<16xf32>,
    %swap3A_141 = arith.constant 64 : index
    %swap3A_142 = tpu.vector_load %arg8[%swap3A_141] {strides = array<i32>} : memref<1024xf32, #tpu.memory_space<vmem>>, vector<16xf32>,
    tpu.vector_store %arg8[%swap3A_141], %broadcast_in_dim3A_1 {strides = array<i32>} : memref<1024xf32, #tpu.memory_space<vmem>>, vector<16xf32>,
    %swap3A_143 = arith.constant 80 : index
    %swap3A_144 = tpu.vector_load %arg8[%swap3A_143] {strides = array<i32>} : memref<1024xf32, #tpu.memory_space<vmem>>, vector<16xf32>,
    tpu.vector_store %arg8[%swap3A_143], %broadcast_in_dim3A_1 {strides = array<i32>} : memref<1024xf32, #tpu.memory_space<vmem>>, vector<16xf32>,
    %swap3A_145 = arith.constant 96 : index
    %swap3A_146 = tpu.vector_load %arg8[%swap3A_145] {strides = array<i32>} : memref<1024xf32, #tpu.memory_space<vmem>>, vector<16xf32>,
    tpu.vector_store %arg8[%swap3A_145], %broadcast_in_dim3A_1 {strides = array<i32>} : memref<1024xf32, #tpu.memory_space<vmem>>, vector<16xf32>,
    %swap3A_147 = arith.constant 112 : index
    %swap3A_148 = tpu.vector_load %arg8[%swap3A_147] {strides = array<i32>} : memref<1024xf32, #tpu.memory_space<vmem>>, vector<16xf32>,
    tpu.vector_store %arg8[%swap3A_147], %broadcast_in_dim3A_1 {strides = array<i32>} : memref<1024xf32, #tpu.memory_space<vmem>>, vector<16xf32>,
    %swap3A_149 = arith.constant 128 : index
    %swap3A_150 = tpu.vector_load %arg8[%swap3A_149] {strides = array<i32>} : memref<1024xf32, #tpu.memory_space<vmem>>, vector<16xf32>,
    tpu.vector_store %arg8[%swap3A_149], %broadcast_in_dim3A_1 {strides = array<i32>} : memref<1024xf32, #tpu.memory_space<vmem>>, vector<16xf32>,
    %swap3A_151 = arith.constant 144 : index
    %swap3A_152 = tpu.vector_load %arg8[%swap3A_151] {strides = array<i32>} : memref<1024xf32, #tpu.memory_space<vmem>>, vector<16xf32>,
    tpu.vector_store %arg8[%swap3A_151], %broadcast_in_dim3A_1 {strides = array<i32>} : memref<1024xf32, #tpu.memory_space<vmem>>, vector<16xf32>,
    %swap3A_153 = arith.constant 160 : index
    %swap3A_154 = tpu.vector_load %arg8[%swap3A_153] {strides = array<i32>} : memref<1024xf32, #tpu.memory_space<vmem>>, vector<16xf32>,
    tpu.vector_store %arg8[%swap3A_153], %broadcast_in_dim3A_1 {strides = array<i32>} : memref<1024xf32, #tpu.memory_space<vmem>>, vector<16xf32>,
    %swap3A_155 = arith.constant 176 : index
    %swap3A_156 = tpu.vector_load %arg8[%swap3A_155] {strides = array<i32>} : memref<1024xf32, #tpu.memory_space<vmem>>, vector<16xf32>,
    tpu.vector_store %arg8[%swap3A_155], %broadcast_in_dim3A_1 {strides = array<i32>} : memref<1024xf32, #tpu.memory_space<vmem>>, vector<16xf32>,
    %swap3A_157 = arith.constant 192 : index
    %swap3A_158 = tpu.vector_load %arg8[%swap3A_157] {strides = array<i32>} : memref<1024xf32, #tpu.memory_space<vmem>>, vector<16xf32>,
    tpu.vector_store %arg8[%swap3A_157], %broadcast_in_dim3A_1 {strides = array<i32>} : memref<1024xf32, #tpu.memory_space<vmem>>, vector<16xf32>,
    %swap3A_159 = arith.constant 208 : index
    %swap3A_160 = tpu.vector_load %arg8[%swap3A_159] {strides = array<i32>} : memref<1024xf32, #tpu.memory_space<vmem>>, vector<16xf32>,
    tpu.vector_store %arg8[%swap3A_159], %broadcast_in_dim3A_1 {strides = array<i32>} : memref<1024xf32, #tpu.memory_space<vmem>>, vector<16xf32>,
    %swap3A_161 = arith.constant 224 : index
    %swap3A_162 = tpu.vector_load %arg8[%swap3A_161] {strides = array<i32>} : memref<1024xf32, #tpu.memory_space<vmem>>, vector<16xf32>,
    tpu.vector_store %arg8[%swap3A_161], %broadcast_in_dim3A_1 {strides = array<i32>} : memref<1024xf32, #tpu.memory_space<vmem>>, vector<16xf32>,
    %swap3A_163 = arith.constant 240 : index
    %swap3A_164 = tpu.vector_load %arg8[%swap3A_163] {strides = array<i32>} : memref<1024xf32, #tpu.memory_space<vmem>>, vector<16xf32>,
    tpu.vector_store %arg8[%swap3A_163], %broadcast_in_dim3A_1 {strides = array<i32>} : memref<1024xf32, #tpu.memory_space<vmem>>, vector<16xf32>,
    %swap3A_165 = arith.constant 256 : index
    %swap3A_166 = tpu.vector_load %arg8[%swap3A_165] {strides = array<i32>} : memref<1024xf32, #tpu.memory_space<vmem>>, vector<16xf32>,
    tpu.vector_store %arg8[%swap3A_165], %broadcast_in_dim3A_1 {strides = array<i32>} : memref<1024xf32, #tpu.memory_space<vmem>>, vector<16xf32>,
    %swap3A_167 = arith.constant 272 : index
    %swap3A_168 = tpu.vector_load %arg8[%swap3A_167] {strides = array<i32>} : memref<1024xf32, #tpu.memory_space<vmem>>, vector<16xf32>,
    tpu.vector_store %arg8[%swap3A_167], %broadcast_in_dim3A_1 {strides = array<i32>} : memref<1024xf32, #tpu.memory_space<vmem>>, vector<16xf32>,
    %swap3A_169 = arith.constant 288 : index
    %swap3A_170 = tpu.vector_load %arg8[%swap3A_169] {strides = array<i32>} : memref<1024xf32, #tpu.memory_space<vmem>>, vector<16xf32>,
    tpu.vector_store %arg8[%swap3A_169], %broadcast_in_dim3A_1 {strides = array<i32>} : memref<1024xf32, #tpu.memory_space<vmem>>, vector<16xf32>,
    %swap3A_171 = arith.constant 304 : index
    %swap3A_172 = tpu.vector_load %arg8[%swap3A_171] {strides = array<i32>} : memref<1024xf32, #tpu.memory_space<vmem>>, vector<16xf32>,
    tpu.vector_store %arg8[%swap3A_171], %broadcast_in_dim3A_1 {strides = array<i32>} : memref<1024xf32, #tpu.memory_space<vmem>>, vector<16xf32>,
    %swap3A_173 = arith.constant 320 : index
    %swap3A_174 = tpu.vector_load %arg8[%swap3A_173] {strides = array<i32>} : memref<1024xf32, #tpu.memory_space<vmem>>, vector<16xf32>,
    tpu.vector_store %arg8[%swap3A_173], %broadcast_in_dim3A_1 {strides = array<i32>} : memref<1024xf32, #tpu.memory_space<vmem>>, vector<16xf32>,
    %swap3A_175 = arith.constant 336 : index
    %swap3A_176 = tpu.vector_load %arg8[%swap3A_175] {strides = array<i32>} : memref<1024xf32, #tpu.memory_space<vmem>>, vector<16xf32>,
    tpu.vector_store %arg8[%swap3A_175], %broadcast_in_dim3A_1 {strides = array<i32>} : memref<1024xf32, #tpu.memory_space<vmem>>, vector<16xf32>,
    %swap3A_177 = arith.constant 352 : index
    %swap3A_178 = tpu.vector_load %arg8[%swap3A_177] {strides = array<i32>} : memref<1024xf32, #tpu.memory_space<vmem>>, vector<16xf32>,
    tpu.vector_store %arg8[%swap3A_177], %broadcast_in_dim3A_1 {strides = array<i32>} : memref<1024xf32, #tpu.memory_space<vmem>>, vector<16xf32>,
    %swap3A_179 = arith.constant 368 : index
    %swap3A_180 = tpu.vector_load %arg8[%swap3A_179] {strides = array<i32>} : memref<1024xf32, #tpu.memory_space<vmem>>, vector<16xf32>,
    tpu.vector_store %arg8[%swap3A_179], %broadcast_in_dim3A_1 {strides = array<i32>} : memref<1024xf32, #tpu.memory_space<vmem>>, vector<16xf32>,
    %swap3A_181 = arith.constant 384 : index
    %swap3A_182 = tpu.vector_load %arg8[%swap3A_181] {strides = array<i32>} : memref<1024xf32, #tpu.memory_space<vmem>>, vector<16xf32>,
    tpu.vector_store %arg8[%swap3A_181], %broadcast_in_dim3A_1 {strides = array<i32>} : memref<1024xf32, #tpu.memory_space<vmem>>, vector<16xf32>,
    %swap3A_183 = arith.constant 400 : index
    %swap3A_184 = tpu.vector_load %arg8[%swap3A_183] {strides = array<i32>} : memref<1024xf32, #tpu.memory_space<vmem>>, vector<16xf32>,
    tpu.vector_store %arg8[%swap3A_183], %broadcast_in_dim3A_1 {strides = array<i32>} : memref<1024xf32, #tpu.memory_space<vmem>>, vector<16xf32>,
    %swap3A_185 = arith.constant 416 : index
    %swap3A_186 = tpu.vector_load %arg8[%swap3A_185] {strides = array<i32>} : memref<1024xf32, #tpu.memory_space<vmem>>, vector<16xf32>,
    tpu.vector_store %arg8[%swap3A_185], %broadcast_in_dim3A_1 {strides = array<i32>} : memref<1024xf32, #tpu.memory_space<vmem>>, vector<16xf32>,
    %swap3A_187 = arith.constant 432 : index
    %swap3A_188 = tpu.vector_load %arg8[%swap3A_187] {strides = array<i32>} : memref<1024xf32, #tpu.memory_space<vmem>>, vector<16xf32>,
    tpu.vector_store %arg8[%swap3A_187], %broadcast_in_dim3A_1 {strides = array<i32>} : memref<1024xf32, #tpu.memory_space<vmem>>, vector<16xf32>,
    %swap3A_189 = arith.constant 448 : index
    %swap3A_190 = tpu.vector_load %arg8[%swap3A_189] {strides = array<i32>} : memref<1024xf32, #tpu.memory_space<vmem>>, vector<16xf32>,
    tpu.vector_store %arg8[%swap3A_189], %broadcast_in_dim3A_1 {strides = array<i32>} : memref<1024xf32, #tpu.memory_space<vmem>>, vector<16xf32>,
    %swap3A_191 = arith.constant 464 : index
    %swap3A_192 = tpu.vector_load %arg8[%swap3A_191] {strides = array<i32>} : memref<1024xf32, #tpu.memory_space<vmem>>, vector<16xf32>,
    tpu.vector_store %arg8[%swap3A_191], %broadcast_in_dim3A_1 {strides = array<i32>} : memref<1024xf32, #tpu.memory_space<vmem>>, vector<16xf32>,
    %swap3A_193 = arith.constant 480 : index
    %swap3A_194 = tpu.vector_load %arg8[%swap3A_193] {strides = array<i32>} : memref<1024xf32, #tpu.memory_space<vmem>>, vector<16xf32>,
    tpu.vector_store %arg8[%swap3A_193], %broadcast_in_dim3A_1 {strides = array<i32>} : memref<1024xf32, #tpu.memory_space<vmem>>, vector<16xf32>,
    %swap3A_195 = arith.constant 496 : index
    %swap3A_196 = tpu.vector_load %arg8[%swap3A_195] {strides = array<i32>} : memref<1024xf32, #tpu.memory_space<vmem>>, vector<16xf32>,
    tpu.vector_store %arg8[%swap3A_195], %broadcast_in_dim3A_1 {strides = array<i32>} : memref<1024xf32, #tpu.memory_space<vmem>>, vector<16xf32>,
    %swap3A_197 = arith.constant 512 : index
    %swap3A_198 = tpu.vector_load %arg8[%swap3A_197] {strides = array<i32>} : memref<1024xf32, #tpu.memory_space<vmem>>, vector<16xf32>,
    tpu.vector_store %arg8[%swap3A_197], %broadcast_in_dim3A_1 {strides = array<i32>} : memref<1024xf32, #tpu.memory_space<vmem>>, vector<16xf32>,
    %swap3A_199 = arith.constant 528 : index
    %swap3A_200 = tpu.vector_load %arg8[%swap3A_199] {strides = array<i32>} : memref<1024xf32, #tpu.memory_space<vmem>>, vector<16xf32>,
    tpu.vector_store %arg8[%swap3A_199], %broadcast_in_dim3A_1 {strides = array<i32>} : memref<1024xf32, #tpu.memory_space<vmem>>, vector<16xf32>,
    %swap3A_201 = arith.constant 544 : index
    %swap3A_202 = tpu.vector_load %arg8[%swap3A_201] {strides = array<i32>} : memref<1024xf32, #tpu.memory_space<vmem>>, vector<16xf32>,
    tpu.vector_store %arg8[%swap3A_201], %broadcast_in_dim3A_1 {strides = array<i32>} : memref<1024xf32, #tpu.memory_space<vmem>>, vector<16xf32>,
    %swap3A_203 = arith.constant 560 : index
    %swap3A_204 = tpu.vector_load %arg8[%swap3A_203] {strides = array<i32>} : memref<1024xf32, #tpu.memory_space<vmem>>, vector<16xf32>,
    tpu.vector_store %arg8[%swap3A_203], %broadcast_in_dim3A_1 {strides = array<i32>} : memref<1024xf32, #tpu.memory_space<vmem>>, vector<16xf32>,
    %swap3A_205 = arith.constant 576 : index
    %swap3A_206 = tpu.vector_load %arg8[%swap3A_205] {strides = array<i32>} : memref<1024xf32, #tpu.memory_space<vmem>>, vector<16xf32>,
    tpu.vector_store %arg8[%swap3A_205], %broadcast_in_dim3A_1 {strides = array<i32>} : memref<1024xf32, #tpu.memory_space<vmem>>, vector<16xf32>,
    %swap3A_207 = arith.constant 592 : index
    %swap3A_208 = tpu.vector_load %arg8[%swap3A_207] {strides = array<i32>} : memref<1024xf32, #tpu.memory_space<vmem>>, vector<16xf32>,
    tpu.vector_store %arg8[%swap3A_207], %broadcast_in_dim3A_1 {strides = array<i32>} : memref<1024xf32, #tpu.memory_space<vmem>>, vector<16xf32>,
    %swap3A_209 = arith.constant 608 : index
    %swap3A_210 = tpu.vector_load %arg8[%swap3A_209] {strides = array<i32>} : memref<1024xf32, #tpu.memory_space<vmem>>, vector<16xf32>,
    tpu.vector_store %arg8[%swap3A_209], %broadcast_in_dim3A_1 {strides = array<i32>} : memref<1024xf32, #tpu.memory_space<vmem>>, vector<16xf32>,
    %swap3A_211 = arith.constant 624 : index
    %swap3A_212 = tpu.vector_load %arg8[%swap3A_211] {strides = array<i32>} : memref<1024xf32, #tpu.memory_space<vmem>>, vector<16xf32>,
    tpu.vector_store %arg8[%swap3A_211], %broadcast_in_dim3A_1 {strides = array<i32>} : memref<1024xf32, #tpu.memory_space<vmem>>, vector<16xf32>,
    %swap3A_213 = arith.constant 640 : index
    %swap3A_214 = tpu.vector_load %arg8[%swap3A_213] {strides = array<i32>} : memref<1024xf32, #tpu.memory_space<vmem>>, vector<16xf32>,
    tpu.vector_store %arg8[%swap3A_213], %broadcast_in_dim3A_1 {strides = array<i32>} : memref<1024xf32, #tpu.memory_space<vmem>>, vector<16xf32>,
    %swap3A_215 = arith.constant 656 : index
    %swap3A_216 = tpu.vector_load %arg8[%swap3A_215] {strides = array<i32>} : memref<1024xf32, #tpu.memory_space<vmem>>, vector<16xf32>,
    tpu.vector_store %arg8[%swap3A_215], %broadcast_in_dim3A_1 {strides = array<i32>} : memref<1024xf32, #tpu.memory_space<vmem>>, vector<16xf32>,
    %swap3A_217 = arith.constant 672 : index
    %swap3A_218 = tpu.vector_load %arg8[%swap3A_217] {strides = array<i32>} : memref<1024xf32, #tpu.memory_space<vmem>>, vector<16xf32>,
    tpu.vector_store %arg8[%swap3A_217], %broadcast_in_dim3A_1 {strides = array<i32>} : memref<1024xf32, #tpu.memory_space<vmem>>, vector<16xf32>,
    %swap3A_219 = arith.constant 688 : index
    %swap3A_220 = tpu.vector_load %arg8[%swap3A_219] {strides = array<i32>} : memref<1024xf32, #tpu.memory_space<vmem>>, vector<16xf32>,
    tpu.vector_store %arg8[%swap3A_219], %broadcast_in_dim3A_1 {strides = array<i32>} : memref<1024xf32, #tpu.memory_space<vmem>>, vector<16xf32>,
    %swap3A_221 = arith.constant 704 : index
    %swap3A_222 = tpu.vector_load %arg8[%swap3A_221] {strides = array<i32>} : memref<1024xf32, #tpu.memory_space<vmem>>, vector<16xf32>,
    tpu.vector_store %arg8[%swap3A_221], %broadcast_in_dim3A_1 {strides = array<i32>} : memref<1024xf32, #tpu.memory_space<vmem>>, vector<16xf32>,
    %swap3A_223 = arith.constant 720 : index
    %swap3A_224 = tpu.vector_load %arg8[%swap3A_223] {strides = array<i32>} : memref<1024xf32, #tpu.memory_space<vmem>>, vector<16xf32>,
    tpu.vector_store %arg8[%swap3A_223], %broadcast_in_dim3A_1 {strides = array<i32>} : memref<1024xf32, #tpu.memory_space<vmem>>, vector<16xf32>,
    %swap3A_225 = arith.constant 736 : index
    %swap3A_226 = tpu.vector_load %arg8[%swap3A_225] {strides = array<i32>} : memref<1024xf32, #tpu.memory_space<vmem>>, vector<16xf32>,
    tpu.vector_store %arg8[%swap3A_225], %broadcast_in_dim3A_1 {strides = array<i32>} : memref<1024xf32, #tpu.memory_space<vmem>>, vector<16xf32>,
    %swap3A_227 = arith.constant 752 : index
    %swap3A_228 = tpu.vector_load %arg8[%swap3A_227] {strides = array<i32>} : memref<1024xf32, #tpu.memory_space<vmem>>, vector<16xf32>,
    tpu.vector_store %arg8[%swap3A_227], %broadcast_in_dim3A_1 {strides = array<i32>} : memref<1024xf32, #tpu.memory_space<vmem>>, vector<16xf32>,
    %swap3A_229 = arith.constant 768 : index
    %swap3A_230 = tpu.vector_load %arg8[%swap3A_229] {strides = array<i32>} : memref<1024xf32, #tpu.memory_space<vmem>>, vector<16xf32>,
    tpu.vector_store %arg8[%swap3A_229], %broadcast_in_dim3A_1 {strides = array<i32>} : memref<1024xf32, #tpu.memory_space<vmem>>, vector<16xf32>,
    %swap3A_231 = arith.constant 784 : index
    %swap3A_232 = tpu.vector_load %arg8[%swap3A_231] {strides = array<i32>} : memref<1024xf32, #tpu.memory_space<vmem>>, vector<16xf32>,
    tpu.vector_store %arg8[%swap3A_231], %broadcast_in_dim3A_1 {strides = array<i32>} : memref<1024xf32, #tpu.memory_space<vmem>>, vector<16xf32>,
    %swap3A_233 = arith.constant 800 : index
    %swap3A_234 = tpu.vector_load %arg8[%swap3A_233] {strides = array<i32>} : memref<1024xf32, #tpu.memory_space<vmem>>, vector<16xf32>,
    tpu.vector_store %arg8[%swap3A_233], %broadcast_in_dim3A_1 {strides = array<i32>} : memref<1024xf32, #tpu.memory_space<vmem>>, vector<16xf32>,
    %swap3A_235 = arith.constant 816 : index
    %swap3A_236 = tpu.vector_load %arg8[%swap3A_235] {strides = array<i32>} : memref<1024xf32, #tpu.memory_space<vmem>>, vector<16xf32>,
    tpu.vector_store %arg8[%swap3A_235], %broadcast_in_dim3A_1 {strides = array<i32>} : memref<1024xf32, #tpu.memory_space<vmem>>, vector<16xf32>,
    %swap3A_237 = arith.constant 832 : index
    %swap3A_238 = tpu.vector_load %arg8[%swap3A_237] {strides = array<i32>} : memref<1024xf32, #tpu.memory_space<vmem>>, vector<16xf32>,
    tpu.vector_store %arg8[%swap3A_237], %broadcast_in_dim3A_1 {strides = array<i32>} : memref<1024xf32, #tpu.memory_space<vmem>>, vector<16xf32>,
    %swap3A_239 = arith.constant 848 : index
    %swap3A_240 = tpu.vector_load %arg8[%swap3A_239] {strides = array<i32>} : memref<1024xf32, #tpu.memory_space<vmem>>, vector<16xf32>,
    tpu.vector_store %arg8[%swap3A_239], %broadcast_in_dim3A_1 {strides = array<i32>} : memref<1024xf32, #tpu.memory_space<vmem>>, vector<16xf32>,
    %swap3A_241 = arith.constant 864 : index
    %swap3A_242 = tpu.vector_load %arg8[%swap3A_241] {strides = array<i32>} : memref<1024xf32, #tpu.memory_space<vmem>>, vector<16xf32>,
    tpu.vector_store %arg8[%swap3A_241], %broadcast_in_dim3A_1 {strides = array<i32>} : memref<1024xf32, #tpu.memory_space<vmem>>, vector<16xf32>,
    %swap3A_243 = arith.constant 880 : index
    %swap3A_244 = tpu.vector_load %arg8[%swap3A_243] {strides = array<i32>} : memref<1024xf32, #tpu.memory_space<vmem>>, vector<16xf32>,
    tpu.vector_store %arg8[%swap3A_243], %broadcast_in_dim3A_1 {strides = array<i32>} : memref<1024xf32, #tpu.memory_space<vmem>>, vector<16xf32>,
    %swap3A_245 = arith.constant 896 : index
    %swap3A_246 = tpu.vector_load %arg8[%swap3A_245] {strides = array<i32>} : memref<1024xf32, #tpu.memory_space<vmem>>, vector<16xf32>,
    tpu.vector_store %arg8[%swap3A_245], %broadcast_in_dim3A_1 {strides = array<i32>} : memref<1024xf32, #tpu.memory_space<vmem>>, vector<16xf32>,
    %swap3A_247 = arith.constant 912 : index
    %swap3A_248 = tpu.vector_load %arg8[%swap3A_247] {strides = array<i32>} : memref<1024xf32, #tpu.memory_space<vmem>>, vector<16xf32>,
    tpu.vector_store %arg8[%swap3A_247], %broadcast_in_dim3A_1 {strides = array<i32>} : memref<1024xf32, #tpu.memory_space<vmem>>, vector<16xf32>,
    %swap3A_249 = arith.constant 928 : index
    %swap3A_250 = tpu.vector_load %arg8[%swap3A_249] {strides = array<i32>} : memref<1024xf32, #tpu.memory_space<vmem>>, vector<16xf32>,
    tpu.vector_store %arg8[%swap3A_249], %broadcast_in_dim3A_1 {strides = array<i32>} : memref<1024xf32, #tpu.memory_space<vmem>>, vector<16xf32>,
    %swap3A_251 = arith.constant 944 : index
    %swap3A_252 = tpu.vector_load %arg8[%swap3A_251] {strides = array<i32>} : memref<1024xf32, #tpu.memory_space<vmem>>, vector<16xf32>,
    tpu.vector_store %arg8[%swap3A_251], %broadcast_in_dim3A_1 {strides = array<i32>} : memref<1024xf32, #tpu.memory_space<vmem>>, vector<16xf32>,
    %swap3A_253 = arith.constant 960 : index
    %swap3A_254 = tpu.vector_load %arg8[%swap3A_253] {strides = array<i32>} : memref<1024xf32, #tpu.memory_space<vmem>>, vector<16xf32>,
    tpu.vector_store %arg8[%swap3A_253], %broadcast_in_dim3A_1 {strides = array<i32>} : memref<1024xf32, #tpu.memory_space<vmem>>, vector<16xf32>,
    %swap3A_255 = arith.constant 976 : index
    %swap3A_256 = tpu.vector_load %arg8[%swap3A_255] {strides = array<i32>} : memref<1024xf32, #tpu.memory_space<vmem>>, vector<16xf32>,
    tpu.vector_store %arg8[%swap3A_255], %broadcast_in_dim3A_1 {strides = array<i32>} : memref<1024xf32, #tpu.memory_space<vmem>>, vector<16xf32>,
    %swap3A_257 = arith.constant 992 : index
    %swap3A_258 = tpu.vector_load %arg8[%swap3A_257] {strides = array<i32>} : memref<1024xf32, #tpu.memory_space<vmem>>, vector<16xf32>,
    tpu.vector_store %arg8[%swap3A_257], %broadcast_in_dim3A_1 {strides = array<i32>} : memref<1024xf32, #tpu.memory_space<vmem>>, vector<16xf32>,
    %swap3A_259 = arith.constant 1008 : index
    %swap3A_260 = tpu.vector_load %arg8[%swap3A_259] {strides = array<i32>} : memref<1024xf32, #tpu.memory_space<vmem>>, vector<16xf32>,
    tpu.vector_store %arg8[%swap3A_259], %broadcast_in_dim3A_1 {strides = array<i32>} : memref<1024xf32, #tpu.memory_space<vmem>>, vector<16xf32>,
    %swap3A_261 = arith.constant 0 : index
    %swap3A_262 = tpu.vector_load %arg9[%swap3A_261] {strides = array<i32>} : memref<1024xf32, #tpu.memory_space<vmem>>, vector<16xf32>,
    tpu.vector_store %arg9[%swap3A_261], %broadcast_in_dim3A_1 {strides = array<i32>} : memref<1024xf32, #tpu.memory_space<vmem>>, vector<16xf32>,
    %swap3A_263 = arith.constant 16 : index
    %swap3A_264 = tpu.vector_load %arg9[%swap3A_263] {strides = array<i32>} : memref<1024xf32, #tpu.memory_space<vmem>>, vector<16xf32>,
    tpu.vector_store %arg9[%swap3A_263], %broadcast_in_dim3A_1 {strides = array<i32>} : memref<1024xf32, #tpu.memory_space<vmem>>, vector<16xf32>,
    %swap3A_265 = arith.constant 32 : index
    %swap3A_266 = tpu.vector_load %arg9[%swap3A_265] {strides = array<i32>} : memref<1024xf32, #tpu.memory_space<vmem>>, vector<16xf32>,
    tpu.vector_store %arg9[%swap3A_265], %broadcast_in_dim3A_1 {strides = array<i32>} : memref<1024xf32, #tpu.memory_space<vmem>>, vector<16xf32>,
    %swap3A_267 = arith.constant 48 : index
    %swap3A_268 = tpu.vector_load %arg9[%swap3A_267] {strides = array<i32>} : memref<1024xf32, #tpu.memory_space<vmem>>, vector<16xf32>,
    tpu.vector_store %arg9[%swap3A_267], %broadcast_in_dim3A_1 {strides = array<i32>} : memref<1024xf32, #tpu.memory_space<vmem>>, vector<16xf32>,
    %swap3A_269 = arith.constant 64 : index
    %swap3A_270 = tpu.vector_load %arg9[%swap3A_269] {strides = array<i32>} : memref<1024xf32, #tpu.memory_space<vmem>>, vector<16xf32>,
    tpu.vector_store %arg9[%swap3A_269], %broadcast_in_dim3A_1 {strides = array<i32>} : memref<1024xf32, #tpu.memory_space<vmem>>, vector<16xf32>,
    %swap3A_271 = arith.constant 80 : index
    %swap3A_272 = tpu.vector_load %arg9[%swap3A_271] {strides = array<i32>} : memref<1024xf32, #tpu.memory_space<vmem>>, vector<16xf32>,
    tpu.vector_store %arg9[%swap3A_271], %broadcast_in_dim3A_1 {strides = array<i32>} : memref<1024xf32, #tpu.memory_space<vmem>>, vector<16xf32>,
    %swap3A_273 = arith.constant 96 : index
    %swap3A_274 = tpu.vector_load %arg9[%swap3A_273] {strides = array<i32>} : memref<1024xf32, #tpu.memory_space<vmem>>, vector<16xf32>,
    tpu.vector_store %arg9[%swap3A_273], %broadcast_in_dim3A_1 {strides = array<i32>} : memref<1024xf32, #tpu.memory_space<vmem>>, vector<16xf32>,
    %swap3A_275 = arith.constant 112 : index
    %swap3A_276 = tpu.vector_load %arg9[%swap3A_275] {strides = array<i32>} : memref<1024xf32, #tpu.memory_space<vmem>>, vector<16xf32>,
    tpu.vector_store %arg9[%swap3A_275], %broadcast_in_dim3A_1 {strides = array<i32>} : memref<1024xf32, #tpu.memory_space<vmem>>, vector<16xf32>,
    %swap3A_277 = arith.constant 128 : index
    %swap3A_278 = tpu.vector_load %arg9[%swap3A_277] {strides = array<i32>} : memref<1024xf32, #tpu.memory_space<vmem>>, vector<16xf32>,
    tpu.vector_store %arg9[%swap3A_277], %broadcast_in_dim3A_1 {strides = array<i32>} : memref<1024xf32, #tpu.memory_space<vmem>>, vector<16xf32>,
    %swap3A_279 = arith.constant 144 : index
    %swap3A_280 = tpu.vector_load %arg9[%swap3A_279] {strides = array<i32>} : memref<1024xf32, #tpu.memory_space<vmem>>, vector<16xf32>,
    tpu.vector_store %arg9[%swap3A_279], %broadcast_in_dim3A_1 {strides = array<i32>} : memref<1024xf32, #tpu.memory_space<vmem>>, vector<16xf32>,
    %swap3A_281 = arith.constant 160 : index
    %swap3A_282 = tpu.vector_load %arg9[%swap3A_281] {strides = array<i32>} : memref<1024xf32, #tpu.memory_space<vmem>>, vector<16xf32>,
    tpu.vector_store %arg9[%swap3A_281], %broadcast_in_dim3A_1 {strides = array<i32>} : memref<1024xf32, #tpu.memory_space<vmem>>, vector<16xf32>,
    %swap3A_283 = arith.constant 176 : index
    %swap3A_284 = tpu.vector_load %arg9[%swap3A_283] {strides = array<i32>} : memref<1024xf32, #tpu.memory_space<vmem>>, vector<16xf32>,
    tpu.vector_store %arg9[%swap3A_283], %broadcast_in_dim3A_1 {strides = array<i32>} : memref<1024xf32, #tpu.memory_space<vmem>>, vector<16xf32>,
    %swap3A_285 = arith.constant 192 : index
    %swap3A_286 = tpu.vector_load %arg9[%swap3A_285] {strides = array<i32>} : memref<1024xf32, #tpu.memory_space<vmem>>, vector<16xf32>,
    tpu.vector_store %arg9[%swap3A_285], %broadcast_in_dim3A_1 {strides = array<i32>} : memref<1024xf32, #tpu.memory_space<vmem>>, vector<16xf32>,
    %swap3A_287 = arith.constant 208 : index
    %swap3A_288 = tpu.vector_load %arg9[%swap3A_287] {strides = array<i32>} : memref<1024xf32, #tpu.memory_space<vmem>>, vector<16xf32>,
    tpu.vector_store %arg9[%swap3A_287], %broadcast_in_dim3A_1 {strides = array<i32>} : memref<1024xf32, #tpu.memory_space<vmem>>, vector<16xf32>,
    %swap3A_289 = arith.constant 224 : index
    %swap3A_290 = tpu.vector_load %arg9[%swap3A_289] {strides = array<i32>} : memref<1024xf32, #tpu.memory_space<vmem>>, vector<16xf32>,
    tpu.vector_store %arg9[%swap3A_289], %broadcast_in_dim3A_1 {strides = array<i32>} : memref<1024xf32, #tpu.memory_space<vmem>>, vector<16xf32>,
    %swap3A_291 = arith.constant 240 : index
    %swap3A_292 = tpu.vector_load %arg9[%swap3A_291] {strides = array<i32>} : memref<1024xf32, #tpu.memory_space<vmem>>, vector<16xf32>,
    tpu.vector_store %arg9[%swap3A_291], %broadcast_in_dim3A_1 {strides = array<i32>} : memref<1024xf32, #tpu.memory_space<vmem>>, vector<16xf32>,
    %swap3A_293 = arith.constant 256 : index
    %swap3A_294 = tpu.vector_load %arg9[%swap3A_293] {strides = array<i32>} : memref<1024xf32, #tpu.memory_space<vmem>>, vector<16xf32>,
    tpu.vector_store %arg9[%swap3A_293], %broadcast_in_dim3A_1 {strides = array<i32>} : memref<1024xf32, #tpu.memory_space<vmem>>, vector<16xf32>,
    %swap3A_295 = arith.constant 272 : index
    %swap3A_296 = tpu.vector_load %arg9[%swap3A_295] {strides = array<i32>} : memref<1024xf32, #tpu.memory_space<vmem>>, vector<16xf32>,
    tpu.vector_store %arg9[%swap3A_295], %broadcast_in_dim3A_1 {strides = array<i32>} : memref<1024xf32, #tpu.memory_space<vmem>>, vector<16xf32>,
    %swap3A_297 = arith.constant 288 : index
    %swap3A_298 = tpu.vector_load %arg9[%swap3A_297] {strides = array<i32>} : memref<1024xf32, #tpu.memory_space<vmem>>, vector<16xf32>,
    tpu.vector_store %arg9[%swap3A_297], %broadcast_in_dim3A_1 {strides = array<i32>} : memref<1024xf32, #tpu.memory_space<vmem>>, vector<16xf32>,
    %swap3A_299 = arith.constant 304 : index
    %swap3A_300 = tpu.vector_load %arg9[%swap3A_299] {strides = array<i32>} : memref<1024xf32, #tpu.memory_space<vmem>>, vector<16xf32>,
    tpu.vector_store %arg9[%swap3A_299], %broadcast_in_dim3A_1 {strides = array<i32>} : memref<1024xf32, #tpu.memory_space<vmem>>, vector<16xf32>,
    %swap3A_301 = arith.constant 320 : index
    %swap3A_302 = tpu.vector_load %arg9[%swap3A_301] {strides = array<i32>} : memref<1024xf32, #tpu.memory_space<vmem>>, vector<16xf32>,
    tpu.vector_store %arg9[%swap3A_301], %broadcast_in_dim3A_1 {strides = array<i32>} : memref<1024xf32, #tpu.memory_space<vmem>>, vector<16xf32>,
    %swap3A_303 = arith.constant 336 : index
    %swap3A_304 = tpu.vector_load %arg9[%swap3A_303] {strides = array<i32>} : memref<1024xf32, #tpu.memory_space<vmem>>, vector<16xf32>,
    tpu.vector_store %arg9[%swap3A_303], %broadcast_in_dim3A_1 {strides = array<i32>} : memref<1024xf32, #tpu.memory_space<vmem>>, vector<16xf32>,
    %swap3A_305 = arith.constant 352 : index
    %swap3A_306 = tpu.vector_load %arg9[%swap3A_305] {strides = array<i32>} : memref<1024xf32, #tpu.memory_space<vmem>>, vector<16xf32>,
    tpu.vector_store %arg9[%swap3A_305], %broadcast_in_dim3A_1 {strides = array<i32>} : memref<1024xf32, #tpu.memory_space<vmem>>, vector<16xf32>,
    %swap3A_307 = arith.constant 368 : index
    %swap3A_308 = tpu.vector_load %arg9[%swap3A_307] {strides = array<i32>} : memref<1024xf32, #tpu.memory_space<vmem>>, vector<16xf32>,
    tpu.vector_store %arg9[%swap3A_307], %broadcast_in_dim3A_1 {strides = array<i32>} : memref<1024xf32, #tpu.memory_space<vmem>>, vector<16xf32>,
    %swap3A_309 = arith.constant 384 : index
    %swap3A_310 = tpu.vector_load %arg9[%swap3A_309] {strides = array<i32>} : memref<1024xf32, #tpu.memory_space<vmem>>, vector<16xf32>,
    tpu.vector_store %arg9[%swap3A_309], %broadcast_in_dim3A_1 {strides = array<i32>} : memref<1024xf32, #tpu.memory_space<vmem>>, vector<16xf32>,
    %swap3A_311 = arith.constant 400 : index
    %swap3A_312 = tpu.vector_load %arg9[%swap3A_311] {strides = array<i32>} : memref<1024xf32, #tpu.memory_space<vmem>>, vector<16xf32>,
    tpu.vector_store %arg9[%swap3A_311], %broadcast_in_dim3A_1 {strides = array<i32>} : memref<1024xf32, #tpu.memory_space<vmem>>, vector<16xf32>,
    %swap3A_313 = arith.constant 416 : index
    %swap3A_314 = tpu.vector_load %arg9[%swap3A_313] {strides = array<i32>} : memref<1024xf32, #tpu.memory_space<vmem>>, vector<16xf32>,
    tpu.vector_store %arg9[%swap3A_313], %broadcast_in_dim3A_1 {strides = array<i32>} : memref<1024xf32, #tpu.memory_space<vmem>>, vector<16xf32>,
    %swap3A_315 = arith.constant 432 : index
    %swap3A_316 = tpu.vector_load %arg9[%swap3A_315] {strides = array<i32>} : memref<1024xf32, #tpu.memory_space<vmem>>, vector<16xf32>,
    tpu.vector_store %arg9[%swap3A_315], %broadcast_in_dim3A_1 {strides = array<i32>} : memref<1024xf32, #tpu.memory_space<vmem>>, vector<16xf32>,
    %swap3A_317 = arith.constant 448 : index
    %swap3A_318 = tpu.vector_load %arg9[%swap3A_317] {strides = array<i32>} : memref<1024xf32, #tpu.memory_space<vmem>>, vector<16xf32>,
    tpu.vector_store %arg9[%swap3A_317], %broadcast_in_dim3A_1 {strides = array<i32>} : memref<1024xf32, #tpu.memory_space<vmem>>, vector<16xf32>,
    %swap3A_319 = arith.constant 464 : index
    %swap3A_320 = tpu.vector_load %arg9[%swap3A_319] {strides = array<i32>} : memref<1024xf32, #tpu.memory_space<vmem>>, vector<16xf32>,
    tpu.vector_store %arg9[%swap3A_319], %broadcast_in_dim3A_1 {strides = array<i32>} : memref<1024xf32, #tpu.memory_space<vmem>>, vector<16xf32>,
    %swap3A_321 = arith.constant 480 : index
    %swap3A_322 = tpu.vector_load %arg9[%swap3A_321] {strides = array<i32>} : memref<1024xf32, #tpu.memory_space<vmem>>, vector<16xf32>,
    tpu.vector_store %arg9[%swap3A_321], %broadcast_in_dim3A_1 {strides = array<i32>} : memref<1024xf32, #tpu.memory_space<vmem>>, vector<16xf32>,
    %swap3A_323 = arith.constant 496 : index
    %swap3A_324 = tpu.vector_load %arg9[%swap3A_323] {strides = array<i32>} : memref<1024xf32, #tpu.memory_space<vmem>>, vector<16xf32>,
    tpu.vector_store %arg9[%swap3A_323], %broadcast_in_dim3A_1 {strides = array<i32>} : memref<1024xf32, #tpu.memory_space<vmem>>, vector<16xf32>,
    %swap3A_325 = arith.constant 512 : index
    %swap3A_326 = tpu.vector_load %arg9[%swap3A_325] {strides = array<i32>} : memref<1024xf32, #tpu.memory_space<vmem>>, vector<16xf32>,
    tpu.vector_store %arg9[%swap3A_325], %broadcast_in_dim3A_1 {strides = array<i32>} : memref<1024xf32, #tpu.memory_space<vmem>>, vector<16xf32>,
    %swap3A_327 = arith.constant 528 : index
    %swap3A_328 = tpu.vector_load %arg9[%swap3A_327] {strides = array<i32>} : memref<1024xf32, #tpu.memory_space<vmem>>, vector<16xf32>,
    tpu.vector_store %arg9[%swap3A_327], %broadcast_in_dim3A_1 {strides = array<i32>} : memref<1024xf32, #tpu.memory_space<vmem>>, vector<16xf32>,
    %swap3A_329 = arith.constant 544 : index
    %swap3A_330 = tpu.vector_load %arg9[%swap3A_329] {strides = array<i32>} : memref<1024xf32, #tpu.memory_space<vmem>>, vector<16xf32>,
    tpu.vector_store %arg9[%swap3A_329], %broadcast_in_dim3A_1 {strides = array<i32>} : memref<1024xf32, #tpu.memory_space<vmem>>, vector<16xf32>,
    %swap3A_331 = arith.constant 560 : index
    %swap3A_332 = tpu.vector_load %arg9[%swap3A_331] {strides = array<i32>} : memref<1024xf32, #tpu.memory_space<vmem>>, vector<16xf32>,
    tpu.vector_store %arg9[%swap3A_331], %broadcast_in_dim3A_1 {strides = array<i32>} : memref<1024xf32, #tpu.memory_space<vmem>>, vector<16xf32>,
    %swap3A_333 = arith.constant 576 : index
    %swap3A_334 = tpu.vector_load %arg9[%swap3A_333] {strides = array<i32>} : memref<1024xf32, #tpu.memory_space<vmem>>, vector<16xf32>,
    tpu.vector_store %arg9[%swap3A_333], %broadcast_in_dim3A_1 {strides = array<i32>} : memref<1024xf32, #tpu.memory_space<vmem>>, vector<16xf32>,
    %swap3A_335 = arith.constant 592 : index
    %swap3A_336 = tpu.vector_load %arg9[%swap3A_335] {strides = array<i32>} : memref<1024xf32, #tpu.memory_space<vmem>>, vector<16xf32>,
    tpu.vector_store %arg9[%swap3A_335], %broadcast_in_dim3A_1 {strides = array<i32>} : memref<1024xf32, #tpu.memory_space<vmem>>, vector<16xf32>,
    %swap3A_337 = arith.constant 608 : index
    %swap3A_338 = tpu.vector_load %arg9[%swap3A_337] {strides = array<i32>} : memref<1024xf32, #tpu.memory_space<vmem>>, vector<16xf32>,
    tpu.vector_store %arg9[%swap3A_337], %broadcast_in_dim3A_1 {strides = array<i32>} : memref<1024xf32, #tpu.memory_space<vmem>>, vector<16xf32>,
    %swap3A_339 = arith.constant 624 : index
    %swap3A_340 = tpu.vector_load %arg9[%swap3A_339] {strides = array<i32>} : memref<1024xf32, #tpu.memory_space<vmem>>, vector<16xf32>,
    tpu.vector_store %arg9[%swap3A_339], %broadcast_in_dim3A_1 {strides = array<i32>} : memref<1024xf32, #tpu.memory_space<vmem>>, vector<16xf32>,
    %swap3A_341 = arith.constant 640 : index
    %swap3A_342 = tpu.vector_load %arg9[%swap3A_341] {strides = array<i32>} : memref<1024xf32, #tpu.memory_space<vmem>>, vector<16xf32>,
    tpu.vector_store %arg9[%swap3A_341], %broadcast_in_dim3A_1 {strides = array<i32>} : memref<1024xf32, #tpu.memory_space<vmem>>, vector<16xf32>,
    %swap3A_343 = arith.constant 656 : index
    %swap3A_344 = tpu.vector_load %arg9[%swap3A_343] {strides = array<i32>} : memref<1024xf32, #tpu.memory_space<vmem>>, vector<16xf32>,
    tpu.vector_store %arg9[%swap3A_343], %broadcast_in_dim3A_1 {strides = array<i32>} : memref<1024xf32, #tpu.memory_space<vmem>>, vector<16xf32>,
    %swap3A_345 = arith.constant 672 : index
    %swap3A_346 = tpu.vector_load %arg9[%swap3A_345] {strides = array<i32>} : memref<1024xf32, #tpu.memory_space<vmem>>, vector<16xf32>,
    tpu.vector_store %arg9[%swap3A_345], %broadcast_in_dim3A_1 {strides = array<i32>} : memref<1024xf32, #tpu.memory_space<vmem>>, vector<16xf32>,
    %swap3A_347 = arith.constant 688 : index
    %swap3A_348 = tpu.vector_load %arg9[%swap3A_347] {strides = array<i32>} : memref<1024xf32, #tpu.memory_space<vmem>>, vector<16xf32>,
    tpu.vector_store %arg9[%swap3A_347], %broadcast_in_dim3A_1 {strides = array<i32>} : memref<1024xf32, #tpu.memory_space<vmem>>, vector<16xf32>,
    %swap3A_349 = arith.constant 704 : index
    %swap3A_350 = tpu.vector_load %arg9[%swap3A_349] {strides = array<i32>} : memref<1024xf32, #tpu.memory_space<vmem>>, vector<16xf32>,
    tpu.vector_store %arg9[%swap3A_349], %broadcast_in_dim3A_1 {strides = array<i32>} : memref<1024xf32, #tpu.memory_space<vmem>>, vector<16xf32>,
    %swap3A_351 = arith.constant 720 : index
    %swap3A_352 = tpu.vector_load %arg9[%swap3A_351] {strides = array<i32>} : memref<1024xf32, #tpu.memory_space<vmem>>, vector<16xf32>,
    tpu.vector_store %arg9[%swap3A_351], %broadcast_in_dim3A_1 {strides = array<i32>} : memref<1024xf32, #tpu.memory_space<vmem>>, vector<16xf32>,
    %swap3A_353 = arith.constant 736 : index
    %swap3A_354 = tpu.vector_load %arg9[%swap3A_353] {strides = array<i32>} : memref<1024xf32, #tpu.memory_space<vmem>>, vector<16xf32>,
    tpu.vector_store %arg9[%swap3A_353], %broadcast_in_dim3A_1 {strides = array<i32>} : memref<1024xf32, #tpu.memory_space<vmem>>, vector<16xf32>,
    %swap3A_355 = arith.constant 752 : index
    %swap3A_356 = tpu.vector_load %arg9[%swap3A_355] {strides = array<i32>} : memref<1024xf32, #tpu.memory_space<vmem>>, vector<16xf32>,
    tpu.vector_store %arg9[%swap3A_355], %broadcast_in_dim3A_1 {strides = array<i32>} : memref<1024xf32, #tpu.memory_space<vmem>>, vector<16xf32>,
    %swap3A_357 = arith.constant 768 : index
    %swap3A_358 = tpu.vector_load %arg9[%swap3A_357] {strides = array<i32>} : memref<1024xf32, #tpu.memory_space<vmem>>, vector<16xf32>,
    tpu.vector_store %arg9[%swap3A_357], %broadcast_in_dim3A_1 {strides = array<i32>} : memref<1024xf32, #tpu.memory_space<vmem>>, vector<16xf32>,
    %swap3A_359 = arith.constant 784 : index
    %swap3A_360 = tpu.vector_load %arg9[%swap3A_359] {strides = array<i32>} : memref<1024xf32, #tpu.memory_space<vmem>>, vector<16xf32>,
    tpu.vector_store %arg9[%swap3A_359], %broadcast_in_dim3A_1 {strides = array<i32>} : memref<1024xf32, #tpu.memory_space<vmem>>, vector<16xf32>,
    %swap3A_361 = arith.constant 800 : index
    %swap3A_362 = tpu.vector_load %arg9[%swap3A_361] {strides = array<i32>} : memref<1024xf32, #tpu.memory_space<vmem>>, vector<16xf32>,
    tpu.vector_store %arg9[%swap3A_361], %broadcast_in_dim3A_1 {strides = array<i32>} : memref<1024xf32, #tpu.memory_space<vmem>>, vector<16xf32>,
    %swap3A_363 = arith.constant 816 : index
    %swap3A_364 = tpu.vector_load %arg9[%swap3A_363] {strides = array<i32>} : memref<1024xf32, #tpu.memory_space<vmem>>, vector<16xf32>,
    tpu.vector_store %arg9[%swap3A_363], %broadcast_in_dim3A_1 {strides = array<i32>} : memref<1024xf32, #tpu.memory_space<vmem>>, vector<16xf32>,
    %swap3A_365 = arith.constant 832 : index
    %swap3A_366 = tpu.vector_load %arg9[%swap3A_365] {strides = array<i32>} : memref<1024xf32, #tpu.memory_space<vmem>>, vector<16xf32>,
    tpu.vector_store %arg9[%swap3A_365], %broadcast_in_dim3A_1 {strides = array<i32>} : memref<1024xf32, #tpu.memory_space<vmem>>, vector<16xf32>,
    %swap3A_367 = arith.constant 848 : index
    %swap3A_368 = tpu.vector_load %arg9[%swap3A_367] {strides = array<i32>} : memref<1024xf32, #tpu.memory_space<vmem>>, vector<16xf32>,
    tpu.vector_store %arg9[%swap3A_367], %broadcast_in_dim3A_1 {strides = array<i32>} : memref<1024xf32, #tpu.memory_space<vmem>>, vector<16xf32>,
    %swap3A_369 = arith.constant 864 : index
    %swap3A_370 = tpu.vector_load %arg9[%swap3A_369] {strides = array<i32>} : memref<1024xf32, #tpu.memory_space<vmem>>, vector<16xf32>,
    tpu.vector_store %arg9[%swap3A_369], %broadcast_in_dim3A_1 {strides = array<i32>} : memref<1024xf32, #tpu.memory_space<vmem>>, vector<16xf32>,
    %swap3A_371 = arith.constant 880 : index
    %swap3A_372 = tpu.vector_load %arg9[%swap3A_371] {strides = array<i32>} : memref<1024xf32, #tpu.memory_space<vmem>>, vector<16xf32>,
    tpu.vector_store %arg9[%swap3A_371], %broadcast_in_dim3A_1 {strides = array<i32>} : memref<1024xf32, #tpu.memory_space<vmem>>, vector<16xf32>,
    %swap3A_373 = arith.constant 896 : index
    %swap3A_374 = tpu.vector_load %arg9[%swap3A_373] {strides = array<i32>} : memref<1024xf32, #tpu.memory_space<vmem>>, vector<16xf32>,
    tpu.vector_store %arg9[%swap3A_373], %broadcast_in_dim3A_1 {strides = array<i32>} : memref<1024xf32, #tpu.memory_space<vmem>>, vector<16xf32>,
    %swap3A_375 = arith.constant 912 : index
    %swap3A_376 = tpu.vector_load %arg9[%swap3A_375] {strides = array<i32>} : memref<1024xf32, #tpu.memory_space<vmem>>, vector<16xf32>,
    tpu.vector_store %arg9[%swap3A_375], %broadcast_in_dim3A_1 {strides = array<i32>} : memref<1024xf32, #tpu.memory_space<vmem>>, vector<16xf32>,
    %swap3A_377 = arith.constant 928 : index
    %swap3A_378 = tpu.vector_load %arg9[%swap3A_377] {strides = array<i32>} : memref<1024xf32, #tpu.memory_space<vmem>>, vector<16xf32>,
    tpu.vector_store %arg9[%swap3A_377], %broadcast_in_dim3A_1 {strides = array<i32>} : memref<1024xf32, #tpu.memory_space<vmem>>, vector<16xf32>,
    %swap3A_379 = arith.constant 944 : index
    %swap3A_380 = tpu.vector_load %arg9[%swap3A_379] {strides = array<i32>} : memref<1024xf32, #tpu.memory_space<vmem>>, vector<16xf32>,
    tpu.vector_store %arg9[%swap3A_379], %broadcast_in_dim3A_1 {strides = array<i32>} : memref<1024xf32, #tpu.memory_space<vmem>>, vector<16xf32>,
    %swap3A_381 = arith.constant 960 : index
    %swap3A_382 = tpu.vector_load %arg9[%swap3A_381] {strides = array<i32>} : memref<1024xf32, #tpu.memory_space<vmem>>, vector<16xf32>,
    tpu.vector_store %arg9[%swap3A_381], %broadcast_in_dim3A_1 {strides = array<i32>} : memref<1024xf32, #tpu.memory_space<vmem>>, vector<16xf32>,
    %swap3A_383 = arith.constant 976 : index
    %swap3A_384 = tpu.vector_load %arg9[%swap3A_383] {strides = array<i32>} : memref<1024xf32, #tpu.memory_space<vmem>>, vector<16xf32>,
    tpu.vector_store %arg9[%swap3A_383], %broadcast_in_dim3A_1 {strides = array<i32>} : memref<1024xf32, #tpu.memory_space<vmem>>, vector<16xf32>,
    %swap3A_385 = arith.constant 992 : index
    %swap3A_386 = tpu.vector_load %arg9[%swap3A_385] {strides = array<i32>} : memref<1024xf32, #tpu.memory_space<vmem>>, vector<16xf32>,
    tpu.vector_store %arg9[%swap3A_385], %broadcast_in_dim3A_1 {strides = array<i32>} : memref<1024xf32, #tpu.memory_space<vmem>>, vector<16xf32>,
    %swap3A_387 = arith.constant 1008 : index
    %swap3A_388 = tpu.vector_load %arg9[%swap3A_387] {strides = array<i32>} : memref<1024xf32, #tpu.memory_space<vmem>>, vector<16xf32>,
    tpu.vector_store %arg9[%swap3A_387], %broadcast_in_dim3A_1 {strides = array<i32>} : memref<1024xf32, #tpu.memory_space<vmem>>, vector<16xf32>,
    %swap3A_389 = arith.constant 0 : index
    %swap3A_390 = tpu.vector_load %arg10[%swap3A_389] {strides = array<i32>} : memref<1024xf32, #tpu.memory_space<vmem>>, vector<16xf32>,
    tpu.vector_store %arg10[%swap3A_389], %broadcast_in_dim3A_1 {strides = array<i32>} : memref<1024xf32, #tpu.memory_space<vmem>>, vector<16xf32>,
    %swap3A_391 = arith.constant 16 : index
    %swap3A_392 = tpu.vector_load %arg10[%swap3A_391] {strides = array<i32>} : memref<1024xf32, #tpu.memory_space<vmem>>, vector<16xf32>,
    tpu.vector_store %arg10[%swap3A_391], %broadcast_in_dim3A_1 {strides = array<i32>} : memref<1024xf32, #tpu.memory_space<vmem>>, vector<16xf32>,
    %swap3A_393 = arith.constant 32 : index
    %swap3A_394 = tpu.vector_load %arg10[%swap3A_393] {strides = array<i32>} : memref<1024xf32, #tpu.memory_space<vmem>>, vector<16xf32>,
    tpu.vector_store %arg10[%swap3A_393], %broadcast_in_dim3A_1 {strides = array<i32>} : memref<1024xf32, #tpu.memory_space<vmem>>, vector<16xf32>,
    %swap3A_395 = arith.constant 48 : index
    %swap3A_396 = tpu.vector_load %arg10[%swap3A_395] {strides = array<i32>} : memref<1024xf32, #tpu.memory_space<vmem>>, vector<16xf32>,
    tpu.vector_store %arg10[%swap3A_395], %broadcast_in_dim3A_1 {strides = array<i32>} : memref<1024xf32, #tpu.memory_space<vmem>>, vector<16xf32>,
    %swap3A_397 = arith.constant 64 : index
    %swap3A_398 = tpu.vector_load %arg10[%swap3A_397] {strides = array<i32>} : memref<1024xf32, #tpu.memory_space<vmem>>, vector<16xf32>,
    tpu.vector_store %arg10[%swap3A_397], %broadcast_in_dim3A_1 {strides = array<i32>} : memref<1024xf32, #tpu.memory_space<vmem>>, vector<16xf32>,
    %swap3A_399 = arith.constant 80 : index
    %swap3A_400 = tpu.vector_load %arg10[%swap3A_399] {strides = array<i32>} : memref<1024xf32, #tpu.memory_space<vmem>>, vector<16xf32>,
    tpu.vector_store %arg10[%swap3A_399], %broadcast_in_dim3A_1 {strides = array<i32>} : memref<1024xf32, #tpu.memory_space<vmem>>, vector<16xf32>,
    %swap3A_401 = arith.constant 96 : index
    %swap3A_402 = tpu.vector_load %arg10[%swap3A_401] {strides = array<i32>} : memref<1024xf32, #tpu.memory_space<vmem>>, vector<16xf32>,
    tpu.vector_store %arg10[%swap3A_401], %broadcast_in_dim3A_1 {strides = array<i32>} : memref<1024xf32, #tpu.memory_space<vmem>>, vector<16xf32>,
    %swap3A_403 = arith.constant 112 : index
    %swap3A_404 = tpu.vector_load %arg10[%swap3A_403] {strides = array<i32>} : memref<1024xf32, #tpu.memory_space<vmem>>, vector<16xf32>,
    tpu.vector_store %arg10[%swap3A_403], %broadcast_in_dim3A_1 {strides = array<i32>} : memref<1024xf32, #tpu.memory_space<vmem>>, vector<16xf32>,
    %swap3A_405 = arith.constant 128 : index
    %swap3A_406 = tpu.vector_load %arg10[%swap3A_405] {strides = array<i32>} : memref<1024xf32, #tpu.memory_space<vmem>>, vector<16xf32>,
    tpu.vector_store %arg10[%swap3A_405], %broadcast_in_dim3A_1 {strides = array<i32>} : memref<1024xf32, #tpu.memory_space<vmem>>, vector<16xf32>,
    %swap3A_407 = arith.constant 144 : index
    %swap3A_408 = tpu.vector_load %arg10[%swap3A_407] {strides = array<i32>} : memref<1024xf32, #tpu.memory_space<vmem>>, vector<16xf32>,
    tpu.vector_store %arg10[%swap3A_407], %broadcast_in_dim3A_1 {strides = array<i32>} : memref<1024xf32, #tpu.memory_space<vmem>>, vector<16xf32>,
    %swap3A_409 = arith.constant 160 : index
    %swap3A_410 = tpu.vector_load %arg10[%swap3A_409] {strides = array<i32>} : memref<1024xf32, #tpu.memory_space<vmem>>, vector<16xf32>,
    tpu.vector_store %arg10[%swap3A_409], %broadcast_in_dim3A_1 {strides = array<i32>} : memref<1024xf32, #tpu.memory_space<vmem>>, vector<16xf32>,
    %swap3A_411 = arith.constant 176 : index
    %swap3A_412 = tpu.vector_load %arg10[%swap3A_411] {strides = array<i32>} : memref<1024xf32, #tpu.memory_space<vmem>>, vector<16xf32>,
    tpu.vector_store %arg10[%swap3A_411], %broadcast_in_dim3A_1 {strides = array<i32>} : memref<1024xf32, #tpu.memory_space<vmem>>, vector<16xf32>,
    %swap3A_413 = arith.constant 192 : index
    %swap3A_414 = tpu.vector_load %arg10[%swap3A_413] {strides = array<i32>} : memref<1024xf32, #tpu.memory_space<vmem>>, vector<16xf32>,
    tpu.vector_store %arg10[%swap3A_413], %broadcast_in_dim3A_1 {strides = array<i32>} : memref<1024xf32, #tpu.memory_space<vmem>>, vector<16xf32>,
    %swap3A_415 = arith.constant 208 : index
    %swap3A_416 = tpu.vector_load %arg10[%swap3A_415] {strides = array<i32>} : memref<1024xf32, #tpu.memory_space<vmem>>, vector<16xf32>,
    tpu.vector_store %arg10[%swap3A_415], %broadcast_in_dim3A_1 {strides = array<i32>} : memref<1024xf32, #tpu.memory_space<vmem>>, vector<16xf32>,
    %swap3A_417 = arith.constant 224 : index
    %swap3A_418 = tpu.vector_load %arg10[%swap3A_417] {strides = array<i32>} : memref<1024xf32, #tpu.memory_space<vmem>>, vector<16xf32>,
    tpu.vector_store %arg10[%swap3A_417], %broadcast_in_dim3A_1 {strides = array<i32>} : memref<1024xf32, #tpu.memory_space<vmem>>, vector<16xf32>,
    %swap3A_419 = arith.constant 240 : index
    %swap3A_420 = tpu.vector_load %arg10[%swap3A_419] {strides = array<i32>} : memref<1024xf32, #tpu.memory_space<vmem>>, vector<16xf32>,
    tpu.vector_store %arg10[%swap3A_419], %broadcast_in_dim3A_1 {strides = array<i32>} : memref<1024xf32, #tpu.memory_space<vmem>>, vector<16xf32>,
    %swap3A_421 = arith.constant 256 : index
    %swap3A_422 = tpu.vector_load %arg10[%swap3A_421] {strides = array<i32>} : memref<1024xf32, #tpu.memory_space<vmem>>, vector<16xf32>,
    tpu.vector_store %arg10[%swap3A_421], %broadcast_in_dim3A_1 {strides = array<i32>} : memref<1024xf32, #tpu.memory_space<vmem>>, vector<16xf32>,
    %swap3A_423 = arith.constant 272 : index
    %swap3A_424 = tpu.vector_load %arg10[%swap3A_423] {strides = array<i32>} : memref<1024xf32, #tpu.memory_space<vmem>>, vector<16xf32>,
    tpu.vector_store %arg10[%swap3A_423], %broadcast_in_dim3A_1 {strides = array<i32>} : memref<1024xf32, #tpu.memory_space<vmem>>, vector<16xf32>,
    %swap3A_425 = arith.constant 288 : index
    %swap3A_426 = tpu.vector_load %arg10[%swap3A_425] {strides = array<i32>} : memref<1024xf32, #tpu.memory_space<vmem>>, vector<16xf32>,
    tpu.vector_store %arg10[%swap3A_425], %broadcast_in_dim3A_1 {strides = array<i32>} : memref<1024xf32, #tpu.memory_space<vmem>>, vector<16xf32>,
    %swap3A_427 = arith.constant 304 : index
    %swap3A_428 = tpu.vector_load %arg10[%swap3A_427] {strides = array<i32>} : memref<1024xf32, #tpu.memory_space<vmem>>, vector<16xf32>,
    tpu.vector_store %arg10[%swap3A_427], %broadcast_in_dim3A_1 {strides = array<i32>} : memref<1024xf32, #tpu.memory_space<vmem>>, vector<16xf32>,
    %swap3A_429 = arith.constant 320 : index
    %swap3A_430 = tpu.vector_load %arg10[%swap3A_429] {strides = array<i32>} : memref<1024xf32, #tpu.memory_space<vmem>>, vector<16xf32>,
    tpu.vector_store %arg10[%swap3A_429], %broadcast_in_dim3A_1 {strides = array<i32>} : memref<1024xf32, #tpu.memory_space<vmem>>, vector<16xf32>,
    %swap3A_431 = arith.constant 336 : index
    %swap3A_432 = tpu.vector_load %arg10[%swap3A_431] {strides = array<i32>} : memref<1024xf32, #tpu.memory_space<vmem>>, vector<16xf32>,
    tpu.vector_store %arg10[%swap3A_431], %broadcast_in_dim3A_1 {strides = array<i32>} : memref<1024xf32, #tpu.memory_space<vmem>>, vector<16xf32>,
    %swap3A_433 = arith.constant 352 : index
    %swap3A_434 = tpu.vector_load %arg10[%swap3A_433] {strides = array<i32>} : memref<1024xf32, #tpu.memory_space<vmem>>, vector<16xf32>,
    tpu.vector_store %arg10[%swap3A_433], %broadcast_in_dim3A_1 {strides = array<i32>} : memref<1024xf32, #tpu.memory_space<vmem>>, vector<16xf32>,
    %swap3A_435 = arith.constant 368 : index
    %swap3A_436 = tpu.vector_load %arg10[%swap3A_435] {strides = array<i32>} : memref<1024xf32, #tpu.memory_space<vmem>>, vector<16xf32>,
    tpu.vector_store %arg10[%swap3A_435], %broadcast_in_dim3A_1 {strides = array<i32>} : memref<1024xf32, #tpu.memory_space<vmem>>, vector<16xf32>,
    %swap3A_437 = arith.constant 384 : index
    %swap3A_438 = tpu.vector_load %arg10[%swap3A_437] {strides = array<i32>} : memref<1024xf32, #tpu.memory_space<vmem>>, vector<16xf32>,
    tpu.vector_store %arg10[%swap3A_437], %broadcast_in_dim3A_1 {strides = array<i32>} : memref<1024xf32, #tpu.memory_space<vmem>>, vector<16xf32>,
    %swap3A_439 = arith.constant 400 : index
    %swap3A_440 = tpu.vector_load %arg10[%swap3A_439] {strides = array<i32>} : memref<1024xf32, #tpu.memory_space<vmem>>, vector<16xf32>,
    tpu.vector_store %arg10[%swap3A_439], %broadcast_in_dim3A_1 {strides = array<i32>} : memref<1024xf32, #tpu.memory_space<vmem>>, vector<16xf32>,
    %swap3A_441 = arith.constant 416 : index
    %swap3A_442 = tpu.vector_load %arg10[%swap3A_441] {strides = array<i32>} : memref<1024xf32, #tpu.memory_space<vmem>>, vector<16xf32>,
    tpu.vector_store %arg10[%swap3A_441], %broadcast_in_dim3A_1 {strides = array<i32>} : memref<1024xf32, #tpu.memory_space<vmem>>, vector<16xf32>,
    %swap3A_443 = arith.constant 432 : index
    %swap3A_444 = tpu.vector_load %arg10[%swap3A_443] {strides = array<i32>} : memref<1024xf32, #tpu.memory_space<vmem>>, vector<16xf32>,
    tpu.vector_store %arg10[%swap3A_443], %broadcast_in_dim3A_1 {strides = array<i32>} : memref<1024xf32, #tpu.memory_space<vmem>>, vector<16xf32>,
    %swap3A_445 = arith.constant 448 : index
    %swap3A_446 = tpu.vector_load %arg10[%swap3A_445] {strides = array<i32>} : memref<1024xf32, #tpu.memory_space<vmem>>, vector<16xf32>,
    tpu.vector_store %arg10[%swap3A_445], %broadcast_in_dim3A_1 {strides = array<i32>} : memref<1024xf32, #tpu.memory_space<vmem>>, vector<16xf32>,
    %swap3A_447 = arith.constant 464 : index
    %swap3A_448 = tpu.vector_load %arg10[%swap3A_447] {strides = array<i32>} : memref<1024xf32, #tpu.memory_space<vmem>>, vector<16xf32>,
    tpu.vector_store %arg10[%swap3A_447], %broadcast_in_dim3A_1 {strides = array<i32>} : memref<1024xf32, #tpu.memory_space<vmem>>, vector<16xf32>,
    %swap3A_449 = arith.constant 480 : index
    %swap3A_450 = tpu.vector_load %arg10[%swap3A_449] {strides = array<i32>} : memref<1024xf32, #tpu.memory_space<vmem>>, vector<16xf32>,
    tpu.vector_store %arg10[%swap3A_449], %broadcast_in_dim3A_1 {strides = array<i32>} : memref<1024xf32, #tpu.memory_space<vmem>>, vector<16xf32>,
    %swap3A_451 = arith.constant 496 : index
    %swap3A_452 = tpu.vector_load %arg10[%swap3A_451] {strides = array<i32>} : memref<1024xf32, #tpu.memory_space<vmem>>, vector<16xf32>,
    tpu.vector_store %arg10[%swap3A_451], %broadcast_in_dim3A_1 {strides = array<i32>} : memref<1024xf32, #tpu.memory_space<vmem>>, vector<16xf32>,
    %swap3A_453 = arith.constant 512 : index
    %swap3A_454 = tpu.vector_load %arg10[%swap3A_453] {strides = array<i32>} : memref<1024xf32, #tpu.memory_space<vmem>>, vector<16xf32>,
    tpu.vector_store %arg10[%swap3A_453], %broadcast_in_dim3A_1 {strides = array<i32>} : memref<1024xf32, #tpu.memory_space<vmem>>, vector<16xf32>,
    %swap3A_455 = arith.constant 528 : index
    %swap3A_456 = tpu.vector_load %arg10[%swap3A_455] {strides = array<i32>} : memref<1024xf32, #tpu.memory_space<vmem>>, vector<16xf32>,
    tpu.vector_store %arg10[%swap3A_455], %broadcast_in_dim3A_1 {strides = array<i32>} : memref<1024xf32, #tpu.memory_space<vmem>>, vector<16xf32>,
    %swap3A_457 = arith.constant 544 : index
    %swap3A_458 = tpu.vector_load %arg10[%swap3A_457] {strides = array<i32>} : memref<1024xf32, #tpu.memory_space<vmem>>, vector<16xf32>,
    tpu.vector_store %arg10[%swap3A_457], %broadcast_in_dim3A_1 {strides = array<i32>} : memref<1024xf32, #tpu.memory_space<vmem>>, vector<16xf32>,
    %swap3A_459 = arith.constant 560 : index
    %swap3A_460 = tpu.vector_load %arg10[%swap3A_459] {strides = array<i32>} : memref<1024xf32, #tpu.memory_space<vmem>>, vector<16xf32>,
    tpu.vector_store %arg10[%swap3A_459], %broadcast_in_dim3A_1 {strides = array<i32>} : memref<1024xf32, #tpu.memory_space<vmem>>, vector<16xf32>,
    %swap3A_461 = arith.constant 576 : index
    %swap3A_462 = tpu.vector_load %arg10[%swap3A_461] {strides = array<i32>} : memref<1024xf32, #tpu.memory_space<vmem>>, vector<16xf32>,
    tpu.vector_store %arg10[%swap3A_461], %broadcast_in_dim3A_1 {strides = array<i32>} : memref<1024xf32, #tpu.memory_space<vmem>>, vector<16xf32>,
    %swap3A_463 = arith.constant 592 : index
    %swap3A_464 = tpu.vector_load %arg10[%swap3A_463] {strides = array<i32>} : memref<1024xf32, #tpu.memory_space<vmem>>, vector<16xf32>,
    tpu.vector_store %arg10[%swap3A_463], %broadcast_in_dim3A_1 {strides = array<i32>} : memref<1024xf32, #tpu.memory_space<vmem>>, vector<16xf32>,
    %swap3A_465 = arith.constant 608 : index
    %swap3A_466 = tpu.vector_load %arg10[%swap3A_465] {strides = array<i32>} : memref<1024xf32, #tpu.memory_space<vmem>>, vector<16xf32>,
    tpu.vector_store %arg10[%swap3A_465], %broadcast_in_dim3A_1 {strides = array<i32>} : memref<1024xf32, #tpu.memory_space<vmem>>, vector<16xf32>,
    %swap3A_467 = arith.constant 624 : index
    %swap3A_468 = tpu.vector_load %arg10[%swap3A_467] {strides = array<i32>} : memref<1024xf32, #tpu.memory_space<vmem>>, vector<16xf32>,
    tpu.vector_store %arg10[%swap3A_467], %broadcast_in_dim3A_1 {strides = array<i32>} : memref<1024xf32, #tpu.memory_space<vmem>>, vector<16xf32>,
    %swap3A_469 = arith.constant 640 : index
    %swap3A_470 = tpu.vector_load %arg10[%swap3A_469] {strides = array<i32>} : memref<1024xf32, #tpu.memory_space<vmem>>, vector<16xf32>,
    tpu.vector_store %arg10[%swap3A_469], %broadcast_in_dim3A_1 {strides = array<i32>} : memref<1024xf32, #tpu.memory_space<vmem>>, vector<16xf32>,
    %swap3A_471 = arith.constant 656 : index
    %swap3A_472 = tpu.vector_load %arg10[%swap3A_471] {strides = array<i32>} : memref<1024xf32, #tpu.memory_space<vmem>>, vector<16xf32>,
    tpu.vector_store %arg10[%swap3A_471], %broadcast_in_dim3A_1 {strides = array<i32>} : memref<1024xf32, #tpu.memory_space<vmem>>, vector<16xf32>,
    %swap3A_473 = arith.constant 672 : index
    %swap3A_474 = tpu.vector_load %arg10[%swap3A_473] {strides = array<i32>} : memref<1024xf32, #tpu.memory_space<vmem>>, vector<16xf32>,
    tpu.vector_store %arg10[%swap3A_473], %broadcast_in_dim3A_1 {strides = array<i32>} : memref<1024xf32, #tpu.memory_space<vmem>>, vector<16xf32>,
    %swap3A_475 = arith.constant 688 : index
    %swap3A_476 = tpu.vector_load %arg10[%swap3A_475] {strides = array<i32>} : memref<1024xf32, #tpu.memory_space<vmem>>, vector<16xf32>,
    tpu.vector_store %arg10[%swap3A_475], %broadcast_in_dim3A_1 {strides = array<i32>} : memref<1024xf32, #tpu.memory_space<vmem>>, vector<16xf32>,
    %swap3A_477 = arith.constant 704 : index
    %swap3A_478 = tpu.vector_load %arg10[%swap3A_477] {strides = array<i32>} : memref<1024xf32, #tpu.memory_space<vmem>>, vector<16xf32>,
    tpu.vector_store %arg10[%swap3A_477], %broadcast_in_dim3A_1 {strides = array<i32>} : memref<1024xf32, #tpu.memory_space<vmem>>, vector<16xf32>,
    %swap3A_479 = arith.constant 720 : index
    %swap3A_480 = tpu.vector_load %arg10[%swap3A_479] {strides = array<i32>} : memref<1024xf32, #tpu.memory_space<vmem>>, vector<16xf32>,
    tpu.vector_store %arg10[%swap3A_479], %broadcast_in_dim3A_1 {strides = array<i32>} : memref<1024xf32, #tpu.memory_space<vmem>>, vector<16xf32>,
    %swap3A_481 = arith.constant 736 : index
    %swap3A_482 = tpu.vector_load %arg10[%swap3A_481] {strides = array<i32>} : memref<1024xf32, #tpu.memory_space<vmem>>, vector<16xf32>,
    tpu.vector_store %arg10[%swap3A_481], %broadcast_in_dim3A_1 {strides = array<i32>} : memref<1024xf32, #tpu.memory_space<vmem>>, vector<16xf32>,
    %swap3A_483 = arith.constant 752 : index
    %swap3A_484 = tpu.vector_load %arg10[%swap3A_483] {strides = array<i32>} : memref<1024xf32, #tpu.memory_space<vmem>>, vector<16xf32>,
    tpu.vector_store %arg10[%swap3A_483], %broadcast_in_dim3A_1 {strides = array<i32>} : memref<1024xf32, #tpu.memory_space<vmem>>, vector<16xf32>,
    %swap3A_485 = arith.constant 768 : index
    %swap3A_486 = tpu.vector_load %arg10[%swap3A_485] {strides = array<i32>} : memref<1024xf32, #tpu.memory_space<vmem>>, vector<16xf32>,
    tpu.vector_store %arg10[%swap3A_485], %broadcast_in_dim3A_1 {strides = array<i32>} : memref<1024xf32, #tpu.memory_space<vmem>>, vector<16xf32>,
    %swap3A_487 = arith.constant 784 : index
    %swap3A_488 = tpu.vector_load %arg10[%swap3A_487] {strides = array<i32>} : memref<1024xf32, #tpu.memory_space<vmem>>, vector<16xf32>,
    tpu.vector_store %arg10[%swap3A_487], %broadcast_in_dim3A_1 {strides = array<i32>} : memref<1024xf32, #tpu.memory_space<vmem>>, vector<16xf32>,
    %swap3A_489 = arith.constant 800 : index
    %swap3A_490 = tpu.vector_load %arg10[%swap3A_489] {strides = array<i32>} : memref<1024xf32, #tpu.memory_space<vmem>>, vector<16xf32>,
    tpu.vector_store %arg10[%swap3A_489], %broadcast_in_dim3A_1 {strides = array<i32>} : memref<1024xf32, #tpu.memory_space<vmem>>, vector<16xf32>,
    %swap3A_491 = arith.constant 816 : index
    %swap3A_492 = tpu.vector_load %arg10[%swap3A_491] {strides = array<i32>} : memref<1024xf32, #tpu.memory_space<vmem>>, vector<16xf32>,
    tpu.vector_store %arg10[%swap3A_491], %broadcast_in_dim3A_1 {strides = array<i32>} : memref<1024xf32, #tpu.memory_space<vmem>>, vector<16xf32>,
    %swap3A_493 = arith.constant 832 : index
    %swap3A_494 = tpu.vector_load %arg10[%swap3A_493] {strides = array<i32>} : memref<1024xf32, #tpu.memory_space<vmem>>, vector<16xf32>,
    tpu.vector_store %arg10[%swap3A_493], %broadcast_in_dim3A_1 {strides = array<i32>} : memref<1024xf32, #tpu.memory_space<vmem>>, vector<16xf32>,
    %swap3A_495 = arith.constant 848 : index
    %swap3A_496 = tpu.vector_load %arg10[%swap3A_495] {strides = array<i32>} : memref<1024xf32, #tpu.memory_space<vmem>>, vector<16xf32>,
    tpu.vector_store %arg10[%swap3A_495], %broadcast_in_dim3A_1 {strides = array<i32>} : memref<1024xf32, #tpu.memory_space<vmem>>, vector<16xf32>,
    %swap3A_497 = arith.constant 864 : index
    %swap3A_498 = tpu.vector_load %arg10[%swap3A_497] {strides = array<i32>} : memref<1024xf32, #tpu.memory_space<vmem>>, vector<16xf32>,
    tpu.vector_store %arg10[%swap3A_497], %broadcast_in_dim3A_1 {strides = array<i32>} : memref<1024xf32, #tpu.memory_space<vmem>>, vector<16xf32>,
    %swap3A_499 = arith.constant 880 : index
    %swap3A_500 = tpu.vector_load %arg10[%swap3A_499] {strides = array<i32>} : memref<1024xf32, #tpu.memory_space<vmem>>, vector<16xf32>,
    tpu.vector_store %arg10[%swap3A_499], %broadcast_in_dim3A_1 {strides = array<i32>} : memref<1024xf32, #tpu.memory_space<vmem>>, vector<16xf32>,
    %swap3A_501 = arith.constant 896 : index
    %swap3A_502 = tpu.vector_load %arg10[%swap3A_501] {strides = array<i32>} : memref<1024xf32, #tpu.memory_space<vmem>>, vector<16xf32>,
    tpu.vector_store %arg10[%swap3A_501], %broadcast_in_dim3A_1 {strides = array<i32>} : memref<1024xf32, #tpu.memory_space<vmem>>, vector<16xf32>,
    %swap3A_503 = arith.constant 912 : index
    %swap3A_504 = tpu.vector_load %arg10[%swap3A_503] {strides = array<i32>} : memref<1024xf32, #tpu.memory_space<vmem>>, vector<16xf32>,
    tpu.vector_store %arg10[%swap3A_503], %broadcast_in_dim3A_1 {strides = array<i32>} : memref<1024xf32, #tpu.memory_space<vmem>>, vector<16xf32>,
    %swap3A_505 = arith.constant 928 : index
    %swap3A_506 = tpu.vector_load %arg10[%swap3A_505] {strides = array<i32>} : memref<1024xf32, #tpu.memory_space<vmem>>, vector<16xf32>,
    tpu.vector_store %arg10[%swap3A_505], %broadcast_in_dim3A_1 {strides = array<i32>} : memref<1024xf32, #tpu.memory_space<vmem>>, vector<16xf32>,
    %swap3A_507 = arith.constant 944 : index
    %swap3A_508 = tpu.vector_load %arg10[%swap3A_507] {strides = array<i32>} : memref<1024xf32, #tpu.memory_space<vmem>>, vector<16xf32>,
    tpu.vector_store %arg10[%swap3A_507], %broadcast_in_dim3A_1 {strides = array<i32>} : memref<1024xf32, #tpu.memory_space<vmem>>, vector<16xf32>,
    %swap3A_509 = arith.constant 960 : index
    %swap3A_510 = tpu.vector_load %arg10[%swap3A_509] {strides = array<i32>} : memref<1024xf32, #tpu.memory_space<vmem>>, vector<16xf32>,
    tpu.vector_store %arg10[%swap3A_509], %broadcast_in_dim3A_1 {strides = array<i32>} : memref<1024xf32, #tpu.memory_space<vmem>>, vector<16xf32>,
    %swap3A_511 = arith.constant 976 : index
    %swap3A_512 = tpu.vector_load %arg10[%swap3A_511] {strides = array<i32>} : memref<1024xf32, #tpu.memory_space<vmem>>, vector<16xf32>,
    tpu.vector_store %arg10[%swap3A_511], %broadcast_in_dim3A_1 {strides = array<i32>} : memref<1024xf32, #tpu.memory_space<vmem>>, vector<16xf32>,
    %swap3A_513 = arith.constant 992 : index
    %swap3A_514 = tpu.vector_load %arg10[%swap3A_513] {strides = array<i32>} : memref<1024xf32, #tpu.memory_space<vmem>>, vector<16xf32>,
    tpu.vector_store %arg10[%swap3A_513], %broadcast_in_dim3A_1 {strides = array<i32>} : memref<1024xf32, #tpu.memory_space<vmem>>, vector<16xf32>,
    %swap3A_515 = arith.constant 1008 : index
    %swap3A_516 = tpu.vector_load %arg10[%swap3A_515] {strides = array<i32>} : memref<1024xf32, #tpu.memory_space<vmem>>, vector<16xf32>,
    tpu.vector_store %arg10[%swap3A_515], %broadcast_in_dim3A_1 {strides = array<i32>} : memref<1024xf32, #tpu.memory_space<vmem>>, vector<16xf32>,
    %swap3A_517 = arith.constant 0 : index
    %swap3A_518 = tpu.vector_load %arg11[%swap3A_517] {strides = array<i32>} : memref<128xf32, #tpu.memory_space<vmem>>, vector<16xf32>,
    tpu.vector_store %arg11[%swap3A_517], %broadcast_in_dim3A_1 {strides = array<i32>} : memref<128xf32, #tpu.memory_space<vmem>>, vector<16xf32>,
    %swap3A_519 = arith.constant 16 : index
    %swap3A_520 = tpu.vector_load %arg11[%swap3A_519] {strides = array<i32>} : memref<128xf32, #tpu.memory_space<vmem>>, vector<16xf32>,
    tpu.vector_store %arg11[%swap3A_519], %broadcast_in_dim3A_1 {strides = array<i32>} : memref<128xf32, #tpu.memory_space<vmem>>, vector<16xf32>,
    %swap3A_521 = arith.constant 32 : index
    %swap3A_522 = tpu.vector_load %arg11[%swap3A_521] {strides = array<i32>} : memref<128xf32, #tpu.memory_space<vmem>>, vector<16xf32>,
    tpu.vector_store %arg11[%swap3A_521], %broadcast_in_dim3A_1 {strides = array<i32>} : memref<128xf32, #tpu.memory_space<vmem>>, vector<16xf32>,
    %swap3A_523 = arith.constant 48 : index
    %swap3A_524 = tpu.vector_load %arg11[%swap3A_523] {strides = array<i32>} : memref<128xf32, #tpu.memory_space<vmem>>, vector<16xf32>,
    tpu.vector_store %arg11[%swap3A_523], %broadcast_in_dim3A_1 {strides = array<i32>} : memref<128xf32, #tpu.memory_space<vmem>>, vector<16xf32>,
    %swap3A_525 = arith.constant 64 : index
    %swap3A_526 = tpu.vector_load %arg11[%swap3A_525] {strides = array<i32>} : memref<128xf32, #tpu.memory_space<vmem>>, vector<16xf32>,
    tpu.vector_store %arg11[%swap3A_525], %broadcast_in_dim3A_1 {strides = array<i32>} : memref<128xf32, #tpu.memory_space<vmem>>, vector<16xf32>,
    %swap3A_527 = arith.constant 80 : index
    %swap3A_528 = tpu.vector_load %arg11[%swap3A_527] {strides = array<i32>} : memref<128xf32, #tpu.memory_space<vmem>>, vector<16xf32>,
    tpu.vector_store %arg11[%swap3A_527], %broadcast_in_dim3A_1 {strides = array<i32>} : memref<128xf32, #tpu.memory_space<vmem>>, vector<16xf32>,
    %swap3A_529 = arith.constant 96 : index
    %swap3A_530 = tpu.vector_load %arg11[%swap3A_529] {strides = array<i32>} : memref<128xf32, #tpu.memory_space<vmem>>, vector<16xf32>,
    tpu.vector_store %arg11[%swap3A_529], %broadcast_in_dim3A_1 {strides = array<i32>} : memref<128xf32, #tpu.memory_space<vmem>>, vector<16xf32>,
    %swap3A_531 = arith.constant 112 : index
    %swap3A_532 = tpu.vector_load %arg11[%swap3A_531] {strides = array<i32>} : memref<128xf32, #tpu.memory_space<vmem>>, vector<16xf32>,
    tpu.vector_store %arg11[%swap3A_531], %broadcast_in_dim3A_1 {strides = array<i32>} : memref<128xf32, #tpu.memory_space<vmem>>, vector<16xf32>,
    %mul3A_533 = arith.constant 256 : i32
    %mul3A_534 = arith.muli %add3A, %mul3A_533 : i32
    %mul3A_535 = arith.constant 64 : i32
    %mul3A_536 = vector.broadcast %mul3A_535 : i32 to vector<16xi32>
    %mul3A_537 = arith.muli %iota3A, %mul3A_536 : vector<16xi32>
    %scan3A = arith.constant 0 : i32
    %scan3A_538 = arith.constant 8 : i32
    %scan3A_539 = arith.addi %scan3A, %scan3A_538 : i32
    %scan3A_540 = arith.constant 1 : i32
    %scan3A_541 = scf.for %scan3A_1329 = %scan3A to %scan3A_539 step %scan3A_540 iter_args(%scan3A_1330 = %broadcast_in_dim3A_1) -> (vector<16xf32>)  : i32 {
      %mul3A_1331 = arith.constant 32 : i32
      %mul3A_1332 = arith.muli %scan3A_1329, %mul3A_1331 : i32
      %add3A_1333 = arith.addi %mul3A_534, %mul3A_1332 : i32
      "tpu.region"() ({
        %run_scoped3A = tpu.sem_alloc : memref<!tpu.dma_semaphore, #tpu.memory_space<semaphore_mem>>
        %dma_start3A = arith.constant 0 : i32
        %dma_start3A_1340 = arith.constant 0 : i32
        %dma_start3A_1341 = tpu.memref_slice %arg2[%dma_start3A, %add3A_1333, %dma_start3A_1340] : memref<4x8192x512xf32, #tpu.memory_space<hbm>> -> memref<4x32x512xf32, #tpu.memory_space<hbm>>
        %dma_start3A_1342 = arith.constant 0 : i32
        %dma_start3A_1343 = arith.constant 0 : i32
        %dma_start3A_1344 = tpu.memref_slice %arg2[%dma_start3A_1342, %add3A_1333, %dma_start3A_1343] : memref<4x8192x512xf32, #tpu.memory_space<hbm>> -> memref<4x32x512xf32, #tpu.memory_space<hbm>>
        tpu.enqueue_dma source(%dma_start3A_1344 : memref<4x32x512xf32, #tpu.memory_space<hbm>>) target(%arg5 : memref<4x32x512xf32, #tpu.memory_space<vmem>>) target_semaphore(%run_scoped3A : memref<!tpu.dma_semaphore, #tpu.memory_space<semaphore_mem>>)
        %dma_wait3A = arith.constant 0 : i32
        %dma_wait3A_1345 = arith.constant 0 : i32
        %dma_wait3A_1346 = tpu.memref_slice %arg2[%dma_wait3A, %add3A_1333, %dma_wait3A_1345] : memref<4x8192x512xf32, #tpu.memory_space<hbm>> -> memref<4x32x512xf32, #tpu.memory_space<hbm>>
        %dma_wait3A_1347 = arith.constant 0 : i32
        %dma_wait3A_1348 = arith.constant 0 : i32
        %dma_wait3A_1349 = tpu.memref_slice %arg2[%dma_wait3A_1347, %add3A_1333, %dma_wait3A_1348] : memref<4x8192x512xf32, #tpu.memory_space<hbm>> -> memref<4x32x512xf32, #tpu.memory_space<hbm>>
        tpu.wait_dma2 semaphore(%run_scoped3A : memref<!tpu.dma_semaphore, #tpu.memory_space<semaphore_mem>>) src(%dma_wait3A_1349 : memref<4x32x512xf32, #tpu.memory_space<hbm>>) dst(%arg5 : memref<4x32x512xf32, #tpu.memory_space<vmem>>)
        tpu.yield
      }) : () -> ()
      "tpu.region"() ({
        %run_scoped3A = tpu.sem_alloc : memref<!tpu.dma_semaphore, #tpu.memory_space<semaphore_mem>>
        %dma_start3A = arith.constant 0 : i32
        %dma_start3A_1340 = tpu.memref_slice %arg3[%add3A_1333, %dma_start3A] : memref<8192x4xf32, #tpu.memory_space<hbm>> -> memref<32x4xf32, #tpu.memory_space<hbm>>
        %dma_start3A_1341 = arith.constant 0 : i32
        %dma_start3A_1342 = tpu.memref_slice %arg3[%add3A_1333, %dma_start3A_1341] : memref<8192x4xf32, #tpu.memory_space<hbm>> -> memref<32x4xf32, #tpu.memory_space<hbm>>
        tpu.enqueue_dma source(%dma_start3A_1342 : memref<32x4xf32, #tpu.memory_space<hbm>>) target(%arg6 : memref<32x4xf32, #tpu.memory_space<vmem>>) target_semaphore(%run_scoped3A : memref<!tpu.dma_semaphore, #tpu.memory_space<semaphore_mem>>)
        %dma_wait3A = arith.constant 0 : i32
        %dma_wait3A_1343 = tpu.memref_slice %arg3[%add3A_1333, %dma_wait3A] : memref<8192x4xf32, #tpu.memory_space<hbm>> -> memref<32x4xf32, #tpu.memory_space<hbm>>
        %dma_wait3A_1344 = arith.constant 0 : i32
        %dma_wait3A_1345 = tpu.memref_slice %arg3[%add3A_1333, %dma_wait3A_1344] : memref<8192x4xf32, #tpu.memory_space<hbm>> -> memref<32x4xf32, #tpu.memory_space<hbm>>
        tpu.wait_dma2 semaphore(%run_scoped3A : memref<!tpu.dma_semaphore, #tpu.memory_space<semaphore_mem>>) src(%dma_wait3A_1345 : memref<32x4xf32, #tpu.memory_space<hbm>>) dst(%arg6 : memref<32x4xf32, #tpu.memory_space<vmem>>)
        tpu.yield
      }) : () -> ()
      %scan3A_1334 = arith.constant 0 : i32
      %scan3A_1335 = arith.constant 32 : i32
      %scan3A_1336 = arith.addi %scan3A_1334, %scan3A_1335 : i32
      %scan3A_1337 = arith.constant 1 : i32
      %scan3A_1338 = scf.for %scan3A_1340 = %scan3A_1334 to %scan3A_1336 step %scan3A_1337 iter_args(%scan3A_1341 = %scan3A_1330) -> (vector<16xf32>)  : i32 {
        %add3A_1342 = vector.broadcast %scan3A_1340 : i32 to vector<16xi32>
        %add3A_1343 = arith.addi %broadcast_in_dim3A_5, %add3A_1342 : vector<16xi32>
        %gather3A = tpu.vector_load_idx %arg6[%add3A_1343, %broadcast_in_dim3A_5] : memref<32x4xf32, #tpu.memory_space<vmem>>[vector<16xi32>, vector<16xi32>], vector<16xf32>,
        %add3A_1344 = arith.constant 1 : i32
        %add3A_1345 = vector.broadcast %add3A_1344 : i32 to vector<16xi32>
        %add3A_1346 = arith.addi %broadcast_in_dim3A_5, %add3A_1345 : vector<16xi32>
        %gather3A_1347 = tpu.vector_load_idx %arg6[%add3A_1343, %add3A_1346] : memref<32x4xf32, #tpu.memory_space<vmem>>[vector<16xi32>, vector<16xi32>], vector<16xf32>,
        %add3A_1348 = arith.constant 2 : i32
        %add3A_1349 = vector.broadcast %add3A_1348 : i32 to vector<16xi32>
        %add3A_1350 = arith.addi %broadcast_in_dim3A_5, %add3A_1349 : vector<16xi32>
        %gather3A_1351 = tpu.vector_load_idx %arg6[%add3A_1343, %add3A_1350] : memref<32x4xf32, #tpu.memory_space<vmem>>[vector<16xi32>, vector<16xi32>], vector<16xf32>,
        %add3A_1352 = arith.constant 3 : i32
        %add3A_1353 = vector.broadcast %add3A_1352 : i32 to vector<16xi32>
        %add3A_1354 = arith.addi %broadcast_in_dim3A_5, %add3A_1353 : vector<16xi32>
        %gather3A_1355 = tpu.vector_load_idx %arg6[%add3A_1343, %add3A_1354] : memref<32x4xf32, #tpu.memory_space<vmem>>[vector<16xi32>, vector<16xi32>], vector<16xf32>,
        %get3A_1356 = arith.constant 0 : i32
        %get3A_1357 = arith.index_cast %get3A_1356 : i32 to index
        %get3A_1358 = arith.index_cast %scan3A_1340 : i32 to index
        %get3A_1359 = arith.constant 0 : index
        %get3A_1360 = tpu.vector_load %arg5[%get3A_1357, %get3A_1358, %get3A_1359] {strides = array<i32>} : memref<4x32x512xf32, #tpu.memory_space<vmem>>, vector<16xf32>,
        %get3A_1361 = arith.constant 1 : i32
        %get3A_1362 = arith.index_cast %get3A_1361 : i32 to index
        %get3A_1363 = arith.index_cast %scan3A_1340 : i32 to index
        %get3A_1364 = arith.constant 0 : index
        %get3A_1365 = tpu.vector_load %arg5[%get3A_1362, %get3A_1363, %get3A_1364] {strides = array<i32>} : memref<4x32x512xf32, #tpu.memory_space<vmem>>, vector<16xf32>,
        %get3A_1366 = arith.constant 2 : i32
        %get3A_1367 = arith.index_cast %get3A_1366 : i32 to index
        %get3A_1368 = arith.index_cast %scan3A_1340 : i32 to index
        %get3A_1369 = arith.constant 0 : index
        %get3A_1370 = tpu.vector_load %arg5[%get3A_1367, %get3A_1368, %get3A_1369] {strides = array<i32>} : memref<4x32x512xf32, #tpu.memory_space<vmem>>, vector<16xf32>,
        %get3A_1371 = arith.constant 3 : i32
        %get3A_1372 = arith.index_cast %get3A_1371 : i32 to index
        %get3A_1373 = arith.index_cast %scan3A_1340 : i32 to index
        %get3A_1374 = arith.constant 0 : index
        %get3A_1375 = tpu.vector_load %arg5[%get3A_1372, %get3A_1373, %get3A_1374] {strides = array<i32>} : memref<4x32x512xf32, #tpu.memory_space<vmem>>, vector<16xf32>,
        %max3A = arith.maximumf %get3A_1360, %gather3A : vector<16xf32>
        %max3A_1376 = arith.maximumf %get3A_1365, %gather3A_1347 : vector<16xf32>
        %min3A = arith.minimumf %get3A_1370, %gather3A_1351 : vector<16xf32>
        %min3A_1377 = arith.minimumf %get3A_1375, %gather3A_1355 : vector<16xf32>
        %sub3A = arith.subf %min3A, %max3A : vector<16xf32>
        %max3A_1378 = arith.constant 0.000000e+00 : f32
        %max3A_1379 = vector.broadcast %max3A_1378 : f32 to vector<16xf32>
        %max3A_1380 = arith.maximumf %sub3A, %max3A_1379 : vector<16xf32>
        %sub3A_1381 = arith.subf %min3A_1377, %max3A_1376 : vector<16xf32>
        %max3A_1382 = arith.constant 0.000000e+00 : f32
        %max3A_1383 = vector.broadcast %max3A_1382 : f32 to vector<16xf32>
        %max3A_1384 = arith.maximumf %sub3A_1381, %max3A_1383 : vector<16xf32>
        %mul3A_1385 = arith.mulf %max3A_1380, %max3A_1384 : vector<16xf32>
        %sub3A_1386 = arith.subf %get3A_1370, %get3A_1360 : vector<16xf32>
        %sub3A_1387 = arith.subf %get3A_1375, %get3A_1365 : vector<16xf32>
        %mul3A_1388 = arith.mulf %sub3A_1386, %sub3A_1387 : vector<16xf32>
        %sub3A_1389 = arith.subf %gather3A_1351, %gather3A : vector<16xf32>
        %sub3A_1390 = arith.subf %gather3A_1355, %gather3A_1347 : vector<16xf32>
        %mul3A_1391 = arith.mulf %sub3A_1389, %sub3A_1390 : vector<16xf32>
        %add3A_1392 = arith.addf %mul3A_1388, %mul3A_1391 : vector<16xf32>
        %sub3A_1393 = arith.subf %add3A_1392, %mul3A_1385 : vector<16xf32>
        %max3A_1394 = arith.constant 9.99999997E-7 : f32
        %max3A_1395 = vector.broadcast %max3A_1394 : f32 to vector<16xf32>
        %max3A_1396 = arith.maximumf %sub3A_1393, %max3A_1395 : vector<16xf32>
        %div3A = arith.divf %mul3A_1385, %max3A_1396 : vector<16xf32>
        %mul3A_1397 = arith.constant 5.000000e+01 : f32
        %mul3A_1398 = vector.broadcast %mul3A_1397 : f32 to vector<16xf32>
        %mul3A_1399 = arith.mulf %div3A, %mul3A_1398 : vector<16xf32>
        %convert_element_type3A_1400 = arith.fptosi %mul3A_1399 : vector<16xf32> to vector<16xi32>
        %min3A_1401 = arith.constant 49 : i32
        %min3A_1402 = vector.broadcast %min3A_1401 : i32 to vector<16xi32>
        %min3A_1403 = arith.minsi %convert_element_type3A_1400, %min3A_1402 : vector<16xi32>
        %ge3A = arith.constant 1 : i32
        %ge3A_1404 = vector.broadcast %ge3A : i32 to vector<16xi32>
        %ge3A_1405 = arith.cmpi sge, %min3A_1403, %ge3A_1404 : vector<16xi32>
        %jit3A_1406 = arith.constant 0.000000e+00 : f32
        %jit3A_1407 = arith.constant 1.000000e+00 : f32
        %broadcast_in_dim3A_1408 = vector.broadcast %jit3A_1406 : f32 to vector<16xf32>
        %broadcast_in_dim3A_1409 = vector.broadcast %jit3A_1407 : f32 to vector<16xf32>
        %select_n3A_1410 = arith.select %ge3A_1405, %broadcast_in_dim3A_1408, %broadcast_in_dim3A_1409 : vector<16xi1>, vector<16xf32>
        %add3A_1411 = arith.addf %scan3A_1341, %select_n3A_1410 : vector<16xf32>
        %add3A_1412 = arith.addi %mul3A_537, %min3A_1403 : vector<16xi32>
        tpu.vector_store_idx %arg7[%add3A_1412], %broadcast_in_dim3A_3 masked %ge3A_1405 {add = true} : memref<1024xf32, #tpu.memory_space<vmem>>[vector<16xi32>], vector<16xf32>, vector<16xi1>
        %get3A_1413 = arith.constant 0 : i32
        %get3A_1414 = arith.index_cast %get3A_1413 : i32 to index
        %get3A_1415 = arith.index_cast %scan3A_1340 : i32 to index
        %get3A_1416 = arith.constant 16 : index
        %get3A_1417 = tpu.vector_load %arg5[%get3A_1414, %get3A_1415, %get3A_1416] {strides = array<i32>} : memref<4x32x512xf32, #tpu.memory_space<vmem>>, vector<16xf32>,
        %get3A_1418 = arith.constant 1 : i32
        %get3A_1419 = arith.index_cast %get3A_1418 : i32 to index
        %get3A_1420 = arith.index_cast %scan3A_1340 : i32 to index
        %get3A_1421 = arith.constant 16 : index
        %get3A_1422 = tpu.vector_load %arg5[%get3A_1419, %get3A_1420, %get3A_1421] {strides = array<i32>} : memref<4x32x512xf32, #tpu.memory_space<vmem>>, vector<16xf32>,
        %get3A_1423 = arith.constant 2 : i32
        %get3A_1424 = arith.index_cast %get3A_1423 : i32 to index
        %get3A_1425 = arith.index_cast %scan3A_1340 : i32 to index
        %get3A_1426 = arith.constant 16 : index
        %get3A_1427 = tpu.vector_load %arg5[%get3A_1424, %get3A_1425, %get3A_1426] {strides = array<i32>} : memref<4x32x512xf32, #tpu.memory_space<vmem>>, vector<16xf32>,
        %get3A_1428 = arith.constant 3 : i32
        %get3A_1429 = arith.index_cast %get3A_1428 : i32 to index
        %get3A_1430 = arith.index_cast %scan3A_1340 : i32 to index
        %get3A_1431 = arith.constant 16 : index
        %get3A_1432 = tpu.vector_load %arg5[%get3A_1429, %get3A_1430, %get3A_1431] {strides = array<i32>} : memref<4x32x512xf32, #tpu.memory_space<vmem>>, vector<16xf32>,
        %max3A_1433 = arith.maximumf %get3A_1417, %gather3A : vector<16xf32>
        %max3A_1434 = arith.maximumf %get3A_1422, %gather3A_1347 : vector<16xf32>
        %min3A_1435 = arith.minimumf %get3A_1427, %gather3A_1351 : vector<16xf32>
        %min3A_1436 = arith.minimumf %get3A_1432, %gather3A_1355 : vector<16xf32>
        %sub3A_1437 = arith.subf %min3A_1435, %max3A_1433 : vector<16xf32>
        %max3A_1438 = arith.constant 0.000000e+00 : f32
        %max3A_1439 = vector.broadcast %max3A_1438 : f32 to vector<16xf32>
        %max3A_1440 = arith.maximumf %sub3A_1437, %max3A_1439 : vector<16xf32>
        %sub3A_1441 = arith.subf %min3A_1436, %max3A_1434 : vector<16xf32>
        %max3A_1442 = arith.constant 0.000000e+00 : f32
        %max3A_1443 = vector.broadcast %max3A_1442 : f32 to vector<16xf32>
        %max3A_1444 = arith.maximumf %sub3A_1441, %max3A_1443 : vector<16xf32>
        %mul3A_1445 = arith.mulf %max3A_1440, %max3A_1444 : vector<16xf32>
        %sub3A_1446 = arith.subf %get3A_1427, %get3A_1417 : vector<16xf32>
        %sub3A_1447 = arith.subf %get3A_1432, %get3A_1422 : vector<16xf32>
        %mul3A_1448 = arith.mulf %sub3A_1446, %sub3A_1447 : vector<16xf32>
        %sub3A_1449 = arith.subf %gather3A_1351, %gather3A : vector<16xf32>
        %sub3A_1450 = arith.subf %gather3A_1355, %gather3A_1347 : vector<16xf32>
        %mul3A_1451 = arith.mulf %sub3A_1449, %sub3A_1450 : vector<16xf32>
        %add3A_1452 = arith.addf %mul3A_1448, %mul3A_1451 : vector<16xf32>
        %sub3A_1453 = arith.subf %add3A_1452, %mul3A_1445 : vector<16xf32>
        %max3A_1454 = arith.constant 9.99999997E-7 : f32
        %max3A_1455 = vector.broadcast %max3A_1454 : f32 to vector<16xf32>
        %max3A_1456 = arith.maximumf %sub3A_1453, %max3A_1455 : vector<16xf32>
        %div3A_1457 = arith.divf %mul3A_1445, %max3A_1456 : vector<16xf32>
        %mul3A_1458 = arith.constant 5.000000e+01 : f32
        %mul3A_1459 = vector.broadcast %mul3A_1458 : f32 to vector<16xf32>
        %mul3A_1460 = arith.mulf %div3A_1457, %mul3A_1459 : vector<16xf32>
        %convert_element_type3A_1461 = arith.fptosi %mul3A_1460 : vector<16xf32> to vector<16xi32>
        %min3A_1462 = arith.constant 49 : i32
        %min3A_1463 = vector.broadcast %min3A_1462 : i32 to vector<16xi32>
        %min3A_1464 = arith.minsi %convert_element_type3A_1461, %min3A_1463 : vector<16xi32>
        %ge3A_1465 = arith.constant 1 : i32
        %ge3A_1466 = vector.broadcast %ge3A_1465 : i32 to vector<16xi32>
        %ge3A_1467 = arith.cmpi sge, %min3A_1464, %ge3A_1466 : vector<16xi32>
        %jit3A_1468 = arith.constant 0.000000e+00 : f32
        %jit3A_1469 = arith.constant 1.000000e+00 : f32
        %broadcast_in_dim3A_1470 = vector.broadcast %jit3A_1468 : f32 to vector<16xf32>
        %broadcast_in_dim3A_1471 = vector.broadcast %jit3A_1469 : f32 to vector<16xf32>
        %select_n3A_1472 = arith.select %ge3A_1467, %broadcast_in_dim3A_1470, %broadcast_in_dim3A_1471 : vector<16xi1>, vector<16xf32>
        %add3A_1473 = arith.addf %add3A_1411, %select_n3A_1472 : vector<16xf32>
        %add3A_1474 = arith.addi %mul3A_537, %min3A_1464 : vector<16xi32>
        tpu.vector_store_idx %arg8[%add3A_1474], %broadcast_in_dim3A_3 masked %ge3A_1467 {add = true} : memref<1024xf32, #tpu.memory_space<vmem>>[vector<16xi32>], vector<16xf32>, vector<16xi1>
        %get3A_1475 = arith.constant 0 : i32
        %get3A_1476 = arith.index_cast %get3A_1475 : i32 to index
        %get3A_1477 = arith.index_cast %scan3A_1340 : i32 to index
        %get3A_1478 = arith.constant 32 : index
        %get3A_1479 = tpu.vector_load %arg5[%get3A_1476, %get3A_1477, %get3A_1478] {strides = array<i32>} : memref<4x32x512xf32, #tpu.memory_space<vmem>>, vector<16xf32>,
        %get3A_1480 = arith.constant 1 : i32
        %get3A_1481 = arith.index_cast %get3A_1480 : i32 to index
        %get3A_1482 = arith.index_cast %scan3A_1340 : i32 to index
        %get3A_1483 = arith.constant 32 : index
        %get3A_1484 = tpu.vector_load %arg5[%get3A_1481, %get3A_1482, %get3A_1483] {strides = array<i32>} : memref<4x32x512xf32, #tpu.memory_space<vmem>>, vector<16xf32>,
        %get3A_1485 = arith.constant 2 : i32
        %get3A_1486 = arith.index_cast %get3A_1485 : i32 to index
        %get3A_1487 = arith.index_cast %scan3A_1340 : i32 to index
        %get3A_1488 = arith.constant 32 : index
        %get3A_1489 = tpu.vector_load %arg5[%get3A_1486, %get3A_1487, %get3A_1488] {strides = array<i32>} : memref<4x32x512xf32, #tpu.memory_space<vmem>>, vector<16xf32>,
        %get3A_1490 = arith.constant 3 : i32
        %get3A_1491 = arith.index_cast %get3A_1490 : i32 to index
        %get3A_1492 = arith.index_cast %scan3A_1340 : i32 to index
        %get3A_1493 = arith.constant 32 : index
        %get3A_1494 = tpu.vector_load %arg5[%get3A_1491, %get3A_1492, %get3A_1493] {strides = array<i32>} : memref<4x32x512xf32, #tpu.memory_space<vmem>>, vector<16xf32>,
        %max3A_1495 = arith.maximumf %get3A_1479, %gather3A : vector<16xf32>
        %max3A_1496 = arith.maximumf %get3A_1484, %gather3A_1347 : vector<16xf32>
        %min3A_1497 = arith.minimumf %get3A_1489, %gather3A_1351 : vector<16xf32>
        %min3A_1498 = arith.minimumf %get3A_1494, %gather3A_1355 : vector<16xf32>
        %sub3A_1499 = arith.subf %min3A_1497, %max3A_1495 : vector<16xf32>
        %max3A_1500 = arith.constant 0.000000e+00 : f32
        %max3A_1501 = vector.broadcast %max3A_1500 : f32 to vector<16xf32>
        %max3A_1502 = arith.maximumf %sub3A_1499, %max3A_1501 : vector<16xf32>
        %sub3A_1503 = arith.subf %min3A_1498, %max3A_1496 : vector<16xf32>
        %max3A_1504 = arith.constant 0.000000e+00 : f32
        %max3A_1505 = vector.broadcast %max3A_1504 : f32 to vector<16xf32>
        %max3A_1506 = arith.maximumf %sub3A_1503, %max3A_1505 : vector<16xf32>
        %mul3A_1507 = arith.mulf %max3A_1502, %max3A_1506 : vector<16xf32>
        %sub3A_1508 = arith.subf %get3A_1489, %get3A_1479 : vector<16xf32>
        %sub3A_1509 = arith.subf %get3A_1494, %get3A_1484 : vector<16xf32>
        %mul3A_1510 = arith.mulf %sub3A_1508, %sub3A_1509 : vector<16xf32>
        %sub3A_1511 = arith.subf %gather3A_1351, %gather3A : vector<16xf32>
        %sub3A_1512 = arith.subf %gather3A_1355, %gather3A_1347 : vector<16xf32>
        %mul3A_1513 = arith.mulf %sub3A_1511, %sub3A_1512 : vector<16xf32>
        %add3A_1514 = arith.addf %mul3A_1510, %mul3A_1513 : vector<16xf32>
        %sub3A_1515 = arith.subf %add3A_1514, %mul3A_1507 : vector<16xf32>
        %max3A_1516 = arith.constant 9.99999997E-7 : f32
        %max3A_1517 = vector.broadcast %max3A_1516 : f32 to vector<16xf32>
        %max3A_1518 = arith.maximumf %sub3A_1515, %max3A_1517 : vector<16xf32>
        %div3A_1519 = arith.divf %mul3A_1507, %max3A_1518 : vector<16xf32>
        %mul3A_1520 = arith.constant 5.000000e+01 : f32
        %mul3A_1521 = vector.broadcast %mul3A_1520 : f32 to vector<16xf32>
        %mul3A_1522 = arith.mulf %div3A_1519, %mul3A_1521 : vector<16xf32>
        %convert_element_type3A_1523 = arith.fptosi %mul3A_1522 : vector<16xf32> to vector<16xi32>
        %min3A_1524 = arith.constant 49 : i32
        %min3A_1525 = vector.broadcast %min3A_1524 : i32 to vector<16xi32>
        %min3A_1526 = arith.minsi %convert_element_type3A_1523, %min3A_1525 : vector<16xi32>
        %ge3A_1527 = arith.constant 1 : i32
        %ge3A_1528 = vector.broadcast %ge3A_1527 : i32 to vector<16xi32>
        %ge3A_1529 = arith.cmpi sge, %min3A_1526, %ge3A_1528 : vector<16xi32>
        %jit3A_1530 = arith.constant 0.000000e+00 : f32
        %jit3A_1531 = arith.constant 1.000000e+00 : f32
        %broadcast_in_dim3A_1532 = vector.broadcast %jit3A_1530 : f32 to vector<16xf32>
        %broadcast_in_dim3A_1533 = vector.broadcast %jit3A_1531 : f32 to vector<16xf32>
        %select_n3A_1534 = arith.select %ge3A_1529, %broadcast_in_dim3A_1532, %broadcast_in_dim3A_1533 : vector<16xi1>, vector<16xf32>
        %add3A_1535 = arith.addf %add3A_1473, %select_n3A_1534 : vector<16xf32>
        %add3A_1536 = arith.addi %mul3A_537, %min3A_1526 : vector<16xi32>
        tpu.vector_store_idx %arg9[%add3A_1536], %broadcast_in_dim3A_3 masked %ge3A_1529 {add = true} : memref<1024xf32, #tpu.memory_space<vmem>>[vector<16xi32>], vector<16xf32>, vector<16xi1>
        %get3A_1537 = arith.constant 0 : i32
        %get3A_1538 = arith.index_cast %get3A_1537 : i32 to index
        %get3A_1539 = arith.index_cast %scan3A_1340 : i32 to index
        %get3A_1540 = arith.constant 48 : index
        %get3A_1541 = tpu.vector_load %arg5[%get3A_1538, %get3A_1539, %get3A_1540] {strides = array<i32>} : memref<4x32x512xf32, #tpu.memory_space<vmem>>, vector<16xf32>,
        %get3A_1542 = arith.constant 1 : i32
        %get3A_1543 = arith.index_cast %get3A_1542 : i32 to index
        %get3A_1544 = arith.index_cast %scan3A_1340 : i32 to index
        %get3A_1545 = arith.constant 48 : index
        %get3A_1546 = tpu.vector_load %arg5[%get3A_1543, %get3A_1544, %get3A_1545] {strides = array<i32>} : memref<4x32x512xf32, #tpu.memory_space<vmem>>, vector<16xf32>,
        %get3A_1547 = arith.constant 2 : i32
        %get3A_1548 = arith.index_cast %get3A_1547 : i32 to index
        %get3A_1549 = arith.index_cast %scan3A_1340 : i32 to index
        %get3A_1550 = arith.constant 48 : index
        %get3A_1551 = tpu.vector_load %arg5[%get3A_1548, %get3A_1549, %get3A_1550] {strides = array<i32>} : memref<4x32x512xf32, #tpu.memory_space<vmem>>, vector<16xf32>,
        %get3A_1552 = arith.constant 3 : i32
        %get3A_1553 = arith.index_cast %get3A_1552 : i32 to index
        %get3A_1554 = arith.index_cast %scan3A_1340 : i32 to index
        %get3A_1555 = arith.constant 48 : index
        %get3A_1556 = tpu.vector_load %arg5[%get3A_1553, %get3A_1554, %get3A_1555] {strides = array<i32>} : memref<4x32x512xf32, #tpu.memory_space<vmem>>, vector<16xf32>,
        %max3A_1557 = arith.maximumf %get3A_1541, %gather3A : vector<16xf32>
        %max3A_1558 = arith.maximumf %get3A_1546, %gather3A_1347 : vector<16xf32>
        %min3A_1559 = arith.minimumf %get3A_1551, %gather3A_1351 : vector<16xf32>
        %min3A_1560 = arith.minimumf %get3A_1556, %gather3A_1355 : vector<16xf32>
        %sub3A_1561 = arith.subf %min3A_1559, %max3A_1557 : vector<16xf32>
        %max3A_1562 = arith.constant 0.000000e+00 : f32
        %max3A_1563 = vector.broadcast %max3A_1562 : f32 to vector<16xf32>
        %max3A_1564 = arith.maximumf %sub3A_1561, %max3A_1563 : vector<16xf32>
        %sub3A_1565 = arith.subf %min3A_1560, %max3A_1558 : vector<16xf32>
        %max3A_1566 = arith.constant 0.000000e+00 : f32
        %max3A_1567 = vector.broadcast %max3A_1566 : f32 to vector<16xf32>
        %max3A_1568 = arith.maximumf %sub3A_1565, %max3A_1567 : vector<16xf32>
        %mul3A_1569 = arith.mulf %max3A_1564, %max3A_1568 : vector<16xf32>
        %sub3A_1570 = arith.subf %get3A_1551, %get3A_1541 : vector<16xf32>
        %sub3A_1571 = arith.subf %get3A_1556, %get3A_1546 : vector<16xf32>
        %mul3A_1572 = arith.mulf %sub3A_1570, %sub3A_1571 : vector<16xf32>
        %sub3A_1573 = arith.subf %gather3A_1351, %gather3A : vector<16xf32>
        %sub3A_1574 = arith.subf %gather3A_1355, %gather3A_1347 : vector<16xf32>
        %mul3A_1575 = arith.mulf %sub3A_1573, %sub3A_1574 : vector<16xf32>
        %add3A_1576 = arith.addf %mul3A_1572, %mul3A_1575 : vector<16xf32>
        %sub3A_1577 = arith.subf %add3A_1576, %mul3A_1569 : vector<16xf32>
        %max3A_1578 = arith.constant 9.99999997E-7 : f32
        %max3A_1579 = vector.broadcast %max3A_1578 : f32 to vector<16xf32>
        %max3A_1580 = arith.maximumf %sub3A_1577, %max3A_1579 : vector<16xf32>
        %div3A_1581 = arith.divf %mul3A_1569, %max3A_1580 : vector<16xf32>
        %mul3A_1582 = arith.constant 5.000000e+01 : f32
        %mul3A_1583 = vector.broadcast %mul3A_1582 : f32 to vector<16xf32>
        %mul3A_1584 = arith.mulf %div3A_1581, %mul3A_1583 : vector<16xf32>
        %convert_element_type3A_1585 = arith.fptosi %mul3A_1584 : vector<16xf32> to vector<16xi32>
        %min3A_1586 = arith.constant 49 : i32
        %min3A_1587 = vector.broadcast %min3A_1586 : i32 to vector<16xi32>
        %min3A_1588 = arith.minsi %convert_element_type3A_1585, %min3A_1587 : vector<16xi32>
        %ge3A_1589 = arith.constant 1 : i32
        %ge3A_1590 = vector.broadcast %ge3A_1589 : i32 to vector<16xi32>
        %ge3A_1591 = arith.cmpi sge, %min3A_1588, %ge3A_1590 : vector<16xi32>
        %jit3A_1592 = arith.constant 0.000000e+00 : f32
        %jit3A_1593 = arith.constant 1.000000e+00 : f32
        %broadcast_in_dim3A_1594 = vector.broadcast %jit3A_1592 : f32 to vector<16xf32>
        %broadcast_in_dim3A_1595 = vector.broadcast %jit3A_1593 : f32 to vector<16xf32>
        %select_n3A_1596 = arith.select %ge3A_1591, %broadcast_in_dim3A_1594, %broadcast_in_dim3A_1595 : vector<16xi1>, vector<16xf32>
        %add3A_1597 = arith.addf %add3A_1535, %select_n3A_1596 : vector<16xf32>
        %add3A_1598 = arith.addi %mul3A_537, %min3A_1588 : vector<16xi32>
        tpu.vector_store_idx %arg10[%add3A_1598], %broadcast_in_dim3A_3 masked %ge3A_1591 {add = true} : memref<1024xf32, #tpu.memory_space<vmem>>[vector<16xi32>], vector<16xf32>, vector<16xi1>
        %get3A_1599 = arith.constant 0 : i32
        %get3A_1600 = arith.index_cast %get3A_1599 : i32 to index
        %get3A_1601 = arith.index_cast %scan3A_1340 : i32 to index
        %get3A_1602 = arith.constant 64 : index
        %get3A_1603 = tpu.vector_load %arg5[%get3A_1600, %get3A_1601, %get3A_1602] {strides = array<i32>} : memref<4x32x512xf32, #tpu.memory_space<vmem>>, vector<16xf32>,
        %get3A_1604 = arith.constant 1 : i32
        %get3A_1605 = arith.index_cast %get3A_1604 : i32 to index
        %get3A_1606 = arith.index_cast %scan3A_1340 : i32 to index
        %get3A_1607 = arith.constant 64 : index
        %get3A_1608 = tpu.vector_load %arg5[%get3A_1605, %get3A_1606, %get3A_1607] {strides = array<i32>} : memref<4x32x512xf32, #tpu.memory_space<vmem>>, vector<16xf32>,
        %get3A_1609 = arith.constant 2 : i32
        %get3A_1610 = arith.index_cast %get3A_1609 : i32 to index
        %get3A_1611 = arith.index_cast %scan3A_1340 : i32 to index
        %get3A_1612 = arith.constant 64 : index
        %get3A_1613 = tpu.vector_load %arg5[%get3A_1610, %get3A_1611, %get3A_1612] {strides = array<i32>} : memref<4x32x512xf32, #tpu.memory_space<vmem>>, vector<16xf32>,
        %get3A_1614 = arith.constant 3 : i32
        %get3A_1615 = arith.index_cast %get3A_1614 : i32 to index
        %get3A_1616 = arith.index_cast %scan3A_1340 : i32 to index
        %get3A_1617 = arith.constant 64 : index
        %get3A_1618 = tpu.vector_load %arg5[%get3A_1615, %get3A_1616, %get3A_1617] {strides = array<i32>} : memref<4x32x512xf32, #tpu.memory_space<vmem>>, vector<16xf32>,
        %max3A_1619 = arith.maximumf %get3A_1603, %gather3A : vector<16xf32>
        %max3A_1620 = arith.maximumf %get3A_1608, %gather3A_1347 : vector<16xf32>
        %min3A_1621 = arith.minimumf %get3A_1613, %gather3A_1351 : vector<16xf32>
        %min3A_1622 = arith.minimumf %get3A_1618, %gather3A_1355 : vector<16xf32>
        %sub3A_1623 = arith.subf %min3A_1621, %max3A_1619 : vector<16xf32>
        %max3A_1624 = arith.constant 0.000000e+00 : f32
        %max3A_1625 = vector.broadcast %max3A_1624 : f32 to vector<16xf32>
        %max3A_1626 = arith.maximumf %sub3A_1623, %max3A_1625 : vector<16xf32>
        %sub3A_1627 = arith.subf %min3A_1622, %max3A_1620 : vector<16xf32>
        %max3A_1628 = arith.constant 0.000000e+00 : f32
        %max3A_1629 = vector.broadcast %max3A_1628 : f32 to vector<16xf32>
        %max3A_1630 = arith.maximumf %sub3A_1627, %max3A_1629 : vector<16xf32>
        %mul3A_1631 = arith.mulf %max3A_1626, %max3A_1630 : vector<16xf32>
        %sub3A_1632 = arith.subf %get3A_1613, %get3A_1603 : vector<16xf32>
        %sub3A_1633 = arith.subf %get3A_1618, %get3A_1608 : vector<16xf32>
        %mul3A_1634 = arith.mulf %sub3A_1632, %sub3A_1633 : vector<16xf32>
        %sub3A_1635 = arith.subf %gather3A_1351, %gather3A : vector<16xf32>
        %sub3A_1636 = arith.subf %gather3A_1355, %gather3A_1347 : vector<16xf32>
        %mul3A_1637 = arith.mulf %sub3A_1635, %sub3A_1636 : vector<16xf32>
        %add3A_1638 = arith.addf %mul3A_1634, %mul3A_1637 : vector<16xf32>
        %sub3A_1639 = arith.subf %add3A_1638, %mul3A_1631 : vector<16xf32>
        %max3A_1640 = arith.constant 9.99999997E-7 : f32
        %max3A_1641 = vector.broadcast %max3A_1640 : f32 to vector<16xf32>
        %max3A_1642 = arith.maximumf %sub3A_1639, %max3A_1641 : vector<16xf32>
        %div3A_1643 = arith.divf %mul3A_1631, %max3A_1642 : vector<16xf32>
        %mul3A_1644 = arith.constant 5.000000e+01 : f32
        %mul3A_1645 = vector.broadcast %mul3A_1644 : f32 to vector<16xf32>
        %mul3A_1646 = arith.mulf %div3A_1643, %mul3A_1645 : vector<16xf32>
        %convert_element_type3A_1647 = arith.fptosi %mul3A_1646 : vector<16xf32> to vector<16xi32>
        %min3A_1648 = arith.constant 49 : i32
        %min3A_1649 = vector.broadcast %min3A_1648 : i32 to vector<16xi32>
        %min3A_1650 = arith.minsi %convert_element_type3A_1647, %min3A_1649 : vector<16xi32>
        %ge3A_1651 = arith.constant 1 : i32
        %ge3A_1652 = vector.broadcast %ge3A_1651 : i32 to vector<16xi32>
        %ge3A_1653 = arith.cmpi sge, %min3A_1650, %ge3A_1652 : vector<16xi32>
        %jit3A_1654 = arith.constant 0.000000e+00 : f32
        %jit3A_1655 = arith.constant 1.000000e+00 : f32
        %broadcast_in_dim3A_1656 = vector.broadcast %jit3A_1654 : f32 to vector<16xf32>
        %broadcast_in_dim3A_1657 = vector.broadcast %jit3A_1655 : f32 to vector<16xf32>
        %select_n3A_1658 = arith.select %ge3A_1653, %broadcast_in_dim3A_1656, %broadcast_in_dim3A_1657 : vector<16xi1>, vector<16xf32>
        %add3A_1659 = arith.addf %add3A_1597, %select_n3A_1658 : vector<16xf32>
        %add3A_1660 = arith.addi %mul3A_537, %min3A_1650 : vector<16xi32>
        tpu.vector_store_idx %arg7[%add3A_1660], %broadcast_in_dim3A_3 masked %ge3A_1653 {add = true} : memref<1024xf32, #tpu.memory_space<vmem>>[vector<16xi32>], vector<16xf32>, vector<16xi1>
        %get3A_1661 = arith.constant 0 : i32
        %get3A_1662 = arith.index_cast %get3A_1661 : i32 to index
        %get3A_1663 = arith.index_cast %scan3A_1340 : i32 to index
        %get3A_1664 = arith.constant 80 : index
        %get3A_1665 = tpu.vector_load %arg5[%get3A_1662, %get3A_1663, %get3A_1664] {strides = array<i32>} : memref<4x32x512xf32, #tpu.memory_space<vmem>>, vector<16xf32>,
        %get3A_1666 = arith.constant 1 : i32
        %get3A_1667 = arith.index_cast %get3A_1666 : i32 to index
        %get3A_1668 = arith.index_cast %scan3A_1340 : i32 to index
        %get3A_1669 = arith.constant 80 : index
        %get3A_1670 = tpu.vector_load %arg5[%get3A_1667, %get3A_1668, %get3A_1669] {strides = array<i32>} : memref<4x32x512xf32, #tpu.memory_space<vmem>>, vector<16xf32>,
        %get3A_1671 = arith.constant 2 : i32
        %get3A_1672 = arith.index_cast %get3A_1671 : i32 to index
        %get3A_1673 = arith.index_cast %scan3A_1340 : i32 to index
        %get3A_1674 = arith.constant 80 : index
        %get3A_1675 = tpu.vector_load %arg5[%get3A_1672, %get3A_1673, %get3A_1674] {strides = array<i32>} : memref<4x32x512xf32, #tpu.memory_space<vmem>>, vector<16xf32>,
        %get3A_1676 = arith.constant 3 : i32
        %get3A_1677 = arith.index_cast %get3A_1676 : i32 to index
        %get3A_1678 = arith.index_cast %scan3A_1340 : i32 to index
        %get3A_1679 = arith.constant 80 : index
        %get3A_1680 = tpu.vector_load %arg5[%get3A_1677, %get3A_1678, %get3A_1679] {strides = array<i32>} : memref<4x32x512xf32, #tpu.memory_space<vmem>>, vector<16xf32>,
        %max3A_1681 = arith.maximumf %get3A_1665, %gather3A : vector<16xf32>
        %max3A_1682 = arith.maximumf %get3A_1670, %gather3A_1347 : vector<16xf32>
        %min3A_1683 = arith.minimumf %get3A_1675, %gather3A_1351 : vector<16xf32>
        %min3A_1684 = arith.minimumf %get3A_1680, %gather3A_1355 : vector<16xf32>
        %sub3A_1685 = arith.subf %min3A_1683, %max3A_1681 : vector<16xf32>
        %max3A_1686 = arith.constant 0.000000e+00 : f32
        %max3A_1687 = vector.broadcast %max3A_1686 : f32 to vector<16xf32>
        %max3A_1688 = arith.maximumf %sub3A_1685, %max3A_1687 : vector<16xf32>
        %sub3A_1689 = arith.subf %min3A_1684, %max3A_1682 : vector<16xf32>
        %max3A_1690 = arith.constant 0.000000e+00 : f32
        %max3A_1691 = vector.broadcast %max3A_1690 : f32 to vector<16xf32>
        %max3A_1692 = arith.maximumf %sub3A_1689, %max3A_1691 : vector<16xf32>
        %mul3A_1693 = arith.mulf %max3A_1688, %max3A_1692 : vector<16xf32>
        %sub3A_1694 = arith.subf %get3A_1675, %get3A_1665 : vector<16xf32>
        %sub3A_1695 = arith.subf %get3A_1680, %get3A_1670 : vector<16xf32>
        %mul3A_1696 = arith.mulf %sub3A_1694, %sub3A_1695 : vector<16xf32>
        %sub3A_1697 = arith.subf %gather3A_1351, %gather3A : vector<16xf32>
        %sub3A_1698 = arith.subf %gather3A_1355, %gather3A_1347 : vector<16xf32>
        %mul3A_1699 = arith.mulf %sub3A_1697, %sub3A_1698 : vector<16xf32>
        %add3A_1700 = arith.addf %mul3A_1696, %mul3A_1699 : vector<16xf32>
        %sub3A_1701 = arith.subf %add3A_1700, %mul3A_1693 : vector<16xf32>
        %max3A_1702 = arith.constant 9.99999997E-7 : f32
        %max3A_1703 = vector.broadcast %max3A_1702 : f32 to vector<16xf32>
        %max3A_1704 = arith.maximumf %sub3A_1701, %max3A_1703 : vector<16xf32>
        %div3A_1705 = arith.divf %mul3A_1693, %max3A_1704 : vector<16xf32>
        %mul3A_1706 = arith.constant 5.000000e+01 : f32
        %mul3A_1707 = vector.broadcast %mul3A_1706 : f32 to vector<16xf32>
        %mul3A_1708 = arith.mulf %div3A_1705, %mul3A_1707 : vector<16xf32>
        %convert_element_type3A_1709 = arith.fptosi %mul3A_1708 : vector<16xf32> to vector<16xi32>
        %min3A_1710 = arith.constant 49 : i32
        %min3A_1711 = vector.broadcast %min3A_1710 : i32 to vector<16xi32>
        %min3A_1712 = arith.minsi %convert_element_type3A_1709, %min3A_1711 : vector<16xi32>
        %ge3A_1713 = arith.constant 1 : i32
        %ge3A_1714 = vector.broadcast %ge3A_1713 : i32 to vector<16xi32>
        %ge3A_1715 = arith.cmpi sge, %min3A_1712, %ge3A_1714 : vector<16xi32>
        %jit3A_1716 = arith.constant 0.000000e+00 : f32
        %jit3A_1717 = arith.constant 1.000000e+00 : f32
        %broadcast_in_dim3A_1718 = vector.broadcast %jit3A_1716 : f32 to vector<16xf32>
        %broadcast_in_dim3A_1719 = vector.broadcast %jit3A_1717 : f32 to vector<16xf32>
        %select_n3A_1720 = arith.select %ge3A_1715, %broadcast_in_dim3A_1718, %broadcast_in_dim3A_1719 : vector<16xi1>, vector<16xf32>
        %add3A_1721 = arith.addf %add3A_1659, %select_n3A_1720 : vector<16xf32>
        %add3A_1722 = arith.addi %mul3A_537, %min3A_1712 : vector<16xi32>
        tpu.vector_store_idx %arg8[%add3A_1722], %broadcast_in_dim3A_3 masked %ge3A_1715 {add = true} : memref<1024xf32, #tpu.memory_space<vmem>>[vector<16xi32>], vector<16xf32>, vector<16xi1>
        %get3A_1723 = arith.constant 0 : i32
        %get3A_1724 = arith.index_cast %get3A_1723 : i32 to index
        %get3A_1725 = arith.index_cast %scan3A_1340 : i32 to index
        %get3A_1726 = arith.constant 96 : index
        %get3A_1727 = tpu.vector_load %arg5[%get3A_1724, %get3A_1725, %get3A_1726] {strides = array<i32>} : memref<4x32x512xf32, #tpu.memory_space<vmem>>, vector<16xf32>,
        %get3A_1728 = arith.constant 1 : i32
        %get3A_1729 = arith.index_cast %get3A_1728 : i32 to index
        %get3A_1730 = arith.index_cast %scan3A_1340 : i32 to index
        %get3A_1731 = arith.constant 96 : index
        %get3A_1732 = tpu.vector_load %arg5[%get3A_1729, %get3A_1730, %get3A_1731] {strides = array<i32>} : memref<4x32x512xf32, #tpu.memory_space<vmem>>, vector<16xf32>,
        %get3A_1733 = arith.constant 2 : i32
        %get3A_1734 = arith.index_cast %get3A_1733 : i32 to index
        %get3A_1735 = arith.index_cast %scan3A_1340 : i32 to index
        %get3A_1736 = arith.constant 96 : index
        %get3A_1737 = tpu.vector_load %arg5[%get3A_1734, %get3A_1735, %get3A_1736] {strides = array<i32>} : memref<4x32x512xf32, #tpu.memory_space<vmem>>, vector<16xf32>,
        %get3A_1738 = arith.constant 3 : i32
        %get3A_1739 = arith.index_cast %get3A_1738 : i32 to index
        %get3A_1740 = arith.index_cast %scan3A_1340 : i32 to index
        %get3A_1741 = arith.constant 96 : index
        %get3A_1742 = tpu.vector_load %arg5[%get3A_1739, %get3A_1740, %get3A_1741] {strides = array<i32>} : memref<4x32x512xf32, #tpu.memory_space<vmem>>, vector<16xf32>,
        %max3A_1743 = arith.maximumf %get3A_1727, %gather3A : vector<16xf32>
        %max3A_1744 = arith.maximumf %get3A_1732, %gather3A_1347 : vector<16xf32>
        %min3A_1745 = arith.minimumf %get3A_1737, %gather3A_1351 : vector<16xf32>
        %min3A_1746 = arith.minimumf %get3A_1742, %gather3A_1355 : vector<16xf32>
        %sub3A_1747 = arith.subf %min3A_1745, %max3A_1743 : vector<16xf32>
        %max3A_1748 = arith.constant 0.000000e+00 : f32
        %max3A_1749 = vector.broadcast %max3A_1748 : f32 to vector<16xf32>
        %max3A_1750 = arith.maximumf %sub3A_1747, %max3A_1749 : vector<16xf32>
        %sub3A_1751 = arith.subf %min3A_1746, %max3A_1744 : vector<16xf32>
        %max3A_1752 = arith.constant 0.000000e+00 : f32
        %max3A_1753 = vector.broadcast %max3A_1752 : f32 to vector<16xf32>
        %max3A_1754 = arith.maximumf %sub3A_1751, %max3A_1753 : vector<16xf32>
        %mul3A_1755 = arith.mulf %max3A_1750, %max3A_1754 : vector<16xf32>
        %sub3A_1756 = arith.subf %get3A_1737, %get3A_1727 : vector<16xf32>
        %sub3A_1757 = arith.subf %get3A_1742, %get3A_1732 : vector<16xf32>
        %mul3A_1758 = arith.mulf %sub3A_1756, %sub3A_1757 : vector<16xf32>
        %sub3A_1759 = arith.subf %gather3A_1351, %gather3A : vector<16xf32>
        %sub3A_1760 = arith.subf %gather3A_1355, %gather3A_1347 : vector<16xf32>
        %mul3A_1761 = arith.mulf %sub3A_1759, %sub3A_1760 : vector<16xf32>
        %add3A_1762 = arith.addf %mul3A_1758, %mul3A_1761 : vector<16xf32>
        %sub3A_1763 = arith.subf %add3A_1762, %mul3A_1755 : vector<16xf32>
        %max3A_1764 = arith.constant 9.99999997E-7 : f32
        %max3A_1765 = vector.broadcast %max3A_1764 : f32 to vector<16xf32>
        %max3A_1766 = arith.maximumf %sub3A_1763, %max3A_1765 : vector<16xf32>
        %div3A_1767 = arith.divf %mul3A_1755, %max3A_1766 : vector<16xf32>
        %mul3A_1768 = arith.constant 5.000000e+01 : f32
        %mul3A_1769 = vector.broadcast %mul3A_1768 : f32 to vector<16xf32>
        %mul3A_1770 = arith.mulf %div3A_1767, %mul3A_1769 : vector<16xf32>
        %convert_element_type3A_1771 = arith.fptosi %mul3A_1770 : vector<16xf32> to vector<16xi32>
        %min3A_1772 = arith.constant 49 : i32
        %min3A_1773 = vector.broadcast %min3A_1772 : i32 to vector<16xi32>
        %min3A_1774 = arith.minsi %convert_element_type3A_1771, %min3A_1773 : vector<16xi32>
        %ge3A_1775 = arith.constant 1 : i32
        %ge3A_1776 = vector.broadcast %ge3A_1775 : i32 to vector<16xi32>
        %ge3A_1777 = arith.cmpi sge, %min3A_1774, %ge3A_1776 : vector<16xi32>
        %jit3A_1778 = arith.constant 0.000000e+00 : f32
        %jit3A_1779 = arith.constant 1.000000e+00 : f32
        %broadcast_in_dim3A_1780 = vector.broadcast %jit3A_1778 : f32 to vector<16xf32>
        %broadcast_in_dim3A_1781 = vector.broadcast %jit3A_1779 : f32 to vector<16xf32>
        %select_n3A_1782 = arith.select %ge3A_1777, %broadcast_in_dim3A_1780, %broadcast_in_dim3A_1781 : vector<16xi1>, vector<16xf32>
        %add3A_1783 = arith.addf %add3A_1721, %select_n3A_1782 : vector<16xf32>
        %add3A_1784 = arith.addi %mul3A_537, %min3A_1774 : vector<16xi32>
        tpu.vector_store_idx %arg9[%add3A_1784], %broadcast_in_dim3A_3 masked %ge3A_1777 {add = true} : memref<1024xf32, #tpu.memory_space<vmem>>[vector<16xi32>], vector<16xf32>, vector<16xi1>
        %get3A_1785 = arith.constant 0 : i32
        %get3A_1786 = arith.index_cast %get3A_1785 : i32 to index
        %get3A_1787 = arith.index_cast %scan3A_1340 : i32 to index
        %get3A_1788 = arith.constant 112 : index
        %get3A_1789 = tpu.vector_load %arg5[%get3A_1786, %get3A_1787, %get3A_1788] {strides = array<i32>} : memref<4x32x512xf32, #tpu.memory_space<vmem>>, vector<16xf32>,
        %get3A_1790 = arith.constant 1 : i32
        %get3A_1791 = arith.index_cast %get3A_1790 : i32 to index
        %get3A_1792 = arith.index_cast %scan3A_1340 : i32 to index
        %get3A_1793 = arith.constant 112 : index
        %get3A_1794 = tpu.vector_load %arg5[%get3A_1791, %get3A_1792, %get3A_1793] {strides = array<i32>} : memref<4x32x512xf32, #tpu.memory_space<vmem>>, vector<16xf32>,
        %get3A_1795 = arith.constant 2 : i32
        %get3A_1796 = arith.index_cast %get3A_1795 : i32 to index
        %get3A_1797 = arith.index_cast %scan3A_1340 : i32 to index
        %get3A_1798 = arith.constant 112 : index
        %get3A_1799 = tpu.vector_load %arg5[%get3A_1796, %get3A_1797, %get3A_1798] {strides = array<i32>} : memref<4x32x512xf32, #tpu.memory_space<vmem>>, vector<16xf32>,
        %get3A_1800 = arith.constant 3 : i32
        %get3A_1801 = arith.index_cast %get3A_1800 : i32 to index
        %get3A_1802 = arith.index_cast %scan3A_1340 : i32 to index
        %get3A_1803 = arith.constant 112 : index
        %get3A_1804 = tpu.vector_load %arg5[%get3A_1801, %get3A_1802, %get3A_1803] {strides = array<i32>} : memref<4x32x512xf32, #tpu.memory_space<vmem>>, vector<16xf32>,
        %max3A_1805 = arith.maximumf %get3A_1789, %gather3A : vector<16xf32>
        %max3A_1806 = arith.maximumf %get3A_1794, %gather3A_1347 : vector<16xf32>
        %min3A_1807 = arith.minimumf %get3A_1799, %gather3A_1351 : vector<16xf32>
        %min3A_1808 = arith.minimumf %get3A_1804, %gather3A_1355 : vector<16xf32>
        %sub3A_1809 = arith.subf %min3A_1807, %max3A_1805 : vector<16xf32>
        %max3A_1810 = arith.constant 0.000000e+00 : f32
        %max3A_1811 = vector.broadcast %max3A_1810 : f32 to vector<16xf32>
        %max3A_1812 = arith.maximumf %sub3A_1809, %max3A_1811 : vector<16xf32>
        %sub3A_1813 = arith.subf %min3A_1808, %max3A_1806 : vector<16xf32>
        %max3A_1814 = arith.constant 0.000000e+00 : f32
        %max3A_1815 = vector.broadcast %max3A_1814 : f32 to vector<16xf32>
        %max3A_1816 = arith.maximumf %sub3A_1813, %max3A_1815 : vector<16xf32>
        %mul3A_1817 = arith.mulf %max3A_1812, %max3A_1816 : vector<16xf32>
        %sub3A_1818 = arith.subf %get3A_1799, %get3A_1789 : vector<16xf32>
        %sub3A_1819 = arith.subf %get3A_1804, %get3A_1794 : vector<16xf32>
        %mul3A_1820 = arith.mulf %sub3A_1818, %sub3A_1819 : vector<16xf32>
        %sub3A_1821 = arith.subf %gather3A_1351, %gather3A : vector<16xf32>
        %sub3A_1822 = arith.subf %gather3A_1355, %gather3A_1347 : vector<16xf32>
        %mul3A_1823 = arith.mulf %sub3A_1821, %sub3A_1822 : vector<16xf32>
        %add3A_1824 = arith.addf %mul3A_1820, %mul3A_1823 : vector<16xf32>
        %sub3A_1825 = arith.subf %add3A_1824, %mul3A_1817 : vector<16xf32>
        %max3A_1826 = arith.constant 9.99999997E-7 : f32
        %max3A_1827 = vector.broadcast %max3A_1826 : f32 to vector<16xf32>
        %max3A_1828 = arith.maximumf %sub3A_1825, %max3A_1827 : vector<16xf32>
        %div3A_1829 = arith.divf %mul3A_1817, %max3A_1828 : vector<16xf32>
        %mul3A_1830 = arith.constant 5.000000e+01 : f32
        %mul3A_1831 = vector.broadcast %mul3A_1830 : f32 to vector<16xf32>
        %mul3A_1832 = arith.mulf %div3A_1829, %mul3A_1831 : vector<16xf32>
        %convert_element_type3A_1833 = arith.fptosi %mul3A_1832 : vector<16xf32> to vector<16xi32>
        %min3A_1834 = arith.constant 49 : i32
        %min3A_1835 = vector.broadcast %min3A_1834 : i32 to vector<16xi32>
        %min3A_1836 = arith.minsi %convert_element_type3A_1833, %min3A_1835 : vector<16xi32>
        %ge3A_1837 = arith.constant 1 : i32
        %ge3A_1838 = vector.broadcast %ge3A_1837 : i32 to vector<16xi32>
        %ge3A_1839 = arith.cmpi sge, %min3A_1836, %ge3A_1838 : vector<16xi32>
        %jit3A_1840 = arith.constant 0.000000e+00 : f32
        %jit3A_1841 = arith.constant 1.000000e+00 : f32
        %broadcast_in_dim3A_1842 = vector.broadcast %jit3A_1840 : f32 to vector<16xf32>
        %broadcast_in_dim3A_1843 = vector.broadcast %jit3A_1841 : f32 to vector<16xf32>
        %select_n3A_1844 = arith.select %ge3A_1839, %broadcast_in_dim3A_1842, %broadcast_in_dim3A_1843 : vector<16xi1>, vector<16xf32>
        %add3A_1845 = arith.addf %add3A_1783, %select_n3A_1844 : vector<16xf32>
        %add3A_1846 = arith.addi %mul3A_537, %min3A_1836 : vector<16xi32>
        tpu.vector_store_idx %arg10[%add3A_1846], %broadcast_in_dim3A_3 masked %ge3A_1839 {add = true} : memref<1024xf32, #tpu.memory_space<vmem>>[vector<16xi32>], vector<16xf32>, vector<16xi1>
        %get3A_1847 = arith.constant 0 : i32
        %get3A_1848 = arith.index_cast %get3A_1847 : i32 to index
        %get3A_1849 = arith.index_cast %scan3A_1340 : i32 to index
        %get3A_1850 = arith.constant 128 : index
        %get3A_1851 = tpu.vector_load %arg5[%get3A_1848, %get3A_1849, %get3A_1850] {strides = array<i32>} : memref<4x32x512xf32, #tpu.memory_space<vmem>>, vector<16xf32>,
        %get3A_1852 = arith.constant 1 : i32
        %get3A_1853 = arith.index_cast %get3A_1852 : i32 to index
        %get3A_1854 = arith.index_cast %scan3A_1340 : i32 to index
        %get3A_1855 = arith.constant 128 : index
        %get3A_1856 = tpu.vector_load %arg5[%get3A_1853, %get3A_1854, %get3A_1855] {strides = array<i32>} : memref<4x32x512xf32, #tpu.memory_space<vmem>>, vector<16xf32>,
        %get3A_1857 = arith.constant 2 : i32
        %get3A_1858 = arith.index_cast %get3A_1857 : i32 to index
        %get3A_1859 = arith.index_cast %scan3A_1340 : i32 to index
        %get3A_1860 = arith.constant 128 : index
        %get3A_1861 = tpu.vector_load %arg5[%get3A_1858, %get3A_1859, %get3A_1860] {strides = array<i32>} : memref<4x32x512xf32, #tpu.memory_space<vmem>>, vector<16xf32>,
        %get3A_1862 = arith.constant 3 : i32
        %get3A_1863 = arith.index_cast %get3A_1862 : i32 to index
        %get3A_1864 = arith.index_cast %scan3A_1340 : i32 to index
        %get3A_1865 = arith.constant 128 : index
        %get3A_1866 = tpu.vector_load %arg5[%get3A_1863, %get3A_1864, %get3A_1865] {strides = array<i32>} : memref<4x32x512xf32, #tpu.memory_space<vmem>>, vector<16xf32>,
        %max3A_1867 = arith.maximumf %get3A_1851, %gather3A : vector<16xf32>
        %max3A_1868 = arith.maximumf %get3A_1856, %gather3A_1347 : vector<16xf32>
        %min3A_1869 = arith.minimumf %get3A_1861, %gather3A_1351 : vector<16xf32>
        %min3A_1870 = arith.minimumf %get3A_1866, %gather3A_1355 : vector<16xf32>
        %sub3A_1871 = arith.subf %min3A_1869, %max3A_1867 : vector<16xf32>
        %max3A_1872 = arith.constant 0.000000e+00 : f32
        %max3A_1873 = vector.broadcast %max3A_1872 : f32 to vector<16xf32>
        %max3A_1874 = arith.maximumf %sub3A_1871, %max3A_1873 : vector<16xf32>
        %sub3A_1875 = arith.subf %min3A_1870, %max3A_1868 : vector<16xf32>
        %max3A_1876 = arith.constant 0.000000e+00 : f32
        %max3A_1877 = vector.broadcast %max3A_1876 : f32 to vector<16xf32>
        %max3A_1878 = arith.maximumf %sub3A_1875, %max3A_1877 : vector<16xf32>
        %mul3A_1879 = arith.mulf %max3A_1874, %max3A_1878 : vector<16xf32>
        %sub3A_1880 = arith.subf %get3A_1861, %get3A_1851 : vector<16xf32>
        %sub3A_1881 = arith.subf %get3A_1866, %get3A_1856 : vector<16xf32>
        %mul3A_1882 = arith.mulf %sub3A_1880, %sub3A_1881 : vector<16xf32>
        %sub3A_1883 = arith.subf %gather3A_1351, %gather3A : vector<16xf32>
        %sub3A_1884 = arith.subf %gather3A_1355, %gather3A_1347 : vector<16xf32>
        %mul3A_1885 = arith.mulf %sub3A_1883, %sub3A_1884 : vector<16xf32>
        %add3A_1886 = arith.addf %mul3A_1882, %mul3A_1885 : vector<16xf32>
        %sub3A_1887 = arith.subf %add3A_1886, %mul3A_1879 : vector<16xf32>
        %max3A_1888 = arith.constant 9.99999997E-7 : f32
        %max3A_1889 = vector.broadcast %max3A_1888 : f32 to vector<16xf32>
        %max3A_1890 = arith.maximumf %sub3A_1887, %max3A_1889 : vector<16xf32>
        %div3A_1891 = arith.divf %mul3A_1879, %max3A_1890 : vector<16xf32>
        %mul3A_1892 = arith.constant 5.000000e+01 : f32
        %mul3A_1893 = vector.broadcast %mul3A_1892 : f32 to vector<16xf32>
        %mul3A_1894 = arith.mulf %div3A_1891, %mul3A_1893 : vector<16xf32>
        %convert_element_type3A_1895 = arith.fptosi %mul3A_1894 : vector<16xf32> to vector<16xi32>
        %min3A_1896 = arith.constant 49 : i32
        %min3A_1897 = vector.broadcast %min3A_1896 : i32 to vector<16xi32>
        %min3A_1898 = arith.minsi %convert_element_type3A_1895, %min3A_1897 : vector<16xi32>
        %ge3A_1899 = arith.constant 1 : i32
        %ge3A_1900 = vector.broadcast %ge3A_1899 : i32 to vector<16xi32>
        %ge3A_1901 = arith.cmpi sge, %min3A_1898, %ge3A_1900 : vector<16xi32>
        %jit3A_1902 = arith.constant 0.000000e+00 : f32
        %jit3A_1903 = arith.constant 1.000000e+00 : f32
        %broadcast_in_dim3A_1904 = vector.broadcast %jit3A_1902 : f32 to vector<16xf32>
        %broadcast_in_dim3A_1905 = vector.broadcast %jit3A_1903 : f32 to vector<16xf32>
        %select_n3A_1906 = arith.select %ge3A_1901, %broadcast_in_dim3A_1904, %broadcast_in_dim3A_1905 : vector<16xi1>, vector<16xf32>
        %add3A_1907 = arith.addf %add3A_1845, %select_n3A_1906 : vector<16xf32>
        %add3A_1908 = arith.addi %mul3A_537, %min3A_1898 : vector<16xi32>
        tpu.vector_store_idx %arg7[%add3A_1908], %broadcast_in_dim3A_3 masked %ge3A_1901 {add = true} : memref<1024xf32, #tpu.memory_space<vmem>>[vector<16xi32>], vector<16xf32>, vector<16xi1>
        %get3A_1909 = arith.constant 0 : i32
        %get3A_1910 = arith.index_cast %get3A_1909 : i32 to index
        %get3A_1911 = arith.index_cast %scan3A_1340 : i32 to index
        %get3A_1912 = arith.constant 144 : index
        %get3A_1913 = tpu.vector_load %arg5[%get3A_1910, %get3A_1911, %get3A_1912] {strides = array<i32>} : memref<4x32x512xf32, #tpu.memory_space<vmem>>, vector<16xf32>,
        %get3A_1914 = arith.constant 1 : i32
        %get3A_1915 = arith.index_cast %get3A_1914 : i32 to index
        %get3A_1916 = arith.index_cast %scan3A_1340 : i32 to index
        %get3A_1917 = arith.constant 144 : index
        %get3A_1918 = tpu.vector_load %arg5[%get3A_1915, %get3A_1916, %get3A_1917] {strides = array<i32>} : memref<4x32x512xf32, #tpu.memory_space<vmem>>, vector<16xf32>,
        %get3A_1919 = arith.constant 2 : i32
        %get3A_1920 = arith.index_cast %get3A_1919 : i32 to index
        %get3A_1921 = arith.index_cast %scan3A_1340 : i32 to index
        %get3A_1922 = arith.constant 144 : index
        %get3A_1923 = tpu.vector_load %arg5[%get3A_1920, %get3A_1921, %get3A_1922] {strides = array<i32>} : memref<4x32x512xf32, #tpu.memory_space<vmem>>, vector<16xf32>,
        %get3A_1924 = arith.constant 3 : i32
        %get3A_1925 = arith.index_cast %get3A_1924 : i32 to index
        %get3A_1926 = arith.index_cast %scan3A_1340 : i32 to index
        %get3A_1927 = arith.constant 144 : index
        %get3A_1928 = tpu.vector_load %arg5[%get3A_1925, %get3A_1926, %get3A_1927] {strides = array<i32>} : memref<4x32x512xf32, #tpu.memory_space<vmem>>, vector<16xf32>,
        %max3A_1929 = arith.maximumf %get3A_1913, %gather3A : vector<16xf32>
        %max3A_1930 = arith.maximumf %get3A_1918, %gather3A_1347 : vector<16xf32>
        %min3A_1931 = arith.minimumf %get3A_1923, %gather3A_1351 : vector<16xf32>
        %min3A_1932 = arith.minimumf %get3A_1928, %gather3A_1355 : vector<16xf32>
        %sub3A_1933 = arith.subf %min3A_1931, %max3A_1929 : vector<16xf32>
        %max3A_1934 = arith.constant 0.000000e+00 : f32
        %max3A_1935 = vector.broadcast %max3A_1934 : f32 to vector<16xf32>
        %max3A_1936 = arith.maximumf %sub3A_1933, %max3A_1935 : vector<16xf32>
        %sub3A_1937 = arith.subf %min3A_1932, %max3A_1930 : vector<16xf32>
        %max3A_1938 = arith.constant 0.000000e+00 : f32
        %max3A_1939 = vector.broadcast %max3A_1938 : f32 to vector<16xf32>
        %max3A_1940 = arith.maximumf %sub3A_1937, %max3A_1939 : vector<16xf32>
        %mul3A_1941 = arith.mulf %max3A_1936, %max3A_1940 : vector<16xf32>
        %sub3A_1942 = arith.subf %get3A_1923, %get3A_1913 : vector<16xf32>
        %sub3A_1943 = arith.subf %get3A_1928, %get3A_1918 : vector<16xf32>
        %mul3A_1944 = arith.mulf %sub3A_1942, %sub3A_1943 : vector<16xf32>
        %sub3A_1945 = arith.subf %gather3A_1351, %gather3A : vector<16xf32>
        %sub3A_1946 = arith.subf %gather3A_1355, %gather3A_1347 : vector<16xf32>
        %mul3A_1947 = arith.mulf %sub3A_1945, %sub3A_1946 : vector<16xf32>
        %add3A_1948 = arith.addf %mul3A_1944, %mul3A_1947 : vector<16xf32>
        %sub3A_1949 = arith.subf %add3A_1948, %mul3A_1941 : vector<16xf32>
        %max3A_1950 = arith.constant 9.99999997E-7 : f32
        %max3A_1951 = vector.broadcast %max3A_1950 : f32 to vector<16xf32>
        %max3A_1952 = arith.maximumf %sub3A_1949, %max3A_1951 : vector<16xf32>
        %div3A_1953 = arith.divf %mul3A_1941, %max3A_1952 : vector<16xf32>
        %mul3A_1954 = arith.constant 5.000000e+01 : f32
        %mul3A_1955 = vector.broadcast %mul3A_1954 : f32 to vector<16xf32>
        %mul3A_1956 = arith.mulf %div3A_1953, %mul3A_1955 : vector<16xf32>
        %convert_element_type3A_1957 = arith.fptosi %mul3A_1956 : vector<16xf32> to vector<16xi32>
        %min3A_1958 = arith.constant 49 : i32
        %min3A_1959 = vector.broadcast %min3A_1958 : i32 to vector<16xi32>
        %min3A_1960 = arith.minsi %convert_element_type3A_1957, %min3A_1959 : vector<16xi32>
        %ge3A_1961 = arith.constant 1 : i32
        %ge3A_1962 = vector.broadcast %ge3A_1961 : i32 to vector<16xi32>
        %ge3A_1963 = arith.cmpi sge, %min3A_1960, %ge3A_1962 : vector<16xi32>
        %jit3A_1964 = arith.constant 0.000000e+00 : f32
        %jit3A_1965 = arith.constant 1.000000e+00 : f32
        %broadcast_in_dim3A_1966 = vector.broadcast %jit3A_1964 : f32 to vector<16xf32>
        %broadcast_in_dim3A_1967 = vector.broadcast %jit3A_1965 : f32 to vector<16xf32>
        %select_n3A_1968 = arith.select %ge3A_1963, %broadcast_in_dim3A_1966, %broadcast_in_dim3A_1967 : vector<16xi1>, vector<16xf32>
        %add3A_1969 = arith.addf %add3A_1907, %select_n3A_1968 : vector<16xf32>
        %add3A_1970 = arith.addi %mul3A_537, %min3A_1960 : vector<16xi32>
        tpu.vector_store_idx %arg8[%add3A_1970], %broadcast_in_dim3A_3 masked %ge3A_1963 {add = true} : memref<1024xf32, #tpu.memory_space<vmem>>[vector<16xi32>], vector<16xf32>, vector<16xi1>
        %get3A_1971 = arith.constant 0 : i32
        %get3A_1972 = arith.index_cast %get3A_1971 : i32 to index
        %get3A_1973 = arith.index_cast %scan3A_1340 : i32 to index
        %get3A_1974 = arith.constant 160 : index
        %get3A_1975 = tpu.vector_load %arg5[%get3A_1972, %get3A_1973, %get3A_1974] {strides = array<i32>} : memref<4x32x512xf32, #tpu.memory_space<vmem>>, vector<16xf32>,
        %get3A_1976 = arith.constant 1 : i32
        %get3A_1977 = arith.index_cast %get3A_1976 : i32 to index
        %get3A_1978 = arith.index_cast %scan3A_1340 : i32 to index
        %get3A_1979 = arith.constant 160 : index
        %get3A_1980 = tpu.vector_load %arg5[%get3A_1977, %get3A_1978, %get3A_1979] {strides = array<i32>} : memref<4x32x512xf32, #tpu.memory_space<vmem>>, vector<16xf32>,
        %get3A_1981 = arith.constant 2 : i32
        %get3A_1982 = arith.index_cast %get3A_1981 : i32 to index
        %get3A_1983 = arith.index_cast %scan3A_1340 : i32 to index
        %get3A_1984 = arith.constant 160 : index
        %get3A_1985 = tpu.vector_load %arg5[%get3A_1982, %get3A_1983, %get3A_1984] {strides = array<i32>} : memref<4x32x512xf32, #tpu.memory_space<vmem>>, vector<16xf32>,
        %get3A_1986 = arith.constant 3 : i32
        %get3A_1987 = arith.index_cast %get3A_1986 : i32 to index
        %get3A_1988 = arith.index_cast %scan3A_1340 : i32 to index
        %get3A_1989 = arith.constant 160 : index
        %get3A_1990 = tpu.vector_load %arg5[%get3A_1987, %get3A_1988, %get3A_1989] {strides = array<i32>} : memref<4x32x512xf32, #tpu.memory_space<vmem>>, vector<16xf32>,
        %max3A_1991 = arith.maximumf %get3A_1975, %gather3A : vector<16xf32>
        %max3A_1992 = arith.maximumf %get3A_1980, %gather3A_1347 : vector<16xf32>
        %min3A_1993 = arith.minimumf %get3A_1985, %gather3A_1351 : vector<16xf32>
        %min3A_1994 = arith.minimumf %get3A_1990, %gather3A_1355 : vector<16xf32>
        %sub3A_1995 = arith.subf %min3A_1993, %max3A_1991 : vector<16xf32>
        %max3A_1996 = arith.constant 0.000000e+00 : f32
        %max3A_1997 = vector.broadcast %max3A_1996 : f32 to vector<16xf32>
        %max3A_1998 = arith.maximumf %sub3A_1995, %max3A_1997 : vector<16xf32>
        %sub3A_1999 = arith.subf %min3A_1994, %max3A_1992 : vector<16xf32>
        %max3A_2000 = arith.constant 0.000000e+00 : f32
        %max3A_2001 = vector.broadcast %max3A_2000 : f32 to vector<16xf32>
        %max3A_2002 = arith.maximumf %sub3A_1999, %max3A_2001 : vector<16xf32>
        %mul3A_2003 = arith.mulf %max3A_1998, %max3A_2002 : vector<16xf32>
        %sub3A_2004 = arith.subf %get3A_1985, %get3A_1975 : vector<16xf32>
        %sub3A_2005 = arith.subf %get3A_1990, %get3A_1980 : vector<16xf32>
        %mul3A_2006 = arith.mulf %sub3A_2004, %sub3A_2005 : vector<16xf32>
        %sub3A_2007 = arith.subf %gather3A_1351, %gather3A : vector<16xf32>
        %sub3A_2008 = arith.subf %gather3A_1355, %gather3A_1347 : vector<16xf32>
        %mul3A_2009 = arith.mulf %sub3A_2007, %sub3A_2008 : vector<16xf32>
        %add3A_2010 = arith.addf %mul3A_2006, %mul3A_2009 : vector<16xf32>
        %sub3A_2011 = arith.subf %add3A_2010, %mul3A_2003 : vector<16xf32>
        %max3A_2012 = arith.constant 9.99999997E-7 : f32
        %max3A_2013 = vector.broadcast %max3A_2012 : f32 to vector<16xf32>
        %max3A_2014 = arith.maximumf %sub3A_2011, %max3A_2013 : vector<16xf32>
        %div3A_2015 = arith.divf %mul3A_2003, %max3A_2014 : vector<16xf32>
        %mul3A_2016 = arith.constant 5.000000e+01 : f32
        %mul3A_2017 = vector.broadcast %mul3A_2016 : f32 to vector<16xf32>
        %mul3A_2018 = arith.mulf %div3A_2015, %mul3A_2017 : vector<16xf32>
        %convert_element_type3A_2019 = arith.fptosi %mul3A_2018 : vector<16xf32> to vector<16xi32>
        %min3A_2020 = arith.constant 49 : i32
        %min3A_2021 = vector.broadcast %min3A_2020 : i32 to vector<16xi32>
        %min3A_2022 = arith.minsi %convert_element_type3A_2019, %min3A_2021 : vector<16xi32>
        %ge3A_2023 = arith.constant 1 : i32
        %ge3A_2024 = vector.broadcast %ge3A_2023 : i32 to vector<16xi32>
        %ge3A_2025 = arith.cmpi sge, %min3A_2022, %ge3A_2024 : vector<16xi32>
        %jit3A_2026 = arith.constant 0.000000e+00 : f32
        %jit3A_2027 = arith.constant 1.000000e+00 : f32
        %broadcast_in_dim3A_2028 = vector.broadcast %jit3A_2026 : f32 to vector<16xf32>
        %broadcast_in_dim3A_2029 = vector.broadcast %jit3A_2027 : f32 to vector<16xf32>
        %select_n3A_2030 = arith.select %ge3A_2025, %broadcast_in_dim3A_2028, %broadcast_in_dim3A_2029 : vector<16xi1>, vector<16xf32>
        %add3A_2031 = arith.addf %add3A_1969, %select_n3A_2030 : vector<16xf32>
        %add3A_2032 = arith.addi %mul3A_537, %min3A_2022 : vector<16xi32>
        tpu.vector_store_idx %arg9[%add3A_2032], %broadcast_in_dim3A_3 masked %ge3A_2025 {add = true} : memref<1024xf32, #tpu.memory_space<vmem>>[vector<16xi32>], vector<16xf32>, vector<16xi1>
        %get3A_2033 = arith.constant 0 : i32
        %get3A_2034 = arith.index_cast %get3A_2033 : i32 to index
        %get3A_2035 = arith.index_cast %scan3A_1340 : i32 to index
        %get3A_2036 = arith.constant 176 : index
        %get3A_2037 = tpu.vector_load %arg5[%get3A_2034, %get3A_2035, %get3A_2036] {strides = array<i32>} : memref<4x32x512xf32, #tpu.memory_space<vmem>>, vector<16xf32>,
        %get3A_2038 = arith.constant 1 : i32
        %get3A_2039 = arith.index_cast %get3A_2038 : i32 to index
        %get3A_2040 = arith.index_cast %scan3A_1340 : i32 to index
        %get3A_2041 = arith.constant 176 : index
        %get3A_2042 = tpu.vector_load %arg5[%get3A_2039, %get3A_2040, %get3A_2041] {strides = array<i32>} : memref<4x32x512xf32, #tpu.memory_space<vmem>>, vector<16xf32>,
        %get3A_2043 = arith.constant 2 : i32
        %get3A_2044 = arith.index_cast %get3A_2043 : i32 to index
        %get3A_2045 = arith.index_cast %scan3A_1340 : i32 to index
        %get3A_2046 = arith.constant 176 : index
        %get3A_2047 = tpu.vector_load %arg5[%get3A_2044, %get3A_2045, %get3A_2046] {strides = array<i32>} : memref<4x32x512xf32, #tpu.memory_space<vmem>>, vector<16xf32>,
        %get3A_2048 = arith.constant 3 : i32
        %get3A_2049 = arith.index_cast %get3A_2048 : i32 to index
        %get3A_2050 = arith.index_cast %scan3A_1340 : i32 to index
        %get3A_2051 = arith.constant 176 : index
        %get3A_2052 = tpu.vector_load %arg5[%get3A_2049, %get3A_2050, %get3A_2051] {strides = array<i32>} : memref<4x32x512xf32, #tpu.memory_space<vmem>>, vector<16xf32>,
        %max3A_2053 = arith.maximumf %get3A_2037, %gather3A : vector<16xf32>
        %max3A_2054 = arith.maximumf %get3A_2042, %gather3A_1347 : vector<16xf32>
        %min3A_2055 = arith.minimumf %get3A_2047, %gather3A_1351 : vector<16xf32>
        %min3A_2056 = arith.minimumf %get3A_2052, %gather3A_1355 : vector<16xf32>
        %sub3A_2057 = arith.subf %min3A_2055, %max3A_2053 : vector<16xf32>
        %max3A_2058 = arith.constant 0.000000e+00 : f32
        %max3A_2059 = vector.broadcast %max3A_2058 : f32 to vector<16xf32>
        %max3A_2060 = arith.maximumf %sub3A_2057, %max3A_2059 : vector<16xf32>
        %sub3A_2061 = arith.subf %min3A_2056, %max3A_2054 : vector<16xf32>
        %max3A_2062 = arith.constant 0.000000e+00 : f32
        %max3A_2063 = vector.broadcast %max3A_2062 : f32 to vector<16xf32>
        %max3A_2064 = arith.maximumf %sub3A_2061, %max3A_2063 : vector<16xf32>
        %mul3A_2065 = arith.mulf %max3A_2060, %max3A_2064 : vector<16xf32>
        %sub3A_2066 = arith.subf %get3A_2047, %get3A_2037 : vector<16xf32>
        %sub3A_2067 = arith.subf %get3A_2052, %get3A_2042 : vector<16xf32>
        %mul3A_2068 = arith.mulf %sub3A_2066, %sub3A_2067 : vector<16xf32>
        %sub3A_2069 = arith.subf %gather3A_1351, %gather3A : vector<16xf32>
        %sub3A_2070 = arith.subf %gather3A_1355, %gather3A_1347 : vector<16xf32>
        %mul3A_2071 = arith.mulf %sub3A_2069, %sub3A_2070 : vector<16xf32>
        %add3A_2072 = arith.addf %mul3A_2068, %mul3A_2071 : vector<16xf32>
        %sub3A_2073 = arith.subf %add3A_2072, %mul3A_2065 : vector<16xf32>
        %max3A_2074 = arith.constant 9.99999997E-7 : f32
        %max3A_2075 = vector.broadcast %max3A_2074 : f32 to vector<16xf32>
        %max3A_2076 = arith.maximumf %sub3A_2073, %max3A_2075 : vector<16xf32>
        %div3A_2077 = arith.divf %mul3A_2065, %max3A_2076 : vector<16xf32>
        %mul3A_2078 = arith.constant 5.000000e+01 : f32
        %mul3A_2079 = vector.broadcast %mul3A_2078 : f32 to vector<16xf32>
        %mul3A_2080 = arith.mulf %div3A_2077, %mul3A_2079 : vector<16xf32>
        %convert_element_type3A_2081 = arith.fptosi %mul3A_2080 : vector<16xf32> to vector<16xi32>
        %min3A_2082 = arith.constant 49 : i32
        %min3A_2083 = vector.broadcast %min3A_2082 : i32 to vector<16xi32>
        %min3A_2084 = arith.minsi %convert_element_type3A_2081, %min3A_2083 : vector<16xi32>
        %ge3A_2085 = arith.constant 1 : i32
        %ge3A_2086 = vector.broadcast %ge3A_2085 : i32 to vector<16xi32>
        %ge3A_2087 = arith.cmpi sge, %min3A_2084, %ge3A_2086 : vector<16xi32>
        %jit3A_2088 = arith.constant 0.000000e+00 : f32
        %jit3A_2089 = arith.constant 1.000000e+00 : f32
        %broadcast_in_dim3A_2090 = vector.broadcast %jit3A_2088 : f32 to vector<16xf32>
        %broadcast_in_dim3A_2091 = vector.broadcast %jit3A_2089 : f32 to vector<16xf32>
        %select_n3A_2092 = arith.select %ge3A_2087, %broadcast_in_dim3A_2090, %broadcast_in_dim3A_2091 : vector<16xi1>, vector<16xf32>
        %add3A_2093 = arith.addf %add3A_2031, %select_n3A_2092 : vector<16xf32>
        %add3A_2094 = arith.addi %mul3A_537, %min3A_2084 : vector<16xi32>
        tpu.vector_store_idx %arg10[%add3A_2094], %broadcast_in_dim3A_3 masked %ge3A_2087 {add = true} : memref<1024xf32, #tpu.memory_space<vmem>>[vector<16xi32>], vector<16xf32>, vector<16xi1>
        %get3A_2095 = arith.constant 0 : i32
        %get3A_2096 = arith.index_cast %get3A_2095 : i32 to index
        %get3A_2097 = arith.index_cast %scan3A_1340 : i32 to index
        %get3A_2098 = arith.constant 192 : index
        %get3A_2099 = tpu.vector_load %arg5[%get3A_2096, %get3A_2097, %get3A_2098] {strides = array<i32>} : memref<4x32x512xf32, #tpu.memory_space<vmem>>, vector<16xf32>,
        %get3A_2100 = arith.constant 1 : i32
        %get3A_2101 = arith.index_cast %get3A_2100 : i32 to index
        %get3A_2102 = arith.index_cast %scan3A_1340 : i32 to index
        %get3A_2103 = arith.constant 192 : index
        %get3A_2104 = tpu.vector_load %arg5[%get3A_2101, %get3A_2102, %get3A_2103] {strides = array<i32>} : memref<4x32x512xf32, #tpu.memory_space<vmem>>, vector<16xf32>,
        %get3A_2105 = arith.constant 2 : i32
        %get3A_2106 = arith.index_cast %get3A_2105 : i32 to index
        %get3A_2107 = arith.index_cast %scan3A_1340 : i32 to index
        %get3A_2108 = arith.constant 192 : index
        %get3A_2109 = tpu.vector_load %arg5[%get3A_2106, %get3A_2107, %get3A_2108] {strides = array<i32>} : memref<4x32x512xf32, #tpu.memory_space<vmem>>, vector<16xf32>,
        %get3A_2110 = arith.constant 3 : i32
        %get3A_2111 = arith.index_cast %get3A_2110 : i32 to index
        %get3A_2112 = arith.index_cast %scan3A_1340 : i32 to index
        %get3A_2113 = arith.constant 192 : index
        %get3A_2114 = tpu.vector_load %arg5[%get3A_2111, %get3A_2112, %get3A_2113] {strides = array<i32>} : memref<4x32x512xf32, #tpu.memory_space<vmem>>, vector<16xf32>,
        %max3A_2115 = arith.maximumf %get3A_2099, %gather3A : vector<16xf32>
        %max3A_2116 = arith.maximumf %get3A_2104, %gather3A_1347 : vector<16xf32>
        %min3A_2117 = arith.minimumf %get3A_2109, %gather3A_1351 : vector<16xf32>
        %min3A_2118 = arith.minimumf %get3A_2114, %gather3A_1355 : vector<16xf32>
        %sub3A_2119 = arith.subf %min3A_2117, %max3A_2115 : vector<16xf32>
        %max3A_2120 = arith.constant 0.000000e+00 : f32
        %max3A_2121 = vector.broadcast %max3A_2120 : f32 to vector<16xf32>
        %max3A_2122 = arith.maximumf %sub3A_2119, %max3A_2121 : vector<16xf32>
        %sub3A_2123 = arith.subf %min3A_2118, %max3A_2116 : vector<16xf32>
        %max3A_2124 = arith.constant 0.000000e+00 : f32
        %max3A_2125 = vector.broadcast %max3A_2124 : f32 to vector<16xf32>
        %max3A_2126 = arith.maximumf %sub3A_2123, %max3A_2125 : vector<16xf32>
        %mul3A_2127 = arith.mulf %max3A_2122, %max3A_2126 : vector<16xf32>
        %sub3A_2128 = arith.subf %get3A_2109, %get3A_2099 : vector<16xf32>
        %sub3A_2129 = arith.subf %get3A_2114, %get3A_2104 : vector<16xf32>
        %mul3A_2130 = arith.mulf %sub3A_2128, %sub3A_2129 : vector<16xf32>
        %sub3A_2131 = arith.subf %gather3A_1351, %gather3A : vector<16xf32>
        %sub3A_2132 = arith.subf %gather3A_1355, %gather3A_1347 : vector<16xf32>
        %mul3A_2133 = arith.mulf %sub3A_2131, %sub3A_2132 : vector<16xf32>
        %add3A_2134 = arith.addf %mul3A_2130, %mul3A_2133 : vector<16xf32>
        %sub3A_2135 = arith.subf %add3A_2134, %mul3A_2127 : vector<16xf32>
        %max3A_2136 = arith.constant 9.99999997E-7 : f32
        %max3A_2137 = vector.broadcast %max3A_2136 : f32 to vector<16xf32>
        %max3A_2138 = arith.maximumf %sub3A_2135, %max3A_2137 : vector<16xf32>
        %div3A_2139 = arith.divf %mul3A_2127, %max3A_2138 : vector<16xf32>
        %mul3A_2140 = arith.constant 5.000000e+01 : f32
        %mul3A_2141 = vector.broadcast %mul3A_2140 : f32 to vector<16xf32>
        %mul3A_2142 = arith.mulf %div3A_2139, %mul3A_2141 : vector<16xf32>
        %convert_element_type3A_2143 = arith.fptosi %mul3A_2142 : vector<16xf32> to vector<16xi32>
        %min3A_2144 = arith.constant 49 : i32
        %min3A_2145 = vector.broadcast %min3A_2144 : i32 to vector<16xi32>
        %min3A_2146 = arith.minsi %convert_element_type3A_2143, %min3A_2145 : vector<16xi32>
        %ge3A_2147 = arith.constant 1 : i32
        %ge3A_2148 = vector.broadcast %ge3A_2147 : i32 to vector<16xi32>
        %ge3A_2149 = arith.cmpi sge, %min3A_2146, %ge3A_2148 : vector<16xi32>
        %jit3A_2150 = arith.constant 0.000000e+00 : f32
        %jit3A_2151 = arith.constant 1.000000e+00 : f32
        %broadcast_in_dim3A_2152 = vector.broadcast %jit3A_2150 : f32 to vector<16xf32>
        %broadcast_in_dim3A_2153 = vector.broadcast %jit3A_2151 : f32 to vector<16xf32>
        %select_n3A_2154 = arith.select %ge3A_2149, %broadcast_in_dim3A_2152, %broadcast_in_dim3A_2153 : vector<16xi1>, vector<16xf32>
        %add3A_2155 = arith.addf %add3A_2093, %select_n3A_2154 : vector<16xf32>
        %add3A_2156 = arith.addi %mul3A_537, %min3A_2146 : vector<16xi32>
        tpu.vector_store_idx %arg7[%add3A_2156], %broadcast_in_dim3A_3 masked %ge3A_2149 {add = true} : memref<1024xf32, #tpu.memory_space<vmem>>[vector<16xi32>], vector<16xf32>, vector<16xi1>
        %get3A_2157 = arith.constant 0 : i32
        %get3A_2158 = arith.index_cast %get3A_2157 : i32 to index
        %get3A_2159 = arith.index_cast %scan3A_1340 : i32 to index
        %get3A_2160 = arith.constant 208 : index
        %get3A_2161 = tpu.vector_load %arg5[%get3A_2158, %get3A_2159, %get3A_2160] {strides = array<i32>} : memref<4x32x512xf32, #tpu.memory_space<vmem>>, vector<16xf32>,
        %get3A_2162 = arith.constant 1 : i32
        %get3A_2163 = arith.index_cast %get3A_2162 : i32 to index
        %get3A_2164 = arith.index_cast %scan3A_1340 : i32 to index
        %get3A_2165 = arith.constant 208 : index
        %get3A_2166 = tpu.vector_load %arg5[%get3A_2163, %get3A_2164, %get3A_2165] {strides = array<i32>} : memref<4x32x512xf32, #tpu.memory_space<vmem>>, vector<16xf32>,
        %get3A_2167 = arith.constant 2 : i32
        %get3A_2168 = arith.index_cast %get3A_2167 : i32 to index
        %get3A_2169 = arith.index_cast %scan3A_1340 : i32 to index
        %get3A_2170 = arith.constant 208 : index
        %get3A_2171 = tpu.vector_load %arg5[%get3A_2168, %get3A_2169, %get3A_2170] {strides = array<i32>} : memref<4x32x512xf32, #tpu.memory_space<vmem>>, vector<16xf32>,
        %get3A_2172 = arith.constant 3 : i32
        %get3A_2173 = arith.index_cast %get3A_2172 : i32 to index
        %get3A_2174 = arith.index_cast %scan3A_1340 : i32 to index
        %get3A_2175 = arith.constant 208 : index
        %get3A_2176 = tpu.vector_load %arg5[%get3A_2173, %get3A_2174, %get3A_2175] {strides = array<i32>} : memref<4x32x512xf32, #tpu.memory_space<vmem>>, vector<16xf32>,
        %max3A_2177 = arith.maximumf %get3A_2161, %gather3A : vector<16xf32>
        %max3A_2178 = arith.maximumf %get3A_2166, %gather3A_1347 : vector<16xf32>
        %min3A_2179 = arith.minimumf %get3A_2171, %gather3A_1351 : vector<16xf32>
        %min3A_2180 = arith.minimumf %get3A_2176, %gather3A_1355 : vector<16xf32>
        %sub3A_2181 = arith.subf %min3A_2179, %max3A_2177 : vector<16xf32>
        %max3A_2182 = arith.constant 0.000000e+00 : f32
        %max3A_2183 = vector.broadcast %max3A_2182 : f32 to vector<16xf32>
        %max3A_2184 = arith.maximumf %sub3A_2181, %max3A_2183 : vector<16xf32>
        %sub3A_2185 = arith.subf %min3A_2180, %max3A_2178 : vector<16xf32>
        %max3A_2186 = arith.constant 0.000000e+00 : f32
        %max3A_2187 = vector.broadcast %max3A_2186 : f32 to vector<16xf32>
        %max3A_2188 = arith.maximumf %sub3A_2185, %max3A_2187 : vector<16xf32>
        %mul3A_2189 = arith.mulf %max3A_2184, %max3A_2188 : vector<16xf32>
        %sub3A_2190 = arith.subf %get3A_2171, %get3A_2161 : vector<16xf32>
        %sub3A_2191 = arith.subf %get3A_2176, %get3A_2166 : vector<16xf32>
        %mul3A_2192 = arith.mulf %sub3A_2190, %sub3A_2191 : vector<16xf32>
        %sub3A_2193 = arith.subf %gather3A_1351, %gather3A : vector<16xf32>
        %sub3A_2194 = arith.subf %gather3A_1355, %gather3A_1347 : vector<16xf32>
        %mul3A_2195 = arith.mulf %sub3A_2193, %sub3A_2194 : vector<16xf32>
        %add3A_2196 = arith.addf %mul3A_2192, %mul3A_2195 : vector<16xf32>
        %sub3A_2197 = arith.subf %add3A_2196, %mul3A_2189 : vector<16xf32>
        %max3A_2198 = arith.constant 9.99999997E-7 : f32
        %max3A_2199 = vector.broadcast %max3A_2198 : f32 to vector<16xf32>
        %max3A_2200 = arith.maximumf %sub3A_2197, %max3A_2199 : vector<16xf32>
        %div3A_2201 = arith.divf %mul3A_2189, %max3A_2200 : vector<16xf32>
        %mul3A_2202 = arith.constant 5.000000e+01 : f32
        %mul3A_2203 = vector.broadcast %mul3A_2202 : f32 to vector<16xf32>
        %mul3A_2204 = arith.mulf %div3A_2201, %mul3A_2203 : vector<16xf32>
        %convert_element_type3A_2205 = arith.fptosi %mul3A_2204 : vector<16xf32> to vector<16xi32>
        %min3A_2206 = arith.constant 49 : i32
        %min3A_2207 = vector.broadcast %min3A_2206 : i32 to vector<16xi32>
        %min3A_2208 = arith.minsi %convert_element_type3A_2205, %min3A_2207 : vector<16xi32>
        %ge3A_2209 = arith.constant 1 : i32
        %ge3A_2210 = vector.broadcast %ge3A_2209 : i32 to vector<16xi32>
        %ge3A_2211 = arith.cmpi sge, %min3A_2208, %ge3A_2210 : vector<16xi32>
        %jit3A_2212 = arith.constant 0.000000e+00 : f32
        %jit3A_2213 = arith.constant 1.000000e+00 : f32
        %broadcast_in_dim3A_2214 = vector.broadcast %jit3A_2212 : f32 to vector<16xf32>
        %broadcast_in_dim3A_2215 = vector.broadcast %jit3A_2213 : f32 to vector<16xf32>
        %select_n3A_2216 = arith.select %ge3A_2211, %broadcast_in_dim3A_2214, %broadcast_in_dim3A_2215 : vector<16xi1>, vector<16xf32>
        %add3A_2217 = arith.addf %add3A_2155, %select_n3A_2216 : vector<16xf32>
        %add3A_2218 = arith.addi %mul3A_537, %min3A_2208 : vector<16xi32>
        tpu.vector_store_idx %arg8[%add3A_2218], %broadcast_in_dim3A_3 masked %ge3A_2211 {add = true} : memref<1024xf32, #tpu.memory_space<vmem>>[vector<16xi32>], vector<16xf32>, vector<16xi1>
        %get3A_2219 = arith.constant 0 : i32
        %get3A_2220 = arith.index_cast %get3A_2219 : i32 to index
        %get3A_2221 = arith.index_cast %scan3A_1340 : i32 to index
        %get3A_2222 = arith.constant 224 : index
        %get3A_2223 = tpu.vector_load %arg5[%get3A_2220, %get3A_2221, %get3A_2222] {strides = array<i32>} : memref<4x32x512xf32, #tpu.memory_space<vmem>>, vector<16xf32>,
        %get3A_2224 = arith.constant 1 : i32
        %get3A_2225 = arith.index_cast %get3A_2224 : i32 to index
        %get3A_2226 = arith.index_cast %scan3A_1340 : i32 to index
        %get3A_2227 = arith.constant 224 : index
        %get3A_2228 = tpu.vector_load %arg5[%get3A_2225, %get3A_2226, %get3A_2227] {strides = array<i32>} : memref<4x32x512xf32, #tpu.memory_space<vmem>>, vector<16xf32>,
        %get3A_2229 = arith.constant 2 : i32
        %get3A_2230 = arith.index_cast %get3A_2229 : i32 to index
        %get3A_2231 = arith.index_cast %scan3A_1340 : i32 to index
        %get3A_2232 = arith.constant 224 : index
        %get3A_2233 = tpu.vector_load %arg5[%get3A_2230, %get3A_2231, %get3A_2232] {strides = array<i32>} : memref<4x32x512xf32, #tpu.memory_space<vmem>>, vector<16xf32>,
        %get3A_2234 = arith.constant 3 : i32
        %get3A_2235 = arith.index_cast %get3A_2234 : i32 to index
        %get3A_2236 = arith.index_cast %scan3A_1340 : i32 to index
        %get3A_2237 = arith.constant 224 : index
        %get3A_2238 = tpu.vector_load %arg5[%get3A_2235, %get3A_2236, %get3A_2237] {strides = array<i32>} : memref<4x32x512xf32, #tpu.memory_space<vmem>>, vector<16xf32>,
        %max3A_2239 = arith.maximumf %get3A_2223, %gather3A : vector<16xf32>
        %max3A_2240 = arith.maximumf %get3A_2228, %gather3A_1347 : vector<16xf32>
        %min3A_2241 = arith.minimumf %get3A_2233, %gather3A_1351 : vector<16xf32>
        %min3A_2242 = arith.minimumf %get3A_2238, %gather3A_1355 : vector<16xf32>
        %sub3A_2243 = arith.subf %min3A_2241, %max3A_2239 : vector<16xf32>
        %max3A_2244 = arith.constant 0.000000e+00 : f32
        %max3A_2245 = vector.broadcast %max3A_2244 : f32 to vector<16xf32>
        %max3A_2246 = arith.maximumf %sub3A_2243, %max3A_2245 : vector<16xf32>
        %sub3A_2247 = arith.subf %min3A_2242, %max3A_2240 : vector<16xf32>
        %max3A_2248 = arith.constant 0.000000e+00 : f32
        %max3A_2249 = vector.broadcast %max3A_2248 : f32 to vector<16xf32>
        %max3A_2250 = arith.maximumf %sub3A_2247, %max3A_2249 : vector<16xf32>
        %mul3A_2251 = arith.mulf %max3A_2246, %max3A_2250 : vector<16xf32>
        %sub3A_2252 = arith.subf %get3A_2233, %get3A_2223 : vector<16xf32>
        %sub3A_2253 = arith.subf %get3A_2238, %get3A_2228 : vector<16xf32>
        %mul3A_2254 = arith.mulf %sub3A_2252, %sub3A_2253 : vector<16xf32>
        %sub3A_2255 = arith.subf %gather3A_1351, %gather3A : vector<16xf32>
        %sub3A_2256 = arith.subf %gather3A_1355, %gather3A_1347 : vector<16xf32>
        %mul3A_2257 = arith.mulf %sub3A_2255, %sub3A_2256 : vector<16xf32>
        %add3A_2258 = arith.addf %mul3A_2254, %mul3A_2257 : vector<16xf32>
        %sub3A_2259 = arith.subf %add3A_2258, %mul3A_2251 : vector<16xf32>
        %max3A_2260 = arith.constant 9.99999997E-7 : f32
        %max3A_2261 = vector.broadcast %max3A_2260 : f32 to vector<16xf32>
        %max3A_2262 = arith.maximumf %sub3A_2259, %max3A_2261 : vector<16xf32>
        %div3A_2263 = arith.divf %mul3A_2251, %max3A_2262 : vector<16xf32>
        %mul3A_2264 = arith.constant 5.000000e+01 : f32
        %mul3A_2265 = vector.broadcast %mul3A_2264 : f32 to vector<16xf32>
        %mul3A_2266 = arith.mulf %div3A_2263, %mul3A_2265 : vector<16xf32>
        %convert_element_type3A_2267 = arith.fptosi %mul3A_2266 : vector<16xf32> to vector<16xi32>
        %min3A_2268 = arith.constant 49 : i32
        %min3A_2269 = vector.broadcast %min3A_2268 : i32 to vector<16xi32>
        %min3A_2270 = arith.minsi %convert_element_type3A_2267, %min3A_2269 : vector<16xi32>
        %ge3A_2271 = arith.constant 1 : i32
        %ge3A_2272 = vector.broadcast %ge3A_2271 : i32 to vector<16xi32>
        %ge3A_2273 = arith.cmpi sge, %min3A_2270, %ge3A_2272 : vector<16xi32>
        %jit3A_2274 = arith.constant 0.000000e+00 : f32
        %jit3A_2275 = arith.constant 1.000000e+00 : f32
        %broadcast_in_dim3A_2276 = vector.broadcast %jit3A_2274 : f32 to vector<16xf32>
        %broadcast_in_dim3A_2277 = vector.broadcast %jit3A_2275 : f32 to vector<16xf32>
        %select_n3A_2278 = arith.select %ge3A_2273, %broadcast_in_dim3A_2276, %broadcast_in_dim3A_2277 : vector<16xi1>, vector<16xf32>
        %add3A_2279 = arith.addf %add3A_2217, %select_n3A_2278 : vector<16xf32>
        %add3A_2280 = arith.addi %mul3A_537, %min3A_2270 : vector<16xi32>
        tpu.vector_store_idx %arg9[%add3A_2280], %broadcast_in_dim3A_3 masked %ge3A_2273 {add = true} : memref<1024xf32, #tpu.memory_space<vmem>>[vector<16xi32>], vector<16xf32>, vector<16xi1>
        %get3A_2281 = arith.constant 0 : i32
        %get3A_2282 = arith.index_cast %get3A_2281 : i32 to index
        %get3A_2283 = arith.index_cast %scan3A_1340 : i32 to index
        %get3A_2284 = arith.constant 240 : index
        %get3A_2285 = tpu.vector_load %arg5[%get3A_2282, %get3A_2283, %get3A_2284] {strides = array<i32>} : memref<4x32x512xf32, #tpu.memory_space<vmem>>, vector<16xf32>,
        %get3A_2286 = arith.constant 1 : i32
        %get3A_2287 = arith.index_cast %get3A_2286 : i32 to index
        %get3A_2288 = arith.index_cast %scan3A_1340 : i32 to index
        %get3A_2289 = arith.constant 240 : index
        %get3A_2290 = tpu.vector_load %arg5[%get3A_2287, %get3A_2288, %get3A_2289] {strides = array<i32>} : memref<4x32x512xf32, #tpu.memory_space<vmem>>, vector<16xf32>,
        %get3A_2291 = arith.constant 2 : i32
        %get3A_2292 = arith.index_cast %get3A_2291 : i32 to index
        %get3A_2293 = arith.index_cast %scan3A_1340 : i32 to index
        %get3A_2294 = arith.constant 240 : index
        %get3A_2295 = tpu.vector_load %arg5[%get3A_2292, %get3A_2293, %get3A_2294] {strides = array<i32>} : memref<4x32x512xf32, #tpu.memory_space<vmem>>, vector<16xf32>,
        %get3A_2296 = arith.constant 3 : i32
        %get3A_2297 = arith.index_cast %get3A_2296 : i32 to index
        %get3A_2298 = arith.index_cast %scan3A_1340 : i32 to index
        %get3A_2299 = arith.constant 240 : index
        %get3A_2300 = tpu.vector_load %arg5[%get3A_2297, %get3A_2298, %get3A_2299] {strides = array<i32>} : memref<4x32x512xf32, #tpu.memory_space<vmem>>, vector<16xf32>,
        %max3A_2301 = arith.maximumf %get3A_2285, %gather3A : vector<16xf32>
        %max3A_2302 = arith.maximumf %get3A_2290, %gather3A_1347 : vector<16xf32>
        %min3A_2303 = arith.minimumf %get3A_2295, %gather3A_1351 : vector<16xf32>
        %min3A_2304 = arith.minimumf %get3A_2300, %gather3A_1355 : vector<16xf32>
        %sub3A_2305 = arith.subf %min3A_2303, %max3A_2301 : vector<16xf32>
        %max3A_2306 = arith.constant 0.000000e+00 : f32
        %max3A_2307 = vector.broadcast %max3A_2306 : f32 to vector<16xf32>
        %max3A_2308 = arith.maximumf %sub3A_2305, %max3A_2307 : vector<16xf32>
        %sub3A_2309 = arith.subf %min3A_2304, %max3A_2302 : vector<16xf32>
        %max3A_2310 = arith.constant 0.000000e+00 : f32
        %max3A_2311 = vector.broadcast %max3A_2310 : f32 to vector<16xf32>
        %max3A_2312 = arith.maximumf %sub3A_2309, %max3A_2311 : vector<16xf32>
        %mul3A_2313 = arith.mulf %max3A_2308, %max3A_2312 : vector<16xf32>
        %sub3A_2314 = arith.subf %get3A_2295, %get3A_2285 : vector<16xf32>
        %sub3A_2315 = arith.subf %get3A_2300, %get3A_2290 : vector<16xf32>
        %mul3A_2316 = arith.mulf %sub3A_2314, %sub3A_2315 : vector<16xf32>
        %sub3A_2317 = arith.subf %gather3A_1351, %gather3A : vector<16xf32>
        %sub3A_2318 = arith.subf %gather3A_1355, %gather3A_1347 : vector<16xf32>
        %mul3A_2319 = arith.mulf %sub3A_2317, %sub3A_2318 : vector<16xf32>
        %add3A_2320 = arith.addf %mul3A_2316, %mul3A_2319 : vector<16xf32>
        %sub3A_2321 = arith.subf %add3A_2320, %mul3A_2313 : vector<16xf32>
        %max3A_2322 = arith.constant 9.99999997E-7 : f32
        %max3A_2323 = vector.broadcast %max3A_2322 : f32 to vector<16xf32>
        %max3A_2324 = arith.maximumf %sub3A_2321, %max3A_2323 : vector<16xf32>
        %div3A_2325 = arith.divf %mul3A_2313, %max3A_2324 : vector<16xf32>
        %mul3A_2326 = arith.constant 5.000000e+01 : f32
        %mul3A_2327 = vector.broadcast %mul3A_2326 : f32 to vector<16xf32>
        %mul3A_2328 = arith.mulf %div3A_2325, %mul3A_2327 : vector<16xf32>
        %convert_element_type3A_2329 = arith.fptosi %mul3A_2328 : vector<16xf32> to vector<16xi32>
        %min3A_2330 = arith.constant 49 : i32
        %min3A_2331 = vector.broadcast %min3A_2330 : i32 to vector<16xi32>
        %min3A_2332 = arith.minsi %convert_element_type3A_2329, %min3A_2331 : vector<16xi32>
        %ge3A_2333 = arith.constant 1 : i32
        %ge3A_2334 = vector.broadcast %ge3A_2333 : i32 to vector<16xi32>
        %ge3A_2335 = arith.cmpi sge, %min3A_2332, %ge3A_2334 : vector<16xi32>
        %jit3A_2336 = arith.constant 0.000000e+00 : f32
        %jit3A_2337 = arith.constant 1.000000e+00 : f32
        %broadcast_in_dim3A_2338 = vector.broadcast %jit3A_2336 : f32 to vector<16xf32>
        %broadcast_in_dim3A_2339 = vector.broadcast %jit3A_2337 : f32 to vector<16xf32>
        %select_n3A_2340 = arith.select %ge3A_2335, %broadcast_in_dim3A_2338, %broadcast_in_dim3A_2339 : vector<16xi1>, vector<16xf32>
        %add3A_2341 = arith.addf %add3A_2279, %select_n3A_2340 : vector<16xf32>
        %add3A_2342 = arith.addi %mul3A_537, %min3A_2332 : vector<16xi32>
        tpu.vector_store_idx %arg10[%add3A_2342], %broadcast_in_dim3A_3 masked %ge3A_2335 {add = true} : memref<1024xf32, #tpu.memory_space<vmem>>[vector<16xi32>], vector<16xf32>, vector<16xi1>
        %get3A_2343 = arith.constant 0 : i32
        %get3A_2344 = arith.index_cast %get3A_2343 : i32 to index
        %get3A_2345 = arith.index_cast %scan3A_1340 : i32 to index
        %get3A_2346 = arith.constant 256 : index
        %get3A_2347 = tpu.vector_load %arg5[%get3A_2344, %get3A_2345, %get3A_2346] {strides = array<i32>} : memref<4x32x512xf32, #tpu.memory_space<vmem>>, vector<16xf32>,
        %get3A_2348 = arith.constant 1 : i32
        %get3A_2349 = arith.index_cast %get3A_2348 : i32 to index
        %get3A_2350 = arith.index_cast %scan3A_1340 : i32 to index
        %get3A_2351 = arith.constant 256 : index
        %get3A_2352 = tpu.vector_load %arg5[%get3A_2349, %get3A_2350, %get3A_2351] {strides = array<i32>} : memref<4x32x512xf32, #tpu.memory_space<vmem>>, vector<16xf32>,
        %get3A_2353 = arith.constant 2 : i32
        %get3A_2354 = arith.index_cast %get3A_2353 : i32 to index
        %get3A_2355 = arith.index_cast %scan3A_1340 : i32 to index
        %get3A_2356 = arith.constant 256 : index
        %get3A_2357 = tpu.vector_load %arg5[%get3A_2354, %get3A_2355, %get3A_2356] {strides = array<i32>} : memref<4x32x512xf32, #tpu.memory_space<vmem>>, vector<16xf32>,
        %get3A_2358 = arith.constant 3 : i32
        %get3A_2359 = arith.index_cast %get3A_2358 : i32 to index
        %get3A_2360 = arith.index_cast %scan3A_1340 : i32 to index
        %get3A_2361 = arith.constant 256 : index
        %get3A_2362 = tpu.vector_load %arg5[%get3A_2359, %get3A_2360, %get3A_2361] {strides = array<i32>} : memref<4x32x512xf32, #tpu.memory_space<vmem>>, vector<16xf32>,
        %max3A_2363 = arith.maximumf %get3A_2347, %gather3A : vector<16xf32>
        %max3A_2364 = arith.maximumf %get3A_2352, %gather3A_1347 : vector<16xf32>
        %min3A_2365 = arith.minimumf %get3A_2357, %gather3A_1351 : vector<16xf32>
        %min3A_2366 = arith.minimumf %get3A_2362, %gather3A_1355 : vector<16xf32>
        %sub3A_2367 = arith.subf %min3A_2365, %max3A_2363 : vector<16xf32>
        %max3A_2368 = arith.constant 0.000000e+00 : f32
        %max3A_2369 = vector.broadcast %max3A_2368 : f32 to vector<16xf32>
        %max3A_2370 = arith.maximumf %sub3A_2367, %max3A_2369 : vector<16xf32>
        %sub3A_2371 = arith.subf %min3A_2366, %max3A_2364 : vector<16xf32>
        %max3A_2372 = arith.constant 0.000000e+00 : f32
        %max3A_2373 = vector.broadcast %max3A_2372 : f32 to vector<16xf32>
        %max3A_2374 = arith.maximumf %sub3A_2371, %max3A_2373 : vector<16xf32>
        %mul3A_2375 = arith.mulf %max3A_2370, %max3A_2374 : vector<16xf32>
        %sub3A_2376 = arith.subf %get3A_2357, %get3A_2347 : vector<16xf32>
        %sub3A_2377 = arith.subf %get3A_2362, %get3A_2352 : vector<16xf32>
        %mul3A_2378 = arith.mulf %sub3A_2376, %sub3A_2377 : vector<16xf32>
        %sub3A_2379 = arith.subf %gather3A_1351, %gather3A : vector<16xf32>
        %sub3A_2380 = arith.subf %gather3A_1355, %gather3A_1347 : vector<16xf32>
        %mul3A_2381 = arith.mulf %sub3A_2379, %sub3A_2380 : vector<16xf32>
        %add3A_2382 = arith.addf %mul3A_2378, %mul3A_2381 : vector<16xf32>
        %sub3A_2383 = arith.subf %add3A_2382, %mul3A_2375 : vector<16xf32>
        %max3A_2384 = arith.constant 9.99999997E-7 : f32
        %max3A_2385 = vector.broadcast %max3A_2384 : f32 to vector<16xf32>
        %max3A_2386 = arith.maximumf %sub3A_2383, %max3A_2385 : vector<16xf32>
        %div3A_2387 = arith.divf %mul3A_2375, %max3A_2386 : vector<16xf32>
        %mul3A_2388 = arith.constant 5.000000e+01 : f32
        %mul3A_2389 = vector.broadcast %mul3A_2388 : f32 to vector<16xf32>
        %mul3A_2390 = arith.mulf %div3A_2387, %mul3A_2389 : vector<16xf32>
        %convert_element_type3A_2391 = arith.fptosi %mul3A_2390 : vector<16xf32> to vector<16xi32>
        %min3A_2392 = arith.constant 49 : i32
        %min3A_2393 = vector.broadcast %min3A_2392 : i32 to vector<16xi32>
        %min3A_2394 = arith.minsi %convert_element_type3A_2391, %min3A_2393 : vector<16xi32>
        %ge3A_2395 = arith.constant 1 : i32
        %ge3A_2396 = vector.broadcast %ge3A_2395 : i32 to vector<16xi32>
        %ge3A_2397 = arith.cmpi sge, %min3A_2394, %ge3A_2396 : vector<16xi32>
        %jit3A_2398 = arith.constant 0.000000e+00 : f32
        %jit3A_2399 = arith.constant 1.000000e+00 : f32
        %broadcast_in_dim3A_2400 = vector.broadcast %jit3A_2398 : f32 to vector<16xf32>
        %broadcast_in_dim3A_2401 = vector.broadcast %jit3A_2399 : f32 to vector<16xf32>
        %select_n3A_2402 = arith.select %ge3A_2397, %broadcast_in_dim3A_2400, %broadcast_in_dim3A_2401 : vector<16xi1>, vector<16xf32>
        %add3A_2403 = arith.addf %add3A_2341, %select_n3A_2402 : vector<16xf32>
        %add3A_2404 = arith.addi %mul3A_537, %min3A_2394 : vector<16xi32>
        tpu.vector_store_idx %arg7[%add3A_2404], %broadcast_in_dim3A_3 masked %ge3A_2397 {add = true} : memref<1024xf32, #tpu.memory_space<vmem>>[vector<16xi32>], vector<16xf32>, vector<16xi1>
        %get3A_2405 = arith.constant 0 : i32
        %get3A_2406 = arith.index_cast %get3A_2405 : i32 to index
        %get3A_2407 = arith.index_cast %scan3A_1340 : i32 to index
        %get3A_2408 = arith.constant 272 : index
        %get3A_2409 = tpu.vector_load %arg5[%get3A_2406, %get3A_2407, %get3A_2408] {strides = array<i32>} : memref<4x32x512xf32, #tpu.memory_space<vmem>>, vector<16xf32>,
        %get3A_2410 = arith.constant 1 : i32
        %get3A_2411 = arith.index_cast %get3A_2410 : i32 to index
        %get3A_2412 = arith.index_cast %scan3A_1340 : i32 to index
        %get3A_2413 = arith.constant 272 : index
        %get3A_2414 = tpu.vector_load %arg5[%get3A_2411, %get3A_2412, %get3A_2413] {strides = array<i32>} : memref<4x32x512xf32, #tpu.memory_space<vmem>>, vector<16xf32>,
        %get3A_2415 = arith.constant 2 : i32
        %get3A_2416 = arith.index_cast %get3A_2415 : i32 to index
        %get3A_2417 = arith.index_cast %scan3A_1340 : i32 to index
        %get3A_2418 = arith.constant 272 : index
        %get3A_2419 = tpu.vector_load %arg5[%get3A_2416, %get3A_2417, %get3A_2418] {strides = array<i32>} : memref<4x32x512xf32, #tpu.memory_space<vmem>>, vector<16xf32>,
        %get3A_2420 = arith.constant 3 : i32
        %get3A_2421 = arith.index_cast %get3A_2420 : i32 to index
        %get3A_2422 = arith.index_cast %scan3A_1340 : i32 to index
        %get3A_2423 = arith.constant 272 : index
        %get3A_2424 = tpu.vector_load %arg5[%get3A_2421, %get3A_2422, %get3A_2423] {strides = array<i32>} : memref<4x32x512xf32, #tpu.memory_space<vmem>>, vector<16xf32>,
        %max3A_2425 = arith.maximumf %get3A_2409, %gather3A : vector<16xf32>
        %max3A_2426 = arith.maximumf %get3A_2414, %gather3A_1347 : vector<16xf32>
        %min3A_2427 = arith.minimumf %get3A_2419, %gather3A_1351 : vector<16xf32>
        %min3A_2428 = arith.minimumf %get3A_2424, %gather3A_1355 : vector<16xf32>
        %sub3A_2429 = arith.subf %min3A_2427, %max3A_2425 : vector<16xf32>
        %max3A_2430 = arith.constant 0.000000e+00 : f32
        %max3A_2431 = vector.broadcast %max3A_2430 : f32 to vector<16xf32>
        %max3A_2432 = arith.maximumf %sub3A_2429, %max3A_2431 : vector<16xf32>
        %sub3A_2433 = arith.subf %min3A_2428, %max3A_2426 : vector<16xf32>
        %max3A_2434 = arith.constant 0.000000e+00 : f32
        %max3A_2435 = vector.broadcast %max3A_2434 : f32 to vector<16xf32>
        %max3A_2436 = arith.maximumf %sub3A_2433, %max3A_2435 : vector<16xf32>
        %mul3A_2437 = arith.mulf %max3A_2432, %max3A_2436 : vector<16xf32>
        %sub3A_2438 = arith.subf %get3A_2419, %get3A_2409 : vector<16xf32>
        %sub3A_2439 = arith.subf %get3A_2424, %get3A_2414 : vector<16xf32>
        %mul3A_2440 = arith.mulf %sub3A_2438, %sub3A_2439 : vector<16xf32>
        %sub3A_2441 = arith.subf %gather3A_1351, %gather3A : vector<16xf32>
        %sub3A_2442 = arith.subf %gather3A_1355, %gather3A_1347 : vector<16xf32>
        %mul3A_2443 = arith.mulf %sub3A_2441, %sub3A_2442 : vector<16xf32>
        %add3A_2444 = arith.addf %mul3A_2440, %mul3A_2443 : vector<16xf32>
        %sub3A_2445 = arith.subf %add3A_2444, %mul3A_2437 : vector<16xf32>
        %max3A_2446 = arith.constant 9.99999997E-7 : f32
        %max3A_2447 = vector.broadcast %max3A_2446 : f32 to vector<16xf32>
        %max3A_2448 = arith.maximumf %sub3A_2445, %max3A_2447 : vector<16xf32>
        %div3A_2449 = arith.divf %mul3A_2437, %max3A_2448 : vector<16xf32>
        %mul3A_2450 = arith.constant 5.000000e+01 : f32
        %mul3A_2451 = vector.broadcast %mul3A_2450 : f32 to vector<16xf32>
        %mul3A_2452 = arith.mulf %div3A_2449, %mul3A_2451 : vector<16xf32>
        %convert_element_type3A_2453 = arith.fptosi %mul3A_2452 : vector<16xf32> to vector<16xi32>
        %min3A_2454 = arith.constant 49 : i32
        %min3A_2455 = vector.broadcast %min3A_2454 : i32 to vector<16xi32>
        %min3A_2456 = arith.minsi %convert_element_type3A_2453, %min3A_2455 : vector<16xi32>
        %ge3A_2457 = arith.constant 1 : i32
        %ge3A_2458 = vector.broadcast %ge3A_2457 : i32 to vector<16xi32>
        %ge3A_2459 = arith.cmpi sge, %min3A_2456, %ge3A_2458 : vector<16xi32>
        %jit3A_2460 = arith.constant 0.000000e+00 : f32
        %jit3A_2461 = arith.constant 1.000000e+00 : f32
        %broadcast_in_dim3A_2462 = vector.broadcast %jit3A_2460 : f32 to vector<16xf32>
        %broadcast_in_dim3A_2463 = vector.broadcast %jit3A_2461 : f32 to vector<16xf32>
        %select_n3A_2464 = arith.select %ge3A_2459, %broadcast_in_dim3A_2462, %broadcast_in_dim3A_2463 : vector<16xi1>, vector<16xf32>
        %add3A_2465 = arith.addf %add3A_2403, %select_n3A_2464 : vector<16xf32>
        %add3A_2466 = arith.addi %mul3A_537, %min3A_2456 : vector<16xi32>
        tpu.vector_store_idx %arg8[%add3A_2466], %broadcast_in_dim3A_3 masked %ge3A_2459 {add = true} : memref<1024xf32, #tpu.memory_space<vmem>>[vector<16xi32>], vector<16xf32>, vector<16xi1>
        %get3A_2467 = arith.constant 0 : i32
        %get3A_2468 = arith.index_cast %get3A_2467 : i32 to index
        %get3A_2469 = arith.index_cast %scan3A_1340 : i32 to index
        %get3A_2470 = arith.constant 288 : index
        %get3A_2471 = tpu.vector_load %arg5[%get3A_2468, %get3A_2469, %get3A_2470] {strides = array<i32>} : memref<4x32x512xf32, #tpu.memory_space<vmem>>, vector<16xf32>,
        %get3A_2472 = arith.constant 1 : i32
        %get3A_2473 = arith.index_cast %get3A_2472 : i32 to index
        %get3A_2474 = arith.index_cast %scan3A_1340 : i32 to index
        %get3A_2475 = arith.constant 288 : index
        %get3A_2476 = tpu.vector_load %arg5[%get3A_2473, %get3A_2474, %get3A_2475] {strides = array<i32>} : memref<4x32x512xf32, #tpu.memory_space<vmem>>, vector<16xf32>,
        %get3A_2477 = arith.constant 2 : i32
        %get3A_2478 = arith.index_cast %get3A_2477 : i32 to index
        %get3A_2479 = arith.index_cast %scan3A_1340 : i32 to index
        %get3A_2480 = arith.constant 288 : index
        %get3A_2481 = tpu.vector_load %arg5[%get3A_2478, %get3A_2479, %get3A_2480] {strides = array<i32>} : memref<4x32x512xf32, #tpu.memory_space<vmem>>, vector<16xf32>,
        %get3A_2482 = arith.constant 3 : i32
        %get3A_2483 = arith.index_cast %get3A_2482 : i32 to index
        %get3A_2484 = arith.index_cast %scan3A_1340 : i32 to index
        %get3A_2485 = arith.constant 288 : index
        %get3A_2486 = tpu.vector_load %arg5[%get3A_2483, %get3A_2484, %get3A_2485] {strides = array<i32>} : memref<4x32x512xf32, #tpu.memory_space<vmem>>, vector<16xf32>,
        %max3A_2487 = arith.maximumf %get3A_2471, %gather3A : vector<16xf32>
        %max3A_2488 = arith.maximumf %get3A_2476, %gather3A_1347 : vector<16xf32>
        %min3A_2489 = arith.minimumf %get3A_2481, %gather3A_1351 : vector<16xf32>
        %min3A_2490 = arith.minimumf %get3A_2486, %gather3A_1355 : vector<16xf32>
        %sub3A_2491 = arith.subf %min3A_2489, %max3A_2487 : vector<16xf32>
        %max3A_2492 = arith.constant 0.000000e+00 : f32
        %max3A_2493 = vector.broadcast %max3A_2492 : f32 to vector<16xf32>
        %max3A_2494 = arith.maximumf %sub3A_2491, %max3A_2493 : vector<16xf32>
        %sub3A_2495 = arith.subf %min3A_2490, %max3A_2488 : vector<16xf32>
        %max3A_2496 = arith.constant 0.000000e+00 : f32
        %max3A_2497 = vector.broadcast %max3A_2496 : f32 to vector<16xf32>
        %max3A_2498 = arith.maximumf %sub3A_2495, %max3A_2497 : vector<16xf32>
        %mul3A_2499 = arith.mulf %max3A_2494, %max3A_2498 : vector<16xf32>
        %sub3A_2500 = arith.subf %get3A_2481, %get3A_2471 : vector<16xf32>
        %sub3A_2501 = arith.subf %get3A_2486, %get3A_2476 : vector<16xf32>
        %mul3A_2502 = arith.mulf %sub3A_2500, %sub3A_2501 : vector<16xf32>
        %sub3A_2503 = arith.subf %gather3A_1351, %gather3A : vector<16xf32>
        %sub3A_2504 = arith.subf %gather3A_1355, %gather3A_1347 : vector<16xf32>
        %mul3A_2505 = arith.mulf %sub3A_2503, %sub3A_2504 : vector<16xf32>
        %add3A_2506 = arith.addf %mul3A_2502, %mul3A_2505 : vector<16xf32>
        %sub3A_2507 = arith.subf %add3A_2506, %mul3A_2499 : vector<16xf32>
        %max3A_2508 = arith.constant 9.99999997E-7 : f32
        %max3A_2509 = vector.broadcast %max3A_2508 : f32 to vector<16xf32>
        %max3A_2510 = arith.maximumf %sub3A_2507, %max3A_2509 : vector<16xf32>
        %div3A_2511 = arith.divf %mul3A_2499, %max3A_2510 : vector<16xf32>
        %mul3A_2512 = arith.constant 5.000000e+01 : f32
        %mul3A_2513 = vector.broadcast %mul3A_2512 : f32 to vector<16xf32>
        %mul3A_2514 = arith.mulf %div3A_2511, %mul3A_2513 : vector<16xf32>
        %convert_element_type3A_2515 = arith.fptosi %mul3A_2514 : vector<16xf32> to vector<16xi32>
        %min3A_2516 = arith.constant 49 : i32
        %min3A_2517 = vector.broadcast %min3A_2516 : i32 to vector<16xi32>
        %min3A_2518 = arith.minsi %convert_element_type3A_2515, %min3A_2517 : vector<16xi32>
        %ge3A_2519 = arith.constant 1 : i32
        %ge3A_2520 = vector.broadcast %ge3A_2519 : i32 to vector<16xi32>
        %ge3A_2521 = arith.cmpi sge, %min3A_2518, %ge3A_2520 : vector<16xi32>
        %jit3A_2522 = arith.constant 0.000000e+00 : f32
        %jit3A_2523 = arith.constant 1.000000e+00 : f32
        %broadcast_in_dim3A_2524 = vector.broadcast %jit3A_2522 : f32 to vector<16xf32>
        %broadcast_in_dim3A_2525 = vector.broadcast %jit3A_2523 : f32 to vector<16xf32>
        %select_n3A_2526 = arith.select %ge3A_2521, %broadcast_in_dim3A_2524, %broadcast_in_dim3A_2525 : vector<16xi1>, vector<16xf32>
        %add3A_2527 = arith.addf %add3A_2465, %select_n3A_2526 : vector<16xf32>
        %add3A_2528 = arith.addi %mul3A_537, %min3A_2518 : vector<16xi32>
        tpu.vector_store_idx %arg9[%add3A_2528], %broadcast_in_dim3A_3 masked %ge3A_2521 {add = true} : memref<1024xf32, #tpu.memory_space<vmem>>[vector<16xi32>], vector<16xf32>, vector<16xi1>
        %get3A_2529 = arith.constant 0 : i32
        %get3A_2530 = arith.index_cast %get3A_2529 : i32 to index
        %get3A_2531 = arith.index_cast %scan3A_1340 : i32 to index
        %get3A_2532 = arith.constant 304 : index
        %get3A_2533 = tpu.vector_load %arg5[%get3A_2530, %get3A_2531, %get3A_2532] {strides = array<i32>} : memref<4x32x512xf32, #tpu.memory_space<vmem>>, vector<16xf32>,
        %get3A_2534 = arith.constant 1 : i32
        %get3A_2535 = arith.index_cast %get3A_2534 : i32 to index
        %get3A_2536 = arith.index_cast %scan3A_1340 : i32 to index
        %get3A_2537 = arith.constant 304 : index
        %get3A_2538 = tpu.vector_load %arg5[%get3A_2535, %get3A_2536, %get3A_2537] {strides = array<i32>} : memref<4x32x512xf32, #tpu.memory_space<vmem>>, vector<16xf32>,
        %get3A_2539 = arith.constant 2 : i32
        %get3A_2540 = arith.index_cast %get3A_2539 : i32 to index
        %get3A_2541 = arith.index_cast %scan3A_1340 : i32 to index
        %get3A_2542 = arith.constant 304 : index
        %get3A_2543 = tpu.vector_load %arg5[%get3A_2540, %get3A_2541, %get3A_2542] {strides = array<i32>} : memref<4x32x512xf32, #tpu.memory_space<vmem>>, vector<16xf32>,
        %get3A_2544 = arith.constant 3 : i32
        %get3A_2545 = arith.index_cast %get3A_2544 : i32 to index
        %get3A_2546 = arith.index_cast %scan3A_1340 : i32 to index
        %get3A_2547 = arith.constant 304 : index
        %get3A_2548 = tpu.vector_load %arg5[%get3A_2545, %get3A_2546, %get3A_2547] {strides = array<i32>} : memref<4x32x512xf32, #tpu.memory_space<vmem>>, vector<16xf32>,
        %max3A_2549 = arith.maximumf %get3A_2533, %gather3A : vector<16xf32>
        %max3A_2550 = arith.maximumf %get3A_2538, %gather3A_1347 : vector<16xf32>
        %min3A_2551 = arith.minimumf %get3A_2543, %gather3A_1351 : vector<16xf32>
        %min3A_2552 = arith.minimumf %get3A_2548, %gather3A_1355 : vector<16xf32>
        %sub3A_2553 = arith.subf %min3A_2551, %max3A_2549 : vector<16xf32>
        %max3A_2554 = arith.constant 0.000000e+00 : f32
        %max3A_2555 = vector.broadcast %max3A_2554 : f32 to vector<16xf32>
        %max3A_2556 = arith.maximumf %sub3A_2553, %max3A_2555 : vector<16xf32>
        %sub3A_2557 = arith.subf %min3A_2552, %max3A_2550 : vector<16xf32>
        %max3A_2558 = arith.constant 0.000000e+00 : f32
        %max3A_2559 = vector.broadcast %max3A_2558 : f32 to vector<16xf32>
        %max3A_2560 = arith.maximumf %sub3A_2557, %max3A_2559 : vector<16xf32>
        %mul3A_2561 = arith.mulf %max3A_2556, %max3A_2560 : vector<16xf32>
        %sub3A_2562 = arith.subf %get3A_2543, %get3A_2533 : vector<16xf32>
        %sub3A_2563 = arith.subf %get3A_2548, %get3A_2538 : vector<16xf32>
        %mul3A_2564 = arith.mulf %sub3A_2562, %sub3A_2563 : vector<16xf32>
        %sub3A_2565 = arith.subf %gather3A_1351, %gather3A : vector<16xf32>
        %sub3A_2566 = arith.subf %gather3A_1355, %gather3A_1347 : vector<16xf32>
        %mul3A_2567 = arith.mulf %sub3A_2565, %sub3A_2566 : vector<16xf32>
        %add3A_2568 = arith.addf %mul3A_2564, %mul3A_2567 : vector<16xf32>
        %sub3A_2569 = arith.subf %add3A_2568, %mul3A_2561 : vector<16xf32>
        %max3A_2570 = arith.constant 9.99999997E-7 : f32
        %max3A_2571 = vector.broadcast %max3A_2570 : f32 to vector<16xf32>
        %max3A_2572 = arith.maximumf %sub3A_2569, %max3A_2571 : vector<16xf32>
        %div3A_2573 = arith.divf %mul3A_2561, %max3A_2572 : vector<16xf32>
        %mul3A_2574 = arith.constant 5.000000e+01 : f32
        %mul3A_2575 = vector.broadcast %mul3A_2574 : f32 to vector<16xf32>
        %mul3A_2576 = arith.mulf %div3A_2573, %mul3A_2575 : vector<16xf32>
        %convert_element_type3A_2577 = arith.fptosi %mul3A_2576 : vector<16xf32> to vector<16xi32>
        %min3A_2578 = arith.constant 49 : i32
        %min3A_2579 = vector.broadcast %min3A_2578 : i32 to vector<16xi32>
        %min3A_2580 = arith.minsi %convert_element_type3A_2577, %min3A_2579 : vector<16xi32>
        %ge3A_2581 = arith.constant 1 : i32
        %ge3A_2582 = vector.broadcast %ge3A_2581 : i32 to vector<16xi32>
        %ge3A_2583 = arith.cmpi sge, %min3A_2580, %ge3A_2582 : vector<16xi32>
        %jit3A_2584 = arith.constant 0.000000e+00 : f32
        %jit3A_2585 = arith.constant 1.000000e+00 : f32
        %broadcast_in_dim3A_2586 = vector.broadcast %jit3A_2584 : f32 to vector<16xf32>
        %broadcast_in_dim3A_2587 = vector.broadcast %jit3A_2585 : f32 to vector<16xf32>
        %select_n3A_2588 = arith.select %ge3A_2583, %broadcast_in_dim3A_2586, %broadcast_in_dim3A_2587 : vector<16xi1>, vector<16xf32>
        %add3A_2589 = arith.addf %add3A_2527, %select_n3A_2588 : vector<16xf32>
        %add3A_2590 = arith.addi %mul3A_537, %min3A_2580 : vector<16xi32>
        tpu.vector_store_idx %arg10[%add3A_2590], %broadcast_in_dim3A_3 masked %ge3A_2583 {add = true} : memref<1024xf32, #tpu.memory_space<vmem>>[vector<16xi32>], vector<16xf32>, vector<16xi1>
        %get3A_2591 = arith.constant 0 : i32
        %get3A_2592 = arith.index_cast %get3A_2591 : i32 to index
        %get3A_2593 = arith.index_cast %scan3A_1340 : i32 to index
        %get3A_2594 = arith.constant 320 : index
        %get3A_2595 = tpu.vector_load %arg5[%get3A_2592, %get3A_2593, %get3A_2594] {strides = array<i32>} : memref<4x32x512xf32, #tpu.memory_space<vmem>>, vector<16xf32>,
        %get3A_2596 = arith.constant 1 : i32
        %get3A_2597 = arith.index_cast %get3A_2596 : i32 to index
        %get3A_2598 = arith.index_cast %scan3A_1340 : i32 to index
        %get3A_2599 = arith.constant 320 : index
        %get3A_2600 = tpu.vector_load %arg5[%get3A_2597, %get3A_2598, %get3A_2599] {strides = array<i32>} : memref<4x32x512xf32, #tpu.memory_space<vmem>>, vector<16xf32>,
        %get3A_2601 = arith.constant 2 : i32
        %get3A_2602 = arith.index_cast %get3A_2601 : i32 to index
        %get3A_2603 = arith.index_cast %scan3A_1340 : i32 to index
        %get3A_2604 = arith.constant 320 : index
        %get3A_2605 = tpu.vector_load %arg5[%get3A_2602, %get3A_2603, %get3A_2604] {strides = array<i32>} : memref<4x32x512xf32, #tpu.memory_space<vmem>>, vector<16xf32>,
        %get3A_2606 = arith.constant 3 : i32
        %get3A_2607 = arith.index_cast %get3A_2606 : i32 to index
        %get3A_2608 = arith.index_cast %scan3A_1340 : i32 to index
        %get3A_2609 = arith.constant 320 : index
        %get3A_2610 = tpu.vector_load %arg5[%get3A_2607, %get3A_2608, %get3A_2609] {strides = array<i32>} : memref<4x32x512xf32, #tpu.memory_space<vmem>>, vector<16xf32>,
        %max3A_2611 = arith.maximumf %get3A_2595, %gather3A : vector<16xf32>
        %max3A_2612 = arith.maximumf %get3A_2600, %gather3A_1347 : vector<16xf32>
        %min3A_2613 = arith.minimumf %get3A_2605, %gather3A_1351 : vector<16xf32>
        %min3A_2614 = arith.minimumf %get3A_2610, %gather3A_1355 : vector<16xf32>
        %sub3A_2615 = arith.subf %min3A_2613, %max3A_2611 : vector<16xf32>
        %max3A_2616 = arith.constant 0.000000e+00 : f32
        %max3A_2617 = vector.broadcast %max3A_2616 : f32 to vector<16xf32>
        %max3A_2618 = arith.maximumf %sub3A_2615, %max3A_2617 : vector<16xf32>
        %sub3A_2619 = arith.subf %min3A_2614, %max3A_2612 : vector<16xf32>
        %max3A_2620 = arith.constant 0.000000e+00 : f32
        %max3A_2621 = vector.broadcast %max3A_2620 : f32 to vector<16xf32>
        %max3A_2622 = arith.maximumf %sub3A_2619, %max3A_2621 : vector<16xf32>
        %mul3A_2623 = arith.mulf %max3A_2618, %max3A_2622 : vector<16xf32>
        %sub3A_2624 = arith.subf %get3A_2605, %get3A_2595 : vector<16xf32>
        %sub3A_2625 = arith.subf %get3A_2610, %get3A_2600 : vector<16xf32>
        %mul3A_2626 = arith.mulf %sub3A_2624, %sub3A_2625 : vector<16xf32>
        %sub3A_2627 = arith.subf %gather3A_1351, %gather3A : vector<16xf32>
        %sub3A_2628 = arith.subf %gather3A_1355, %gather3A_1347 : vector<16xf32>
        %mul3A_2629 = arith.mulf %sub3A_2627, %sub3A_2628 : vector<16xf32>
        %add3A_2630 = arith.addf %mul3A_2626, %mul3A_2629 : vector<16xf32>
        %sub3A_2631 = arith.subf %add3A_2630, %mul3A_2623 : vector<16xf32>
        %max3A_2632 = arith.constant 9.99999997E-7 : f32
        %max3A_2633 = vector.broadcast %max3A_2632 : f32 to vector<16xf32>
        %max3A_2634 = arith.maximumf %sub3A_2631, %max3A_2633 : vector<16xf32>
        %div3A_2635 = arith.divf %mul3A_2623, %max3A_2634 : vector<16xf32>
        %mul3A_2636 = arith.constant 5.000000e+01 : f32
        %mul3A_2637 = vector.broadcast %mul3A_2636 : f32 to vector<16xf32>
        %mul3A_2638 = arith.mulf %div3A_2635, %mul3A_2637 : vector<16xf32>
        %convert_element_type3A_2639 = arith.fptosi %mul3A_2638 : vector<16xf32> to vector<16xi32>
        %min3A_2640 = arith.constant 49 : i32
        %min3A_2641 = vector.broadcast %min3A_2640 : i32 to vector<16xi32>
        %min3A_2642 = arith.minsi %convert_element_type3A_2639, %min3A_2641 : vector<16xi32>
        %ge3A_2643 = arith.constant 1 : i32
        %ge3A_2644 = vector.broadcast %ge3A_2643 : i32 to vector<16xi32>
        %ge3A_2645 = arith.cmpi sge, %min3A_2642, %ge3A_2644 : vector<16xi32>
        %jit3A_2646 = arith.constant 0.000000e+00 : f32
        %jit3A_2647 = arith.constant 1.000000e+00 : f32
        %broadcast_in_dim3A_2648 = vector.broadcast %jit3A_2646 : f32 to vector<16xf32>
        %broadcast_in_dim3A_2649 = vector.broadcast %jit3A_2647 : f32 to vector<16xf32>
        %select_n3A_2650 = arith.select %ge3A_2645, %broadcast_in_dim3A_2648, %broadcast_in_dim3A_2649 : vector<16xi1>, vector<16xf32>
        %add3A_2651 = arith.addf %add3A_2589, %select_n3A_2650 : vector<16xf32>
        %add3A_2652 = arith.addi %mul3A_537, %min3A_2642 : vector<16xi32>
        tpu.vector_store_idx %arg7[%add3A_2652], %broadcast_in_dim3A_3 masked %ge3A_2645 {add = true} : memref<1024xf32, #tpu.memory_space<vmem>>[vector<16xi32>], vector<16xf32>, vector<16xi1>
        %get3A_2653 = arith.constant 0 : i32
        %get3A_2654 = arith.index_cast %get3A_2653 : i32 to index
        %get3A_2655 = arith.index_cast %scan3A_1340 : i32 to index
        %get3A_2656 = arith.constant 336 : index
        %get3A_2657 = tpu.vector_load %arg5[%get3A_2654, %get3A_2655, %get3A_2656] {strides = array<i32>} : memref<4x32x512xf32, #tpu.memory_space<vmem>>, vector<16xf32>,
        %get3A_2658 = arith.constant 1 : i32
        %get3A_2659 = arith.index_cast %get3A_2658 : i32 to index
        %get3A_2660 = arith.index_cast %scan3A_1340 : i32 to index
        %get3A_2661 = arith.constant 336 : index
        %get3A_2662 = tpu.vector_load %arg5[%get3A_2659, %get3A_2660, %get3A_2661] {strides = array<i32>} : memref<4x32x512xf32, #tpu.memory_space<vmem>>, vector<16xf32>,
        %get3A_2663 = arith.constant 2 : i32
        %get3A_2664 = arith.index_cast %get3A_2663 : i32 to index
        %get3A_2665 = arith.index_cast %scan3A_1340 : i32 to index
        %get3A_2666 = arith.constant 336 : index
        %get3A_2667 = tpu.vector_load %arg5[%get3A_2664, %get3A_2665, %get3A_2666] {strides = array<i32>} : memref<4x32x512xf32, #tpu.memory_space<vmem>>, vector<16xf32>,
        %get3A_2668 = arith.constant 3 : i32
        %get3A_2669 = arith.index_cast %get3A_2668 : i32 to index
        %get3A_2670 = arith.index_cast %scan3A_1340 : i32 to index
        %get3A_2671 = arith.constant 336 : index
        %get3A_2672 = tpu.vector_load %arg5[%get3A_2669, %get3A_2670, %get3A_2671] {strides = array<i32>} : memref<4x32x512xf32, #tpu.memory_space<vmem>>, vector<16xf32>,
        %max3A_2673 = arith.maximumf %get3A_2657, %gather3A : vector<16xf32>
        %max3A_2674 = arith.maximumf %get3A_2662, %gather3A_1347 : vector<16xf32>
        %min3A_2675 = arith.minimumf %get3A_2667, %gather3A_1351 : vector<16xf32>
        %min3A_2676 = arith.minimumf %get3A_2672, %gather3A_1355 : vector<16xf32>
        %sub3A_2677 = arith.subf %min3A_2675, %max3A_2673 : vector<16xf32>
        %max3A_2678 = arith.constant 0.000000e+00 : f32
        %max3A_2679 = vector.broadcast %max3A_2678 : f32 to vector<16xf32>
        %max3A_2680 = arith.maximumf %sub3A_2677, %max3A_2679 : vector<16xf32>
        %sub3A_2681 = arith.subf %min3A_2676, %max3A_2674 : vector<16xf32>
        %max3A_2682 = arith.constant 0.000000e+00 : f32
        %max3A_2683 = vector.broadcast %max3A_2682 : f32 to vector<16xf32>
        %max3A_2684 = arith.maximumf %sub3A_2681, %max3A_2683 : vector<16xf32>
        %mul3A_2685 = arith.mulf %max3A_2680, %max3A_2684 : vector<16xf32>
        %sub3A_2686 = arith.subf %get3A_2667, %get3A_2657 : vector<16xf32>
        %sub3A_2687 = arith.subf %get3A_2672, %get3A_2662 : vector<16xf32>
        %mul3A_2688 = arith.mulf %sub3A_2686, %sub3A_2687 : vector<16xf32>
        %sub3A_2689 = arith.subf %gather3A_1351, %gather3A : vector<16xf32>
        %sub3A_2690 = arith.subf %gather3A_1355, %gather3A_1347 : vector<16xf32>
        %mul3A_2691 = arith.mulf %sub3A_2689, %sub3A_2690 : vector<16xf32>
        %add3A_2692 = arith.addf %mul3A_2688, %mul3A_2691 : vector<16xf32>
        %sub3A_2693 = arith.subf %add3A_2692, %mul3A_2685 : vector<16xf32>
        %max3A_2694 = arith.constant 9.99999997E-7 : f32
        %max3A_2695 = vector.broadcast %max3A_2694 : f32 to vector<16xf32>
        %max3A_2696 = arith.maximumf %sub3A_2693, %max3A_2695 : vector<16xf32>
        %div3A_2697 = arith.divf %mul3A_2685, %max3A_2696 : vector<16xf32>
        %mul3A_2698 = arith.constant 5.000000e+01 : f32
        %mul3A_2699 = vector.broadcast %mul3A_2698 : f32 to vector<16xf32>
        %mul3A_2700 = arith.mulf %div3A_2697, %mul3A_2699 : vector<16xf32>
        %convert_element_type3A_2701 = arith.fptosi %mul3A_2700 : vector<16xf32> to vector<16xi32>
        %min3A_2702 = arith.constant 49 : i32
        %min3A_2703 = vector.broadcast %min3A_2702 : i32 to vector<16xi32>
        %min3A_2704 = arith.minsi %convert_element_type3A_2701, %min3A_2703 : vector<16xi32>
        %ge3A_2705 = arith.constant 1 : i32
        %ge3A_2706 = vector.broadcast %ge3A_2705 : i32 to vector<16xi32>
        %ge3A_2707 = arith.cmpi sge, %min3A_2704, %ge3A_2706 : vector<16xi32>
        %jit3A_2708 = arith.constant 0.000000e+00 : f32
        %jit3A_2709 = arith.constant 1.000000e+00 : f32
        %broadcast_in_dim3A_2710 = vector.broadcast %jit3A_2708 : f32 to vector<16xf32>
        %broadcast_in_dim3A_2711 = vector.broadcast %jit3A_2709 : f32 to vector<16xf32>
        %select_n3A_2712 = arith.select %ge3A_2707, %broadcast_in_dim3A_2710, %broadcast_in_dim3A_2711 : vector<16xi1>, vector<16xf32>
        %add3A_2713 = arith.addf %add3A_2651, %select_n3A_2712 : vector<16xf32>
        %add3A_2714 = arith.addi %mul3A_537, %min3A_2704 : vector<16xi32>
        tpu.vector_store_idx %arg8[%add3A_2714], %broadcast_in_dim3A_3 masked %ge3A_2707 {add = true} : memref<1024xf32, #tpu.memory_space<vmem>>[vector<16xi32>], vector<16xf32>, vector<16xi1>
        %get3A_2715 = arith.constant 0 : i32
        %get3A_2716 = arith.index_cast %get3A_2715 : i32 to index
        %get3A_2717 = arith.index_cast %scan3A_1340 : i32 to index
        %get3A_2718 = arith.constant 352 : index
        %get3A_2719 = tpu.vector_load %arg5[%get3A_2716, %get3A_2717, %get3A_2718] {strides = array<i32>} : memref<4x32x512xf32, #tpu.memory_space<vmem>>, vector<16xf32>,
        %get3A_2720 = arith.constant 1 : i32
        %get3A_2721 = arith.index_cast %get3A_2720 : i32 to index
        %get3A_2722 = arith.index_cast %scan3A_1340 : i32 to index
        %get3A_2723 = arith.constant 352 : index
        %get3A_2724 = tpu.vector_load %arg5[%get3A_2721, %get3A_2722, %get3A_2723] {strides = array<i32>} : memref<4x32x512xf32, #tpu.memory_space<vmem>>, vector<16xf32>,
        %get3A_2725 = arith.constant 2 : i32
        %get3A_2726 = arith.index_cast %get3A_2725 : i32 to index
        %get3A_2727 = arith.index_cast %scan3A_1340 : i32 to index
        %get3A_2728 = arith.constant 352 : index
        %get3A_2729 = tpu.vector_load %arg5[%get3A_2726, %get3A_2727, %get3A_2728] {strides = array<i32>} : memref<4x32x512xf32, #tpu.memory_space<vmem>>, vector<16xf32>,
        %get3A_2730 = arith.constant 3 : i32
        %get3A_2731 = arith.index_cast %get3A_2730 : i32 to index
        %get3A_2732 = arith.index_cast %scan3A_1340 : i32 to index
        %get3A_2733 = arith.constant 352 : index
        %get3A_2734 = tpu.vector_load %arg5[%get3A_2731, %get3A_2732, %get3A_2733] {strides = array<i32>} : memref<4x32x512xf32, #tpu.memory_space<vmem>>, vector<16xf32>,
        %max3A_2735 = arith.maximumf %get3A_2719, %gather3A : vector<16xf32>
        %max3A_2736 = arith.maximumf %get3A_2724, %gather3A_1347 : vector<16xf32>
        %min3A_2737 = arith.minimumf %get3A_2729, %gather3A_1351 : vector<16xf32>
        %min3A_2738 = arith.minimumf %get3A_2734, %gather3A_1355 : vector<16xf32>
        %sub3A_2739 = arith.subf %min3A_2737, %max3A_2735 : vector<16xf32>
        %max3A_2740 = arith.constant 0.000000e+00 : f32
        %max3A_2741 = vector.broadcast %max3A_2740 : f32 to vector<16xf32>
        %max3A_2742 = arith.maximumf %sub3A_2739, %max3A_2741 : vector<16xf32>
        %sub3A_2743 = arith.subf %min3A_2738, %max3A_2736 : vector<16xf32>
        %max3A_2744 = arith.constant 0.000000e+00 : f32
        %max3A_2745 = vector.broadcast %max3A_2744 : f32 to vector<16xf32>
        %max3A_2746 = arith.maximumf %sub3A_2743, %max3A_2745 : vector<16xf32>
        %mul3A_2747 = arith.mulf %max3A_2742, %max3A_2746 : vector<16xf32>
        %sub3A_2748 = arith.subf %get3A_2729, %get3A_2719 : vector<16xf32>
        %sub3A_2749 = arith.subf %get3A_2734, %get3A_2724 : vector<16xf32>
        %mul3A_2750 = arith.mulf %sub3A_2748, %sub3A_2749 : vector<16xf32>
        %sub3A_2751 = arith.subf %gather3A_1351, %gather3A : vector<16xf32>
        %sub3A_2752 = arith.subf %gather3A_1355, %gather3A_1347 : vector<16xf32>
        %mul3A_2753 = arith.mulf %sub3A_2751, %sub3A_2752 : vector<16xf32>
        %add3A_2754 = arith.addf %mul3A_2750, %mul3A_2753 : vector<16xf32>
        %sub3A_2755 = arith.subf %add3A_2754, %mul3A_2747 : vector<16xf32>
        %max3A_2756 = arith.constant 9.99999997E-7 : f32
        %max3A_2757 = vector.broadcast %max3A_2756 : f32 to vector<16xf32>
        %max3A_2758 = arith.maximumf %sub3A_2755, %max3A_2757 : vector<16xf32>
        %div3A_2759 = arith.divf %mul3A_2747, %max3A_2758 : vector<16xf32>
        %mul3A_2760 = arith.constant 5.000000e+01 : f32
        %mul3A_2761 = vector.broadcast %mul3A_2760 : f32 to vector<16xf32>
        %mul3A_2762 = arith.mulf %div3A_2759, %mul3A_2761 : vector<16xf32>
        %convert_element_type3A_2763 = arith.fptosi %mul3A_2762 : vector<16xf32> to vector<16xi32>
        %min3A_2764 = arith.constant 49 : i32
        %min3A_2765 = vector.broadcast %min3A_2764 : i32 to vector<16xi32>
        %min3A_2766 = arith.minsi %convert_element_type3A_2763, %min3A_2765 : vector<16xi32>
        %ge3A_2767 = arith.constant 1 : i32
        %ge3A_2768 = vector.broadcast %ge3A_2767 : i32 to vector<16xi32>
        %ge3A_2769 = arith.cmpi sge, %min3A_2766, %ge3A_2768 : vector<16xi32>
        %jit3A_2770 = arith.constant 0.000000e+00 : f32
        %jit3A_2771 = arith.constant 1.000000e+00 : f32
        %broadcast_in_dim3A_2772 = vector.broadcast %jit3A_2770 : f32 to vector<16xf32>
        %broadcast_in_dim3A_2773 = vector.broadcast %jit3A_2771 : f32 to vector<16xf32>
        %select_n3A_2774 = arith.select %ge3A_2769, %broadcast_in_dim3A_2772, %broadcast_in_dim3A_2773 : vector<16xi1>, vector<16xf32>
        %add3A_2775 = arith.addf %add3A_2713, %select_n3A_2774 : vector<16xf32>
        %add3A_2776 = arith.addi %mul3A_537, %min3A_2766 : vector<16xi32>
        tpu.vector_store_idx %arg9[%add3A_2776], %broadcast_in_dim3A_3 masked %ge3A_2769 {add = true} : memref<1024xf32, #tpu.memory_space<vmem>>[vector<16xi32>], vector<16xf32>, vector<16xi1>
        %get3A_2777 = arith.constant 0 : i32
        %get3A_2778 = arith.index_cast %get3A_2777 : i32 to index
        %get3A_2779 = arith.index_cast %scan3A_1340 : i32 to index
        %get3A_2780 = arith.constant 368 : index
        %get3A_2781 = tpu.vector_load %arg5[%get3A_2778, %get3A_2779, %get3A_2780] {strides = array<i32>} : memref<4x32x512xf32, #tpu.memory_space<vmem>>, vector<16xf32>,
        %get3A_2782 = arith.constant 1 : i32
        %get3A_2783 = arith.index_cast %get3A_2782 : i32 to index
        %get3A_2784 = arith.index_cast %scan3A_1340 : i32 to index
        %get3A_2785 = arith.constant 368 : index
        %get3A_2786 = tpu.vector_load %arg5[%get3A_2783, %get3A_2784, %get3A_2785] {strides = array<i32>} : memref<4x32x512xf32, #tpu.memory_space<vmem>>, vector<16xf32>,
        %get3A_2787 = arith.constant 2 : i32
        %get3A_2788 = arith.index_cast %get3A_2787 : i32 to index
        %get3A_2789 = arith.index_cast %scan3A_1340 : i32 to index
        %get3A_2790 = arith.constant 368 : index
        %get3A_2791 = tpu.vector_load %arg5[%get3A_2788, %get3A_2789, %get3A_2790] {strides = array<i32>} : memref<4x32x512xf32, #tpu.memory_space<vmem>>, vector<16xf32>,
        %get3A_2792 = arith.constant 3 : i32
        %get3A_2793 = arith.index_cast %get3A_2792 : i32 to index
        %get3A_2794 = arith.index_cast %scan3A_1340 : i32 to index
        %get3A_2795 = arith.constant 368 : index
        %get3A_2796 = tpu.vector_load %arg5[%get3A_2793, %get3A_2794, %get3A_2795] {strides = array<i32>} : memref<4x32x512xf32, #tpu.memory_space<vmem>>, vector<16xf32>,
        %max3A_2797 = arith.maximumf %get3A_2781, %gather3A : vector<16xf32>
        %max3A_2798 = arith.maximumf %get3A_2786, %gather3A_1347 : vector<16xf32>
        %min3A_2799 = arith.minimumf %get3A_2791, %gather3A_1351 : vector<16xf32>
        %min3A_2800 = arith.minimumf %get3A_2796, %gather3A_1355 : vector<16xf32>
        %sub3A_2801 = arith.subf %min3A_2799, %max3A_2797 : vector<16xf32>
        %max3A_2802 = arith.constant 0.000000e+00 : f32
        %max3A_2803 = vector.broadcast %max3A_2802 : f32 to vector<16xf32>
        %max3A_2804 = arith.maximumf %sub3A_2801, %max3A_2803 : vector<16xf32>
        %sub3A_2805 = arith.subf %min3A_2800, %max3A_2798 : vector<16xf32>
        %max3A_2806 = arith.constant 0.000000e+00 : f32
        %max3A_2807 = vector.broadcast %max3A_2806 : f32 to vector<16xf32>
        %max3A_2808 = arith.maximumf %sub3A_2805, %max3A_2807 : vector<16xf32>
        %mul3A_2809 = arith.mulf %max3A_2804, %max3A_2808 : vector<16xf32>
        %sub3A_2810 = arith.subf %get3A_2791, %get3A_2781 : vector<16xf32>
        %sub3A_2811 = arith.subf %get3A_2796, %get3A_2786 : vector<16xf32>
        %mul3A_2812 = arith.mulf %sub3A_2810, %sub3A_2811 : vector<16xf32>
        %sub3A_2813 = arith.subf %gather3A_1351, %gather3A : vector<16xf32>
        %sub3A_2814 = arith.subf %gather3A_1355, %gather3A_1347 : vector<16xf32>
        %mul3A_2815 = arith.mulf %sub3A_2813, %sub3A_2814 : vector<16xf32>
        %add3A_2816 = arith.addf %mul3A_2812, %mul3A_2815 : vector<16xf32>
        %sub3A_2817 = arith.subf %add3A_2816, %mul3A_2809 : vector<16xf32>
        %max3A_2818 = arith.constant 9.99999997E-7 : f32
        %max3A_2819 = vector.broadcast %max3A_2818 : f32 to vector<16xf32>
        %max3A_2820 = arith.maximumf %sub3A_2817, %max3A_2819 : vector<16xf32>
        %div3A_2821 = arith.divf %mul3A_2809, %max3A_2820 : vector<16xf32>
        %mul3A_2822 = arith.constant 5.000000e+01 : f32
        %mul3A_2823 = vector.broadcast %mul3A_2822 : f32 to vector<16xf32>
        %mul3A_2824 = arith.mulf %div3A_2821, %mul3A_2823 : vector<16xf32>
        %convert_element_type3A_2825 = arith.fptosi %mul3A_2824 : vector<16xf32> to vector<16xi32>
        %min3A_2826 = arith.constant 49 : i32
        %min3A_2827 = vector.broadcast %min3A_2826 : i32 to vector<16xi32>
        %min3A_2828 = arith.minsi %convert_element_type3A_2825, %min3A_2827 : vector<16xi32>
        %ge3A_2829 = arith.constant 1 : i32
        %ge3A_2830 = vector.broadcast %ge3A_2829 : i32 to vector<16xi32>
        %ge3A_2831 = arith.cmpi sge, %min3A_2828, %ge3A_2830 : vector<16xi32>
        %jit3A_2832 = arith.constant 0.000000e+00 : f32
        %jit3A_2833 = arith.constant 1.000000e+00 : f32
        %broadcast_in_dim3A_2834 = vector.broadcast %jit3A_2832 : f32 to vector<16xf32>
        %broadcast_in_dim3A_2835 = vector.broadcast %jit3A_2833 : f32 to vector<16xf32>
        %select_n3A_2836 = arith.select %ge3A_2831, %broadcast_in_dim3A_2834, %broadcast_in_dim3A_2835 : vector<16xi1>, vector<16xf32>
        %add3A_2837 = arith.addf %add3A_2775, %select_n3A_2836 : vector<16xf32>
        %add3A_2838 = arith.addi %mul3A_537, %min3A_2828 : vector<16xi32>
        tpu.vector_store_idx %arg10[%add3A_2838], %broadcast_in_dim3A_3 masked %ge3A_2831 {add = true} : memref<1024xf32, #tpu.memory_space<vmem>>[vector<16xi32>], vector<16xf32>, vector<16xi1>
        %get3A_2839 = arith.constant 0 : i32
        %get3A_2840 = arith.index_cast %get3A_2839 : i32 to index
        %get3A_2841 = arith.index_cast %scan3A_1340 : i32 to index
        %get3A_2842 = arith.constant 384 : index
        %get3A_2843 = tpu.vector_load %arg5[%get3A_2840, %get3A_2841, %get3A_2842] {strides = array<i32>} : memref<4x32x512xf32, #tpu.memory_space<vmem>>, vector<16xf32>,
        %get3A_2844 = arith.constant 1 : i32
        %get3A_2845 = arith.index_cast %get3A_2844 : i32 to index
        %get3A_2846 = arith.index_cast %scan3A_1340 : i32 to index
        %get3A_2847 = arith.constant 384 : index
        %get3A_2848 = tpu.vector_load %arg5[%get3A_2845, %get3A_2846, %get3A_2847] {strides = array<i32>} : memref<4x32x512xf32, #tpu.memory_space<vmem>>, vector<16xf32>,
        %get3A_2849 = arith.constant 2 : i32
        %get3A_2850 = arith.index_cast %get3A_2849 : i32 to index
        %get3A_2851 = arith.index_cast %scan3A_1340 : i32 to index
        %get3A_2852 = arith.constant 384 : index
        %get3A_2853 = tpu.vector_load %arg5[%get3A_2850, %get3A_2851, %get3A_2852] {strides = array<i32>} : memref<4x32x512xf32, #tpu.memory_space<vmem>>, vector<16xf32>,
        %get3A_2854 = arith.constant 3 : i32
        %get3A_2855 = arith.index_cast %get3A_2854 : i32 to index
        %get3A_2856 = arith.index_cast %scan3A_1340 : i32 to index
        %get3A_2857 = arith.constant 384 : index
        %get3A_2858 = tpu.vector_load %arg5[%get3A_2855, %get3A_2856, %get3A_2857] {strides = array<i32>} : memref<4x32x512xf32, #tpu.memory_space<vmem>>, vector<16xf32>,
        %max3A_2859 = arith.maximumf %get3A_2843, %gather3A : vector<16xf32>
        %max3A_2860 = arith.maximumf %get3A_2848, %gather3A_1347 : vector<16xf32>
        %min3A_2861 = arith.minimumf %get3A_2853, %gather3A_1351 : vector<16xf32>
        %min3A_2862 = arith.minimumf %get3A_2858, %gather3A_1355 : vector<16xf32>
        %sub3A_2863 = arith.subf %min3A_2861, %max3A_2859 : vector<16xf32>
        %max3A_2864 = arith.constant 0.000000e+00 : f32
        %max3A_2865 = vector.broadcast %max3A_2864 : f32 to vector<16xf32>
        %max3A_2866 = arith.maximumf %sub3A_2863, %max3A_2865 : vector<16xf32>
        %sub3A_2867 = arith.subf %min3A_2862, %max3A_2860 : vector<16xf32>
        %max3A_2868 = arith.constant 0.000000e+00 : f32
        %max3A_2869 = vector.broadcast %max3A_2868 : f32 to vector<16xf32>
        %max3A_2870 = arith.maximumf %sub3A_2867, %max3A_2869 : vector<16xf32>
        %mul3A_2871 = arith.mulf %max3A_2866, %max3A_2870 : vector<16xf32>
        %sub3A_2872 = arith.subf %get3A_2853, %get3A_2843 : vector<16xf32>
        %sub3A_2873 = arith.subf %get3A_2858, %get3A_2848 : vector<16xf32>
        %mul3A_2874 = arith.mulf %sub3A_2872, %sub3A_2873 : vector<16xf32>
        %sub3A_2875 = arith.subf %gather3A_1351, %gather3A : vector<16xf32>
        %sub3A_2876 = arith.subf %gather3A_1355, %gather3A_1347 : vector<16xf32>
        %mul3A_2877 = arith.mulf %sub3A_2875, %sub3A_2876 : vector<16xf32>
        %add3A_2878 = arith.addf %mul3A_2874, %mul3A_2877 : vector<16xf32>
        %sub3A_2879 = arith.subf %add3A_2878, %mul3A_2871 : vector<16xf32>
        %max3A_2880 = arith.constant 9.99999997E-7 : f32
        %max3A_2881 = vector.broadcast %max3A_2880 : f32 to vector<16xf32>
        %max3A_2882 = arith.maximumf %sub3A_2879, %max3A_2881 : vector<16xf32>
        %div3A_2883 = arith.divf %mul3A_2871, %max3A_2882 : vector<16xf32>
        %mul3A_2884 = arith.constant 5.000000e+01 : f32
        %mul3A_2885 = vector.broadcast %mul3A_2884 : f32 to vector<16xf32>
        %mul3A_2886 = arith.mulf %div3A_2883, %mul3A_2885 : vector<16xf32>
        %convert_element_type3A_2887 = arith.fptosi %mul3A_2886 : vector<16xf32> to vector<16xi32>
        %min3A_2888 = arith.constant 49 : i32
        %min3A_2889 = vector.broadcast %min3A_2888 : i32 to vector<16xi32>
        %min3A_2890 = arith.minsi %convert_element_type3A_2887, %min3A_2889 : vector<16xi32>
        %ge3A_2891 = arith.constant 1 : i32
        %ge3A_2892 = vector.broadcast %ge3A_2891 : i32 to vector<16xi32>
        %ge3A_2893 = arith.cmpi sge, %min3A_2890, %ge3A_2892 : vector<16xi32>
        %jit3A_2894 = arith.constant 0.000000e+00 : f32
        %jit3A_2895 = arith.constant 1.000000e+00 : f32
        %broadcast_in_dim3A_2896 = vector.broadcast %jit3A_2894 : f32 to vector<16xf32>
        %broadcast_in_dim3A_2897 = vector.broadcast %jit3A_2895 : f32 to vector<16xf32>
        %select_n3A_2898 = arith.select %ge3A_2893, %broadcast_in_dim3A_2896, %broadcast_in_dim3A_2897 : vector<16xi1>, vector<16xf32>
        %add3A_2899 = arith.addf %add3A_2837, %select_n3A_2898 : vector<16xf32>
        %add3A_2900 = arith.addi %mul3A_537, %min3A_2890 : vector<16xi32>
        tpu.vector_store_idx %arg7[%add3A_2900], %broadcast_in_dim3A_3 masked %ge3A_2893 {add = true} : memref<1024xf32, #tpu.memory_space<vmem>>[vector<16xi32>], vector<16xf32>, vector<16xi1>
        %get3A_2901 = arith.constant 0 : i32
        %get3A_2902 = arith.index_cast %get3A_2901 : i32 to index
        %get3A_2903 = arith.index_cast %scan3A_1340 : i32 to index
        %get3A_2904 = arith.constant 400 : index
        %get3A_2905 = tpu.vector_load %arg5[%get3A_2902, %get3A_2903, %get3A_2904] {strides = array<i32>} : memref<4x32x512xf32, #tpu.memory_space<vmem>>, vector<16xf32>,
        %get3A_2906 = arith.constant 1 : i32
        %get3A_2907 = arith.index_cast %get3A_2906 : i32 to index
        %get3A_2908 = arith.index_cast %scan3A_1340 : i32 to index
        %get3A_2909 = arith.constant 400 : index
        %get3A_2910 = tpu.vector_load %arg5[%get3A_2907, %get3A_2908, %get3A_2909] {strides = array<i32>} : memref<4x32x512xf32, #tpu.memory_space<vmem>>, vector<16xf32>,
        %get3A_2911 = arith.constant 2 : i32
        %get3A_2912 = arith.index_cast %get3A_2911 : i32 to index
        %get3A_2913 = arith.index_cast %scan3A_1340 : i32 to index
        %get3A_2914 = arith.constant 400 : index
        %get3A_2915 = tpu.vector_load %arg5[%get3A_2912, %get3A_2913, %get3A_2914] {strides = array<i32>} : memref<4x32x512xf32, #tpu.memory_space<vmem>>, vector<16xf32>,
        %get3A_2916 = arith.constant 3 : i32
        %get3A_2917 = arith.index_cast %get3A_2916 : i32 to index
        %get3A_2918 = arith.index_cast %scan3A_1340 : i32 to index
        %get3A_2919 = arith.constant 400 : index
        %get3A_2920 = tpu.vector_load %arg5[%get3A_2917, %get3A_2918, %get3A_2919] {strides = array<i32>} : memref<4x32x512xf32, #tpu.memory_space<vmem>>, vector<16xf32>,
        %max3A_2921 = arith.maximumf %get3A_2905, %gather3A : vector<16xf32>
        %max3A_2922 = arith.maximumf %get3A_2910, %gather3A_1347 : vector<16xf32>
        %min3A_2923 = arith.minimumf %get3A_2915, %gather3A_1351 : vector<16xf32>
        %min3A_2924 = arith.minimumf %get3A_2920, %gather3A_1355 : vector<16xf32>
        %sub3A_2925 = arith.subf %min3A_2923, %max3A_2921 : vector<16xf32>
        %max3A_2926 = arith.constant 0.000000e+00 : f32
        %max3A_2927 = vector.broadcast %max3A_2926 : f32 to vector<16xf32>
        %max3A_2928 = arith.maximumf %sub3A_2925, %max3A_2927 : vector<16xf32>
        %sub3A_2929 = arith.subf %min3A_2924, %max3A_2922 : vector<16xf32>
        %max3A_2930 = arith.constant 0.000000e+00 : f32
        %max3A_2931 = vector.broadcast %max3A_2930 : f32 to vector<16xf32>
        %max3A_2932 = arith.maximumf %sub3A_2929, %max3A_2931 : vector<16xf32>
        %mul3A_2933 = arith.mulf %max3A_2928, %max3A_2932 : vector<16xf32>
        %sub3A_2934 = arith.subf %get3A_2915, %get3A_2905 : vector<16xf32>
        %sub3A_2935 = arith.subf %get3A_2920, %get3A_2910 : vector<16xf32>
        %mul3A_2936 = arith.mulf %sub3A_2934, %sub3A_2935 : vector<16xf32>
        %sub3A_2937 = arith.subf %gather3A_1351, %gather3A : vector<16xf32>
        %sub3A_2938 = arith.subf %gather3A_1355, %gather3A_1347 : vector<16xf32>
        %mul3A_2939 = arith.mulf %sub3A_2937, %sub3A_2938 : vector<16xf32>
        %add3A_2940 = arith.addf %mul3A_2936, %mul3A_2939 : vector<16xf32>
        %sub3A_2941 = arith.subf %add3A_2940, %mul3A_2933 : vector<16xf32>
        %max3A_2942 = arith.constant 9.99999997E-7 : f32
        %max3A_2943 = vector.broadcast %max3A_2942 : f32 to vector<16xf32>
        %max3A_2944 = arith.maximumf %sub3A_2941, %max3A_2943 : vector<16xf32>
        %div3A_2945 = arith.divf %mul3A_2933, %max3A_2944 : vector<16xf32>
        %mul3A_2946 = arith.constant 5.000000e+01 : f32
        %mul3A_2947 = vector.broadcast %mul3A_2946 : f32 to vector<16xf32>
        %mul3A_2948 = arith.mulf %div3A_2945, %mul3A_2947 : vector<16xf32>
        %convert_element_type3A_2949 = arith.fptosi %mul3A_2948 : vector<16xf32> to vector<16xi32>
        %min3A_2950 = arith.constant 49 : i32
        %min3A_2951 = vector.broadcast %min3A_2950 : i32 to vector<16xi32>
        %min3A_2952 = arith.minsi %convert_element_type3A_2949, %min3A_2951 : vector<16xi32>
        %ge3A_2953 = arith.constant 1 : i32
        %ge3A_2954 = vector.broadcast %ge3A_2953 : i32 to vector<16xi32>
        %ge3A_2955 = arith.cmpi sge, %min3A_2952, %ge3A_2954 : vector<16xi32>
        %jit3A_2956 = arith.constant 0.000000e+00 : f32
        %jit3A_2957 = arith.constant 1.000000e+00 : f32
        %broadcast_in_dim3A_2958 = vector.broadcast %jit3A_2956 : f32 to vector<16xf32>
        %broadcast_in_dim3A_2959 = vector.broadcast %jit3A_2957 : f32 to vector<16xf32>
        %select_n3A_2960 = arith.select %ge3A_2955, %broadcast_in_dim3A_2958, %broadcast_in_dim3A_2959 : vector<16xi1>, vector<16xf32>
        %add3A_2961 = arith.addf %add3A_2899, %select_n3A_2960 : vector<16xf32>
        %add3A_2962 = arith.addi %mul3A_537, %min3A_2952 : vector<16xi32>
        tpu.vector_store_idx %arg8[%add3A_2962], %broadcast_in_dim3A_3 masked %ge3A_2955 {add = true} : memref<1024xf32, #tpu.memory_space<vmem>>[vector<16xi32>], vector<16xf32>, vector<16xi1>
        %get3A_2963 = arith.constant 0 : i32
        %get3A_2964 = arith.index_cast %get3A_2963 : i32 to index
        %get3A_2965 = arith.index_cast %scan3A_1340 : i32 to index
        %get3A_2966 = arith.constant 416 : index
        %get3A_2967 = tpu.vector_load %arg5[%get3A_2964, %get3A_2965, %get3A_2966] {strides = array<i32>} : memref<4x32x512xf32, #tpu.memory_space<vmem>>, vector<16xf32>,
        %get3A_2968 = arith.constant 1 : i32
        %get3A_2969 = arith.index_cast %get3A_2968 : i32 to index
        %get3A_2970 = arith.index_cast %scan3A_1340 : i32 to index
        %get3A_2971 = arith.constant 416 : index
        %get3A_2972 = tpu.vector_load %arg5[%get3A_2969, %get3A_2970, %get3A_2971] {strides = array<i32>} : memref<4x32x512xf32, #tpu.memory_space<vmem>>, vector<16xf32>,
        %get3A_2973 = arith.constant 2 : i32
        %get3A_2974 = arith.index_cast %get3A_2973 : i32 to index
        %get3A_2975 = arith.index_cast %scan3A_1340 : i32 to index
        %get3A_2976 = arith.constant 416 : index
        %get3A_2977 = tpu.vector_load %arg5[%get3A_2974, %get3A_2975, %get3A_2976] {strides = array<i32>} : memref<4x32x512xf32, #tpu.memory_space<vmem>>, vector<16xf32>,
        %get3A_2978 = arith.constant 3 : i32
        %get3A_2979 = arith.index_cast %get3A_2978 : i32 to index
        %get3A_2980 = arith.index_cast %scan3A_1340 : i32 to index
        %get3A_2981 = arith.constant 416 : index
        %get3A_2982 = tpu.vector_load %arg5[%get3A_2979, %get3A_2980, %get3A_2981] {strides = array<i32>} : memref<4x32x512xf32, #tpu.memory_space<vmem>>, vector<16xf32>,
        %max3A_2983 = arith.maximumf %get3A_2967, %gather3A : vector<16xf32>
        %max3A_2984 = arith.maximumf %get3A_2972, %gather3A_1347 : vector<16xf32>
        %min3A_2985 = arith.minimumf %get3A_2977, %gather3A_1351 : vector<16xf32>
        %min3A_2986 = arith.minimumf %get3A_2982, %gather3A_1355 : vector<16xf32>
        %sub3A_2987 = arith.subf %min3A_2985, %max3A_2983 : vector<16xf32>
        %max3A_2988 = arith.constant 0.000000e+00 : f32
        %max3A_2989 = vector.broadcast %max3A_2988 : f32 to vector<16xf32>
        %max3A_2990 = arith.maximumf %sub3A_2987, %max3A_2989 : vector<16xf32>
        %sub3A_2991 = arith.subf %min3A_2986, %max3A_2984 : vector<16xf32>
        %max3A_2992 = arith.constant 0.000000e+00 : f32
        %max3A_2993 = vector.broadcast %max3A_2992 : f32 to vector<16xf32>
        %max3A_2994 = arith.maximumf %sub3A_2991, %max3A_2993 : vector<16xf32>
        %mul3A_2995 = arith.mulf %max3A_2990, %max3A_2994 : vector<16xf32>
        %sub3A_2996 = arith.subf %get3A_2977, %get3A_2967 : vector<16xf32>
        %sub3A_2997 = arith.subf %get3A_2982, %get3A_2972 : vector<16xf32>
        %mul3A_2998 = arith.mulf %sub3A_2996, %sub3A_2997 : vector<16xf32>
        %sub3A_2999 = arith.subf %gather3A_1351, %gather3A : vector<16xf32>
        %sub3A_3000 = arith.subf %gather3A_1355, %gather3A_1347 : vector<16xf32>
        %mul3A_3001 = arith.mulf %sub3A_2999, %sub3A_3000 : vector<16xf32>
        %add3A_3002 = arith.addf %mul3A_2998, %mul3A_3001 : vector<16xf32>
        %sub3A_3003 = arith.subf %add3A_3002, %mul3A_2995 : vector<16xf32>
        %max3A_3004 = arith.constant 9.99999997E-7 : f32
        %max3A_3005 = vector.broadcast %max3A_3004 : f32 to vector<16xf32>
        %max3A_3006 = arith.maximumf %sub3A_3003, %max3A_3005 : vector<16xf32>
        %div3A_3007 = arith.divf %mul3A_2995, %max3A_3006 : vector<16xf32>
        %mul3A_3008 = arith.constant 5.000000e+01 : f32
        %mul3A_3009 = vector.broadcast %mul3A_3008 : f32 to vector<16xf32>
        %mul3A_3010 = arith.mulf %div3A_3007, %mul3A_3009 : vector<16xf32>
        %convert_element_type3A_3011 = arith.fptosi %mul3A_3010 : vector<16xf32> to vector<16xi32>
        %min3A_3012 = arith.constant 49 : i32
        %min3A_3013 = vector.broadcast %min3A_3012 : i32 to vector<16xi32>
        %min3A_3014 = arith.minsi %convert_element_type3A_3011, %min3A_3013 : vector<16xi32>
        %ge3A_3015 = arith.constant 1 : i32
        %ge3A_3016 = vector.broadcast %ge3A_3015 : i32 to vector<16xi32>
        %ge3A_3017 = arith.cmpi sge, %min3A_3014, %ge3A_3016 : vector<16xi32>
        %jit3A_3018 = arith.constant 0.000000e+00 : f32
        %jit3A_3019 = arith.constant 1.000000e+00 : f32
        %broadcast_in_dim3A_3020 = vector.broadcast %jit3A_3018 : f32 to vector<16xf32>
        %broadcast_in_dim3A_3021 = vector.broadcast %jit3A_3019 : f32 to vector<16xf32>
        %select_n3A_3022 = arith.select %ge3A_3017, %broadcast_in_dim3A_3020, %broadcast_in_dim3A_3021 : vector<16xi1>, vector<16xf32>
        %add3A_3023 = arith.addf %add3A_2961, %select_n3A_3022 : vector<16xf32>
        %add3A_3024 = arith.addi %mul3A_537, %min3A_3014 : vector<16xi32>
        tpu.vector_store_idx %arg9[%add3A_3024], %broadcast_in_dim3A_3 masked %ge3A_3017 {add = true} : memref<1024xf32, #tpu.memory_space<vmem>>[vector<16xi32>], vector<16xf32>, vector<16xi1>
        %get3A_3025 = arith.constant 0 : i32
        %get3A_3026 = arith.index_cast %get3A_3025 : i32 to index
        %get3A_3027 = arith.index_cast %scan3A_1340 : i32 to index
        %get3A_3028 = arith.constant 432 : index
        %get3A_3029 = tpu.vector_load %arg5[%get3A_3026, %get3A_3027, %get3A_3028] {strides = array<i32>} : memref<4x32x512xf32, #tpu.memory_space<vmem>>, vector<16xf32>,
        %get3A_3030 = arith.constant 1 : i32
        %get3A_3031 = arith.index_cast %get3A_3030 : i32 to index
        %get3A_3032 = arith.index_cast %scan3A_1340 : i32 to index
        %get3A_3033 = arith.constant 432 : index
        %get3A_3034 = tpu.vector_load %arg5[%get3A_3031, %get3A_3032, %get3A_3033] {strides = array<i32>} : memref<4x32x512xf32, #tpu.memory_space<vmem>>, vector<16xf32>,
        %get3A_3035 = arith.constant 2 : i32
        %get3A_3036 = arith.index_cast %get3A_3035 : i32 to index
        %get3A_3037 = arith.index_cast %scan3A_1340 : i32 to index
        %get3A_3038 = arith.constant 432 : index
        %get3A_3039 = tpu.vector_load %arg5[%get3A_3036, %get3A_3037, %get3A_3038] {strides = array<i32>} : memref<4x32x512xf32, #tpu.memory_space<vmem>>, vector<16xf32>,
        %get3A_3040 = arith.constant 3 : i32
        %get3A_3041 = arith.index_cast %get3A_3040 : i32 to index
        %get3A_3042 = arith.index_cast %scan3A_1340 : i32 to index
        %get3A_3043 = arith.constant 432 : index
        %get3A_3044 = tpu.vector_load %arg5[%get3A_3041, %get3A_3042, %get3A_3043] {strides = array<i32>} : memref<4x32x512xf32, #tpu.memory_space<vmem>>, vector<16xf32>,
        %max3A_3045 = arith.maximumf %get3A_3029, %gather3A : vector<16xf32>
        %max3A_3046 = arith.maximumf %get3A_3034, %gather3A_1347 : vector<16xf32>
        %min3A_3047 = arith.minimumf %get3A_3039, %gather3A_1351 : vector<16xf32>
        %min3A_3048 = arith.minimumf %get3A_3044, %gather3A_1355 : vector<16xf32>
        %sub3A_3049 = arith.subf %min3A_3047, %max3A_3045 : vector<16xf32>
        %max3A_3050 = arith.constant 0.000000e+00 : f32
        %max3A_3051 = vector.broadcast %max3A_3050 : f32 to vector<16xf32>
        %max3A_3052 = arith.maximumf %sub3A_3049, %max3A_3051 : vector<16xf32>
        %sub3A_3053 = arith.subf %min3A_3048, %max3A_3046 : vector<16xf32>
        %max3A_3054 = arith.constant 0.000000e+00 : f32
        %max3A_3055 = vector.broadcast %max3A_3054 : f32 to vector<16xf32>
        %max3A_3056 = arith.maximumf %sub3A_3053, %max3A_3055 : vector<16xf32>
        %mul3A_3057 = arith.mulf %max3A_3052, %max3A_3056 : vector<16xf32>
        %sub3A_3058 = arith.subf %get3A_3039, %get3A_3029 : vector<16xf32>
        %sub3A_3059 = arith.subf %get3A_3044, %get3A_3034 : vector<16xf32>
        %mul3A_3060 = arith.mulf %sub3A_3058, %sub3A_3059 : vector<16xf32>
        %sub3A_3061 = arith.subf %gather3A_1351, %gather3A : vector<16xf32>
        %sub3A_3062 = arith.subf %gather3A_1355, %gather3A_1347 : vector<16xf32>
        %mul3A_3063 = arith.mulf %sub3A_3061, %sub3A_3062 : vector<16xf32>
        %add3A_3064 = arith.addf %mul3A_3060, %mul3A_3063 : vector<16xf32>
        %sub3A_3065 = arith.subf %add3A_3064, %mul3A_3057 : vector<16xf32>
        %max3A_3066 = arith.constant 9.99999997E-7 : f32
        %max3A_3067 = vector.broadcast %max3A_3066 : f32 to vector<16xf32>
        %max3A_3068 = arith.maximumf %sub3A_3065, %max3A_3067 : vector<16xf32>
        %div3A_3069 = arith.divf %mul3A_3057, %max3A_3068 : vector<16xf32>
        %mul3A_3070 = arith.constant 5.000000e+01 : f32
        %mul3A_3071 = vector.broadcast %mul3A_3070 : f32 to vector<16xf32>
        %mul3A_3072 = arith.mulf %div3A_3069, %mul3A_3071 : vector<16xf32>
        %convert_element_type3A_3073 = arith.fptosi %mul3A_3072 : vector<16xf32> to vector<16xi32>
        %min3A_3074 = arith.constant 49 : i32
        %min3A_3075 = vector.broadcast %min3A_3074 : i32 to vector<16xi32>
        %min3A_3076 = arith.minsi %convert_element_type3A_3073, %min3A_3075 : vector<16xi32>
        %ge3A_3077 = arith.constant 1 : i32
        %ge3A_3078 = vector.broadcast %ge3A_3077 : i32 to vector<16xi32>
        %ge3A_3079 = arith.cmpi sge, %min3A_3076, %ge3A_3078 : vector<16xi32>
        %jit3A_3080 = arith.constant 0.000000e+00 : f32
        %jit3A_3081 = arith.constant 1.000000e+00 : f32
        %broadcast_in_dim3A_3082 = vector.broadcast %jit3A_3080 : f32 to vector<16xf32>
        %broadcast_in_dim3A_3083 = vector.broadcast %jit3A_3081 : f32 to vector<16xf32>
        %select_n3A_3084 = arith.select %ge3A_3079, %broadcast_in_dim3A_3082, %broadcast_in_dim3A_3083 : vector<16xi1>, vector<16xf32>
        %add3A_3085 = arith.addf %add3A_3023, %select_n3A_3084 : vector<16xf32>
        %add3A_3086 = arith.addi %mul3A_537, %min3A_3076 : vector<16xi32>
        tpu.vector_store_idx %arg10[%add3A_3086], %broadcast_in_dim3A_3 masked %ge3A_3079 {add = true} : memref<1024xf32, #tpu.memory_space<vmem>>[vector<16xi32>], vector<16xf32>, vector<16xi1>
        %get3A_3087 = arith.constant 0 : i32
        %get3A_3088 = arith.index_cast %get3A_3087 : i32 to index
        %get3A_3089 = arith.index_cast %scan3A_1340 : i32 to index
        %get3A_3090 = arith.constant 448 : index
        %get3A_3091 = tpu.vector_load %arg5[%get3A_3088, %get3A_3089, %get3A_3090] {strides = array<i32>} : memref<4x32x512xf32, #tpu.memory_space<vmem>>, vector<16xf32>,
        %get3A_3092 = arith.constant 1 : i32
        %get3A_3093 = arith.index_cast %get3A_3092 : i32 to index
        %get3A_3094 = arith.index_cast %scan3A_1340 : i32 to index
        %get3A_3095 = arith.constant 448 : index
        %get3A_3096 = tpu.vector_load %arg5[%get3A_3093, %get3A_3094, %get3A_3095] {strides = array<i32>} : memref<4x32x512xf32, #tpu.memory_space<vmem>>, vector<16xf32>,
        %get3A_3097 = arith.constant 2 : i32
        %get3A_3098 = arith.index_cast %get3A_3097 : i32 to index
        %get3A_3099 = arith.index_cast %scan3A_1340 : i32 to index
        %get3A_3100 = arith.constant 448 : index
        %get3A_3101 = tpu.vector_load %arg5[%get3A_3098, %get3A_3099, %get3A_3100] {strides = array<i32>} : memref<4x32x512xf32, #tpu.memory_space<vmem>>, vector<16xf32>,
        %get3A_3102 = arith.constant 3 : i32
        %get3A_3103 = arith.index_cast %get3A_3102 : i32 to index
        %get3A_3104 = arith.index_cast %scan3A_1340 : i32 to index
        %get3A_3105 = arith.constant 448 : index
        %get3A_3106 = tpu.vector_load %arg5[%get3A_3103, %get3A_3104, %get3A_3105] {strides = array<i32>} : memref<4x32x512xf32, #tpu.memory_space<vmem>>, vector<16xf32>,
        %max3A_3107 = arith.maximumf %get3A_3091, %gather3A : vector<16xf32>
        %max3A_3108 = arith.maximumf %get3A_3096, %gather3A_1347 : vector<16xf32>
        %min3A_3109 = arith.minimumf %get3A_3101, %gather3A_1351 : vector<16xf32>
        %min3A_3110 = arith.minimumf %get3A_3106, %gather3A_1355 : vector<16xf32>
        %sub3A_3111 = arith.subf %min3A_3109, %max3A_3107 : vector<16xf32>
        %max3A_3112 = arith.constant 0.000000e+00 : f32
        %max3A_3113 = vector.broadcast %max3A_3112 : f32 to vector<16xf32>
        %max3A_3114 = arith.maximumf %sub3A_3111, %max3A_3113 : vector<16xf32>
        %sub3A_3115 = arith.subf %min3A_3110, %max3A_3108 : vector<16xf32>
        %max3A_3116 = arith.constant 0.000000e+00 : f32
        %max3A_3117 = vector.broadcast %max3A_3116 : f32 to vector<16xf32>
        %max3A_3118 = arith.maximumf %sub3A_3115, %max3A_3117 : vector<16xf32>
        %mul3A_3119 = arith.mulf %max3A_3114, %max3A_3118 : vector<16xf32>
        %sub3A_3120 = arith.subf %get3A_3101, %get3A_3091 : vector<16xf32>
        %sub3A_3121 = arith.subf %get3A_3106, %get3A_3096 : vector<16xf32>
        %mul3A_3122 = arith.mulf %sub3A_3120, %sub3A_3121 : vector<16xf32>
        %sub3A_3123 = arith.subf %gather3A_1351, %gather3A : vector<16xf32>
        %sub3A_3124 = arith.subf %gather3A_1355, %gather3A_1347 : vector<16xf32>
        %mul3A_3125 = arith.mulf %sub3A_3123, %sub3A_3124 : vector<16xf32>
        %add3A_3126 = arith.addf %mul3A_3122, %mul3A_3125 : vector<16xf32>
        %sub3A_3127 = arith.subf %add3A_3126, %mul3A_3119 : vector<16xf32>
        %max3A_3128 = arith.constant 9.99999997E-7 : f32
        %max3A_3129 = vector.broadcast %max3A_3128 : f32 to vector<16xf32>
        %max3A_3130 = arith.maximumf %sub3A_3127, %max3A_3129 : vector<16xf32>
        %div3A_3131 = arith.divf %mul3A_3119, %max3A_3130 : vector<16xf32>
        %mul3A_3132 = arith.constant 5.000000e+01 : f32
        %mul3A_3133 = vector.broadcast %mul3A_3132 : f32 to vector<16xf32>
        %mul3A_3134 = arith.mulf %div3A_3131, %mul3A_3133 : vector<16xf32>
        %convert_element_type3A_3135 = arith.fptosi %mul3A_3134 : vector<16xf32> to vector<16xi32>
        %min3A_3136 = arith.constant 49 : i32
        %min3A_3137 = vector.broadcast %min3A_3136 : i32 to vector<16xi32>
        %min3A_3138 = arith.minsi %convert_element_type3A_3135, %min3A_3137 : vector<16xi32>
        %ge3A_3139 = arith.constant 1 : i32
        %ge3A_3140 = vector.broadcast %ge3A_3139 : i32 to vector<16xi32>
        %ge3A_3141 = arith.cmpi sge, %min3A_3138, %ge3A_3140 : vector<16xi32>
        %jit3A_3142 = arith.constant 0.000000e+00 : f32
        %jit3A_3143 = arith.constant 1.000000e+00 : f32
        %broadcast_in_dim3A_3144 = vector.broadcast %jit3A_3142 : f32 to vector<16xf32>
        %broadcast_in_dim3A_3145 = vector.broadcast %jit3A_3143 : f32 to vector<16xf32>
        %select_n3A_3146 = arith.select %ge3A_3141, %broadcast_in_dim3A_3144, %broadcast_in_dim3A_3145 : vector<16xi1>, vector<16xf32>
        %add3A_3147 = arith.addf %add3A_3085, %select_n3A_3146 : vector<16xf32>
        %add3A_3148 = arith.addi %mul3A_537, %min3A_3138 : vector<16xi32>
        tpu.vector_store_idx %arg7[%add3A_3148], %broadcast_in_dim3A_3 masked %ge3A_3141 {add = true} : memref<1024xf32, #tpu.memory_space<vmem>>[vector<16xi32>], vector<16xf32>, vector<16xi1>
        %get3A_3149 = arith.constant 0 : i32
        %get3A_3150 = arith.index_cast %get3A_3149 : i32 to index
        %get3A_3151 = arith.index_cast %scan3A_1340 : i32 to index
        %get3A_3152 = arith.constant 464 : index
        %get3A_3153 = tpu.vector_load %arg5[%get3A_3150, %get3A_3151, %get3A_3152] {strides = array<i32>} : memref<4x32x512xf32, #tpu.memory_space<vmem>>, vector<16xf32>,
        %get3A_3154 = arith.constant 1 : i32
        %get3A_3155 = arith.index_cast %get3A_3154 : i32 to index
        %get3A_3156 = arith.index_cast %scan3A_1340 : i32 to index
        %get3A_3157 = arith.constant 464 : index
        %get3A_3158 = tpu.vector_load %arg5[%get3A_3155, %get3A_3156, %get3A_3157] {strides = array<i32>} : memref<4x32x512xf32, #tpu.memory_space<vmem>>, vector<16xf32>,
        %get3A_3159 = arith.constant 2 : i32
        %get3A_3160 = arith.index_cast %get3A_3159 : i32 to index
        %get3A_3161 = arith.index_cast %scan3A_1340 : i32 to index
        %get3A_3162 = arith.constant 464 : index
        %get3A_3163 = tpu.vector_load %arg5[%get3A_3160, %get3A_3161, %get3A_3162] {strides = array<i32>} : memref<4x32x512xf32, #tpu.memory_space<vmem>>, vector<16xf32>,
        %get3A_3164 = arith.constant 3 : i32
        %get3A_3165 = arith.index_cast %get3A_3164 : i32 to index
        %get3A_3166 = arith.index_cast %scan3A_1340 : i32 to index
        %get3A_3167 = arith.constant 464 : index
        %get3A_3168 = tpu.vector_load %arg5[%get3A_3165, %get3A_3166, %get3A_3167] {strides = array<i32>} : memref<4x32x512xf32, #tpu.memory_space<vmem>>, vector<16xf32>,
        %max3A_3169 = arith.maximumf %get3A_3153, %gather3A : vector<16xf32>
        %max3A_3170 = arith.maximumf %get3A_3158, %gather3A_1347 : vector<16xf32>
        %min3A_3171 = arith.minimumf %get3A_3163, %gather3A_1351 : vector<16xf32>
        %min3A_3172 = arith.minimumf %get3A_3168, %gather3A_1355 : vector<16xf32>
        %sub3A_3173 = arith.subf %min3A_3171, %max3A_3169 : vector<16xf32>
        %max3A_3174 = arith.constant 0.000000e+00 : f32
        %max3A_3175 = vector.broadcast %max3A_3174 : f32 to vector<16xf32>
        %max3A_3176 = arith.maximumf %sub3A_3173, %max3A_3175 : vector<16xf32>
        %sub3A_3177 = arith.subf %min3A_3172, %max3A_3170 : vector<16xf32>
        %max3A_3178 = arith.constant 0.000000e+00 : f32
        %max3A_3179 = vector.broadcast %max3A_3178 : f32 to vector<16xf32>
        %max3A_3180 = arith.maximumf %sub3A_3177, %max3A_3179 : vector<16xf32>
        %mul3A_3181 = arith.mulf %max3A_3176, %max3A_3180 : vector<16xf32>
        %sub3A_3182 = arith.subf %get3A_3163, %get3A_3153 : vector<16xf32>
        %sub3A_3183 = arith.subf %get3A_3168, %get3A_3158 : vector<16xf32>
        %mul3A_3184 = arith.mulf %sub3A_3182, %sub3A_3183 : vector<16xf32>
        %sub3A_3185 = arith.subf %gather3A_1351, %gather3A : vector<16xf32>
        %sub3A_3186 = arith.subf %gather3A_1355, %gather3A_1347 : vector<16xf32>
        %mul3A_3187 = arith.mulf %sub3A_3185, %sub3A_3186 : vector<16xf32>
        %add3A_3188 = arith.addf %mul3A_3184, %mul3A_3187 : vector<16xf32>
        %sub3A_3189 = arith.subf %add3A_3188, %mul3A_3181 : vector<16xf32>
        %max3A_3190 = arith.constant 9.99999997E-7 : f32
        %max3A_3191 = vector.broadcast %max3A_3190 : f32 to vector<16xf32>
        %max3A_3192 = arith.maximumf %sub3A_3189, %max3A_3191 : vector<16xf32>
        %div3A_3193 = arith.divf %mul3A_3181, %max3A_3192 : vector<16xf32>
        %mul3A_3194 = arith.constant 5.000000e+01 : f32
        %mul3A_3195 = vector.broadcast %mul3A_3194 : f32 to vector<16xf32>
        %mul3A_3196 = arith.mulf %div3A_3193, %mul3A_3195 : vector<16xf32>
        %convert_element_type3A_3197 = arith.fptosi %mul3A_3196 : vector<16xf32> to vector<16xi32>
        %min3A_3198 = arith.constant 49 : i32
        %min3A_3199 = vector.broadcast %min3A_3198 : i32 to vector<16xi32>
        %min3A_3200 = arith.minsi %convert_element_type3A_3197, %min3A_3199 : vector<16xi32>
        %ge3A_3201 = arith.constant 1 : i32
        %ge3A_3202 = vector.broadcast %ge3A_3201 : i32 to vector<16xi32>
        %ge3A_3203 = arith.cmpi sge, %min3A_3200, %ge3A_3202 : vector<16xi32>
        %jit3A_3204 = arith.constant 0.000000e+00 : f32
        %jit3A_3205 = arith.constant 1.000000e+00 : f32
        %broadcast_in_dim3A_3206 = vector.broadcast %jit3A_3204 : f32 to vector<16xf32>
        %broadcast_in_dim3A_3207 = vector.broadcast %jit3A_3205 : f32 to vector<16xf32>
        %select_n3A_3208 = arith.select %ge3A_3203, %broadcast_in_dim3A_3206, %broadcast_in_dim3A_3207 : vector<16xi1>, vector<16xf32>
        %add3A_3209 = arith.addf %add3A_3147, %select_n3A_3208 : vector<16xf32>
        %add3A_3210 = arith.addi %mul3A_537, %min3A_3200 : vector<16xi32>
        tpu.vector_store_idx %arg8[%add3A_3210], %broadcast_in_dim3A_3 masked %ge3A_3203 {add = true} : memref<1024xf32, #tpu.memory_space<vmem>>[vector<16xi32>], vector<16xf32>, vector<16xi1>
        %get3A_3211 = arith.constant 0 : i32
        %get3A_3212 = arith.index_cast %get3A_3211 : i32 to index
        %get3A_3213 = arith.index_cast %scan3A_1340 : i32 to index
        %get3A_3214 = arith.constant 480 : index
        %get3A_3215 = tpu.vector_load %arg5[%get3A_3212, %get3A_3213, %get3A_3214] {strides = array<i32>} : memref<4x32x512xf32, #tpu.memory_space<vmem>>, vector<16xf32>,
        %get3A_3216 = arith.constant 1 : i32
        %get3A_3217 = arith.index_cast %get3A_3216 : i32 to index
        %get3A_3218 = arith.index_cast %scan3A_1340 : i32 to index
        %get3A_3219 = arith.constant 480 : index
        %get3A_3220 = tpu.vector_load %arg5[%get3A_3217, %get3A_3218, %get3A_3219] {strides = array<i32>} : memref<4x32x512xf32, #tpu.memory_space<vmem>>, vector<16xf32>,
        %get3A_3221 = arith.constant 2 : i32
        %get3A_3222 = arith.index_cast %get3A_3221 : i32 to index
        %get3A_3223 = arith.index_cast %scan3A_1340 : i32 to index
        %get3A_3224 = arith.constant 480 : index
        %get3A_3225 = tpu.vector_load %arg5[%get3A_3222, %get3A_3223, %get3A_3224] {strides = array<i32>} : memref<4x32x512xf32, #tpu.memory_space<vmem>>, vector<16xf32>,
        %get3A_3226 = arith.constant 3 : i32
        %get3A_3227 = arith.index_cast %get3A_3226 : i32 to index
        %get3A_3228 = arith.index_cast %scan3A_1340 : i32 to index
        %get3A_3229 = arith.constant 480 : index
        %get3A_3230 = tpu.vector_load %arg5[%get3A_3227, %get3A_3228, %get3A_3229] {strides = array<i32>} : memref<4x32x512xf32, #tpu.memory_space<vmem>>, vector<16xf32>,
        %max3A_3231 = arith.maximumf %get3A_3215, %gather3A : vector<16xf32>
        %max3A_3232 = arith.maximumf %get3A_3220, %gather3A_1347 : vector<16xf32>
        %min3A_3233 = arith.minimumf %get3A_3225, %gather3A_1351 : vector<16xf32>
        %min3A_3234 = arith.minimumf %get3A_3230, %gather3A_1355 : vector<16xf32>
        %sub3A_3235 = arith.subf %min3A_3233, %max3A_3231 : vector<16xf32>
        %max3A_3236 = arith.constant 0.000000e+00 : f32
        %max3A_3237 = vector.broadcast %max3A_3236 : f32 to vector<16xf32>
        %max3A_3238 = arith.maximumf %sub3A_3235, %max3A_3237 : vector<16xf32>
        %sub3A_3239 = arith.subf %min3A_3234, %max3A_3232 : vector<16xf32>
        %max3A_3240 = arith.constant 0.000000e+00 : f32
        %max3A_3241 = vector.broadcast %max3A_3240 : f32 to vector<16xf32>
        %max3A_3242 = arith.maximumf %sub3A_3239, %max3A_3241 : vector<16xf32>
        %mul3A_3243 = arith.mulf %max3A_3238, %max3A_3242 : vector<16xf32>
        %sub3A_3244 = arith.subf %get3A_3225, %get3A_3215 : vector<16xf32>
        %sub3A_3245 = arith.subf %get3A_3230, %get3A_3220 : vector<16xf32>
        %mul3A_3246 = arith.mulf %sub3A_3244, %sub3A_3245 : vector<16xf32>
        %sub3A_3247 = arith.subf %gather3A_1351, %gather3A : vector<16xf32>
        %sub3A_3248 = arith.subf %gather3A_1355, %gather3A_1347 : vector<16xf32>
        %mul3A_3249 = arith.mulf %sub3A_3247, %sub3A_3248 : vector<16xf32>
        %add3A_3250 = arith.addf %mul3A_3246, %mul3A_3249 : vector<16xf32>
        %sub3A_3251 = arith.subf %add3A_3250, %mul3A_3243 : vector<16xf32>
        %max3A_3252 = arith.constant 9.99999997E-7 : f32
        %max3A_3253 = vector.broadcast %max3A_3252 : f32 to vector<16xf32>
        %max3A_3254 = arith.maximumf %sub3A_3251, %max3A_3253 : vector<16xf32>
        %div3A_3255 = arith.divf %mul3A_3243, %max3A_3254 : vector<16xf32>
        %mul3A_3256 = arith.constant 5.000000e+01 : f32
        %mul3A_3257 = vector.broadcast %mul3A_3256 : f32 to vector<16xf32>
        %mul3A_3258 = arith.mulf %div3A_3255, %mul3A_3257 : vector<16xf32>
        %convert_element_type3A_3259 = arith.fptosi %mul3A_3258 : vector<16xf32> to vector<16xi32>
        %min3A_3260 = arith.constant 49 : i32
        %min3A_3261 = vector.broadcast %min3A_3260 : i32 to vector<16xi32>
        %min3A_3262 = arith.minsi %convert_element_type3A_3259, %min3A_3261 : vector<16xi32>
        %ge3A_3263 = arith.constant 1 : i32
        %ge3A_3264 = vector.broadcast %ge3A_3263 : i32 to vector<16xi32>
        %ge3A_3265 = arith.cmpi sge, %min3A_3262, %ge3A_3264 : vector<16xi32>
        %jit3A_3266 = arith.constant 0.000000e+00 : f32
        %jit3A_3267 = arith.constant 1.000000e+00 : f32
        %broadcast_in_dim3A_3268 = vector.broadcast %jit3A_3266 : f32 to vector<16xf32>
        %broadcast_in_dim3A_3269 = vector.broadcast %jit3A_3267 : f32 to vector<16xf32>
        %select_n3A_3270 = arith.select %ge3A_3265, %broadcast_in_dim3A_3268, %broadcast_in_dim3A_3269 : vector<16xi1>, vector<16xf32>
        %add3A_3271 = arith.addf %add3A_3209, %select_n3A_3270 : vector<16xf32>
        %add3A_3272 = arith.addi %mul3A_537, %min3A_3262 : vector<16xi32>
        tpu.vector_store_idx %arg9[%add3A_3272], %broadcast_in_dim3A_3 masked %ge3A_3265 {add = true} : memref<1024xf32, #tpu.memory_space<vmem>>[vector<16xi32>], vector<16xf32>, vector<16xi1>
        %get3A_3273 = arith.constant 0 : i32
        %get3A_3274 = arith.index_cast %get3A_3273 : i32 to index
        %get3A_3275 = arith.index_cast %scan3A_1340 : i32 to index
        %get3A_3276 = arith.constant 496 : index
        %get3A_3277 = tpu.vector_load %arg5[%get3A_3274, %get3A_3275, %get3A_3276] {strides = array<i32>} : memref<4x32x512xf32, #tpu.memory_space<vmem>>, vector<16xf32>,
        %get3A_3278 = arith.constant 1 : i32
        %get3A_3279 = arith.index_cast %get3A_3278 : i32 to index
        %get3A_3280 = arith.index_cast %scan3A_1340 : i32 to index
        %get3A_3281 = arith.constant 496 : index
        %get3A_3282 = tpu.vector_load %arg5[%get3A_3279, %get3A_3280, %get3A_3281] {strides = array<i32>} : memref<4x32x512xf32, #tpu.memory_space<vmem>>, vector<16xf32>,
        %get3A_3283 = arith.constant 2 : i32
        %get3A_3284 = arith.index_cast %get3A_3283 : i32 to index
        %get3A_3285 = arith.index_cast %scan3A_1340 : i32 to index
        %get3A_3286 = arith.constant 496 : index
        %get3A_3287 = tpu.vector_load %arg5[%get3A_3284, %get3A_3285, %get3A_3286] {strides = array<i32>} : memref<4x32x512xf32, #tpu.memory_space<vmem>>, vector<16xf32>,
        %get3A_3288 = arith.constant 3 : i32
        %get3A_3289 = arith.index_cast %get3A_3288 : i32 to index
        %get3A_3290 = arith.index_cast %scan3A_1340 : i32 to index
        %get3A_3291 = arith.constant 496 : index
        %get3A_3292 = tpu.vector_load %arg5[%get3A_3289, %get3A_3290, %get3A_3291] {strides = array<i32>} : memref<4x32x512xf32, #tpu.memory_space<vmem>>, vector<16xf32>,
        %max3A_3293 = arith.maximumf %get3A_3277, %gather3A : vector<16xf32>
        %max3A_3294 = arith.maximumf %get3A_3282, %gather3A_1347 : vector<16xf32>
        %min3A_3295 = arith.minimumf %get3A_3287, %gather3A_1351 : vector<16xf32>
        %min3A_3296 = arith.minimumf %get3A_3292, %gather3A_1355 : vector<16xf32>
        %sub3A_3297 = arith.subf %min3A_3295, %max3A_3293 : vector<16xf32>
        %max3A_3298 = arith.constant 0.000000e+00 : f32
        %max3A_3299 = vector.broadcast %max3A_3298 : f32 to vector<16xf32>
        %max3A_3300 = arith.maximumf %sub3A_3297, %max3A_3299 : vector<16xf32>
        %sub3A_3301 = arith.subf %min3A_3296, %max3A_3294 : vector<16xf32>
        %max3A_3302 = arith.constant 0.000000e+00 : f32
        %max3A_3303 = vector.broadcast %max3A_3302 : f32 to vector<16xf32>
        %max3A_3304 = arith.maximumf %sub3A_3301, %max3A_3303 : vector<16xf32>
        %mul3A_3305 = arith.mulf %max3A_3300, %max3A_3304 : vector<16xf32>
        %sub3A_3306 = arith.subf %get3A_3287, %get3A_3277 : vector<16xf32>
        %sub3A_3307 = arith.subf %get3A_3292, %get3A_3282 : vector<16xf32>
        %mul3A_3308 = arith.mulf %sub3A_3306, %sub3A_3307 : vector<16xf32>
        %sub3A_3309 = arith.subf %gather3A_1351, %gather3A : vector<16xf32>
        %sub3A_3310 = arith.subf %gather3A_1355, %gather3A_1347 : vector<16xf32>
        %mul3A_3311 = arith.mulf %sub3A_3309, %sub3A_3310 : vector<16xf32>
        %add3A_3312 = arith.addf %mul3A_3308, %mul3A_3311 : vector<16xf32>
        %sub3A_3313 = arith.subf %add3A_3312, %mul3A_3305 : vector<16xf32>
        %max3A_3314 = arith.constant 9.99999997E-7 : f32
        %max3A_3315 = vector.broadcast %max3A_3314 : f32 to vector<16xf32>
        %max3A_3316 = arith.maximumf %sub3A_3313, %max3A_3315 : vector<16xf32>
        %div3A_3317 = arith.divf %mul3A_3305, %max3A_3316 : vector<16xf32>
        %mul3A_3318 = arith.constant 5.000000e+01 : f32
        %mul3A_3319 = vector.broadcast %mul3A_3318 : f32 to vector<16xf32>
        %mul3A_3320 = arith.mulf %div3A_3317, %mul3A_3319 : vector<16xf32>
        %convert_element_type3A_3321 = arith.fptosi %mul3A_3320 : vector<16xf32> to vector<16xi32>
        %min3A_3322 = arith.constant 49 : i32
        %min3A_3323 = vector.broadcast %min3A_3322 : i32 to vector<16xi32>
        %min3A_3324 = arith.minsi %convert_element_type3A_3321, %min3A_3323 : vector<16xi32>
        %ge3A_3325 = arith.constant 1 : i32
        %ge3A_3326 = vector.broadcast %ge3A_3325 : i32 to vector<16xi32>
        %ge3A_3327 = arith.cmpi sge, %min3A_3324, %ge3A_3326 : vector<16xi32>
        %jit3A_3328 = arith.constant 0.000000e+00 : f32
        %jit3A_3329 = arith.constant 1.000000e+00 : f32
        %broadcast_in_dim3A_3330 = vector.broadcast %jit3A_3328 : f32 to vector<16xf32>
        %broadcast_in_dim3A_3331 = vector.broadcast %jit3A_3329 : f32 to vector<16xf32>
        %select_n3A_3332 = arith.select %ge3A_3327, %broadcast_in_dim3A_3330, %broadcast_in_dim3A_3331 : vector<16xi1>, vector<16xf32>
        %add3A_3333 = arith.addf %add3A_3271, %select_n3A_3332 : vector<16xf32>
        %add3A_3334 = arith.addi %mul3A_537, %min3A_3324 : vector<16xi32>
        tpu.vector_store_idx %arg10[%add3A_3334], %broadcast_in_dim3A_3 masked %ge3A_3327 {add = true} : memref<1024xf32, #tpu.memory_space<vmem>>[vector<16xi32>], vector<16xf32>, vector<16xi1>
        scf.yield %add3A_3333 : vector<16xf32>
      }
      %scan3A_1339 = arith.constant 32 : i32
      scf.yield %scan3A_1338 : vector<16xf32>
    }
    %scan3A_542 = arith.constant 8 : i32
    %reduce_sum3A = arith.constant true
    %reduce_sum3A_543 = vector.broadcast %reduce_sum3A : i1 to vector<16xi1>
    %reduce_sum3A_544 = tpu.scan <sum>, %scan3A_541 masked %reduce_sum3A_543 : vector<16xf32>, vector<16xi1> -> vector<16xf32>
    %reduce_sum3A_545 = vector.extract %reduce_sum3A_544[15] : f32 from vector<16xf32>
    %get3A = arith.constant 0 : index
    %get3A_546 = tpu.vector_load %arg7[%get3A] {strides = array<i32>} : memref<1024xf32, #tpu.memory_space<vmem>>, vector<16xf32>,
    %add3A_547 = arith.addf %broadcast_in_dim3A_1, %get3A_546 : vector<16xf32>
    %get3A_548 = arith.constant 64 : index
    %get3A_549 = tpu.vector_load %arg7[%get3A_548] {strides = array<i32>} : memref<1024xf32, #tpu.memory_space<vmem>>, vector<16xf32>,
    %add3A_550 = arith.addf %add3A_547, %get3A_549 : vector<16xf32>
    %get3A_551 = arith.constant 128 : index
    %get3A_552 = tpu.vector_load %arg7[%get3A_551] {strides = array<i32>} : memref<1024xf32, #tpu.memory_space<vmem>>, vector<16xf32>,
    %add3A_553 = arith.addf %add3A_550, %get3A_552 : vector<16xf32>
    %get3A_554 = arith.constant 192 : index
    %get3A_555 = tpu.vector_load %arg7[%get3A_554] {strides = array<i32>} : memref<1024xf32, #tpu.memory_space<vmem>>, vector<16xf32>,
    %add3A_556 = arith.addf %add3A_553, %get3A_555 : vector<16xf32>
    %get3A_557 = arith.constant 256 : index
    %get3A_558 = tpu.vector_load %arg7[%get3A_557] {strides = array<i32>} : memref<1024xf32, #tpu.memory_space<vmem>>, vector<16xf32>,
    %add3A_559 = arith.addf %add3A_556, %get3A_558 : vector<16xf32>
    %get3A_560 = arith.constant 320 : index
    %get3A_561 = tpu.vector_load %arg7[%get3A_560] {strides = array<i32>} : memref<1024xf32, #tpu.memory_space<vmem>>, vector<16xf32>,
    %add3A_562 = arith.addf %add3A_559, %get3A_561 : vector<16xf32>
    %get3A_563 = arith.constant 384 : index
    %get3A_564 = tpu.vector_load %arg7[%get3A_563] {strides = array<i32>} : memref<1024xf32, #tpu.memory_space<vmem>>, vector<16xf32>,
    %add3A_565 = arith.addf %add3A_562, %get3A_564 : vector<16xf32>
    %get3A_566 = arith.constant 448 : index
    %get3A_567 = tpu.vector_load %arg7[%get3A_566] {strides = array<i32>} : memref<1024xf32, #tpu.memory_space<vmem>>, vector<16xf32>,
    %add3A_568 = arith.addf %add3A_565, %get3A_567 : vector<16xf32>
    %get3A_569 = arith.constant 512 : index
    %get3A_570 = tpu.vector_load %arg7[%get3A_569] {strides = array<i32>} : memref<1024xf32, #tpu.memory_space<vmem>>, vector<16xf32>,
    %add3A_571 = arith.addf %add3A_568, %get3A_570 : vector<16xf32>
    %get3A_572 = arith.constant 576 : index
    %get3A_573 = tpu.vector_load %arg7[%get3A_572] {strides = array<i32>} : memref<1024xf32, #tpu.memory_space<vmem>>, vector<16xf32>,
    %add3A_574 = arith.addf %add3A_571, %get3A_573 : vector<16xf32>
    %get3A_575 = arith.constant 640 : index
    %get3A_576 = tpu.vector_load %arg7[%get3A_575] {strides = array<i32>} : memref<1024xf32, #tpu.memory_space<vmem>>, vector<16xf32>,
    %add3A_577 = arith.addf %add3A_574, %get3A_576 : vector<16xf32>
    %get3A_578 = arith.constant 704 : index
    %get3A_579 = tpu.vector_load %arg7[%get3A_578] {strides = array<i32>} : memref<1024xf32, #tpu.memory_space<vmem>>, vector<16xf32>,
    %add3A_580 = arith.addf %add3A_577, %get3A_579 : vector<16xf32>
    %get3A_581 = arith.constant 768 : index
    %get3A_582 = tpu.vector_load %arg7[%get3A_581] {strides = array<i32>} : memref<1024xf32, #tpu.memory_space<vmem>>, vector<16xf32>,
    %add3A_583 = arith.addf %add3A_580, %get3A_582 : vector<16xf32>
    %get3A_584 = arith.constant 832 : index
    %get3A_585 = tpu.vector_load %arg7[%get3A_584] {strides = array<i32>} : memref<1024xf32, #tpu.memory_space<vmem>>, vector<16xf32>,
    %add3A_586 = arith.addf %add3A_583, %get3A_585 : vector<16xf32>
    %get3A_587 = arith.constant 896 : index
    %get3A_588 = tpu.vector_load %arg7[%get3A_587] {strides = array<i32>} : memref<1024xf32, #tpu.memory_space<vmem>>, vector<16xf32>,
    %add3A_589 = arith.addf %add3A_586, %get3A_588 : vector<16xf32>
    %get3A_590 = arith.constant 960 : index
    %get3A_591 = tpu.vector_load %arg7[%get3A_590] {strides = array<i32>} : memref<1024xf32, #tpu.memory_space<vmem>>, vector<16xf32>,
    %add3A_592 = arith.addf %add3A_589, %get3A_591 : vector<16xf32>
    %get3A_593 = arith.constant 0 : index
    %get3A_594 = tpu.vector_load %arg8[%get3A_593] {strides = array<i32>} : memref<1024xf32, #tpu.memory_space<vmem>>, vector<16xf32>,
    %add3A_595 = arith.addf %add3A_592, %get3A_594 : vector<16xf32>
    %get3A_596 = arith.constant 64 : index
    %get3A_597 = tpu.vector_load %arg8[%get3A_596] {strides = array<i32>} : memref<1024xf32, #tpu.memory_space<vmem>>, vector<16xf32>,
    %add3A_598 = arith.addf %add3A_595, %get3A_597 : vector<16xf32>
    %get3A_599 = arith.constant 128 : index
    %get3A_600 = tpu.vector_load %arg8[%get3A_599] {strides = array<i32>} : memref<1024xf32, #tpu.memory_space<vmem>>, vector<16xf32>,
    %add3A_601 = arith.addf %add3A_598, %get3A_600 : vector<16xf32>
    %get3A_602 = arith.constant 192 : index
    %get3A_603 = tpu.vector_load %arg8[%get3A_602] {strides = array<i32>} : memref<1024xf32, #tpu.memory_space<vmem>>, vector<16xf32>,
    %add3A_604 = arith.addf %add3A_601, %get3A_603 : vector<16xf32>
    %get3A_605 = arith.constant 256 : index
    %get3A_606 = tpu.vector_load %arg8[%get3A_605] {strides = array<i32>} : memref<1024xf32, #tpu.memory_space<vmem>>, vector<16xf32>,
    %add3A_607 = arith.addf %add3A_604, %get3A_606 : vector<16xf32>
    %get3A_608 = arith.constant 320 : index
    %get3A_609 = tpu.vector_load %arg8[%get3A_608] {strides = array<i32>} : memref<1024xf32, #tpu.memory_space<vmem>>, vector<16xf32>,
    %add3A_610 = arith.addf %add3A_607, %get3A_609 : vector<16xf32>
    %get3A_611 = arith.constant 384 : index
    %get3A_612 = tpu.vector_load %arg8[%get3A_611] {strides = array<i32>} : memref<1024xf32, #tpu.memory_space<vmem>>, vector<16xf32>,
    %add3A_613 = arith.addf %add3A_610, %get3A_612 : vector<16xf32>
    %get3A_614 = arith.constant 448 : index
    %get3A_615 = tpu.vector_load %arg8[%get3A_614] {strides = array<i32>} : memref<1024xf32, #tpu.memory_space<vmem>>, vector<16xf32>,
    %add3A_616 = arith.addf %add3A_613, %get3A_615 : vector<16xf32>
    %get3A_617 = arith.constant 512 : index
    %get3A_618 = tpu.vector_load %arg8[%get3A_617] {strides = array<i32>} : memref<1024xf32, #tpu.memory_space<vmem>>, vector<16xf32>,
    %add3A_619 = arith.addf %add3A_616, %get3A_618 : vector<16xf32>
    %get3A_620 = arith.constant 576 : index
    %get3A_621 = tpu.vector_load %arg8[%get3A_620] {strides = array<i32>} : memref<1024xf32, #tpu.memory_space<vmem>>, vector<16xf32>,
    %add3A_622 = arith.addf %add3A_619, %get3A_621 : vector<16xf32>
    %get3A_623 = arith.constant 640 : index
    %get3A_624 = tpu.vector_load %arg8[%get3A_623] {strides = array<i32>} : memref<1024xf32, #tpu.memory_space<vmem>>, vector<16xf32>,
    %add3A_625 = arith.addf %add3A_622, %get3A_624 : vector<16xf32>
    %get3A_626 = arith.constant 704 : index
    %get3A_627 = tpu.vector_load %arg8[%get3A_626] {strides = array<i32>} : memref<1024xf32, #tpu.memory_space<vmem>>, vector<16xf32>,
    %add3A_628 = arith.addf %add3A_625, %get3A_627 : vector<16xf32>
    %get3A_629 = arith.constant 768 : index
    %get3A_630 = tpu.vector_load %arg8[%get3A_629] {strides = array<i32>} : memref<1024xf32, #tpu.memory_space<vmem>>, vector<16xf32>,
    %add3A_631 = arith.addf %add3A_628, %get3A_630 : vector<16xf32>
    %get3A_632 = arith.constant 832 : index
    %get3A_633 = tpu.vector_load %arg8[%get3A_632] {strides = array<i32>} : memref<1024xf32, #tpu.memory_space<vmem>>, vector<16xf32>,
    %add3A_634 = arith.addf %add3A_631, %get3A_633 : vector<16xf32>
    %get3A_635 = arith.constant 896 : index
    %get3A_636 = tpu.vector_load %arg8[%get3A_635] {strides = array<i32>} : memref<1024xf32, #tpu.memory_space<vmem>>, vector<16xf32>,
    %add3A_637 = arith.addf %add3A_634, %get3A_636 : vector<16xf32>
    %get3A_638 = arith.constant 960 : index
    %get3A_639 = tpu.vector_load %arg8[%get3A_638] {strides = array<i32>} : memref<1024xf32, #tpu.memory_space<vmem>>, vector<16xf32>,
    %add3A_640 = arith.addf %add3A_637, %get3A_639 : vector<16xf32>
    %get3A_641 = arith.constant 0 : index
    %get3A_642 = tpu.vector_load %arg9[%get3A_641] {strides = array<i32>} : memref<1024xf32, #tpu.memory_space<vmem>>, vector<16xf32>,
    %add3A_643 = arith.addf %add3A_640, %get3A_642 : vector<16xf32>
    %get3A_644 = arith.constant 64 : index
    %get3A_645 = tpu.vector_load %arg9[%get3A_644] {strides = array<i32>} : memref<1024xf32, #tpu.memory_space<vmem>>, vector<16xf32>,
    %add3A_646 = arith.addf %add3A_643, %get3A_645 : vector<16xf32>
    %get3A_647 = arith.constant 128 : index
    %get3A_648 = tpu.vector_load %arg9[%get3A_647] {strides = array<i32>} : memref<1024xf32, #tpu.memory_space<vmem>>, vector<16xf32>,
    %add3A_649 = arith.addf %add3A_646, %get3A_648 : vector<16xf32>
    %get3A_650 = arith.constant 192 : index
    %get3A_651 = tpu.vector_load %arg9[%get3A_650] {strides = array<i32>} : memref<1024xf32, #tpu.memory_space<vmem>>, vector<16xf32>,
    %add3A_652 = arith.addf %add3A_649, %get3A_651 : vector<16xf32>
    %get3A_653 = arith.constant 256 : index
    %get3A_654 = tpu.vector_load %arg9[%get3A_653] {strides = array<i32>} : memref<1024xf32, #tpu.memory_space<vmem>>, vector<16xf32>,
    %add3A_655 = arith.addf %add3A_652, %get3A_654 : vector<16xf32>
    %get3A_656 = arith.constant 320 : index
    %get3A_657 = tpu.vector_load %arg9[%get3A_656] {strides = array<i32>} : memref<1024xf32, #tpu.memory_space<vmem>>, vector<16xf32>,
    %add3A_658 = arith.addf %add3A_655, %get3A_657 : vector<16xf32>
    %get3A_659 = arith.constant 384 : index
    %get3A_660 = tpu.vector_load %arg9[%get3A_659] {strides = array<i32>} : memref<1024xf32, #tpu.memory_space<vmem>>, vector<16xf32>,
    %add3A_661 = arith.addf %add3A_658, %get3A_660 : vector<16xf32>
    %get3A_662 = arith.constant 448 : index
    %get3A_663 = tpu.vector_load %arg9[%get3A_662] {strides = array<i32>} : memref<1024xf32, #tpu.memory_space<vmem>>, vector<16xf32>,
    %add3A_664 = arith.addf %add3A_661, %get3A_663 : vector<16xf32>
    %get3A_665 = arith.constant 512 : index
    %get3A_666 = tpu.vector_load %arg9[%get3A_665] {strides = array<i32>} : memref<1024xf32, #tpu.memory_space<vmem>>, vector<16xf32>,
    %add3A_667 = arith.addf %add3A_664, %get3A_666 : vector<16xf32>
    %get3A_668 = arith.constant 576 : index
    %get3A_669 = tpu.vector_load %arg9[%get3A_668] {strides = array<i32>} : memref<1024xf32, #tpu.memory_space<vmem>>, vector<16xf32>,
    %add3A_670 = arith.addf %add3A_667, %get3A_669 : vector<16xf32>
    %get3A_671 = arith.constant 640 : index
    %get3A_672 = tpu.vector_load %arg9[%get3A_671] {strides = array<i32>} : memref<1024xf32, #tpu.memory_space<vmem>>, vector<16xf32>,
    %add3A_673 = arith.addf %add3A_670, %get3A_672 : vector<16xf32>
    %get3A_674 = arith.constant 704 : index
    %get3A_675 = tpu.vector_load %arg9[%get3A_674] {strides = array<i32>} : memref<1024xf32, #tpu.memory_space<vmem>>, vector<16xf32>,
    %add3A_676 = arith.addf %add3A_673, %get3A_675 : vector<16xf32>
    %get3A_677 = arith.constant 768 : index
    %get3A_678 = tpu.vector_load %arg9[%get3A_677] {strides = array<i32>} : memref<1024xf32, #tpu.memory_space<vmem>>, vector<16xf32>,
    %add3A_679 = arith.addf %add3A_676, %get3A_678 : vector<16xf32>
    %get3A_680 = arith.constant 832 : index
    %get3A_681 = tpu.vector_load %arg9[%get3A_680] {strides = array<i32>} : memref<1024xf32, #tpu.memory_space<vmem>>, vector<16xf32>,
    %add3A_682 = arith.addf %add3A_679, %get3A_681 : vector<16xf32>
    %get3A_683 = arith.constant 896 : index
    %get3A_684 = tpu.vector_load %arg9[%get3A_683] {strides = array<i32>} : memref<1024xf32, #tpu.memory_space<vmem>>, vector<16xf32>,
    %add3A_685 = arith.addf %add3A_682, %get3A_684 : vector<16xf32>
    %get3A_686 = arith.constant 960 : index
    %get3A_687 = tpu.vector_load %arg9[%get3A_686] {strides = array<i32>} : memref<1024xf32, #tpu.memory_space<vmem>>, vector<16xf32>,
    %add3A_688 = arith.addf %add3A_685, %get3A_687 : vector<16xf32>
    %get3A_689 = arith.constant 0 : index
    %get3A_690 = tpu.vector_load %arg10[%get3A_689] {strides = array<i32>} : memref<1024xf32, #tpu.memory_space<vmem>>, vector<16xf32>,
    %add3A_691 = arith.addf %add3A_688, %get3A_690 : vector<16xf32>
    %get3A_692 = arith.constant 64 : index
    %get3A_693 = tpu.vector_load %arg10[%get3A_692] {strides = array<i32>} : memref<1024xf32, #tpu.memory_space<vmem>>, vector<16xf32>,
    %add3A_694 = arith.addf %add3A_691, %get3A_693 : vector<16xf32>
    %get3A_695 = arith.constant 128 : index
    %get3A_696 = tpu.vector_load %arg10[%get3A_695] {strides = array<i32>} : memref<1024xf32, #tpu.memory_space<vmem>>, vector<16xf32>,
    %add3A_697 = arith.addf %add3A_694, %get3A_696 : vector<16xf32>
    %get3A_698 = arith.constant 192 : index
    %get3A_699 = tpu.vector_load %arg10[%get3A_698] {strides = array<i32>} : memref<1024xf32, #tpu.memory_space<vmem>>, vector<16xf32>,
    %add3A_700 = arith.addf %add3A_697, %get3A_699 : vector<16xf32>
    %get3A_701 = arith.constant 256 : index
    %get3A_702 = tpu.vector_load %arg10[%get3A_701] {strides = array<i32>} : memref<1024xf32, #tpu.memory_space<vmem>>, vector<16xf32>,
    %add3A_703 = arith.addf %add3A_700, %get3A_702 : vector<16xf32>
    %get3A_704 = arith.constant 320 : index
    %get3A_705 = tpu.vector_load %arg10[%get3A_704] {strides = array<i32>} : memref<1024xf32, #tpu.memory_space<vmem>>, vector<16xf32>,
    %add3A_706 = arith.addf %add3A_703, %get3A_705 : vector<16xf32>
    %get3A_707 = arith.constant 384 : index
    %get3A_708 = tpu.vector_load %arg10[%get3A_707] {strides = array<i32>} : memref<1024xf32, #tpu.memory_space<vmem>>, vector<16xf32>,
    %add3A_709 = arith.addf %add3A_706, %get3A_708 : vector<16xf32>
    %get3A_710 = arith.constant 448 : index
    %get3A_711 = tpu.vector_load %arg10[%get3A_710] {strides = array<i32>} : memref<1024xf32, #tpu.memory_space<vmem>>, vector<16xf32>,
    %add3A_712 = arith.addf %add3A_709, %get3A_711 : vector<16xf32>
    %get3A_713 = arith.constant 512 : index
    %get3A_714 = tpu.vector_load %arg10[%get3A_713] {strides = array<i32>} : memref<1024xf32, #tpu.memory_space<vmem>>, vector<16xf32>,
    %add3A_715 = arith.addf %add3A_712, %get3A_714 : vector<16xf32>
    %get3A_716 = arith.constant 576 : index
    %get3A_717 = tpu.vector_load %arg10[%get3A_716] {strides = array<i32>} : memref<1024xf32, #tpu.memory_space<vmem>>, vector<16xf32>,
    %add3A_718 = arith.addf %add3A_715, %get3A_717 : vector<16xf32>
    %get3A_719 = arith.constant 640 : index
    %get3A_720 = tpu.vector_load %arg10[%get3A_719] {strides = array<i32>} : memref<1024xf32, #tpu.memory_space<vmem>>, vector<16xf32>,
    %add3A_721 = arith.addf %add3A_718, %get3A_720 : vector<16xf32>
    %get3A_722 = arith.constant 704 : index
    %get3A_723 = tpu.vector_load %arg10[%get3A_722] {strides = array<i32>} : memref<1024xf32, #tpu.memory_space<vmem>>, vector<16xf32>,
    %add3A_724 = arith.addf %add3A_721, %get3A_723 : vector<16xf32>
    %get3A_725 = arith.constant 768 : index
    %get3A_726 = tpu.vector_load %arg10[%get3A_725] {strides = array<i32>} : memref<1024xf32, #tpu.memory_space<vmem>>, vector<16xf32>,
    %add3A_727 = arith.addf %add3A_724, %get3A_726 : vector<16xf32>
    %get3A_728 = arith.constant 832 : index
    %get3A_729 = tpu.vector_load %arg10[%get3A_728] {strides = array<i32>} : memref<1024xf32, #tpu.memory_space<vmem>>, vector<16xf32>,
    %add3A_730 = arith.addf %add3A_727, %get3A_729 : vector<16xf32>
    %get3A_731 = arith.constant 896 : index
    %get3A_732 = tpu.vector_load %arg10[%get3A_731] {strides = array<i32>} : memref<1024xf32, #tpu.memory_space<vmem>>, vector<16xf32>,
    %add3A_733 = arith.addf %add3A_730, %get3A_732 : vector<16xf32>
    %get3A_734 = arith.constant 960 : index
    %get3A_735 = tpu.vector_load %arg10[%get3A_734] {strides = array<i32>} : memref<1024xf32, #tpu.memory_space<vmem>>, vector<16xf32>,
    %add3A_736 = arith.addf %add3A_733, %get3A_735 : vector<16xf32>
    %eq3A = arith.constant 0 : i32
    %eq3A_737 = vector.broadcast %eq3A : i32 to vector<16xi32>
    %eq3A_738 = arith.cmpi eq, %iota3A, %eq3A_737 : vector<16xi32>
    %jit3A = arith.constant 0.000000e+00 : f32
    %broadcast_in_dim3A_739 = vector.broadcast %reduce_sum3A_545 : f32 to vector<16xf32>
    %broadcast_in_dim3A_740 = vector.broadcast %jit3A : f32 to vector<16xf32>
    %select_n3A = arith.select %eq3A_738, %broadcast_in_dim3A_739, %broadcast_in_dim3A_740 : vector<16xi1>, vector<16xf32>
    %add3A_741 = arith.addf %add3A_736, %select_n3A : vector<16xf32>
    %swap3A_742 = arith.constant 0 : index
    %swap3A_743 = tpu.vector_load %arg11[%swap3A_742] {strides = array<i32>} : memref<128xf32, #tpu.memory_space<vmem>>, vector<16xf32>,
    tpu.vector_store %arg11[%swap3A_742], %add3A_741 {strides = array<i32>} : memref<128xf32, #tpu.memory_space<vmem>>, vector<16xf32>,
    %get3A_744 = arith.constant 16 : index
    %get3A_745 = tpu.vector_load %arg7[%get3A_744] {strides = array<i32>} : memref<1024xf32, #tpu.memory_space<vmem>>, vector<16xf32>,
    %add3A_746 = arith.addf %broadcast_in_dim3A_1, %get3A_745 : vector<16xf32>
    %get3A_747 = arith.constant 80 : index
    %get3A_748 = tpu.vector_load %arg7[%get3A_747] {strides = array<i32>} : memref<1024xf32, #tpu.memory_space<vmem>>, vector<16xf32>,
    %add3A_749 = arith.addf %add3A_746, %get3A_748 : vector<16xf32>
    %get3A_750 = arith.constant 144 : index
    %get3A_751 = tpu.vector_load %arg7[%get3A_750] {strides = array<i32>} : memref<1024xf32, #tpu.memory_space<vmem>>, vector<16xf32>,
    %add3A_752 = arith.addf %add3A_749, %get3A_751 : vector<16xf32>
    %get3A_753 = arith.constant 208 : index
    %get3A_754 = tpu.vector_load %arg7[%get3A_753] {strides = array<i32>} : memref<1024xf32, #tpu.memory_space<vmem>>, vector<16xf32>,
    %add3A_755 = arith.addf %add3A_752, %get3A_754 : vector<16xf32>
    %get3A_756 = arith.constant 272 : index
    %get3A_757 = tpu.vector_load %arg7[%get3A_756] {strides = array<i32>} : memref<1024xf32, #tpu.memory_space<vmem>>, vector<16xf32>,
    %add3A_758 = arith.addf %add3A_755, %get3A_757 : vector<16xf32>
    %get3A_759 = arith.constant 336 : index
    %get3A_760 = tpu.vector_load %arg7[%get3A_759] {strides = array<i32>} : memref<1024xf32, #tpu.memory_space<vmem>>, vector<16xf32>,
    %add3A_761 = arith.addf %add3A_758, %get3A_760 : vector<16xf32>
    %get3A_762 = arith.constant 400 : index
    %get3A_763 = tpu.vector_load %arg7[%get3A_762] {strides = array<i32>} : memref<1024xf32, #tpu.memory_space<vmem>>, vector<16xf32>,
    %add3A_764 = arith.addf %add3A_761, %get3A_763 : vector<16xf32>
    %get3A_765 = arith.constant 464 : index
    %get3A_766 = tpu.vector_load %arg7[%get3A_765] {strides = array<i32>} : memref<1024xf32, #tpu.memory_space<vmem>>, vector<16xf32>,
    %add3A_767 = arith.addf %add3A_764, %get3A_766 : vector<16xf32>
    %get3A_768 = arith.constant 528 : index
    %get3A_769 = tpu.vector_load %arg7[%get3A_768] {strides = array<i32>} : memref<1024xf32, #tpu.memory_space<vmem>>, vector<16xf32>,
    %add3A_770 = arith.addf %add3A_767, %get3A_769 : vector<16xf32>
    %get3A_771 = arith.constant 592 : index
    %get3A_772 = tpu.vector_load %arg7[%get3A_771] {strides = array<i32>} : memref<1024xf32, #tpu.memory_space<vmem>>, vector<16xf32>,
    %add3A_773 = arith.addf %add3A_770, %get3A_772 : vector<16xf32>
    %get3A_774 = arith.constant 656 : index
    %get3A_775 = tpu.vector_load %arg7[%get3A_774] {strides = array<i32>} : memref<1024xf32, #tpu.memory_space<vmem>>, vector<16xf32>,
    %add3A_776 = arith.addf %add3A_773, %get3A_775 : vector<16xf32>
    %get3A_777 = arith.constant 720 : index
    %get3A_778 = tpu.vector_load %arg7[%get3A_777] {strides = array<i32>} : memref<1024xf32, #tpu.memory_space<vmem>>, vector<16xf32>,
    %add3A_779 = arith.addf %add3A_776, %get3A_778 : vector<16xf32>
    %get3A_780 = arith.constant 784 : index
    %get3A_781 = tpu.vector_load %arg7[%get3A_780] {strides = array<i32>} : memref<1024xf32, #tpu.memory_space<vmem>>, vector<16xf32>,
    %add3A_782 = arith.addf %add3A_779, %get3A_781 : vector<16xf32>
    %get3A_783 = arith.constant 848 : index
    %get3A_784 = tpu.vector_load %arg7[%get3A_783] {strides = array<i32>} : memref<1024xf32, #tpu.memory_space<vmem>>, vector<16xf32>,
    %add3A_785 = arith.addf %add3A_782, %get3A_784 : vector<16xf32>
    %get3A_786 = arith.constant 912 : index
    %get3A_787 = tpu.vector_load %arg7[%get3A_786] {strides = array<i32>} : memref<1024xf32, #tpu.memory_space<vmem>>, vector<16xf32>,
    %add3A_788 = arith.addf %add3A_785, %get3A_787 : vector<16xf32>
    %get3A_789 = arith.constant 976 : index
    %get3A_790 = tpu.vector_load %arg7[%get3A_789] {strides = array<i32>} : memref<1024xf32, #tpu.memory_space<vmem>>, vector<16xf32>,
    %add3A_791 = arith.addf %add3A_788, %get3A_790 : vector<16xf32>
    %get3A_792 = arith.constant 16 : index
    %get3A_793 = tpu.vector_load %arg8[%get3A_792] {strides = array<i32>} : memref<1024xf32, #tpu.memory_space<vmem>>, vector<16xf32>,
    %add3A_794 = arith.addf %add3A_791, %get3A_793 : vector<16xf32>
    %get3A_795 = arith.constant 80 : index
    %get3A_796 = tpu.vector_load %arg8[%get3A_795] {strides = array<i32>} : memref<1024xf32, #tpu.memory_space<vmem>>, vector<16xf32>,
    %add3A_797 = arith.addf %add3A_794, %get3A_796 : vector<16xf32>
    %get3A_798 = arith.constant 144 : index
    %get3A_799 = tpu.vector_load %arg8[%get3A_798] {strides = array<i32>} : memref<1024xf32, #tpu.memory_space<vmem>>, vector<16xf32>,
    %add3A_800 = arith.addf %add3A_797, %get3A_799 : vector<16xf32>
    %get3A_801 = arith.constant 208 : index
    %get3A_802 = tpu.vector_load %arg8[%get3A_801] {strides = array<i32>} : memref<1024xf32, #tpu.memory_space<vmem>>, vector<16xf32>,
    %add3A_803 = arith.addf %add3A_800, %get3A_802 : vector<16xf32>
    %get3A_804 = arith.constant 272 : index
    %get3A_805 = tpu.vector_load %arg8[%get3A_804] {strides = array<i32>} : memref<1024xf32, #tpu.memory_space<vmem>>, vector<16xf32>,
    %add3A_806 = arith.addf %add3A_803, %get3A_805 : vector<16xf32>
    %get3A_807 = arith.constant 336 : index
    %get3A_808 = tpu.vector_load %arg8[%get3A_807] {strides = array<i32>} : memref<1024xf32, #tpu.memory_space<vmem>>, vector<16xf32>,
    %add3A_809 = arith.addf %add3A_806, %get3A_808 : vector<16xf32>
    %get3A_810 = arith.constant 400 : index
    %get3A_811 = tpu.vector_load %arg8[%get3A_810] {strides = array<i32>} : memref<1024xf32, #tpu.memory_space<vmem>>, vector<16xf32>,
    %add3A_812 = arith.addf %add3A_809, %get3A_811 : vector<16xf32>
    %get3A_813 = arith.constant 464 : index
    %get3A_814 = tpu.vector_load %arg8[%get3A_813] {strides = array<i32>} : memref<1024xf32, #tpu.memory_space<vmem>>, vector<16xf32>,
    %add3A_815 = arith.addf %add3A_812, %get3A_814 : vector<16xf32>
    %get3A_816 = arith.constant 528 : index
    %get3A_817 = tpu.vector_load %arg8[%get3A_816] {strides = array<i32>} : memref<1024xf32, #tpu.memory_space<vmem>>, vector<16xf32>,
    %add3A_818 = arith.addf %add3A_815, %get3A_817 : vector<16xf32>
    %get3A_819 = arith.constant 592 : index
    %get3A_820 = tpu.vector_load %arg8[%get3A_819] {strides = array<i32>} : memref<1024xf32, #tpu.memory_space<vmem>>, vector<16xf32>,
    %add3A_821 = arith.addf %add3A_818, %get3A_820 : vector<16xf32>
    %get3A_822 = arith.constant 656 : index
    %get3A_823 = tpu.vector_load %arg8[%get3A_822] {strides = array<i32>} : memref<1024xf32, #tpu.memory_space<vmem>>, vector<16xf32>,
    %add3A_824 = arith.addf %add3A_821, %get3A_823 : vector<16xf32>
    %get3A_825 = arith.constant 720 : index
    %get3A_826 = tpu.vector_load %arg8[%get3A_825] {strides = array<i32>} : memref<1024xf32, #tpu.memory_space<vmem>>, vector<16xf32>,
    %add3A_827 = arith.addf %add3A_824, %get3A_826 : vector<16xf32>
    %get3A_828 = arith.constant 784 : index
    %get3A_829 = tpu.vector_load %arg8[%get3A_828] {strides = array<i32>} : memref<1024xf32, #tpu.memory_space<vmem>>, vector<16xf32>,
    %add3A_830 = arith.addf %add3A_827, %get3A_829 : vector<16xf32>
    %get3A_831 = arith.constant 848 : index
    %get3A_832 = tpu.vector_load %arg8[%get3A_831] {strides = array<i32>} : memref<1024xf32, #tpu.memory_space<vmem>>, vector<16xf32>,
    %add3A_833 = arith.addf %add3A_830, %get3A_832 : vector<16xf32>
    %get3A_834 = arith.constant 912 : index
    %get3A_835 = tpu.vector_load %arg8[%get3A_834] {strides = array<i32>} : memref<1024xf32, #tpu.memory_space<vmem>>, vector<16xf32>,
    %add3A_836 = arith.addf %add3A_833, %get3A_835 : vector<16xf32>
    %get3A_837 = arith.constant 976 : index
    %get3A_838 = tpu.vector_load %arg8[%get3A_837] {strides = array<i32>} : memref<1024xf32, #tpu.memory_space<vmem>>, vector<16xf32>,
    %add3A_839 = arith.addf %add3A_836, %get3A_838 : vector<16xf32>
    %get3A_840 = arith.constant 16 : index
    %get3A_841 = tpu.vector_load %arg9[%get3A_840] {strides = array<i32>} : memref<1024xf32, #tpu.memory_space<vmem>>, vector<16xf32>,
    %add3A_842 = arith.addf %add3A_839, %get3A_841 : vector<16xf32>
    %get3A_843 = arith.constant 80 : index
    %get3A_844 = tpu.vector_load %arg9[%get3A_843] {strides = array<i32>} : memref<1024xf32, #tpu.memory_space<vmem>>, vector<16xf32>,
    %add3A_845 = arith.addf %add3A_842, %get3A_844 : vector<16xf32>
    %get3A_846 = arith.constant 144 : index
    %get3A_847 = tpu.vector_load %arg9[%get3A_846] {strides = array<i32>} : memref<1024xf32, #tpu.memory_space<vmem>>, vector<16xf32>,
    %add3A_848 = arith.addf %add3A_845, %get3A_847 : vector<16xf32>
    %get3A_849 = arith.constant 208 : index
    %get3A_850 = tpu.vector_load %arg9[%get3A_849] {strides = array<i32>} : memref<1024xf32, #tpu.memory_space<vmem>>, vector<16xf32>,
    %add3A_851 = arith.addf %add3A_848, %get3A_850 : vector<16xf32>
    %get3A_852 = arith.constant 272 : index
    %get3A_853 = tpu.vector_load %arg9[%get3A_852] {strides = array<i32>} : memref<1024xf32, #tpu.memory_space<vmem>>, vector<16xf32>,
    %add3A_854 = arith.addf %add3A_851, %get3A_853 : vector<16xf32>
    %get3A_855 = arith.constant 336 : index
    %get3A_856 = tpu.vector_load %arg9[%get3A_855] {strides = array<i32>} : memref<1024xf32, #tpu.memory_space<vmem>>, vector<16xf32>,
    %add3A_857 = arith.addf %add3A_854, %get3A_856 : vector<16xf32>
    %get3A_858 = arith.constant 400 : index
    %get3A_859 = tpu.vector_load %arg9[%get3A_858] {strides = array<i32>} : memref<1024xf32, #tpu.memory_space<vmem>>, vector<16xf32>,
    %add3A_860 = arith.addf %add3A_857, %get3A_859 : vector<16xf32>
    %get3A_861 = arith.constant 464 : index
    %get3A_862 = tpu.vector_load %arg9[%get3A_861] {strides = array<i32>} : memref<1024xf32, #tpu.memory_space<vmem>>, vector<16xf32>,
    %add3A_863 = arith.addf %add3A_860, %get3A_862 : vector<16xf32>
    %get3A_864 = arith.constant 528 : index
    %get3A_865 = tpu.vector_load %arg9[%get3A_864] {strides = array<i32>} : memref<1024xf32, #tpu.memory_space<vmem>>, vector<16xf32>,
    %add3A_866 = arith.addf %add3A_863, %get3A_865 : vector<16xf32>
    %get3A_867 = arith.constant 592 : index
    %get3A_868 = tpu.vector_load %arg9[%get3A_867] {strides = array<i32>} : memref<1024xf32, #tpu.memory_space<vmem>>, vector<16xf32>,
    %add3A_869 = arith.addf %add3A_866, %get3A_868 : vector<16xf32>
    %get3A_870 = arith.constant 656 : index
    %get3A_871 = tpu.vector_load %arg9[%get3A_870] {strides = array<i32>} : memref<1024xf32, #tpu.memory_space<vmem>>, vector<16xf32>,
    %add3A_872 = arith.addf %add3A_869, %get3A_871 : vector<16xf32>
    %get3A_873 = arith.constant 720 : index
    %get3A_874 = tpu.vector_load %arg9[%get3A_873] {strides = array<i32>} : memref<1024xf32, #tpu.memory_space<vmem>>, vector<16xf32>,
    %add3A_875 = arith.addf %add3A_872, %get3A_874 : vector<16xf32>
    %get3A_876 = arith.constant 784 : index
    %get3A_877 = tpu.vector_load %arg9[%get3A_876] {strides = array<i32>} : memref<1024xf32, #tpu.memory_space<vmem>>, vector<16xf32>,
    %add3A_878 = arith.addf %add3A_875, %get3A_877 : vector<16xf32>
    %get3A_879 = arith.constant 848 : index
    %get3A_880 = tpu.vector_load %arg9[%get3A_879] {strides = array<i32>} : memref<1024xf32, #tpu.memory_space<vmem>>, vector<16xf32>,
    %add3A_881 = arith.addf %add3A_878, %get3A_880 : vector<16xf32>
    %get3A_882 = arith.constant 912 : index
    %get3A_883 = tpu.vector_load %arg9[%get3A_882] {strides = array<i32>} : memref<1024xf32, #tpu.memory_space<vmem>>, vector<16xf32>,
    %add3A_884 = arith.addf %add3A_881, %get3A_883 : vector<16xf32>
    %get3A_885 = arith.constant 976 : index
    %get3A_886 = tpu.vector_load %arg9[%get3A_885] {strides = array<i32>} : memref<1024xf32, #tpu.memory_space<vmem>>, vector<16xf32>,
    %add3A_887 = arith.addf %add3A_884, %get3A_886 : vector<16xf32>
    %get3A_888 = arith.constant 16 : index
    %get3A_889 = tpu.vector_load %arg10[%get3A_888] {strides = array<i32>} : memref<1024xf32, #tpu.memory_space<vmem>>, vector<16xf32>,
    %add3A_890 = arith.addf %add3A_887, %get3A_889 : vector<16xf32>
    %get3A_891 = arith.constant 80 : index
    %get3A_892 = tpu.vector_load %arg10[%get3A_891] {strides = array<i32>} : memref<1024xf32, #tpu.memory_space<vmem>>, vector<16xf32>,
    %add3A_893 = arith.addf %add3A_890, %get3A_892 : vector<16xf32>
    %get3A_894 = arith.constant 144 : index
    %get3A_895 = tpu.vector_load %arg10[%get3A_894] {strides = array<i32>} : memref<1024xf32, #tpu.memory_space<vmem>>, vector<16xf32>,
    %add3A_896 = arith.addf %add3A_893, %get3A_895 : vector<16xf32>
    %get3A_897 = arith.constant 208 : index
    %get3A_898 = tpu.vector_load %arg10[%get3A_897] {strides = array<i32>} : memref<1024xf32, #tpu.memory_space<vmem>>, vector<16xf32>,
    %add3A_899 = arith.addf %add3A_896, %get3A_898 : vector<16xf32>
    %get3A_900 = arith.constant 272 : index
    %get3A_901 = tpu.vector_load %arg10[%get3A_900] {strides = array<i32>} : memref<1024xf32, #tpu.memory_space<vmem>>, vector<16xf32>,
    %add3A_902 = arith.addf %add3A_899, %get3A_901 : vector<16xf32>
    %get3A_903 = arith.constant 336 : index
    %get3A_904 = tpu.vector_load %arg10[%get3A_903] {strides = array<i32>} : memref<1024xf32, #tpu.memory_space<vmem>>, vector<16xf32>,
    %add3A_905 = arith.addf %add3A_902, %get3A_904 : vector<16xf32>
    %get3A_906 = arith.constant 400 : index
    %get3A_907 = tpu.vector_load %arg10[%get3A_906] {strides = array<i32>} : memref<1024xf32, #tpu.memory_space<vmem>>, vector<16xf32>,
    %add3A_908 = arith.addf %add3A_905, %get3A_907 : vector<16xf32>
    %get3A_909 = arith.constant 464 : index
    %get3A_910 = tpu.vector_load %arg10[%get3A_909] {strides = array<i32>} : memref<1024xf32, #tpu.memory_space<vmem>>, vector<16xf32>,
    %add3A_911 = arith.addf %add3A_908, %get3A_910 : vector<16xf32>
    %get3A_912 = arith.constant 528 : index
    %get3A_913 = tpu.vector_load %arg10[%get3A_912] {strides = array<i32>} : memref<1024xf32, #tpu.memory_space<vmem>>, vector<16xf32>,
    %add3A_914 = arith.addf %add3A_911, %get3A_913 : vector<16xf32>
    %get3A_915 = arith.constant 592 : index
    %get3A_916 = tpu.vector_load %arg10[%get3A_915] {strides = array<i32>} : memref<1024xf32, #tpu.memory_space<vmem>>, vector<16xf32>,
    %add3A_917 = arith.addf %add3A_914, %get3A_916 : vector<16xf32>
    %get3A_918 = arith.constant 656 : index
    %get3A_919 = tpu.vector_load %arg10[%get3A_918] {strides = array<i32>} : memref<1024xf32, #tpu.memory_space<vmem>>, vector<16xf32>,
    %add3A_920 = arith.addf %add3A_917, %get3A_919 : vector<16xf32>
    %get3A_921 = arith.constant 720 : index
    %get3A_922 = tpu.vector_load %arg10[%get3A_921] {strides = array<i32>} : memref<1024xf32, #tpu.memory_space<vmem>>, vector<16xf32>,
    %add3A_923 = arith.addf %add3A_920, %get3A_922 : vector<16xf32>
    %get3A_924 = arith.constant 784 : index
    %get3A_925 = tpu.vector_load %arg10[%get3A_924] {strides = array<i32>} : memref<1024xf32, #tpu.memory_space<vmem>>, vector<16xf32>,
    %add3A_926 = arith.addf %add3A_923, %get3A_925 : vector<16xf32>
    %get3A_927 = arith.constant 848 : index
    %get3A_928 = tpu.vector_load %arg10[%get3A_927] {strides = array<i32>} : memref<1024xf32, #tpu.memory_space<vmem>>, vector<16xf32>,
    %add3A_929 = arith.addf %add3A_926, %get3A_928 : vector<16xf32>
    %get3A_930 = arith.constant 912 : index
    %get3A_931 = tpu.vector_load %arg10[%get3A_930] {strides = array<i32>} : memref<1024xf32, #tpu.memory_space<vmem>>, vector<16xf32>,
    %add3A_932 = arith.addf %add3A_929, %get3A_931 : vector<16xf32>
    %get3A_933 = arith.constant 976 : index
    %get3A_934 = tpu.vector_load %arg10[%get3A_933] {strides = array<i32>} : memref<1024xf32, #tpu.memory_space<vmem>>, vector<16xf32>,
    %add3A_935 = arith.addf %add3A_932, %get3A_934 : vector<16xf32>
    %swap3A_936 = arith.constant 16 : index
    %swap3A_937 = tpu.vector_load %arg11[%swap3A_936] {strides = array<i32>} : memref<128xf32, #tpu.memory_space<vmem>>, vector<16xf32>,
    tpu.vector_store %arg11[%swap3A_936], %add3A_935 {strides = array<i32>} : memref<128xf32, #tpu.memory_space<vmem>>, vector<16xf32>,
    %get3A_938 = arith.constant 32 : index
    %get3A_939 = tpu.vector_load %arg7[%get3A_938] {strides = array<i32>} : memref<1024xf32, #tpu.memory_space<vmem>>, vector<16xf32>,
    %add3A_940 = arith.addf %broadcast_in_dim3A_1, %get3A_939 : vector<16xf32>
    %get3A_941 = arith.constant 96 : index
    %get3A_942 = tpu.vector_load %arg7[%get3A_941] {strides = array<i32>} : memref<1024xf32, #tpu.memory_space<vmem>>, vector<16xf32>,
    %add3A_943 = arith.addf %add3A_940, %get3A_942 : vector<16xf32>
    %get3A_944 = arith.constant 160 : index
    %get3A_945 = tpu.vector_load %arg7[%get3A_944] {strides = array<i32>} : memref<1024xf32, #tpu.memory_space<vmem>>, vector<16xf32>,
    %add3A_946 = arith.addf %add3A_943, %get3A_945 : vector<16xf32>
    %get3A_947 = arith.constant 224 : index
    %get3A_948 = tpu.vector_load %arg7[%get3A_947] {strides = array<i32>} : memref<1024xf32, #tpu.memory_space<vmem>>, vector<16xf32>,
    %add3A_949 = arith.addf %add3A_946, %get3A_948 : vector<16xf32>
    %get3A_950 = arith.constant 288 : index
    %get3A_951 = tpu.vector_load %arg7[%get3A_950] {strides = array<i32>} : memref<1024xf32, #tpu.memory_space<vmem>>, vector<16xf32>,
    %add3A_952 = arith.addf %add3A_949, %get3A_951 : vector<16xf32>
    %get3A_953 = arith.constant 352 : index
    %get3A_954 = tpu.vector_load %arg7[%get3A_953] {strides = array<i32>} : memref<1024xf32, #tpu.memory_space<vmem>>, vector<16xf32>,
    %add3A_955 = arith.addf %add3A_952, %get3A_954 : vector<16xf32>
    %get3A_956 = arith.constant 416 : index
    %get3A_957 = tpu.vector_load %arg7[%get3A_956] {strides = array<i32>} : memref<1024xf32, #tpu.memory_space<vmem>>, vector<16xf32>,
    %add3A_958 = arith.addf %add3A_955, %get3A_957 : vector<16xf32>
    %get3A_959 = arith.constant 480 : index
    %get3A_960 = tpu.vector_load %arg7[%get3A_959] {strides = array<i32>} : memref<1024xf32, #tpu.memory_space<vmem>>, vector<16xf32>,
    %add3A_961 = arith.addf %add3A_958, %get3A_960 : vector<16xf32>
    %get3A_962 = arith.constant 544 : index
    %get3A_963 = tpu.vector_load %arg7[%get3A_962] {strides = array<i32>} : memref<1024xf32, #tpu.memory_space<vmem>>, vector<16xf32>,
    %add3A_964 = arith.addf %add3A_961, %get3A_963 : vector<16xf32>
    %get3A_965 = arith.constant 608 : index
    %get3A_966 = tpu.vector_load %arg7[%get3A_965] {strides = array<i32>} : memref<1024xf32, #tpu.memory_space<vmem>>, vector<16xf32>,
    %add3A_967 = arith.addf %add3A_964, %get3A_966 : vector<16xf32>
    %get3A_968 = arith.constant 672 : index
    %get3A_969 = tpu.vector_load %arg7[%get3A_968] {strides = array<i32>} : memref<1024xf32, #tpu.memory_space<vmem>>, vector<16xf32>,
    %add3A_970 = arith.addf %add3A_967, %get3A_969 : vector<16xf32>
    %get3A_971 = arith.constant 736 : index
    %get3A_972 = tpu.vector_load %arg7[%get3A_971] {strides = array<i32>} : memref<1024xf32, #tpu.memory_space<vmem>>, vector<16xf32>,
    %add3A_973 = arith.addf %add3A_970, %get3A_972 : vector<16xf32>
    %get3A_974 = arith.constant 800 : index
    %get3A_975 = tpu.vector_load %arg7[%get3A_974] {strides = array<i32>} : memref<1024xf32, #tpu.memory_space<vmem>>, vector<16xf32>,
    %add3A_976 = arith.addf %add3A_973, %get3A_975 : vector<16xf32>
    %get3A_977 = arith.constant 864 : index
    %get3A_978 = tpu.vector_load %arg7[%get3A_977] {strides = array<i32>} : memref<1024xf32, #tpu.memory_space<vmem>>, vector<16xf32>,
    %add3A_979 = arith.addf %add3A_976, %get3A_978 : vector<16xf32>
    %get3A_980 = arith.constant 928 : index
    %get3A_981 = tpu.vector_load %arg7[%get3A_980] {strides = array<i32>} : memref<1024xf32, #tpu.memory_space<vmem>>, vector<16xf32>,
    %add3A_982 = arith.addf %add3A_979, %get3A_981 : vector<16xf32>
    %get3A_983 = arith.constant 992 : index
    %get3A_984 = tpu.vector_load %arg7[%get3A_983] {strides = array<i32>} : memref<1024xf32, #tpu.memory_space<vmem>>, vector<16xf32>,
    %add3A_985 = arith.addf %add3A_982, %get3A_984 : vector<16xf32>
    %get3A_986 = arith.constant 32 : index
    %get3A_987 = tpu.vector_load %arg8[%get3A_986] {strides = array<i32>} : memref<1024xf32, #tpu.memory_space<vmem>>, vector<16xf32>,
    %add3A_988 = arith.addf %add3A_985, %get3A_987 : vector<16xf32>
    %get3A_989 = arith.constant 96 : index
    %get3A_990 = tpu.vector_load %arg8[%get3A_989] {strides = array<i32>} : memref<1024xf32, #tpu.memory_space<vmem>>, vector<16xf32>,
    %add3A_991 = arith.addf %add3A_988, %get3A_990 : vector<16xf32>
    %get3A_992 = arith.constant 160 : index
    %get3A_993 = tpu.vector_load %arg8[%get3A_992] {strides = array<i32>} : memref<1024xf32, #tpu.memory_space<vmem>>, vector<16xf32>,
    %add3A_994 = arith.addf %add3A_991, %get3A_993 : vector<16xf32>
    %get3A_995 = arith.constant 224 : index
    %get3A_996 = tpu.vector_load %arg8[%get3A_995] {strides = array<i32>} : memref<1024xf32, #tpu.memory_space<vmem>>, vector<16xf32>,
    %add3A_997 = arith.addf %add3A_994, %get3A_996 : vector<16xf32>
    %get3A_998 = arith.constant 288 : index
    %get3A_999 = tpu.vector_load %arg8[%get3A_998] {strides = array<i32>} : memref<1024xf32, #tpu.memory_space<vmem>>, vector<16xf32>,
    %add3A_1000 = arith.addf %add3A_997, %get3A_999 : vector<16xf32>
    %get3A_1001 = arith.constant 352 : index
    %get3A_1002 = tpu.vector_load %arg8[%get3A_1001] {strides = array<i32>} : memref<1024xf32, #tpu.memory_space<vmem>>, vector<16xf32>,
    %add3A_1003 = arith.addf %add3A_1000, %get3A_1002 : vector<16xf32>
    %get3A_1004 = arith.constant 416 : index
    %get3A_1005 = tpu.vector_load %arg8[%get3A_1004] {strides = array<i32>} : memref<1024xf32, #tpu.memory_space<vmem>>, vector<16xf32>,
    %add3A_1006 = arith.addf %add3A_1003, %get3A_1005 : vector<16xf32>
    %get3A_1007 = arith.constant 480 : index
    %get3A_1008 = tpu.vector_load %arg8[%get3A_1007] {strides = array<i32>} : memref<1024xf32, #tpu.memory_space<vmem>>, vector<16xf32>,
    %add3A_1009 = arith.addf %add3A_1006, %get3A_1008 : vector<16xf32>
    %get3A_1010 = arith.constant 544 : index
    %get3A_1011 = tpu.vector_load %arg8[%get3A_1010] {strides = array<i32>} : memref<1024xf32, #tpu.memory_space<vmem>>, vector<16xf32>,
    %add3A_1012 = arith.addf %add3A_1009, %get3A_1011 : vector<16xf32>
    %get3A_1013 = arith.constant 608 : index
    %get3A_1014 = tpu.vector_load %arg8[%get3A_1013] {strides = array<i32>} : memref<1024xf32, #tpu.memory_space<vmem>>, vector<16xf32>,
    %add3A_1015 = arith.addf %add3A_1012, %get3A_1014 : vector<16xf32>
    %get3A_1016 = arith.constant 672 : index
    %get3A_1017 = tpu.vector_load %arg8[%get3A_1016] {strides = array<i32>} : memref<1024xf32, #tpu.memory_space<vmem>>, vector<16xf32>,
    %add3A_1018 = arith.addf %add3A_1015, %get3A_1017 : vector<16xf32>
    %get3A_1019 = arith.constant 736 : index
    %get3A_1020 = tpu.vector_load %arg8[%get3A_1019] {strides = array<i32>} : memref<1024xf32, #tpu.memory_space<vmem>>, vector<16xf32>,
    %add3A_1021 = arith.addf %add3A_1018, %get3A_1020 : vector<16xf32>
    %get3A_1022 = arith.constant 800 : index
    %get3A_1023 = tpu.vector_load %arg8[%get3A_1022] {strides = array<i32>} : memref<1024xf32, #tpu.memory_space<vmem>>, vector<16xf32>,
    %add3A_1024 = arith.addf %add3A_1021, %get3A_1023 : vector<16xf32>
    %get3A_1025 = arith.constant 864 : index
    %get3A_1026 = tpu.vector_load %arg8[%get3A_1025] {strides = array<i32>} : memref<1024xf32, #tpu.memory_space<vmem>>, vector<16xf32>,
    %add3A_1027 = arith.addf %add3A_1024, %get3A_1026 : vector<16xf32>
    %get3A_1028 = arith.constant 928 : index
    %get3A_1029 = tpu.vector_load %arg8[%get3A_1028] {strides = array<i32>} : memref<1024xf32, #tpu.memory_space<vmem>>, vector<16xf32>,
    %add3A_1030 = arith.addf %add3A_1027, %get3A_1029 : vector<16xf32>
    %get3A_1031 = arith.constant 992 : index
    %get3A_1032 = tpu.vector_load %arg8[%get3A_1031] {strides = array<i32>} : memref<1024xf32, #tpu.memory_space<vmem>>, vector<16xf32>,
    %add3A_1033 = arith.addf %add3A_1030, %get3A_1032 : vector<16xf32>
    %get3A_1034 = arith.constant 32 : index
    %get3A_1035 = tpu.vector_load %arg9[%get3A_1034] {strides = array<i32>} : memref<1024xf32, #tpu.memory_space<vmem>>, vector<16xf32>,
    %add3A_1036 = arith.addf %add3A_1033, %get3A_1035 : vector<16xf32>
    %get3A_1037 = arith.constant 96 : index
    %get3A_1038 = tpu.vector_load %arg9[%get3A_1037] {strides = array<i32>} : memref<1024xf32, #tpu.memory_space<vmem>>, vector<16xf32>,
    %add3A_1039 = arith.addf %add3A_1036, %get3A_1038 : vector<16xf32>
    %get3A_1040 = arith.constant 160 : index
    %get3A_1041 = tpu.vector_load %arg9[%get3A_1040] {strides = array<i32>} : memref<1024xf32, #tpu.memory_space<vmem>>, vector<16xf32>,
    %add3A_1042 = arith.addf %add3A_1039, %get3A_1041 : vector<16xf32>
    %get3A_1043 = arith.constant 224 : index
    %get3A_1044 = tpu.vector_load %arg9[%get3A_1043] {strides = array<i32>} : memref<1024xf32, #tpu.memory_space<vmem>>, vector<16xf32>,
    %add3A_1045 = arith.addf %add3A_1042, %get3A_1044 : vector<16xf32>
    %get3A_1046 = arith.constant 288 : index
    %get3A_1047 = tpu.vector_load %arg9[%get3A_1046] {strides = array<i32>} : memref<1024xf32, #tpu.memory_space<vmem>>, vector<16xf32>,
    %add3A_1048 = arith.addf %add3A_1045, %get3A_1047 : vector<16xf32>
    %get3A_1049 = arith.constant 352 : index
    %get3A_1050 = tpu.vector_load %arg9[%get3A_1049] {strides = array<i32>} : memref<1024xf32, #tpu.memory_space<vmem>>, vector<16xf32>,
    %add3A_1051 = arith.addf %add3A_1048, %get3A_1050 : vector<16xf32>
    %get3A_1052 = arith.constant 416 : index
    %get3A_1053 = tpu.vector_load %arg9[%get3A_1052] {strides = array<i32>} : memref<1024xf32, #tpu.memory_space<vmem>>, vector<16xf32>,
    %add3A_1054 = arith.addf %add3A_1051, %get3A_1053 : vector<16xf32>
    %get3A_1055 = arith.constant 480 : index
    %get3A_1056 = tpu.vector_load %arg9[%get3A_1055] {strides = array<i32>} : memref<1024xf32, #tpu.memory_space<vmem>>, vector<16xf32>,
    %add3A_1057 = arith.addf %add3A_1054, %get3A_1056 : vector<16xf32>
    %get3A_1058 = arith.constant 544 : index
    %get3A_1059 = tpu.vector_load %arg9[%get3A_1058] {strides = array<i32>} : memref<1024xf32, #tpu.memory_space<vmem>>, vector<16xf32>,
    %add3A_1060 = arith.addf %add3A_1057, %get3A_1059 : vector<16xf32>
    %get3A_1061 = arith.constant 608 : index
    %get3A_1062 = tpu.vector_load %arg9[%get3A_1061] {strides = array<i32>} : memref<1024xf32, #tpu.memory_space<vmem>>, vector<16xf32>,
    %add3A_1063 = arith.addf %add3A_1060, %get3A_1062 : vector<16xf32>
    %get3A_1064 = arith.constant 672 : index
    %get3A_1065 = tpu.vector_load %arg9[%get3A_1064] {strides = array<i32>} : memref<1024xf32, #tpu.memory_space<vmem>>, vector<16xf32>,
    %add3A_1066 = arith.addf %add3A_1063, %get3A_1065 : vector<16xf32>
    %get3A_1067 = arith.constant 736 : index
    %get3A_1068 = tpu.vector_load %arg9[%get3A_1067] {strides = array<i32>} : memref<1024xf32, #tpu.memory_space<vmem>>, vector<16xf32>,
    %add3A_1069 = arith.addf %add3A_1066, %get3A_1068 : vector<16xf32>
    %get3A_1070 = arith.constant 800 : index
    %get3A_1071 = tpu.vector_load %arg9[%get3A_1070] {strides = array<i32>} : memref<1024xf32, #tpu.memory_space<vmem>>, vector<16xf32>,
    %add3A_1072 = arith.addf %add3A_1069, %get3A_1071 : vector<16xf32>
    %get3A_1073 = arith.constant 864 : index
    %get3A_1074 = tpu.vector_load %arg9[%get3A_1073] {strides = array<i32>} : memref<1024xf32, #tpu.memory_space<vmem>>, vector<16xf32>,
    %add3A_1075 = arith.addf %add3A_1072, %get3A_1074 : vector<16xf32>
    %get3A_1076 = arith.constant 928 : index
    %get3A_1077 = tpu.vector_load %arg9[%get3A_1076] {strides = array<i32>} : memref<1024xf32, #tpu.memory_space<vmem>>, vector<16xf32>,
    %add3A_1078 = arith.addf %add3A_1075, %get3A_1077 : vector<16xf32>
    %get3A_1079 = arith.constant 992 : index
    %get3A_1080 = tpu.vector_load %arg9[%get3A_1079] {strides = array<i32>} : memref<1024xf32, #tpu.memory_space<vmem>>, vector<16xf32>,
    %add3A_1081 = arith.addf %add3A_1078, %get3A_1080 : vector<16xf32>
    %get3A_1082 = arith.constant 32 : index
    %get3A_1083 = tpu.vector_load %arg10[%get3A_1082] {strides = array<i32>} : memref<1024xf32, #tpu.memory_space<vmem>>, vector<16xf32>,
    %add3A_1084 = arith.addf %add3A_1081, %get3A_1083 : vector<16xf32>
    %get3A_1085 = arith.constant 96 : index
    %get3A_1086 = tpu.vector_load %arg10[%get3A_1085] {strides = array<i32>} : memref<1024xf32, #tpu.memory_space<vmem>>, vector<16xf32>,
    %add3A_1087 = arith.addf %add3A_1084, %get3A_1086 : vector<16xf32>
    %get3A_1088 = arith.constant 160 : index
    %get3A_1089 = tpu.vector_load %arg10[%get3A_1088] {strides = array<i32>} : memref<1024xf32, #tpu.memory_space<vmem>>, vector<16xf32>,
    %add3A_1090 = arith.addf %add3A_1087, %get3A_1089 : vector<16xf32>
    %get3A_1091 = arith.constant 224 : index
    %get3A_1092 = tpu.vector_load %arg10[%get3A_1091] {strides = array<i32>} : memref<1024xf32, #tpu.memory_space<vmem>>, vector<16xf32>,
    %add3A_1093 = arith.addf %add3A_1090, %get3A_1092 : vector<16xf32>
    %get3A_1094 = arith.constant 288 : index
    %get3A_1095 = tpu.vector_load %arg10[%get3A_1094] {strides = array<i32>} : memref<1024xf32, #tpu.memory_space<vmem>>, vector<16xf32>,
    %add3A_1096 = arith.addf %add3A_1093, %get3A_1095 : vector<16xf32>
    %get3A_1097 = arith.constant 352 : index
    %get3A_1098 = tpu.vector_load %arg10[%get3A_1097] {strides = array<i32>} : memref<1024xf32, #tpu.memory_space<vmem>>, vector<16xf32>,
    %add3A_1099 = arith.addf %add3A_1096, %get3A_1098 : vector<16xf32>
    %get3A_1100 = arith.constant 416 : index
    %get3A_1101 = tpu.vector_load %arg10[%get3A_1100] {strides = array<i32>} : memref<1024xf32, #tpu.memory_space<vmem>>, vector<16xf32>,
    %add3A_1102 = arith.addf %add3A_1099, %get3A_1101 : vector<16xf32>
    %get3A_1103 = arith.constant 480 : index
    %get3A_1104 = tpu.vector_load %arg10[%get3A_1103] {strides = array<i32>} : memref<1024xf32, #tpu.memory_space<vmem>>, vector<16xf32>,
    %add3A_1105 = arith.addf %add3A_1102, %get3A_1104 : vector<16xf32>
    %get3A_1106 = arith.constant 544 : index
    %get3A_1107 = tpu.vector_load %arg10[%get3A_1106] {strides = array<i32>} : memref<1024xf32, #tpu.memory_space<vmem>>, vector<16xf32>,
    %add3A_1108 = arith.addf %add3A_1105, %get3A_1107 : vector<16xf32>
    %get3A_1109 = arith.constant 608 : index
    %get3A_1110 = tpu.vector_load %arg10[%get3A_1109] {strides = array<i32>} : memref<1024xf32, #tpu.memory_space<vmem>>, vector<16xf32>,
    %add3A_1111 = arith.addf %add3A_1108, %get3A_1110 : vector<16xf32>
    %get3A_1112 = arith.constant 672 : index
    %get3A_1113 = tpu.vector_load %arg10[%get3A_1112] {strides = array<i32>} : memref<1024xf32, #tpu.memory_space<vmem>>, vector<16xf32>,
    %add3A_1114 = arith.addf %add3A_1111, %get3A_1113 : vector<16xf32>
    %get3A_1115 = arith.constant 736 : index
    %get3A_1116 = tpu.vector_load %arg10[%get3A_1115] {strides = array<i32>} : memref<1024xf32, #tpu.memory_space<vmem>>, vector<16xf32>,
    %add3A_1117 = arith.addf %add3A_1114, %get3A_1116 : vector<16xf32>
    %get3A_1118 = arith.constant 800 : index
    %get3A_1119 = tpu.vector_load %arg10[%get3A_1118] {strides = array<i32>} : memref<1024xf32, #tpu.memory_space<vmem>>, vector<16xf32>,
    %add3A_1120 = arith.addf %add3A_1117, %get3A_1119 : vector<16xf32>
    %get3A_1121 = arith.constant 864 : index
    %get3A_1122 = tpu.vector_load %arg10[%get3A_1121] {strides = array<i32>} : memref<1024xf32, #tpu.memory_space<vmem>>, vector<16xf32>,
    %add3A_1123 = arith.addf %add3A_1120, %get3A_1122 : vector<16xf32>
    %get3A_1124 = arith.constant 928 : index
    %get3A_1125 = tpu.vector_load %arg10[%get3A_1124] {strides = array<i32>} : memref<1024xf32, #tpu.memory_space<vmem>>, vector<16xf32>,
    %add3A_1126 = arith.addf %add3A_1123, %get3A_1125 : vector<16xf32>
    %get3A_1127 = arith.constant 992 : index
    %get3A_1128 = tpu.vector_load %arg10[%get3A_1127] {strides = array<i32>} : memref<1024xf32, #tpu.memory_space<vmem>>, vector<16xf32>,
    %add3A_1129 = arith.addf %add3A_1126, %get3A_1128 : vector<16xf32>
    %swap3A_1130 = arith.constant 32 : index
    %swap3A_1131 = tpu.vector_load %arg11[%swap3A_1130] {strides = array<i32>} : memref<128xf32, #tpu.memory_space<vmem>>, vector<16xf32>,
    tpu.vector_store %arg11[%swap3A_1130], %add3A_1129 {strides = array<i32>} : memref<128xf32, #tpu.memory_space<vmem>>, vector<16xf32>,
    %get3A_1132 = arith.constant 48 : index
    %get3A_1133 = tpu.vector_load %arg7[%get3A_1132] {strides = array<i32>} : memref<1024xf32, #tpu.memory_space<vmem>>, vector<16xf32>,
    %add3A_1134 = arith.addf %broadcast_in_dim3A_1, %get3A_1133 : vector<16xf32>
    %get3A_1135 = arith.constant 112 : index
    %get3A_1136 = tpu.vector_load %arg7[%get3A_1135] {strides = array<i32>} : memref<1024xf32, #tpu.memory_space<vmem>>, vector<16xf32>,
    %add3A_1137 = arith.addf %add3A_1134, %get3A_1136 : vector<16xf32>
    %get3A_1138 = arith.constant 176 : index
    %get3A_1139 = tpu.vector_load %arg7[%get3A_1138] {strides = array<i32>} : memref<1024xf32, #tpu.memory_space<vmem>>, vector<16xf32>,
    %add3A_1140 = arith.addf %add3A_1137, %get3A_1139 : vector<16xf32>
    %get3A_1141 = arith.constant 240 : index
    %get3A_1142 = tpu.vector_load %arg7[%get3A_1141] {strides = array<i32>} : memref<1024xf32, #tpu.memory_space<vmem>>, vector<16xf32>,
    %add3A_1143 = arith.addf %add3A_1140, %get3A_1142 : vector<16xf32>
    %get3A_1144 = arith.constant 304 : index
    %get3A_1145 = tpu.vector_load %arg7[%get3A_1144] {strides = array<i32>} : memref<1024xf32, #tpu.memory_space<vmem>>, vector<16xf32>,
    %add3A_1146 = arith.addf %add3A_1143, %get3A_1145 : vector<16xf32>
    %get3A_1147 = arith.constant 368 : index
    %get3A_1148 = tpu.vector_load %arg7[%get3A_1147] {strides = array<i32>} : memref<1024xf32, #tpu.memory_space<vmem>>, vector<16xf32>,
    %add3A_1149 = arith.addf %add3A_1146, %get3A_1148 : vector<16xf32>
    %get3A_1150 = arith.constant 432 : index
    %get3A_1151 = tpu.vector_load %arg7[%get3A_1150] {strides = array<i32>} : memref<1024xf32, #tpu.memory_space<vmem>>, vector<16xf32>,
    %add3A_1152 = arith.addf %add3A_1149, %get3A_1151 : vector<16xf32>
    %get3A_1153 = arith.constant 496 : index
    %get3A_1154 = tpu.vector_load %arg7[%get3A_1153] {strides = array<i32>} : memref<1024xf32, #tpu.memory_space<vmem>>, vector<16xf32>,
    %add3A_1155 = arith.addf %add3A_1152, %get3A_1154 : vector<16xf32>
    %get3A_1156 = arith.constant 560 : index
    %get3A_1157 = tpu.vector_load %arg7[%get3A_1156] {strides = array<i32>} : memref<1024xf32, #tpu.memory_space<vmem>>, vector<16xf32>,
    %add3A_1158 = arith.addf %add3A_1155, %get3A_1157 : vector<16xf32>
    %get3A_1159 = arith.constant 624 : index
    %get3A_1160 = tpu.vector_load %arg7[%get3A_1159] {strides = array<i32>} : memref<1024xf32, #tpu.memory_space<vmem>>, vector<16xf32>,
    %add3A_1161 = arith.addf %add3A_1158, %get3A_1160 : vector<16xf32>
    %get3A_1162 = arith.constant 688 : index
    %get3A_1163 = tpu.vector_load %arg7[%get3A_1162] {strides = array<i32>} : memref<1024xf32, #tpu.memory_space<vmem>>, vector<16xf32>,
    %add3A_1164 = arith.addf %add3A_1161, %get3A_1163 : vector<16xf32>
    %get3A_1165 = arith.constant 752 : index
    %get3A_1166 = tpu.vector_load %arg7[%get3A_1165] {strides = array<i32>} : memref<1024xf32, #tpu.memory_space<vmem>>, vector<16xf32>,
    %add3A_1167 = arith.addf %add3A_1164, %get3A_1166 : vector<16xf32>
    %get3A_1168 = arith.constant 816 : index
    %get3A_1169 = tpu.vector_load %arg7[%get3A_1168] {strides = array<i32>} : memref<1024xf32, #tpu.memory_space<vmem>>, vector<16xf32>,
    %add3A_1170 = arith.addf %add3A_1167, %get3A_1169 : vector<16xf32>
    %get3A_1171 = arith.constant 880 : index
    %get3A_1172 = tpu.vector_load %arg7[%get3A_1171] {strides = array<i32>} : memref<1024xf32, #tpu.memory_space<vmem>>, vector<16xf32>,
    %add3A_1173 = arith.addf %add3A_1170, %get3A_1172 : vector<16xf32>
    %get3A_1174 = arith.constant 944 : index
    %get3A_1175 = tpu.vector_load %arg7[%get3A_1174] {strides = array<i32>} : memref<1024xf32, #tpu.memory_space<vmem>>, vector<16xf32>,
    %add3A_1176 = arith.addf %add3A_1173, %get3A_1175 : vector<16xf32>
    %get3A_1177 = arith.constant 1008 : index
    %get3A_1178 = tpu.vector_load %arg7[%get3A_1177] {strides = array<i32>} : memref<1024xf32, #tpu.memory_space<vmem>>, vector<16xf32>,
    %add3A_1179 = arith.addf %add3A_1176, %get3A_1178 : vector<16xf32>
    %get3A_1180 = arith.constant 48 : index
    %get3A_1181 = tpu.vector_load %arg8[%get3A_1180] {strides = array<i32>} : memref<1024xf32, #tpu.memory_space<vmem>>, vector<16xf32>,
    %add3A_1182 = arith.addf %add3A_1179, %get3A_1181 : vector<16xf32>
    %get3A_1183 = arith.constant 112 : index
    %get3A_1184 = tpu.vector_load %arg8[%get3A_1183] {strides = array<i32>} : memref<1024xf32, #tpu.memory_space<vmem>>, vector<16xf32>,
    %add3A_1185 = arith.addf %add3A_1182, %get3A_1184 : vector<16xf32>
    %get3A_1186 = arith.constant 176 : index
    %get3A_1187 = tpu.vector_load %arg8[%get3A_1186] {strides = array<i32>} : memref<1024xf32, #tpu.memory_space<vmem>>, vector<16xf32>,
    %add3A_1188 = arith.addf %add3A_1185, %get3A_1187 : vector<16xf32>
    %get3A_1189 = arith.constant 240 : index
    %get3A_1190 = tpu.vector_load %arg8[%get3A_1189] {strides = array<i32>} : memref<1024xf32, #tpu.memory_space<vmem>>, vector<16xf32>,
    %add3A_1191 = arith.addf %add3A_1188, %get3A_1190 : vector<16xf32>
    %get3A_1192 = arith.constant 304 : index
    %get3A_1193 = tpu.vector_load %arg8[%get3A_1192] {strides = array<i32>} : memref<1024xf32, #tpu.memory_space<vmem>>, vector<16xf32>,
    %add3A_1194 = arith.addf %add3A_1191, %get3A_1193 : vector<16xf32>
    %get3A_1195 = arith.constant 368 : index
    %get3A_1196 = tpu.vector_load %arg8[%get3A_1195] {strides = array<i32>} : memref<1024xf32, #tpu.memory_space<vmem>>, vector<16xf32>,
    %add3A_1197 = arith.addf %add3A_1194, %get3A_1196 : vector<16xf32>
    %get3A_1198 = arith.constant 432 : index
    %get3A_1199 = tpu.vector_load %arg8[%get3A_1198] {strides = array<i32>} : memref<1024xf32, #tpu.memory_space<vmem>>, vector<16xf32>,
    %add3A_1200 = arith.addf %add3A_1197, %get3A_1199 : vector<16xf32>
    %get3A_1201 = arith.constant 496 : index
    %get3A_1202 = tpu.vector_load %arg8[%get3A_1201] {strides = array<i32>} : memref<1024xf32, #tpu.memory_space<vmem>>, vector<16xf32>,
    %add3A_1203 = arith.addf %add3A_1200, %get3A_1202 : vector<16xf32>
    %get3A_1204 = arith.constant 560 : index
    %get3A_1205 = tpu.vector_load %arg8[%get3A_1204] {strides = array<i32>} : memref<1024xf32, #tpu.memory_space<vmem>>, vector<16xf32>,
    %add3A_1206 = arith.addf %add3A_1203, %get3A_1205 : vector<16xf32>
    %get3A_1207 = arith.constant 624 : index
    %get3A_1208 = tpu.vector_load %arg8[%get3A_1207] {strides = array<i32>} : memref<1024xf32, #tpu.memory_space<vmem>>, vector<16xf32>,
    %add3A_1209 = arith.addf %add3A_1206, %get3A_1208 : vector<16xf32>
    %get3A_1210 = arith.constant 688 : index
    %get3A_1211 = tpu.vector_load %arg8[%get3A_1210] {strides = array<i32>} : memref<1024xf32, #tpu.memory_space<vmem>>, vector<16xf32>,
    %add3A_1212 = arith.addf %add3A_1209, %get3A_1211 : vector<16xf32>
    %get3A_1213 = arith.constant 752 : index
    %get3A_1214 = tpu.vector_load %arg8[%get3A_1213] {strides = array<i32>} : memref<1024xf32, #tpu.memory_space<vmem>>, vector<16xf32>,
    %add3A_1215 = arith.addf %add3A_1212, %get3A_1214 : vector<16xf32>
    %get3A_1216 = arith.constant 816 : index
    %get3A_1217 = tpu.vector_load %arg8[%get3A_1216] {strides = array<i32>} : memref<1024xf32, #tpu.memory_space<vmem>>, vector<16xf32>,
    %add3A_1218 = arith.addf %add3A_1215, %get3A_1217 : vector<16xf32>
    %get3A_1219 = arith.constant 880 : index
    %get3A_1220 = tpu.vector_load %arg8[%get3A_1219] {strides = array<i32>} : memref<1024xf32, #tpu.memory_space<vmem>>, vector<16xf32>,
    %add3A_1221 = arith.addf %add3A_1218, %get3A_1220 : vector<16xf32>
    %get3A_1222 = arith.constant 944 : index
    %get3A_1223 = tpu.vector_load %arg8[%get3A_1222] {strides = array<i32>} : memref<1024xf32, #tpu.memory_space<vmem>>, vector<16xf32>,
    %add3A_1224 = arith.addf %add3A_1221, %get3A_1223 : vector<16xf32>
    %get3A_1225 = arith.constant 1008 : index
    %get3A_1226 = tpu.vector_load %arg8[%get3A_1225] {strides = array<i32>} : memref<1024xf32, #tpu.memory_space<vmem>>, vector<16xf32>,
    %add3A_1227 = arith.addf %add3A_1224, %get3A_1226 : vector<16xf32>
    %get3A_1228 = arith.constant 48 : index
    %get3A_1229 = tpu.vector_load %arg9[%get3A_1228] {strides = array<i32>} : memref<1024xf32, #tpu.memory_space<vmem>>, vector<16xf32>,
    %add3A_1230 = arith.addf %add3A_1227, %get3A_1229 : vector<16xf32>
    %get3A_1231 = arith.constant 112 : index
    %get3A_1232 = tpu.vector_load %arg9[%get3A_1231] {strides = array<i32>} : memref<1024xf32, #tpu.memory_space<vmem>>, vector<16xf32>,
    %add3A_1233 = arith.addf %add3A_1230, %get3A_1232 : vector<16xf32>
    %get3A_1234 = arith.constant 176 : index
    %get3A_1235 = tpu.vector_load %arg9[%get3A_1234] {strides = array<i32>} : memref<1024xf32, #tpu.memory_space<vmem>>, vector<16xf32>,
    %add3A_1236 = arith.addf %add3A_1233, %get3A_1235 : vector<16xf32>
    %get3A_1237 = arith.constant 240 : index
    %get3A_1238 = tpu.vector_load %arg9[%get3A_1237] {strides = array<i32>} : memref<1024xf32, #tpu.memory_space<vmem>>, vector<16xf32>,
    %add3A_1239 = arith.addf %add3A_1236, %get3A_1238 : vector<16xf32>
    %get3A_1240 = arith.constant 304 : index
    %get3A_1241 = tpu.vector_load %arg9[%get3A_1240] {strides = array<i32>} : memref<1024xf32, #tpu.memory_space<vmem>>, vector<16xf32>,
    %add3A_1242 = arith.addf %add3A_1239, %get3A_1241 : vector<16xf32>
    %get3A_1243 = arith.constant 368 : index
    %get3A_1244 = tpu.vector_load %arg9[%get3A_1243] {strides = array<i32>} : memref<1024xf32, #tpu.memory_space<vmem>>, vector<16xf32>,
    %add3A_1245 = arith.addf %add3A_1242, %get3A_1244 : vector<16xf32>
    %get3A_1246 = arith.constant 432 : index
    %get3A_1247 = tpu.vector_load %arg9[%get3A_1246] {strides = array<i32>} : memref<1024xf32, #tpu.memory_space<vmem>>, vector<16xf32>,
    %add3A_1248 = arith.addf %add3A_1245, %get3A_1247 : vector<16xf32>
    %get3A_1249 = arith.constant 496 : index
    %get3A_1250 = tpu.vector_load %arg9[%get3A_1249] {strides = array<i32>} : memref<1024xf32, #tpu.memory_space<vmem>>, vector<16xf32>,
    %add3A_1251 = arith.addf %add3A_1248, %get3A_1250 : vector<16xf32>
    %get3A_1252 = arith.constant 560 : index
    %get3A_1253 = tpu.vector_load %arg9[%get3A_1252] {strides = array<i32>} : memref<1024xf32, #tpu.memory_space<vmem>>, vector<16xf32>,
    %add3A_1254 = arith.addf %add3A_1251, %get3A_1253 : vector<16xf32>
    %get3A_1255 = arith.constant 624 : index
    %get3A_1256 = tpu.vector_load %arg9[%get3A_1255] {strides = array<i32>} : memref<1024xf32, #tpu.memory_space<vmem>>, vector<16xf32>,
    %add3A_1257 = arith.addf %add3A_1254, %get3A_1256 : vector<16xf32>
    %get3A_1258 = arith.constant 688 : index
    %get3A_1259 = tpu.vector_load %arg9[%get3A_1258] {strides = array<i32>} : memref<1024xf32, #tpu.memory_space<vmem>>, vector<16xf32>,
    %add3A_1260 = arith.addf %add3A_1257, %get3A_1259 : vector<16xf32>
    %get3A_1261 = arith.constant 752 : index
    %get3A_1262 = tpu.vector_load %arg9[%get3A_1261] {strides = array<i32>} : memref<1024xf32, #tpu.memory_space<vmem>>, vector<16xf32>,
    %add3A_1263 = arith.addf %add3A_1260, %get3A_1262 : vector<16xf32>
    %get3A_1264 = arith.constant 816 : index
    %get3A_1265 = tpu.vector_load %arg9[%get3A_1264] {strides = array<i32>} : memref<1024xf32, #tpu.memory_space<vmem>>, vector<16xf32>,
    %add3A_1266 = arith.addf %add3A_1263, %get3A_1265 : vector<16xf32>
    %get3A_1267 = arith.constant 880 : index
    %get3A_1268 = tpu.vector_load %arg9[%get3A_1267] {strides = array<i32>} : memref<1024xf32, #tpu.memory_space<vmem>>, vector<16xf32>,
    %add3A_1269 = arith.addf %add3A_1266, %get3A_1268 : vector<16xf32>
    %get3A_1270 = arith.constant 944 : index
    %get3A_1271 = tpu.vector_load %arg9[%get3A_1270] {strides = array<i32>} : memref<1024xf32, #tpu.memory_space<vmem>>, vector<16xf32>,
    %add3A_1272 = arith.addf %add3A_1269, %get3A_1271 : vector<16xf32>
    %get3A_1273 = arith.constant 1008 : index
    %get3A_1274 = tpu.vector_load %arg9[%get3A_1273] {strides = array<i32>} : memref<1024xf32, #tpu.memory_space<vmem>>, vector<16xf32>,
    %add3A_1275 = arith.addf %add3A_1272, %get3A_1274 : vector<16xf32>
    %get3A_1276 = arith.constant 48 : index
    %get3A_1277 = tpu.vector_load %arg10[%get3A_1276] {strides = array<i32>} : memref<1024xf32, #tpu.memory_space<vmem>>, vector<16xf32>,
    %add3A_1278 = arith.addf %add3A_1275, %get3A_1277 : vector<16xf32>
    %get3A_1279 = arith.constant 112 : index
    %get3A_1280 = tpu.vector_load %arg10[%get3A_1279] {strides = array<i32>} : memref<1024xf32, #tpu.memory_space<vmem>>, vector<16xf32>,
    %add3A_1281 = arith.addf %add3A_1278, %get3A_1280 : vector<16xf32>
    %get3A_1282 = arith.constant 176 : index
    %get3A_1283 = tpu.vector_load %arg10[%get3A_1282] {strides = array<i32>} : memref<1024xf32, #tpu.memory_space<vmem>>, vector<16xf32>,
    %add3A_1284 = arith.addf %add3A_1281, %get3A_1283 : vector<16xf32>
    %get3A_1285 = arith.constant 240 : index
    %get3A_1286 = tpu.vector_load %arg10[%get3A_1285] {strides = array<i32>} : memref<1024xf32, #tpu.memory_space<vmem>>, vector<16xf32>,
    %add3A_1287 = arith.addf %add3A_1284, %get3A_1286 : vector<16xf32>
    %get3A_1288 = arith.constant 304 : index
    %get3A_1289 = tpu.vector_load %arg10[%get3A_1288] {strides = array<i32>} : memref<1024xf32, #tpu.memory_space<vmem>>, vector<16xf32>,
    %add3A_1290 = arith.addf %add3A_1287, %get3A_1289 : vector<16xf32>
    %get3A_1291 = arith.constant 368 : index
    %get3A_1292 = tpu.vector_load %arg10[%get3A_1291] {strides = array<i32>} : memref<1024xf32, #tpu.memory_space<vmem>>, vector<16xf32>,
    %add3A_1293 = arith.addf %add3A_1290, %get3A_1292 : vector<16xf32>
    %get3A_1294 = arith.constant 432 : index
    %get3A_1295 = tpu.vector_load %arg10[%get3A_1294] {strides = array<i32>} : memref<1024xf32, #tpu.memory_space<vmem>>, vector<16xf32>,
    %add3A_1296 = arith.addf %add3A_1293, %get3A_1295 : vector<16xf32>
    %get3A_1297 = arith.constant 496 : index
    %get3A_1298 = tpu.vector_load %arg10[%get3A_1297] {strides = array<i32>} : memref<1024xf32, #tpu.memory_space<vmem>>, vector<16xf32>,
    %add3A_1299 = arith.addf %add3A_1296, %get3A_1298 : vector<16xf32>
    %get3A_1300 = arith.constant 560 : index
    %get3A_1301 = tpu.vector_load %arg10[%get3A_1300] {strides = array<i32>} : memref<1024xf32, #tpu.memory_space<vmem>>, vector<16xf32>,
    %add3A_1302 = arith.addf %add3A_1299, %get3A_1301 : vector<16xf32>
    %get3A_1303 = arith.constant 624 : index
    %get3A_1304 = tpu.vector_load %arg10[%get3A_1303] {strides = array<i32>} : memref<1024xf32, #tpu.memory_space<vmem>>, vector<16xf32>,
    %add3A_1305 = arith.addf %add3A_1302, %get3A_1304 : vector<16xf32>
    %get3A_1306 = arith.constant 688 : index
    %get3A_1307 = tpu.vector_load %arg10[%get3A_1306] {strides = array<i32>} : memref<1024xf32, #tpu.memory_space<vmem>>, vector<16xf32>,
    %add3A_1308 = arith.addf %add3A_1305, %get3A_1307 : vector<16xf32>
    %get3A_1309 = arith.constant 752 : index
    %get3A_1310 = tpu.vector_load %arg10[%get3A_1309] {strides = array<i32>} : memref<1024xf32, #tpu.memory_space<vmem>>, vector<16xf32>,
    %add3A_1311 = arith.addf %add3A_1308, %get3A_1310 : vector<16xf32>
    %get3A_1312 = arith.constant 816 : index
    %get3A_1313 = tpu.vector_load %arg10[%get3A_1312] {strides = array<i32>} : memref<1024xf32, #tpu.memory_space<vmem>>, vector<16xf32>,
    %add3A_1314 = arith.addf %add3A_1311, %get3A_1313 : vector<16xf32>
    %get3A_1315 = arith.constant 880 : index
    %get3A_1316 = tpu.vector_load %arg10[%get3A_1315] {strides = array<i32>} : memref<1024xf32, #tpu.memory_space<vmem>>, vector<16xf32>,
    %add3A_1317 = arith.addf %add3A_1314, %get3A_1316 : vector<16xf32>
    %get3A_1318 = arith.constant 944 : index
    %get3A_1319 = tpu.vector_load %arg10[%get3A_1318] {strides = array<i32>} : memref<1024xf32, #tpu.memory_space<vmem>>, vector<16xf32>,
    %add3A_1320 = arith.addf %add3A_1317, %get3A_1319 : vector<16xf32>
    %get3A_1321 = arith.constant 1008 : index
    %get3A_1322 = tpu.vector_load %arg10[%get3A_1321] {strides = array<i32>} : memref<1024xf32, #tpu.memory_space<vmem>>, vector<16xf32>,
    %add3A_1323 = arith.addf %add3A_1320, %get3A_1322 : vector<16xf32>
    %swap3A_1324 = arith.constant 48 : index
    %swap3A_1325 = tpu.vector_load %arg11[%swap3A_1324] {strides = array<i32>} : memref<128xf32, #tpu.memory_space<vmem>>, vector<16xf32>,
    tpu.vector_store %arg11[%swap3A_1324], %add3A_1323 {strides = array<i32>} : memref<128xf32, #tpu.memory_space<vmem>>, vector<16xf32>,
    "tpu.region"() ({
      %run_scoped3A = tpu.sem_alloc : memref<!tpu.dma_semaphore, #tpu.memory_space<semaphore_mem>>
      %dma_start3A = arith.constant 0 : i32
      %dma_start3A_1329 = tpu.memref_slice %arg13[%arg1, %dma_start3A] : memref<16x128xf32, #tpu.memory_space<vmem_shared>> -> memref<1x128xf32, #tpu.memory_space<vmem_shared>>
      %dma_start3A_1330 = tpu.memref_squeeze %dma_start3A_1329 : memref<1x128xf32, #tpu.memory_space<vmem_shared>> -> memref<128xf32, #tpu.memory_space<vmem_shared>>
      %dma_start3A_1331 = arith.constant 0 : i32
      %dma_start3A_1332 = tpu.memref_slice %arg13[%arg1, %dma_start3A_1331] : memref<16x128xf32, #tpu.memory_space<vmem_shared>> -> memref<1x128xf32, #tpu.memory_space<vmem_shared>>
      %dma_start3A_1333 = tpu.memref_squeeze %dma_start3A_1332 : memref<1x128xf32, #tpu.memory_space<vmem_shared>> -> memref<128xf32, #tpu.memory_space<vmem_shared>>
      tpu.enqueue_dma source(%arg11 : memref<128xf32, #tpu.memory_space<vmem>>) target(%dma_start3A_1333 : memref<128xf32, #tpu.memory_space<vmem_shared>>) target_semaphore(%run_scoped3A : memref<!tpu.dma_semaphore, #tpu.memory_space<semaphore_mem>>)
      %dma_wait3A = arith.constant 0 : i32
      %dma_wait3A_1334 = tpu.memref_slice %arg13[%arg1, %dma_wait3A] : memref<16x128xf32, #tpu.memory_space<vmem_shared>> -> memref<1x128xf32, #tpu.memory_space<vmem_shared>>
      %dma_wait3A_1335 = tpu.memref_squeeze %dma_wait3A_1334 : memref<1x128xf32, #tpu.memory_space<vmem_shared>> -> memref<128xf32, #tpu.memory_space<vmem_shared>>
      %dma_wait3A_1336 = arith.constant 0 : i32
      %dma_wait3A_1337 = tpu.memref_slice %arg13[%arg1, %dma_wait3A_1336] : memref<16x128xf32, #tpu.memory_space<vmem_shared>> -> memref<1x128xf32, #tpu.memory_space<vmem_shared>>
      %dma_wait3A_1338 = tpu.memref_squeeze %dma_wait3A_1337 : memref<1x128xf32, #tpu.memory_space<vmem_shared>> -> memref<128xf32, #tpu.memory_space<vmem_shared>>
      tpu.wait_dma2 semaphore(%run_scoped3A : memref<!tpu.dma_semaphore, #tpu.memory_space<semaphore_mem>>) src(%arg11 : memref<128xf32, #tpu.memory_space<vmem>>) dst(%dma_wait3A_1338 : memref<128xf32, #tpu.memory_space<vmem_shared>>)
      tpu.yield
    }) : () -> ()
    %barrier3A = arith.constant 0 : index
    tpu.barrier barrier_id(%barrier3A)
    %eq3A_1326 = arith.constant 0 : i32
    %eq3A_1327 = arith.cmpi eq, %arg1, %eq3A_1326 : i32
    %convert_element_type3A = arith.extui %eq3A_1327 : i1 to i32
    %cond3A = arith.constant 0 : i32
    %cond3A_1328 = arith.cmpi ne, %convert_element_type3A, %cond3A : i32
    scf.if %cond3A_1328 {
      "tpu.region"() ({
        %run_scoped3A = tpu.sem_alloc : memref<!tpu.dma_semaphore, #tpu.memory_space<semaphore_mem>>
        tpu.enqueue_dma source(%arg13 : memref<16x128xf32, #tpu.memory_space<vmem_shared>>) target(%arg12 : memref<16x128xf32, #tpu.memory_space<vmem>>) target_semaphore(%run_scoped3A : memref<!tpu.dma_semaphore, #tpu.memory_space<semaphore_mem>>)
        tpu.wait_dma2 semaphore(%run_scoped3A : memref<!tpu.dma_semaphore, #tpu.memory_space<semaphore_mem>>) src(%arg13 : memref<16x128xf32, #tpu.memory_space<vmem_shared>>) dst(%arg12 : memref<16x128xf32, #tpu.memory_space<vmem>>)
        tpu.yield
      }) : () -> ()
      %get3A_1329 = arith.constant 0 : i32
      %get3A_1330 = arith.index_cast %get3A_1329 : i32 to index
      %get3A_1331 = arith.constant 0 : index
      %get3A_1332 = tpu.vector_load %arg12[%get3A_1330, %get3A_1331] {strides = array<i32>} : memref<16x128xf32, #tpu.memory_space<vmem>>, vector<16xf32>,
      %add3A_1333 = arith.addf %broadcast_in_dim3A_1, %get3A_1332 : vector<16xf32>
      %get3A_1334 = arith.constant 1 : i32
      %get3A_1335 = arith.index_cast %get3A_1334 : i32 to index
      %get3A_1336 = arith.constant 0 : index
      %get3A_1337 = tpu.vector_load %arg12[%get3A_1335, %get3A_1336] {strides = array<i32>} : memref<16x128xf32, #tpu.memory_space<vmem>>, vector<16xf32>,
      %add3A_1338 = arith.addf %add3A_1333, %get3A_1337 : vector<16xf32>
      %get3A_1339 = arith.constant 2 : i32
      %get3A_1340 = arith.index_cast %get3A_1339 : i32 to index
      %get3A_1341 = arith.constant 0 : index
      %get3A_1342 = tpu.vector_load %arg12[%get3A_1340, %get3A_1341] {strides = array<i32>} : memref<16x128xf32, #tpu.memory_space<vmem>>, vector<16xf32>,
      %add3A_1343 = arith.addf %add3A_1338, %get3A_1342 : vector<16xf32>
      %get3A_1344 = arith.constant 3 : i32
      %get3A_1345 = arith.index_cast %get3A_1344 : i32 to index
      %get3A_1346 = arith.constant 0 : index
      %get3A_1347 = tpu.vector_load %arg12[%get3A_1345, %get3A_1346] {strides = array<i32>} : memref<16x128xf32, #tpu.memory_space<vmem>>, vector<16xf32>,
      %add3A_1348 = arith.addf %add3A_1343, %get3A_1347 : vector<16xf32>
      %get3A_1349 = arith.constant 4 : i32
      %get3A_1350 = arith.index_cast %get3A_1349 : i32 to index
      %get3A_1351 = arith.constant 0 : index
      %get3A_1352 = tpu.vector_load %arg12[%get3A_1350, %get3A_1351] {strides = array<i32>} : memref<16x128xf32, #tpu.memory_space<vmem>>, vector<16xf32>,
      %add3A_1353 = arith.addf %add3A_1348, %get3A_1352 : vector<16xf32>
      %get3A_1354 = arith.constant 5 : i32
      %get3A_1355 = arith.index_cast %get3A_1354 : i32 to index
      %get3A_1356 = arith.constant 0 : index
      %get3A_1357 = tpu.vector_load %arg12[%get3A_1355, %get3A_1356] {strides = array<i32>} : memref<16x128xf32, #tpu.memory_space<vmem>>, vector<16xf32>,
      %add3A_1358 = arith.addf %add3A_1353, %get3A_1357 : vector<16xf32>
      %get3A_1359 = arith.constant 6 : i32
      %get3A_1360 = arith.index_cast %get3A_1359 : i32 to index
      %get3A_1361 = arith.constant 0 : index
      %get3A_1362 = tpu.vector_load %arg12[%get3A_1360, %get3A_1361] {strides = array<i32>} : memref<16x128xf32, #tpu.memory_space<vmem>>, vector<16xf32>,
      %add3A_1363 = arith.addf %add3A_1358, %get3A_1362 : vector<16xf32>
      %get3A_1364 = arith.constant 7 : i32
      %get3A_1365 = arith.index_cast %get3A_1364 : i32 to index
      %get3A_1366 = arith.constant 0 : index
      %get3A_1367 = tpu.vector_load %arg12[%get3A_1365, %get3A_1366] {strides = array<i32>} : memref<16x128xf32, #tpu.memory_space<vmem>>, vector<16xf32>,
      %add3A_1368 = arith.addf %add3A_1363, %get3A_1367 : vector<16xf32>
      %get3A_1369 = arith.constant 8 : i32
      %get3A_1370 = arith.index_cast %get3A_1369 : i32 to index
      %get3A_1371 = arith.constant 0 : index
      %get3A_1372 = tpu.vector_load %arg12[%get3A_1370, %get3A_1371] {strides = array<i32>} : memref<16x128xf32, #tpu.memory_space<vmem>>, vector<16xf32>,
      %add3A_1373 = arith.addf %add3A_1368, %get3A_1372 : vector<16xf32>
      %get3A_1374 = arith.constant 9 : i32
      %get3A_1375 = arith.index_cast %get3A_1374 : i32 to index
      %get3A_1376 = arith.constant 0 : index
      %get3A_1377 = tpu.vector_load %arg12[%get3A_1375, %get3A_1376] {strides = array<i32>} : memref<16x128xf32, #tpu.memory_space<vmem>>, vector<16xf32>,
      %add3A_1378 = arith.addf %add3A_1373, %get3A_1377 : vector<16xf32>
      %get3A_1379 = arith.constant 10 : i32
      %get3A_1380 = arith.index_cast %get3A_1379 : i32 to index
      %get3A_1381 = arith.constant 0 : index
      %get3A_1382 = tpu.vector_load %arg12[%get3A_1380, %get3A_1381] {strides = array<i32>} : memref<16x128xf32, #tpu.memory_space<vmem>>, vector<16xf32>,
      %add3A_1383 = arith.addf %add3A_1378, %get3A_1382 : vector<16xf32>
      %get3A_1384 = arith.constant 11 : i32
      %get3A_1385 = arith.index_cast %get3A_1384 : i32 to index
      %get3A_1386 = arith.constant 0 : index
      %get3A_1387 = tpu.vector_load %arg12[%get3A_1385, %get3A_1386] {strides = array<i32>} : memref<16x128xf32, #tpu.memory_space<vmem>>, vector<16xf32>,
      %add3A_1388 = arith.addf %add3A_1383, %get3A_1387 : vector<16xf32>
      %get3A_1389 = arith.constant 12 : i32
      %get3A_1390 = arith.index_cast %get3A_1389 : i32 to index
      %get3A_1391 = arith.constant 0 : index
      %get3A_1392 = tpu.vector_load %arg12[%get3A_1390, %get3A_1391] {strides = array<i32>} : memref<16x128xf32, #tpu.memory_space<vmem>>, vector<16xf32>,
      %add3A_1393 = arith.addf %add3A_1388, %get3A_1392 : vector<16xf32>
      %get3A_1394 = arith.constant 13 : i32
      %get3A_1395 = arith.index_cast %get3A_1394 : i32 to index
      %get3A_1396 = arith.constant 0 : index
      %get3A_1397 = tpu.vector_load %arg12[%get3A_1395, %get3A_1396] {strides = array<i32>} : memref<16x128xf32, #tpu.memory_space<vmem>>, vector<16xf32>,
      %add3A_1398 = arith.addf %add3A_1393, %get3A_1397 : vector<16xf32>
      %get3A_1399 = arith.constant 14 : i32
      %get3A_1400 = arith.index_cast %get3A_1399 : i32 to index
      %get3A_1401 = arith.constant 0 : index
      %get3A_1402 = tpu.vector_load %arg12[%get3A_1400, %get3A_1401] {strides = array<i32>} : memref<16x128xf32, #tpu.memory_space<vmem>>, vector<16xf32>,
      %add3A_1403 = arith.addf %add3A_1398, %get3A_1402 : vector<16xf32>
      %get3A_1404 = arith.constant 15 : i32
      %get3A_1405 = arith.index_cast %get3A_1404 : i32 to index
      %get3A_1406 = arith.constant 0 : index
      %get3A_1407 = tpu.vector_load %arg12[%get3A_1405, %get3A_1406] {strides = array<i32>} : memref<16x128xf32, #tpu.memory_space<vmem>>, vector<16xf32>,
      %add3A_1408 = arith.addf %add3A_1403, %get3A_1407 : vector<16xf32>
      %swap3A_1409 = arith.constant 0 : index
      %swap3A_1410 = tpu.vector_load %arg11[%swap3A_1409] {strides = array<i32>} : memref<128xf32, #tpu.memory_space<vmem>>, vector<16xf32>,
      tpu.vector_store %arg11[%swap3A_1409], %add3A_1408 {strides = array<i32>} : memref<128xf32, #tpu.memory_space<vmem>>, vector<16xf32>,
      %get3A_1411 = arith.constant 0 : i32
      %get3A_1412 = arith.index_cast %get3A_1411 : i32 to index
      %get3A_1413 = arith.constant 16 : index
      %get3A_1414 = tpu.vector_load %arg12[%get3A_1412, %get3A_1413] {strides = array<i32>} : memref<16x128xf32, #tpu.memory_space<vmem>>, vector<16xf32>,
      %add3A_1415 = arith.addf %broadcast_in_dim3A_1, %get3A_1414 : vector<16xf32>
      %get3A_1416 = arith.constant 1 : i32
      %get3A_1417 = arith.index_cast %get3A_1416 : i32 to index
      %get3A_1418 = arith.constant 16 : index
      %get3A_1419 = tpu.vector_load %arg12[%get3A_1417, %get3A_1418] {strides = array<i32>} : memref<16x128xf32, #tpu.memory_space<vmem>>, vector<16xf32>,
      %add3A_1420 = arith.addf %add3A_1415, %get3A_1419 : vector<16xf32>
      %get3A_1421 = arith.constant 2 : i32
      %get3A_1422 = arith.index_cast %get3A_1421 : i32 to index
      %get3A_1423 = arith.constant 16 : index
      %get3A_1424 = tpu.vector_load %arg12[%get3A_1422, %get3A_1423] {strides = array<i32>} : memref<16x128xf32, #tpu.memory_space<vmem>>, vector<16xf32>,
      %add3A_1425 = arith.addf %add3A_1420, %get3A_1424 : vector<16xf32>
      %get3A_1426 = arith.constant 3 : i32
      %get3A_1427 = arith.index_cast %get3A_1426 : i32 to index
      %get3A_1428 = arith.constant 16 : index
      %get3A_1429 = tpu.vector_load %arg12[%get3A_1427, %get3A_1428] {strides = array<i32>} : memref<16x128xf32, #tpu.memory_space<vmem>>, vector<16xf32>,
      %add3A_1430 = arith.addf %add3A_1425, %get3A_1429 : vector<16xf32>
      %get3A_1431 = arith.constant 4 : i32
      %get3A_1432 = arith.index_cast %get3A_1431 : i32 to index
      %get3A_1433 = arith.constant 16 : index
      %get3A_1434 = tpu.vector_load %arg12[%get3A_1432, %get3A_1433] {strides = array<i32>} : memref<16x128xf32, #tpu.memory_space<vmem>>, vector<16xf32>,
      %add3A_1435 = arith.addf %add3A_1430, %get3A_1434 : vector<16xf32>
      %get3A_1436 = arith.constant 5 : i32
      %get3A_1437 = arith.index_cast %get3A_1436 : i32 to index
      %get3A_1438 = arith.constant 16 : index
      %get3A_1439 = tpu.vector_load %arg12[%get3A_1437, %get3A_1438] {strides = array<i32>} : memref<16x128xf32, #tpu.memory_space<vmem>>, vector<16xf32>,
      %add3A_1440 = arith.addf %add3A_1435, %get3A_1439 : vector<16xf32>
      %get3A_1441 = arith.constant 6 : i32
      %get3A_1442 = arith.index_cast %get3A_1441 : i32 to index
      %get3A_1443 = arith.constant 16 : index
      %get3A_1444 = tpu.vector_load %arg12[%get3A_1442, %get3A_1443] {strides = array<i32>} : memref<16x128xf32, #tpu.memory_space<vmem>>, vector<16xf32>,
      %add3A_1445 = arith.addf %add3A_1440, %get3A_1444 : vector<16xf32>
      %get3A_1446 = arith.constant 7 : i32
      %get3A_1447 = arith.index_cast %get3A_1446 : i32 to index
      %get3A_1448 = arith.constant 16 : index
      %get3A_1449 = tpu.vector_load %arg12[%get3A_1447, %get3A_1448] {strides = array<i32>} : memref<16x128xf32, #tpu.memory_space<vmem>>, vector<16xf32>,
      %add3A_1450 = arith.addf %add3A_1445, %get3A_1449 : vector<16xf32>
      %get3A_1451 = arith.constant 8 : i32
      %get3A_1452 = arith.index_cast %get3A_1451 : i32 to index
      %get3A_1453 = arith.constant 16 : index
      %get3A_1454 = tpu.vector_load %arg12[%get3A_1452, %get3A_1453] {strides = array<i32>} : memref<16x128xf32, #tpu.memory_space<vmem>>, vector<16xf32>,
      %add3A_1455 = arith.addf %add3A_1450, %get3A_1454 : vector<16xf32>
      %get3A_1456 = arith.constant 9 : i32
      %get3A_1457 = arith.index_cast %get3A_1456 : i32 to index
      %get3A_1458 = arith.constant 16 : index
      %get3A_1459 = tpu.vector_load %arg12[%get3A_1457, %get3A_1458] {strides = array<i32>} : memref<16x128xf32, #tpu.memory_space<vmem>>, vector<16xf32>,
      %add3A_1460 = arith.addf %add3A_1455, %get3A_1459 : vector<16xf32>
      %get3A_1461 = arith.constant 10 : i32
      %get3A_1462 = arith.index_cast %get3A_1461 : i32 to index
      %get3A_1463 = arith.constant 16 : index
      %get3A_1464 = tpu.vector_load %arg12[%get3A_1462, %get3A_1463] {strides = array<i32>} : memref<16x128xf32, #tpu.memory_space<vmem>>, vector<16xf32>,
      %add3A_1465 = arith.addf %add3A_1460, %get3A_1464 : vector<16xf32>
      %get3A_1466 = arith.constant 11 : i32
      %get3A_1467 = arith.index_cast %get3A_1466 : i32 to index
      %get3A_1468 = arith.constant 16 : index
      %get3A_1469 = tpu.vector_load %arg12[%get3A_1467, %get3A_1468] {strides = array<i32>} : memref<16x128xf32, #tpu.memory_space<vmem>>, vector<16xf32>,
      %add3A_1470 = arith.addf %add3A_1465, %get3A_1469 : vector<16xf32>
      %get3A_1471 = arith.constant 12 : i32
      %get3A_1472 = arith.index_cast %get3A_1471 : i32 to index
      %get3A_1473 = arith.constant 16 : index
      %get3A_1474 = tpu.vector_load %arg12[%get3A_1472, %get3A_1473] {strides = array<i32>} : memref<16x128xf32, #tpu.memory_space<vmem>>, vector<16xf32>,
      %add3A_1475 = arith.addf %add3A_1470, %get3A_1474 : vector<16xf32>
      %get3A_1476 = arith.constant 13 : i32
      %get3A_1477 = arith.index_cast %get3A_1476 : i32 to index
      %get3A_1478 = arith.constant 16 : index
      %get3A_1479 = tpu.vector_load %arg12[%get3A_1477, %get3A_1478] {strides = array<i32>} : memref<16x128xf32, #tpu.memory_space<vmem>>, vector<16xf32>,
      %add3A_1480 = arith.addf %add3A_1475, %get3A_1479 : vector<16xf32>
      %get3A_1481 = arith.constant 14 : i32
      %get3A_1482 = arith.index_cast %get3A_1481 : i32 to index
      %get3A_1483 = arith.constant 16 : index
      %get3A_1484 = tpu.vector_load %arg12[%get3A_1482, %get3A_1483] {strides = array<i32>} : memref<16x128xf32, #tpu.memory_space<vmem>>, vector<16xf32>,
      %add3A_1485 = arith.addf %add3A_1480, %get3A_1484 : vector<16xf32>
      %get3A_1486 = arith.constant 15 : i32
      %get3A_1487 = arith.index_cast %get3A_1486 : i32 to index
      %get3A_1488 = arith.constant 16 : index
      %get3A_1489 = tpu.vector_load %arg12[%get3A_1487, %get3A_1488] {strides = array<i32>} : memref<16x128xf32, #tpu.memory_space<vmem>>, vector<16xf32>,
      %add3A_1490 = arith.addf %add3A_1485, %get3A_1489 : vector<16xf32>
      %swap3A_1491 = arith.constant 16 : index
      %swap3A_1492 = tpu.vector_load %arg11[%swap3A_1491] {strides = array<i32>} : memref<128xf32, #tpu.memory_space<vmem>>, vector<16xf32>,
      tpu.vector_store %arg11[%swap3A_1491], %add3A_1490 {strides = array<i32>} : memref<128xf32, #tpu.memory_space<vmem>>, vector<16xf32>,
      %get3A_1493 = arith.constant 0 : i32
      %get3A_1494 = arith.index_cast %get3A_1493 : i32 to index
      %get3A_1495 = arith.constant 32 : index
      %get3A_1496 = tpu.vector_load %arg12[%get3A_1494, %get3A_1495] {strides = array<i32>} : memref<16x128xf32, #tpu.memory_space<vmem>>, vector<16xf32>,
      %add3A_1497 = arith.addf %broadcast_in_dim3A_1, %get3A_1496 : vector<16xf32>
      %get3A_1498 = arith.constant 1 : i32
      %get3A_1499 = arith.index_cast %get3A_1498 : i32 to index
      %get3A_1500 = arith.constant 32 : index
      %get3A_1501 = tpu.vector_load %arg12[%get3A_1499, %get3A_1500] {strides = array<i32>} : memref<16x128xf32, #tpu.memory_space<vmem>>, vector<16xf32>,
      %add3A_1502 = arith.addf %add3A_1497, %get3A_1501 : vector<16xf32>
      %get3A_1503 = arith.constant 2 : i32
      %get3A_1504 = arith.index_cast %get3A_1503 : i32 to index
      %get3A_1505 = arith.constant 32 : index
      %get3A_1506 = tpu.vector_load %arg12[%get3A_1504, %get3A_1505] {strides = array<i32>} : memref<16x128xf32, #tpu.memory_space<vmem>>, vector<16xf32>,
      %add3A_1507 = arith.addf %add3A_1502, %get3A_1506 : vector<16xf32>
      %get3A_1508 = arith.constant 3 : i32
      %get3A_1509 = arith.index_cast %get3A_1508 : i32 to index
      %get3A_1510 = arith.constant 32 : index
      %get3A_1511 = tpu.vector_load %arg12[%get3A_1509, %get3A_1510] {strides = array<i32>} : memref<16x128xf32, #tpu.memory_space<vmem>>, vector<16xf32>,
      %add3A_1512 = arith.addf %add3A_1507, %get3A_1511 : vector<16xf32>
      %get3A_1513 = arith.constant 4 : i32
      %get3A_1514 = arith.index_cast %get3A_1513 : i32 to index
      %get3A_1515 = arith.constant 32 : index
      %get3A_1516 = tpu.vector_load %arg12[%get3A_1514, %get3A_1515] {strides = array<i32>} : memref<16x128xf32, #tpu.memory_space<vmem>>, vector<16xf32>,
      %add3A_1517 = arith.addf %add3A_1512, %get3A_1516 : vector<16xf32>
      %get3A_1518 = arith.constant 5 : i32
      %get3A_1519 = arith.index_cast %get3A_1518 : i32 to index
      %get3A_1520 = arith.constant 32 : index
      %get3A_1521 = tpu.vector_load %arg12[%get3A_1519, %get3A_1520] {strides = array<i32>} : memref<16x128xf32, #tpu.memory_space<vmem>>, vector<16xf32>,
      %add3A_1522 = arith.addf %add3A_1517, %get3A_1521 : vector<16xf32>
      %get3A_1523 = arith.constant 6 : i32
      %get3A_1524 = arith.index_cast %get3A_1523 : i32 to index
      %get3A_1525 = arith.constant 32 : index
      %get3A_1526 = tpu.vector_load %arg12[%get3A_1524, %get3A_1525] {strides = array<i32>} : memref<16x128xf32, #tpu.memory_space<vmem>>, vector<16xf32>,
      %add3A_1527 = arith.addf %add3A_1522, %get3A_1526 : vector<16xf32>
      %get3A_1528 = arith.constant 7 : i32
      %get3A_1529 = arith.index_cast %get3A_1528 : i32 to index
      %get3A_1530 = arith.constant 32 : index
      %get3A_1531 = tpu.vector_load %arg12[%get3A_1529, %get3A_1530] {strides = array<i32>} : memref<16x128xf32, #tpu.memory_space<vmem>>, vector<16xf32>,
      %add3A_1532 = arith.addf %add3A_1527, %get3A_1531 : vector<16xf32>
      %get3A_1533 = arith.constant 8 : i32
      %get3A_1534 = arith.index_cast %get3A_1533 : i32 to index
      %get3A_1535 = arith.constant 32 : index
      %get3A_1536 = tpu.vector_load %arg12[%get3A_1534, %get3A_1535] {strides = array<i32>} : memref<16x128xf32, #tpu.memory_space<vmem>>, vector<16xf32>,
      %add3A_1537 = arith.addf %add3A_1532, %get3A_1536 : vector<16xf32>
      %get3A_1538 = arith.constant 9 : i32
      %get3A_1539 = arith.index_cast %get3A_1538 : i32 to index
      %get3A_1540 = arith.constant 32 : index
      %get3A_1541 = tpu.vector_load %arg12[%get3A_1539, %get3A_1540] {strides = array<i32>} : memref<16x128xf32, #tpu.memory_space<vmem>>, vector<16xf32>,
      %add3A_1542 = arith.addf %add3A_1537, %get3A_1541 : vector<16xf32>
      %get3A_1543 = arith.constant 10 : i32
      %get3A_1544 = arith.index_cast %get3A_1543 : i32 to index
      %get3A_1545 = arith.constant 32 : index
      %get3A_1546 = tpu.vector_load %arg12[%get3A_1544, %get3A_1545] {strides = array<i32>} : memref<16x128xf32, #tpu.memory_space<vmem>>, vector<16xf32>,
      %add3A_1547 = arith.addf %add3A_1542, %get3A_1546 : vector<16xf32>
      %get3A_1548 = arith.constant 11 : i32
      %get3A_1549 = arith.index_cast %get3A_1548 : i32 to index
      %get3A_1550 = arith.constant 32 : index
      %get3A_1551 = tpu.vector_load %arg12[%get3A_1549, %get3A_1550] {strides = array<i32>} : memref<16x128xf32, #tpu.memory_space<vmem>>, vector<16xf32>,
      %add3A_1552 = arith.addf %add3A_1547, %get3A_1551 : vector<16xf32>
      %get3A_1553 = arith.constant 12 : i32
      %get3A_1554 = arith.index_cast %get3A_1553 : i32 to index
      %get3A_1555 = arith.constant 32 : index
      %get3A_1556 = tpu.vector_load %arg12[%get3A_1554, %get3A_1555] {strides = array<i32>} : memref<16x128xf32, #tpu.memory_space<vmem>>, vector<16xf32>,
      %add3A_1557 = arith.addf %add3A_1552, %get3A_1556 : vector<16xf32>
      %get3A_1558 = arith.constant 13 : i32
      %get3A_1559 = arith.index_cast %get3A_1558 : i32 to index
      %get3A_1560 = arith.constant 32 : index
      %get3A_1561 = tpu.vector_load %arg12[%get3A_1559, %get3A_1560] {strides = array<i32>} : memref<16x128xf32, #tpu.memory_space<vmem>>, vector<16xf32>,
      %add3A_1562 = arith.addf %add3A_1557, %get3A_1561 : vector<16xf32>
      %get3A_1563 = arith.constant 14 : i32
      %get3A_1564 = arith.index_cast %get3A_1563 : i32 to index
      %get3A_1565 = arith.constant 32 : index
      %get3A_1566 = tpu.vector_load %arg12[%get3A_1564, %get3A_1565] {strides = array<i32>} : memref<16x128xf32, #tpu.memory_space<vmem>>, vector<16xf32>,
      %add3A_1567 = arith.addf %add3A_1562, %get3A_1566 : vector<16xf32>
      %get3A_1568 = arith.constant 15 : i32
      %get3A_1569 = arith.index_cast %get3A_1568 : i32 to index
      %get3A_1570 = arith.constant 32 : index
      %get3A_1571 = tpu.vector_load %arg12[%get3A_1569, %get3A_1570] {strides = array<i32>} : memref<16x128xf32, #tpu.memory_space<vmem>>, vector<16xf32>,
      %add3A_1572 = arith.addf %add3A_1567, %get3A_1571 : vector<16xf32>
      %swap3A_1573 = arith.constant 32 : index
      %swap3A_1574 = tpu.vector_load %arg11[%swap3A_1573] {strides = array<i32>} : memref<128xf32, #tpu.memory_space<vmem>>, vector<16xf32>,
      tpu.vector_store %arg11[%swap3A_1573], %add3A_1572 {strides = array<i32>} : memref<128xf32, #tpu.memory_space<vmem>>, vector<16xf32>,
      %get3A_1575 = arith.constant 0 : i32
      %get3A_1576 = arith.index_cast %get3A_1575 : i32 to index
      %get3A_1577 = arith.constant 48 : index
      %get3A_1578 = tpu.vector_load %arg12[%get3A_1576, %get3A_1577] {strides = array<i32>} : memref<16x128xf32, #tpu.memory_space<vmem>>, vector<16xf32>,
      %add3A_1579 = arith.addf %broadcast_in_dim3A_1, %get3A_1578 : vector<16xf32>
      %get3A_1580 = arith.constant 1 : i32
      %get3A_1581 = arith.index_cast %get3A_1580 : i32 to index
      %get3A_1582 = arith.constant 48 : index
      %get3A_1583 = tpu.vector_load %arg12[%get3A_1581, %get3A_1582] {strides = array<i32>} : memref<16x128xf32, #tpu.memory_space<vmem>>, vector<16xf32>,
      %add3A_1584 = arith.addf %add3A_1579, %get3A_1583 : vector<16xf32>
      %get3A_1585 = arith.constant 2 : i32
      %get3A_1586 = arith.index_cast %get3A_1585 : i32 to index
      %get3A_1587 = arith.constant 48 : index
      %get3A_1588 = tpu.vector_load %arg12[%get3A_1586, %get3A_1587] {strides = array<i32>} : memref<16x128xf32, #tpu.memory_space<vmem>>, vector<16xf32>,
      %add3A_1589 = arith.addf %add3A_1584, %get3A_1588 : vector<16xf32>
      %get3A_1590 = arith.constant 3 : i32
      %get3A_1591 = arith.index_cast %get3A_1590 : i32 to index
      %get3A_1592 = arith.constant 48 : index
      %get3A_1593 = tpu.vector_load %arg12[%get3A_1591, %get3A_1592] {strides = array<i32>} : memref<16x128xf32, #tpu.memory_space<vmem>>, vector<16xf32>,
      %add3A_1594 = arith.addf %add3A_1589, %get3A_1593 : vector<16xf32>
      %get3A_1595 = arith.constant 4 : i32
      %get3A_1596 = arith.index_cast %get3A_1595 : i32 to index
      %get3A_1597 = arith.constant 48 : index
      %get3A_1598 = tpu.vector_load %arg12[%get3A_1596, %get3A_1597] {strides = array<i32>} : memref<16x128xf32, #tpu.memory_space<vmem>>, vector<16xf32>,
      %add3A_1599 = arith.addf %add3A_1594, %get3A_1598 : vector<16xf32>
      %get3A_1600 = arith.constant 5 : i32
      %get3A_1601 = arith.index_cast %get3A_1600 : i32 to index
      %get3A_1602 = arith.constant 48 : index
      %get3A_1603 = tpu.vector_load %arg12[%get3A_1601, %get3A_1602] {strides = array<i32>} : memref<16x128xf32, #tpu.memory_space<vmem>>, vector<16xf32>,
      %add3A_1604 = arith.addf %add3A_1599, %get3A_1603 : vector<16xf32>
      %get3A_1605 = arith.constant 6 : i32
      %get3A_1606 = arith.index_cast %get3A_1605 : i32 to index
      %get3A_1607 = arith.constant 48 : index
      %get3A_1608 = tpu.vector_load %arg12[%get3A_1606, %get3A_1607] {strides = array<i32>} : memref<16x128xf32, #tpu.memory_space<vmem>>, vector<16xf32>,
      %add3A_1609 = arith.addf %add3A_1604, %get3A_1608 : vector<16xf32>
      %get3A_1610 = arith.constant 7 : i32
      %get3A_1611 = arith.index_cast %get3A_1610 : i32 to index
      %get3A_1612 = arith.constant 48 : index
      %get3A_1613 = tpu.vector_load %arg12[%get3A_1611, %get3A_1612] {strides = array<i32>} : memref<16x128xf32, #tpu.memory_space<vmem>>, vector<16xf32>,
      %add3A_1614 = arith.addf %add3A_1609, %get3A_1613 : vector<16xf32>
      %get3A_1615 = arith.constant 8 : i32
      %get3A_1616 = arith.index_cast %get3A_1615 : i32 to index
      %get3A_1617 = arith.constant 48 : index
      %get3A_1618 = tpu.vector_load %arg12[%get3A_1616, %get3A_1617] {strides = array<i32>} : memref<16x128xf32, #tpu.memory_space<vmem>>, vector<16xf32>,
      %add3A_1619 = arith.addf %add3A_1614, %get3A_1618 : vector<16xf32>
      %get3A_1620 = arith.constant 9 : i32
      %get3A_1621 = arith.index_cast %get3A_1620 : i32 to index
      %get3A_1622 = arith.constant 48 : index
      %get3A_1623 = tpu.vector_load %arg12[%get3A_1621, %get3A_1622] {strides = array<i32>} : memref<16x128xf32, #tpu.memory_space<vmem>>, vector<16xf32>,
      %add3A_1624 = arith.addf %add3A_1619, %get3A_1623 : vector<16xf32>
      %get3A_1625 = arith.constant 10 : i32
      %get3A_1626 = arith.index_cast %get3A_1625 : i32 to index
      %get3A_1627 = arith.constant 48 : index
      %get3A_1628 = tpu.vector_load %arg12[%get3A_1626, %get3A_1627] {strides = array<i32>} : memref<16x128xf32, #tpu.memory_space<vmem>>, vector<16xf32>,
      %add3A_1629 = arith.addf %add3A_1624, %get3A_1628 : vector<16xf32>
      %get3A_1630 = arith.constant 11 : i32
      %get3A_1631 = arith.index_cast %get3A_1630 : i32 to index
      %get3A_1632 = arith.constant 48 : index
      %get3A_1633 = tpu.vector_load %arg12[%get3A_1631, %get3A_1632] {strides = array<i32>} : memref<16x128xf32, #tpu.memory_space<vmem>>, vector<16xf32>,
      %add3A_1634 = arith.addf %add3A_1629, %get3A_1633 : vector<16xf32>
      %get3A_1635 = arith.constant 12 : i32
      %get3A_1636 = arith.index_cast %get3A_1635 : i32 to index
      %get3A_1637 = arith.constant 48 : index
      %get3A_1638 = tpu.vector_load %arg12[%get3A_1636, %get3A_1637] {strides = array<i32>} : memref<16x128xf32, #tpu.memory_space<vmem>>, vector<16xf32>,
      %add3A_1639 = arith.addf %add3A_1634, %get3A_1638 : vector<16xf32>
      %get3A_1640 = arith.constant 13 : i32
      %get3A_1641 = arith.index_cast %get3A_1640 : i32 to index
      %get3A_1642 = arith.constant 48 : index
      %get3A_1643 = tpu.vector_load %arg12[%get3A_1641, %get3A_1642] {strides = array<i32>} : memref<16x128xf32, #tpu.memory_space<vmem>>, vector<16xf32>,
      %add3A_1644 = arith.addf %add3A_1639, %get3A_1643 : vector<16xf32>
      %get3A_1645 = arith.constant 14 : i32
      %get3A_1646 = arith.index_cast %get3A_1645 : i32 to index
      %get3A_1647 = arith.constant 48 : index
      %get3A_1648 = tpu.vector_load %arg12[%get3A_1646, %get3A_1647] {strides = array<i32>} : memref<16x128xf32, #tpu.memory_space<vmem>>, vector<16xf32>,
      %add3A_1649 = arith.addf %add3A_1644, %get3A_1648 : vector<16xf32>
      %get3A_1650 = arith.constant 15 : i32
      %get3A_1651 = arith.index_cast %get3A_1650 : i32 to index
      %get3A_1652 = arith.constant 48 : index
      %get3A_1653 = tpu.vector_load %arg12[%get3A_1651, %get3A_1652] {strides = array<i32>} : memref<16x128xf32, #tpu.memory_space<vmem>>, vector<16xf32>,
      %add3A_1654 = arith.addf %add3A_1649, %get3A_1653 : vector<16xf32>
      %swap3A_1655 = arith.constant 48 : index
      %swap3A_1656 = tpu.vector_load %arg11[%swap3A_1655] {strides = array<i32>} : memref<128xf32, #tpu.memory_space<vmem>>, vector<16xf32>,
      tpu.vector_store %arg11[%swap3A_1655], %add3A_1654 {strides = array<i32>} : memref<128xf32, #tpu.memory_space<vmem>>, vector<16xf32>,
      "tpu.region"() ({
        %run_scoped3A = tpu.sem_alloc : memref<!tpu.dma_semaphore, #tpu.memory_space<semaphore_mem>>
        %dma_start3A = arith.constant 0 : i32
        %dma_start3A_1657 = tpu.memref_slice %arg4[%arg0, %dma_start3A] : memref<2x128xf32, #tpu.memory_space<hbm>> -> memref<1x128xf32, #tpu.memory_space<hbm>>
        %dma_start3A_1658 = tpu.memref_squeeze %dma_start3A_1657 : memref<1x128xf32, #tpu.memory_space<hbm>> -> memref<128xf32, #tpu.memory_space<hbm>>
        %dma_start3A_1659 = arith.constant 0 : i32
        %dma_start3A_1660 = tpu.memref_slice %arg4[%arg0, %dma_start3A_1659] : memref<2x128xf32, #tpu.memory_space<hbm>> -> memref<1x128xf32, #tpu.memory_space<hbm>>
        %dma_start3A_1661 = tpu.memref_squeeze %dma_start3A_1660 : memref<1x128xf32, #tpu.memory_space<hbm>> -> memref<128xf32, #tpu.memory_space<hbm>>
        tpu.enqueue_dma source(%arg11 : memref<128xf32, #tpu.memory_space<vmem>>) target(%dma_start3A_1661 : memref<128xf32, #tpu.memory_space<hbm>>) target_semaphore(%run_scoped3A : memref<!tpu.dma_semaphore, #tpu.memory_space<semaphore_mem>>)
        %dma_wait3A = arith.constant 0 : i32
        %dma_wait3A_1662 = tpu.memref_slice %arg4[%arg0, %dma_wait3A] : memref<2x128xf32, #tpu.memory_space<hbm>> -> memref<1x128xf32, #tpu.memory_space<hbm>>
        %dma_wait3A_1663 = tpu.memref_squeeze %dma_wait3A_1662 : memref<1x128xf32, #tpu.memory_space<hbm>> -> memref<128xf32, #tpu.memory_space<hbm>>
        %dma_wait3A_1664 = arith.constant 0 : i32
        %dma_wait3A_1665 = tpu.memref_slice %arg4[%arg0, %dma_wait3A_1664] : memref<2x128xf32, #tpu.memory_space<hbm>> -> memref<1x128xf32, #tpu.memory_space<hbm>>
        %dma_wait3A_1666 = tpu.memref_squeeze %dma_wait3A_1665 : memref<1x128xf32, #tpu.memory_space<hbm>> -> memref<128xf32, #tpu.memory_space<hbm>>
        tpu.wait_dma2 semaphore(%run_scoped3A : memref<!tpu.dma_semaphore, #tpu.memory_space<semaphore_mem>>) src(%arg11 : memref<128xf32, #tpu.memory_space<vmem>>) dst(%dma_wait3A_1666 : memref<128xf32, #tpu.memory_space<hbm>>)
        tpu.yield
      }) : () -> ()
    } else {
    }
    return
  }
}

module attributes {stable_mosaic.version = 14 : i64} {
  func.func @_tc_body(%arg0: i32, %arg1: memref<4x256x512xf32, #tpu.memory_space<vmem>>, %arg2: memref<256x4xf32, #tpu.memory_space<vmem>>, %arg3: memref<256x4xf32, #tpu.memory_space<vmem>>, %arg4: memref<256x512xf32, #tpu.memory_space<vmem>>, %arg5: memref<256x512xf32, #tpu.memory_space<vmem>>, %arg6: memref<1x64xf32, #tpu.memory_space<vmem>>, %arg7: memref<1x64xf32, #tpu.memory_space<vmem>>, %arg8: memref<1x64xf32, #tpu.memory_space<vmem>>, %arg9: memref<1x64xf32, #tpu.memory_space<vmem>>) attributes {dimension_semantics = [#tpu.dimension_semantics<arbitrary>], iteration_bounds = array<i64: 32>, scalar_prefetch = 0 : i64, scratch_operands = 0 : i64, tpu.core_type = #tpu.core_type<tc>, window_params = [{transform_indices = @transform_0, window_bounds = array<i64: 4, 256, 512>}, {transform_indices = @transform_1, window_bounds = array<i64: 256, 4>}, {transform_indices = @transform_2, window_bounds = array<i64: 256, 4>}, {transform_indices = @transform_3, window_bounds = array<i64: 256, 512>}, {transform_indices = @transform_4, window_bounds = array<i64: 256, 512>}, {pipeline_mode = #tpu.pipeline_mode<synchronous>, transform_indices = @transform_5, window_bounds = array<i64: 1, 64>}, {pipeline_mode = #tpu.pipeline_mode<synchronous>, transform_indices = @transform_6, window_bounds = array<i64: 1, 64>}, {pipeline_mode = #tpu.pipeline_mode<synchronous>, transform_indices = @transform_7, window_bounds = array<i64: 1, 64>}, {pipeline_mode = #tpu.pipeline_mode<synchronous>, transform_indices = @transform_8, window_bounds = array<i64: 1, 64>}]} {
    %get3A = arith.constant 0 : index
    %get3A_0 = arith.constant 0 : index
    %get3A_1 = arith.constant 0 : index
    %get3A_2 = vector.load %arg1[%get3A, %get3A_0, %get3A_1] : memref<4x256x512xf32, #tpu.memory_space<vmem>>, vector<1x256x512xf32>
    %get3A_3 = vector.shape_cast %get3A_2 : vector<1x256x512xf32> to vector<256x512xf32>
    %get3A_4 = arith.constant 1 : index
    %get3A_5 = arith.constant 0 : index
    %get3A_6 = arith.constant 0 : index
    %get3A_7 = vector.load %arg1[%get3A_4, %get3A_5, %get3A_6] : memref<4x256x512xf32, #tpu.memory_space<vmem>>, vector<1x256x512xf32>
    %get3A_8 = vector.shape_cast %get3A_7 : vector<1x256x512xf32> to vector<256x512xf32>
    %get3A_9 = arith.constant 2 : index
    %get3A_10 = arith.constant 0 : index
    %get3A_11 = arith.constant 0 : index
    %get3A_12 = vector.load %arg1[%get3A_9, %get3A_10, %get3A_11] : memref<4x256x512xf32, #tpu.memory_space<vmem>>, vector<1x256x512xf32>
    %get3A_13 = vector.shape_cast %get3A_12 : vector<1x256x512xf32> to vector<256x512xf32>
    %get3A_14 = arith.constant 3 : index
    %get3A_15 = arith.constant 0 : index
    %get3A_16 = arith.constant 0 : index
    %get3A_17 = vector.load %arg1[%get3A_14, %get3A_15, %get3A_16] : memref<4x256x512xf32, #tpu.memory_space<vmem>>, vector<1x256x512xf32>
    %get3A_18 = vector.shape_cast %get3A_17 : vector<1x256x512xf32> to vector<256x512xf32>
    %get3A_19 = arith.constant 0 : index
    %get3A_20 = arith.constant 0 : index
    %get3A_21 = vector.load %arg2[%get3A_19, %get3A_20] : memref<256x4xf32, #tpu.memory_space<vmem>>, vector<256x4xf32>
    %get3A_22 = arith.constant 0 : index
    %get3A_23 = arith.constant 0 : index
    %get3A_24 = vector.load %arg3[%get3A_22, %get3A_23] : memref<256x4xf32, #tpu.memory_space<vmem>>, vector<256x4xf32>
    %slice3A = vector.extract_strided_slice %get3A_21 {offsets = [0, 0], sizes = [256, 1], strides = [1, 1]} : vector<256x4xf32> to vector<256x1xf32>
    %slice3A_25 = vector.extract_strided_slice %get3A_21 {offsets = [0, 1], sizes = [256, 1], strides = [1, 1]} : vector<256x4xf32> to vector<256x1xf32>
    %slice3A_26 = vector.extract_strided_slice %get3A_21 {offsets = [0, 2], sizes = [256, 1], strides = [1, 1]} : vector<256x4xf32> to vector<256x1xf32>
    %slice3A_27 = vector.extract_strided_slice %get3A_21 {offsets = [0, 3], sizes = [256, 1], strides = [1, 1]} : vector<256x4xf32> to vector<256x1xf32>
    %slice3A_28 = vector.extract_strided_slice %get3A_24 {offsets = [0, 0], sizes = [256, 1], strides = [1, 1]} : vector<256x4xf32> to vector<256x1xf32>
    %slice3A_29 = vector.extract_strided_slice %get3A_24 {offsets = [0, 1], sizes = [256, 1], strides = [1, 1]} : vector<256x4xf32> to vector<256x1xf32>
    %slice3A_30 = vector.extract_strided_slice %get3A_24 {offsets = [0, 2], sizes = [256, 1], strides = [1, 1]} : vector<256x4xf32> to vector<256x1xf32>
    %slice3A_31 = vector.extract_strided_slice %get3A_24 {offsets = [0, 3], sizes = [256, 1], strides = [1, 1]} : vector<256x4xf32> to vector<256x1xf32>
    %max3A = arith.maximumf %slice3A, %slice3A_28 : vector<256x1xf32>
    %max3A_32 = arith.maximumf %slice3A_25, %slice3A_29 : vector<256x1xf32>
    %min3A = arith.minimumf %slice3A_26, %slice3A_30 : vector<256x1xf32>
    %min3A_33 = arith.minimumf %slice3A_27, %slice3A_31 : vector<256x1xf32>
    %sub3A = arith.subf %min3A, %max3A : vector<256x1xf32>
    %max3A_34 = arith.constant 0.000000e+00 : f32
    %max3A_35 = vector.broadcast %max3A_34 : f32 to vector<256x1xf32>
    %max3A_36 = arith.maximumf %sub3A, %max3A_35 : vector<256x1xf32>
    %sub3A_37 = arith.subf %min3A_33, %max3A_32 : vector<256x1xf32>
    %max3A_38 = arith.constant 0.000000e+00 : f32
    %max3A_39 = vector.broadcast %max3A_38 : f32 to vector<256x1xf32>
    %max3A_40 = arith.maximumf %sub3A_37, %max3A_39 : vector<256x1xf32>
    %mul3A = arith.mulf %max3A_36, %max3A_40 : vector<256x1xf32>
    %sub3A_41 = arith.subf %slice3A_26, %slice3A : vector<256x1xf32>
    %sub3A_42 = arith.subf %slice3A_27, %slice3A_25 : vector<256x1xf32>
    %mul3A_43 = arith.mulf %sub3A_41, %sub3A_42 : vector<256x1xf32>
    %sub3A_44 = arith.subf %slice3A_30, %slice3A_28 : vector<256x1xf32>
    %sub3A_45 = arith.subf %slice3A_31, %slice3A_29 : vector<256x1xf32>
    %mul3A_46 = arith.mulf %sub3A_44, %sub3A_45 : vector<256x1xf32>
    %add3A = arith.addf %mul3A_43, %mul3A_46 : vector<256x1xf32>
    %sub3A_47 = arith.subf %add3A, %mul3A : vector<256x1xf32>
    %max3A_48 = arith.constant 9.99999997E-7 : f32
    %max3A_49 = vector.broadcast %max3A_48 : f32 to vector<256x1xf32>
    %max3A_50 = arith.maximumf %sub3A_47, %max3A_49 : vector<256x1xf32>
    %div3A = arith.divf %mul3A, %max3A_50 : vector<256x1xf32>
    %max3A_51 = vector.broadcast %slice3A : vector<256x1xf32> to vector<256x512xf32>
    %max3A_52 = arith.maximumf %get3A_3, %max3A_51 : vector<256x512xf32>
    %max3A_53 = vector.broadcast %slice3A_25 : vector<256x1xf32> to vector<256x512xf32>
    %max3A_54 = arith.maximumf %get3A_8, %max3A_53 : vector<256x512xf32>
    %min3A_55 = vector.broadcast %slice3A_26 : vector<256x1xf32> to vector<256x512xf32>
    %min3A_56 = arith.minimumf %get3A_13, %min3A_55 : vector<256x512xf32>
    %min3A_57 = vector.broadcast %slice3A_27 : vector<256x1xf32> to vector<256x512xf32>
    %min3A_58 = arith.minimumf %get3A_18, %min3A_57 : vector<256x512xf32>
    %sub3A_59 = arith.subf %min3A_56, %max3A_52 : vector<256x512xf32>
    %max3A_60 = arith.constant 0.000000e+00 : f32
    %max3A_61 = vector.broadcast %max3A_60 : f32 to vector<256x512xf32>
    %max3A_62 = arith.maximumf %sub3A_59, %max3A_61 : vector<256x512xf32>
    %sub3A_63 = arith.subf %min3A_58, %max3A_54 : vector<256x512xf32>
    %max3A_64 = arith.constant 0.000000e+00 : f32
    %max3A_65 = vector.broadcast %max3A_64 : f32 to vector<256x512xf32>
    %max3A_66 = arith.maximumf %sub3A_63, %max3A_65 : vector<256x512xf32>
    %mul3A_67 = arith.mulf %max3A_62, %max3A_66 : vector<256x512xf32>
    %sub3A_68 = arith.subf %get3A_13, %get3A_3 : vector<256x512xf32>
    %sub3A_69 = arith.subf %get3A_18, %get3A_8 : vector<256x512xf32>
    %mul3A_70 = arith.mulf %sub3A_68, %sub3A_69 : vector<256x512xf32>
    %sub3A_71 = arith.subf %slice3A_26, %slice3A : vector<256x1xf32>
    %sub3A_72 = arith.subf %slice3A_27, %slice3A_25 : vector<256x1xf32>
    %mul3A_73 = arith.mulf %sub3A_71, %sub3A_72 : vector<256x1xf32>
    %add3A_74 = vector.broadcast %mul3A_73 : vector<256x1xf32> to vector<256x512xf32>
    %add3A_75 = arith.addf %mul3A_70, %add3A_74 : vector<256x512xf32>
    %sub3A_76 = arith.subf %add3A_75, %mul3A_67 : vector<256x512xf32>
    %max3A_77 = arith.constant 9.99999997E-7 : f32
    %max3A_78 = vector.broadcast %max3A_77 : f32 to vector<256x512xf32>
    %max3A_79 = arith.maximumf %sub3A_76, %max3A_78 : vector<256x512xf32>
    %div3A_80 = arith.divf %mul3A_67, %max3A_79 : vector<256x512xf32>
    %sub3A_81 = vector.broadcast %div3A : vector<256x1xf32> to vector<256x512xf32>
    %sub3A_82 = arith.subf %div3A_80, %sub3A_81 : vector<256x512xf32>
    %div3A_83 = vector.broadcast %div3A : vector<256x1xf32> to vector<256x512xf32>
    %div3A_84 = arith.divf %sub3A_82, %div3A_83 : vector<256x512xf32>
    %lt3A = arith.constant 5.000000e-01 : f32
    %lt3A_85 = vector.broadcast %lt3A : f32 to vector<256x512xf32>
    %lt3A_86 = arith.cmpf olt, %div3A_80, %lt3A_85 : vector<256x512xf32>
    %lt3A_87 = arith.constant 5.000000e-01 : f32
    %lt3A_88 = vector.broadcast %lt3A_87 : f32 to vector<256x1xf32>
    %lt3A_89 = arith.cmpf olt, %div3A, %lt3A_88 : vector<256x1xf32>
    %and3A = vector.broadcast %lt3A_89 : vector<256x1xi1> to vector<256x512xi1>
    %and3A_90 = arith.andi %lt3A_86, %and3A : vector<256x512xi1>
    %jit3A = arith.constant 1.000000e+02 : f32
    %broadcast_in_dim3A = vector.broadcast %jit3A : f32 to vector<256x512xf32>
    %select_n3A = arith.select %and3A_90, %broadcast_in_dim3A, %sub3A_82 : vector<256x512xi1>, vector<256x512xf32>
    %swap3A = arith.constant 0 : index
    %swap3A_91 = arith.constant 0 : index
    %swap3A_92 = vector.load %arg4[%swap3A, %swap3A_91] : memref<256x512xf32, #tpu.memory_space<vmem>>, vector<256x512xf32>
    tpu.vector_store %arg4[%swap3A, %swap3A_91], %select_n3A {strides = array<i32>} : memref<256x512xf32, #tpu.memory_space<vmem>>, vector<256x512xf32>,
    %jit3A_93 = arith.constant 1.000000e+02 : f32
    %broadcast_in_dim3A_94 = vector.broadcast %jit3A_93 : f32 to vector<256x512xf32>
    %select_n3A_95 = arith.select %and3A_90, %broadcast_in_dim3A_94, %div3A_84 : vector<256x512xi1>, vector<256x512xf32>
    %swap3A_96 = arith.constant 0 : index
    %swap3A_97 = arith.constant 0 : index
    %swap3A_98 = vector.load %arg5[%swap3A_96, %swap3A_97] : memref<256x512xf32, #tpu.memory_space<vmem>>, vector<256x512xf32>
    tpu.vector_store %arg5[%swap3A_96, %swap3A_97], %select_n3A_95 {strides = array<i32>} : memref<256x512xf32, #tpu.memory_space<vmem>>, vector<256x512xf32>,
    %reduce_sum3A = arith.constant dense<0.000000e+00> : vector<256xf32>
    %reduce_sum3A_99 = vector.multi_reduction <add>, %div3A_80, %reduce_sum3A [1] : vector<256x512xf32> to vector<256xf32>
    %broadcast_in_dim3A_100 = vector.shape_cast %reduce_sum3A_99 : vector<256xf32> to vector<256x1xf32>
    %mul3A_101 = arith.constant 0.001953125 : f32
    %mul3A_102 = vector.broadcast %mul3A_101 : f32 to vector<256x1xf32>
    %mul3A_103 = arith.mulf %broadcast_in_dim3A_100, %mul3A_102 : vector<256x1xf32>
    %broadcast_in_dim3A_104 = arith.constant 0.000000e+00 : f32
    %broadcast_in_dim3A_105 = vector.broadcast %broadcast_in_dim3A_104 : f32 to vector<256x1xf32>
    %broadcast_in_dim3A_106 = arith.constant 1.000000e+01 : f32
    %broadcast_in_dim3A_107 = vector.broadcast %broadcast_in_dim3A_106 : f32 to vector<256x1xf32>
    %reduce_max3A = arith.constant dense<0xFF800000> : vector<256xf32>
    %reduce_max3A_108 = vector.multi_reduction <maximumf>, %div3A_80, %reduce_max3A [1] : vector<256x512xf32> to vector<256xf32>
    %broadcast_in_dim3A_109 = vector.shape_cast %reduce_max3A_108 : vector<256xf32> to vector<256x1xf32>
    %eq3A = vector.broadcast %broadcast_in_dim3A_109 : vector<256x1xf32> to vector<256x512xf32>
    %eq3A_110 = arith.cmpf oeq, %div3A_80, %eq3A : vector<256x512xf32>
    %jit3A_111 = arith.constant 1.000000e+00 : f32
    %jit3A_112 = arith.constant 0.000000e+00 : f32
    %broadcast_in_dim3A_113 = vector.broadcast %jit3A_111 : f32 to vector<256x512xf32>
    %broadcast_in_dim3A_114 = vector.broadcast %jit3A_112 : f32 to vector<256x512xf32>
    %select_n3A_115 = arith.select %eq3A_110, %broadcast_in_dim3A_113, %broadcast_in_dim3A_114 : vector<256x512xi1>, vector<256x512xf32>
    %reduce_sum3A_116 = arith.constant dense<0.000000e+00> : vector<256xf32>
    %reduce_sum3A_117 = vector.multi_reduction <add>, %select_n3A_115, %reduce_sum3A_116 [1] : vector<256x512xf32> to vector<256xf32>
    %broadcast_in_dim3A_118 = vector.shape_cast %reduce_sum3A_117 : vector<256xf32> to vector<256x1xf32>
    %min3A_119 = arith.minimumf %broadcast_in_dim3A_118, %broadcast_in_dim3A_107 : vector<256x1xf32>
    %mul3A_120 = arith.mulf %min3A_119, %broadcast_in_dim3A_109 : vector<256x1xf32>
    %add3A_121 = arith.addf %broadcast_in_dim3A_105, %mul3A_120 : vector<256x1xf32>
    %sub3A_122 = arith.subf %broadcast_in_dim3A_107, %min3A_119 : vector<256x1xf32>
    %eq3A_123 = vector.broadcast %broadcast_in_dim3A_109 : vector<256x1xf32> to vector<256x512xf32>
    %eq3A_124 = arith.cmpf oeq, %div3A_80, %eq3A_123 : vector<256x512xf32>
    %jit3A_125 = arith.constant -1.000000e+00 : f32
    %broadcast_in_dim3A_126 = vector.broadcast %jit3A_125 : f32 to vector<256x512xf32>
    %select_n3A_127 = arith.select %eq3A_124, %broadcast_in_dim3A_126, %div3A_80 : vector<256x512xi1>, vector<256x512xf32>
    %reduce_max3A_128 = arith.constant dense<0xFF800000> : vector<256xf32>
    %reduce_max3A_129 = vector.multi_reduction <maximumf>, %select_n3A_127, %reduce_max3A_128 [1] : vector<256x512xf32> to vector<256xf32>
    %broadcast_in_dim3A_130 = vector.shape_cast %reduce_max3A_129 : vector<256xf32> to vector<256x1xf32>
    %eq3A_131 = vector.broadcast %broadcast_in_dim3A_130 : vector<256x1xf32> to vector<256x512xf32>
    %eq3A_132 = arith.cmpf oeq, %select_n3A_127, %eq3A_131 : vector<256x512xf32>
    %jit3A_133 = arith.constant 1.000000e+00 : f32
    %jit3A_134 = arith.constant 0.000000e+00 : f32
    %broadcast_in_dim3A_135 = vector.broadcast %jit3A_133 : f32 to vector<256x512xf32>
    %broadcast_in_dim3A_136 = vector.broadcast %jit3A_134 : f32 to vector<256x512xf32>
    %select_n3A_137 = arith.select %eq3A_132, %broadcast_in_dim3A_135, %broadcast_in_dim3A_136 : vector<256x512xi1>, vector<256x512xf32>
    %reduce_sum3A_138 = arith.constant dense<0.000000e+00> : vector<256xf32>
    %reduce_sum3A_139 = vector.multi_reduction <add>, %select_n3A_137, %reduce_sum3A_138 [1] : vector<256x512xf32> to vector<256xf32>
    %broadcast_in_dim3A_140 = vector.shape_cast %reduce_sum3A_139 : vector<256xf32> to vector<256x1xf32>
    %min3A_141 = arith.minimumf %broadcast_in_dim3A_140, %sub3A_122 : vector<256x1xf32>
    %mul3A_142 = arith.mulf %min3A_141, %broadcast_in_dim3A_130 : vector<256x1xf32>
    %add3A_143 = arith.addf %add3A_121, %mul3A_142 : vector<256x1xf32>
    %sub3A_144 = arith.subf %sub3A_122, %min3A_141 : vector<256x1xf32>
    %eq3A_145 = vector.broadcast %broadcast_in_dim3A_130 : vector<256x1xf32> to vector<256x512xf32>
    %eq3A_146 = arith.cmpf oeq, %select_n3A_127, %eq3A_145 : vector<256x512xf32>
    %jit3A_147 = arith.constant -1.000000e+00 : f32
    %broadcast_in_dim3A_148 = vector.broadcast %jit3A_147 : f32 to vector<256x512xf32>
    %select_n3A_149 = arith.select %eq3A_146, %broadcast_in_dim3A_148, %select_n3A_127 : vector<256x512xi1>, vector<256x512xf32>
    %reduce_max3A_150 = arith.constant dense<0xFF800000> : vector<256xf32>
    %reduce_max3A_151 = vector.multi_reduction <maximumf>, %select_n3A_149, %reduce_max3A_150 [1] : vector<256x512xf32> to vector<256xf32>
    %broadcast_in_dim3A_152 = vector.shape_cast %reduce_max3A_151 : vector<256xf32> to vector<256x1xf32>
    %eq3A_153 = vector.broadcast %broadcast_in_dim3A_152 : vector<256x1xf32> to vector<256x512xf32>
    %eq3A_154 = arith.cmpf oeq, %select_n3A_149, %eq3A_153 : vector<256x512xf32>
    %jit3A_155 = arith.constant 1.000000e+00 : f32
    %jit3A_156 = arith.constant 0.000000e+00 : f32
    %broadcast_in_dim3A_157 = vector.broadcast %jit3A_155 : f32 to vector<256x512xf32>
    %broadcast_in_dim3A_158 = vector.broadcast %jit3A_156 : f32 to vector<256x512xf32>
    %select_n3A_159 = arith.select %eq3A_154, %broadcast_in_dim3A_157, %broadcast_in_dim3A_158 : vector<256x512xi1>, vector<256x512xf32>
    %reduce_sum3A_160 = arith.constant dense<0.000000e+00> : vector<256xf32>
    %reduce_sum3A_161 = vector.multi_reduction <add>, %select_n3A_159, %reduce_sum3A_160 [1] : vector<256x512xf32> to vector<256xf32>
    %broadcast_in_dim3A_162 = vector.shape_cast %reduce_sum3A_161 : vector<256xf32> to vector<256x1xf32>
    %min3A_163 = arith.minimumf %broadcast_in_dim3A_162, %sub3A_144 : vector<256x1xf32>
    %mul3A_164 = arith.mulf %min3A_163, %broadcast_in_dim3A_152 : vector<256x1xf32>
    %add3A_165 = arith.addf %add3A_143, %mul3A_164 : vector<256x1xf32>
    %sub3A_166 = arith.subf %sub3A_144, %min3A_163 : vector<256x1xf32>
    %eq3A_167 = vector.broadcast %broadcast_in_dim3A_152 : vector<256x1xf32> to vector<256x512xf32>
    %eq3A_168 = arith.cmpf oeq, %select_n3A_149, %eq3A_167 : vector<256x512xf32>
    %jit3A_169 = arith.constant -1.000000e+00 : f32
    %broadcast_in_dim3A_170 = vector.broadcast %jit3A_169 : f32 to vector<256x512xf32>
    %select_n3A_171 = arith.select %eq3A_168, %broadcast_in_dim3A_170, %select_n3A_149 : vector<256x512xi1>, vector<256x512xf32>
    %reduce_max3A_172 = arith.constant dense<0xFF800000> : vector<256xf32>
    %reduce_max3A_173 = vector.multi_reduction <maximumf>, %select_n3A_171, %reduce_max3A_172 [1] : vector<256x512xf32> to vector<256xf32>
    %broadcast_in_dim3A_174 = vector.shape_cast %reduce_max3A_173 : vector<256xf32> to vector<256x1xf32>
    %eq3A_175 = vector.broadcast %broadcast_in_dim3A_174 : vector<256x1xf32> to vector<256x512xf32>
    %eq3A_176 = arith.cmpf oeq, %select_n3A_171, %eq3A_175 : vector<256x512xf32>
    %jit3A_177 = arith.constant 1.000000e+00 : f32
    %jit3A_178 = arith.constant 0.000000e+00 : f32
    %broadcast_in_dim3A_179 = vector.broadcast %jit3A_177 : f32 to vector<256x512xf32>
    %broadcast_in_dim3A_180 = vector.broadcast %jit3A_178 : f32 to vector<256x512xf32>
    %select_n3A_181 = arith.select %eq3A_176, %broadcast_in_dim3A_179, %broadcast_in_dim3A_180 : vector<256x512xi1>, vector<256x512xf32>
    %reduce_sum3A_182 = arith.constant dense<0.000000e+00> : vector<256xf32>
    %reduce_sum3A_183 = vector.multi_reduction <add>, %select_n3A_181, %reduce_sum3A_182 [1] : vector<256x512xf32> to vector<256xf32>
    %broadcast_in_dim3A_184 = vector.shape_cast %reduce_sum3A_183 : vector<256xf32> to vector<256x1xf32>
    %min3A_185 = arith.minimumf %broadcast_in_dim3A_184, %sub3A_166 : vector<256x1xf32>
    %mul3A_186 = arith.mulf %min3A_185, %broadcast_in_dim3A_174 : vector<256x1xf32>
    %add3A_187 = arith.addf %add3A_165, %mul3A_186 : vector<256x1xf32>
    %sub3A_188 = arith.subf %sub3A_166, %min3A_185 : vector<256x1xf32>
    %eq3A_189 = vector.broadcast %broadcast_in_dim3A_174 : vector<256x1xf32> to vector<256x512xf32>
    %eq3A_190 = arith.cmpf oeq, %select_n3A_171, %eq3A_189 : vector<256x512xf32>
    %jit3A_191 = arith.constant -1.000000e+00 : f32
    %broadcast_in_dim3A_192 = vector.broadcast %jit3A_191 : f32 to vector<256x512xf32>
    %select_n3A_193 = arith.select %eq3A_190, %broadcast_in_dim3A_192, %select_n3A_171 : vector<256x512xi1>, vector<256x512xf32>
    %reduce_max3A_194 = arith.constant dense<0xFF800000> : vector<256xf32>
    %reduce_max3A_195 = vector.multi_reduction <maximumf>, %select_n3A_193, %reduce_max3A_194 [1] : vector<256x512xf32> to vector<256xf32>
    %broadcast_in_dim3A_196 = vector.shape_cast %reduce_max3A_195 : vector<256xf32> to vector<256x1xf32>
    %eq3A_197 = vector.broadcast %broadcast_in_dim3A_196 : vector<256x1xf32> to vector<256x512xf32>
    %eq3A_198 = arith.cmpf oeq, %select_n3A_193, %eq3A_197 : vector<256x512xf32>
    %jit3A_199 = arith.constant 1.000000e+00 : f32
    %jit3A_200 = arith.constant 0.000000e+00 : f32
    %broadcast_in_dim3A_201 = vector.broadcast %jit3A_199 : f32 to vector<256x512xf32>
    %broadcast_in_dim3A_202 = vector.broadcast %jit3A_200 : f32 to vector<256x512xf32>
    %select_n3A_203 = arith.select %eq3A_198, %broadcast_in_dim3A_201, %broadcast_in_dim3A_202 : vector<256x512xi1>, vector<256x512xf32>
    %reduce_sum3A_204 = arith.constant dense<0.000000e+00> : vector<256xf32>
    %reduce_sum3A_205 = vector.multi_reduction <add>, %select_n3A_203, %reduce_sum3A_204 [1] : vector<256x512xf32> to vector<256xf32>
    %broadcast_in_dim3A_206 = vector.shape_cast %reduce_sum3A_205 : vector<256xf32> to vector<256x1xf32>
    %min3A_207 = arith.minimumf %broadcast_in_dim3A_206, %sub3A_188 : vector<256x1xf32>
    %mul3A_208 = arith.mulf %min3A_207, %broadcast_in_dim3A_196 : vector<256x1xf32>
    %add3A_209 = arith.addf %add3A_187, %mul3A_208 : vector<256x1xf32>
    %sub3A_210 = arith.subf %sub3A_188, %min3A_207 : vector<256x1xf32>
    %eq3A_211 = vector.broadcast %broadcast_in_dim3A_196 : vector<256x1xf32> to vector<256x512xf32>
    %eq3A_212 = arith.cmpf oeq, %select_n3A_193, %eq3A_211 : vector<256x512xf32>
    %jit3A_213 = arith.constant -1.000000e+00 : f32
    %broadcast_in_dim3A_214 = vector.broadcast %jit3A_213 : f32 to vector<256x512xf32>
    %select_n3A_215 = arith.select %eq3A_212, %broadcast_in_dim3A_214, %select_n3A_193 : vector<256x512xi1>, vector<256x512xf32>
    %reduce_max3A_216 = arith.constant dense<0xFF800000> : vector<256xf32>
    %reduce_max3A_217 = vector.multi_reduction <maximumf>, %select_n3A_215, %reduce_max3A_216 [1] : vector<256x512xf32> to vector<256xf32>
    %broadcast_in_dim3A_218 = vector.shape_cast %reduce_max3A_217 : vector<256xf32> to vector<256x1xf32>
    %eq3A_219 = vector.broadcast %broadcast_in_dim3A_218 : vector<256x1xf32> to vector<256x512xf32>
    %eq3A_220 = arith.cmpf oeq, %select_n3A_215, %eq3A_219 : vector<256x512xf32>
    %jit3A_221 = arith.constant 1.000000e+00 : f32
    %jit3A_222 = arith.constant 0.000000e+00 : f32
    %broadcast_in_dim3A_223 = vector.broadcast %jit3A_221 : f32 to vector<256x512xf32>
    %broadcast_in_dim3A_224 = vector.broadcast %jit3A_222 : f32 to vector<256x512xf32>
    %select_n3A_225 = arith.select %eq3A_220, %broadcast_in_dim3A_223, %broadcast_in_dim3A_224 : vector<256x512xi1>, vector<256x512xf32>
    %reduce_sum3A_226 = arith.constant dense<0.000000e+00> : vector<256xf32>
    %reduce_sum3A_227 = vector.multi_reduction <add>, %select_n3A_225, %reduce_sum3A_226 [1] : vector<256x512xf32> to vector<256xf32>
    %broadcast_in_dim3A_228 = vector.shape_cast %reduce_sum3A_227 : vector<256xf32> to vector<256x1xf32>
    %min3A_229 = arith.minimumf %broadcast_in_dim3A_228, %sub3A_210 : vector<256x1xf32>
    %mul3A_230 = arith.mulf %min3A_229, %broadcast_in_dim3A_218 : vector<256x1xf32>
    %add3A_231 = arith.addf %add3A_209, %mul3A_230 : vector<256x1xf32>
    %sub3A_232 = arith.subf %sub3A_210, %min3A_229 : vector<256x1xf32>
    %eq3A_233 = vector.broadcast %broadcast_in_dim3A_218 : vector<256x1xf32> to vector<256x512xf32>
    %eq3A_234 = arith.cmpf oeq, %select_n3A_215, %eq3A_233 : vector<256x512xf32>
    %jit3A_235 = arith.constant -1.000000e+00 : f32
    %broadcast_in_dim3A_236 = vector.broadcast %jit3A_235 : f32 to vector<256x512xf32>
    %select_n3A_237 = arith.select %eq3A_234, %broadcast_in_dim3A_236, %select_n3A_215 : vector<256x512xi1>, vector<256x512xf32>
    %reduce_max3A_238 = arith.constant dense<0xFF800000> : vector<256xf32>
    %reduce_max3A_239 = vector.multi_reduction <maximumf>, %select_n3A_237, %reduce_max3A_238 [1] : vector<256x512xf32> to vector<256xf32>
    %broadcast_in_dim3A_240 = vector.shape_cast %reduce_max3A_239 : vector<256xf32> to vector<256x1xf32>
    %eq3A_241 = vector.broadcast %broadcast_in_dim3A_240 : vector<256x1xf32> to vector<256x512xf32>
    %eq3A_242 = arith.cmpf oeq, %select_n3A_237, %eq3A_241 : vector<256x512xf32>
    %jit3A_243 = arith.constant 1.000000e+00 : f32
    %jit3A_244 = arith.constant 0.000000e+00 : f32
    %broadcast_in_dim3A_245 = vector.broadcast %jit3A_243 : f32 to vector<256x512xf32>
    %broadcast_in_dim3A_246 = vector.broadcast %jit3A_244 : f32 to vector<256x512xf32>
    %select_n3A_247 = arith.select %eq3A_242, %broadcast_in_dim3A_245, %broadcast_in_dim3A_246 : vector<256x512xi1>, vector<256x512xf32>
    %reduce_sum3A_248 = arith.constant dense<0.000000e+00> : vector<256xf32>
    %reduce_sum3A_249 = vector.multi_reduction <add>, %select_n3A_247, %reduce_sum3A_248 [1] : vector<256x512xf32> to vector<256xf32>
    %broadcast_in_dim3A_250 = vector.shape_cast %reduce_sum3A_249 : vector<256xf32> to vector<256x1xf32>
    %min3A_251 = arith.minimumf %broadcast_in_dim3A_250, %sub3A_232 : vector<256x1xf32>
    %mul3A_252 = arith.mulf %min3A_251, %broadcast_in_dim3A_240 : vector<256x1xf32>
    %add3A_253 = arith.addf %add3A_231, %mul3A_252 : vector<256x1xf32>
    %sub3A_254 = arith.subf %sub3A_232, %min3A_251 : vector<256x1xf32>
    %eq3A_255 = vector.broadcast %broadcast_in_dim3A_240 : vector<256x1xf32> to vector<256x512xf32>
    %eq3A_256 = arith.cmpf oeq, %select_n3A_237, %eq3A_255 : vector<256x512xf32>
    %jit3A_257 = arith.constant -1.000000e+00 : f32
    %broadcast_in_dim3A_258 = vector.broadcast %jit3A_257 : f32 to vector<256x512xf32>
    %select_n3A_259 = arith.select %eq3A_256, %broadcast_in_dim3A_258, %select_n3A_237 : vector<256x512xi1>, vector<256x512xf32>
    %reduce_max3A_260 = arith.constant dense<0xFF800000> : vector<256xf32>
    %reduce_max3A_261 = vector.multi_reduction <maximumf>, %select_n3A_259, %reduce_max3A_260 [1] : vector<256x512xf32> to vector<256xf32>
    %broadcast_in_dim3A_262 = vector.shape_cast %reduce_max3A_261 : vector<256xf32> to vector<256x1xf32>
    %eq3A_263 = vector.broadcast %broadcast_in_dim3A_262 : vector<256x1xf32> to vector<256x512xf32>
    %eq3A_264 = arith.cmpf oeq, %select_n3A_259, %eq3A_263 : vector<256x512xf32>
    %jit3A_265 = arith.constant 1.000000e+00 : f32
    %jit3A_266 = arith.constant 0.000000e+00 : f32
    %broadcast_in_dim3A_267 = vector.broadcast %jit3A_265 : f32 to vector<256x512xf32>
    %broadcast_in_dim3A_268 = vector.broadcast %jit3A_266 : f32 to vector<256x512xf32>
    %select_n3A_269 = arith.select %eq3A_264, %broadcast_in_dim3A_267, %broadcast_in_dim3A_268 : vector<256x512xi1>, vector<256x512xf32>
    %reduce_sum3A_270 = arith.constant dense<0.000000e+00> : vector<256xf32>
    %reduce_sum3A_271 = vector.multi_reduction <add>, %select_n3A_269, %reduce_sum3A_270 [1] : vector<256x512xf32> to vector<256xf32>
    %broadcast_in_dim3A_272 = vector.shape_cast %reduce_sum3A_271 : vector<256xf32> to vector<256x1xf32>
    %min3A_273 = arith.minimumf %broadcast_in_dim3A_272, %sub3A_254 : vector<256x1xf32>
    %mul3A_274 = arith.mulf %min3A_273, %broadcast_in_dim3A_262 : vector<256x1xf32>
    %add3A_275 = arith.addf %add3A_253, %mul3A_274 : vector<256x1xf32>
    %sub3A_276 = arith.subf %sub3A_254, %min3A_273 : vector<256x1xf32>
    %eq3A_277 = vector.broadcast %broadcast_in_dim3A_262 : vector<256x1xf32> to vector<256x512xf32>
    %eq3A_278 = arith.cmpf oeq, %select_n3A_259, %eq3A_277 : vector<256x512xf32>
    %jit3A_279 = arith.constant -1.000000e+00 : f32
    %broadcast_in_dim3A_280 = vector.broadcast %jit3A_279 : f32 to vector<256x512xf32>
    %select_n3A_281 = arith.select %eq3A_278, %broadcast_in_dim3A_280, %select_n3A_259 : vector<256x512xi1>, vector<256x512xf32>
    %reduce_max3A_282 = arith.constant dense<0xFF800000> : vector<256xf32>
    %reduce_max3A_283 = vector.multi_reduction <maximumf>, %select_n3A_281, %reduce_max3A_282 [1] : vector<256x512xf32> to vector<256xf32>
    %broadcast_in_dim3A_284 = vector.shape_cast %reduce_max3A_283 : vector<256xf32> to vector<256x1xf32>
    %eq3A_285 = vector.broadcast %broadcast_in_dim3A_284 : vector<256x1xf32> to vector<256x512xf32>
    %eq3A_286 = arith.cmpf oeq, %select_n3A_281, %eq3A_285 : vector<256x512xf32>
    %jit3A_287 = arith.constant 1.000000e+00 : f32
    %jit3A_288 = arith.constant 0.000000e+00 : f32
    %broadcast_in_dim3A_289 = vector.broadcast %jit3A_287 : f32 to vector<256x512xf32>
    %broadcast_in_dim3A_290 = vector.broadcast %jit3A_288 : f32 to vector<256x512xf32>
    %select_n3A_291 = arith.select %eq3A_286, %broadcast_in_dim3A_289, %broadcast_in_dim3A_290 : vector<256x512xi1>, vector<256x512xf32>
    %reduce_sum3A_292 = arith.constant dense<0.000000e+00> : vector<256xf32>
    %reduce_sum3A_293 = vector.multi_reduction <add>, %select_n3A_291, %reduce_sum3A_292 [1] : vector<256x512xf32> to vector<256xf32>
    %broadcast_in_dim3A_294 = vector.shape_cast %reduce_sum3A_293 : vector<256xf32> to vector<256x1xf32>
    %min3A_295 = arith.minimumf %broadcast_in_dim3A_294, %sub3A_276 : vector<256x1xf32>
    %mul3A_296 = arith.mulf %min3A_295, %broadcast_in_dim3A_284 : vector<256x1xf32>
    %add3A_297 = arith.addf %add3A_275, %mul3A_296 : vector<256x1xf32>
    %sub3A_298 = arith.subf %sub3A_276, %min3A_295 : vector<256x1xf32>
    %eq3A_299 = vector.broadcast %broadcast_in_dim3A_284 : vector<256x1xf32> to vector<256x512xf32>
    %eq3A_300 = arith.cmpf oeq, %select_n3A_281, %eq3A_299 : vector<256x512xf32>
    %jit3A_301 = arith.constant -1.000000e+00 : f32
    %broadcast_in_dim3A_302 = vector.broadcast %jit3A_301 : f32 to vector<256x512xf32>
    %select_n3A_303 = arith.select %eq3A_300, %broadcast_in_dim3A_302, %select_n3A_281 : vector<256x512xi1>, vector<256x512xf32>
    %reduce_max3A_304 = arith.constant dense<0xFF800000> : vector<256xf32>
    %reduce_max3A_305 = vector.multi_reduction <maximumf>, %select_n3A_303, %reduce_max3A_304 [1] : vector<256x512xf32> to vector<256xf32>
    %broadcast_in_dim3A_306 = vector.shape_cast %reduce_max3A_305 : vector<256xf32> to vector<256x1xf32>
    %eq3A_307 = vector.broadcast %broadcast_in_dim3A_306 : vector<256x1xf32> to vector<256x512xf32>
    %eq3A_308 = arith.cmpf oeq, %select_n3A_303, %eq3A_307 : vector<256x512xf32>
    %jit3A_309 = arith.constant 1.000000e+00 : f32
    %jit3A_310 = arith.constant 0.000000e+00 : f32
    %broadcast_in_dim3A_311 = vector.broadcast %jit3A_309 : f32 to vector<256x512xf32>
    %broadcast_in_dim3A_312 = vector.broadcast %jit3A_310 : f32 to vector<256x512xf32>
    %select_n3A_313 = arith.select %eq3A_308, %broadcast_in_dim3A_311, %broadcast_in_dim3A_312 : vector<256x512xi1>, vector<256x512xf32>
    %reduce_sum3A_314 = arith.constant dense<0.000000e+00> : vector<256xf32>
    %reduce_sum3A_315 = vector.multi_reduction <add>, %select_n3A_313, %reduce_sum3A_314 [1] : vector<256x512xf32> to vector<256xf32>
    %broadcast_in_dim3A_316 = vector.shape_cast %reduce_sum3A_315 : vector<256xf32> to vector<256x1xf32>
    %min3A_317 = arith.minimumf %broadcast_in_dim3A_316, %sub3A_298 : vector<256x1xf32>
    %mul3A_318 = arith.mulf %min3A_317, %broadcast_in_dim3A_306 : vector<256x1xf32>
    %add3A_319 = arith.addf %add3A_297, %mul3A_318 : vector<256x1xf32>
    %div3A_320 = arith.constant 1.000000e+01 : f32
    %div3A_321 = vector.broadcast %div3A_320 : f32 to vector<256x1xf32>
    %div3A_322 = arith.divf %add3A_319, %div3A_321 : vector<256x1xf32>
    %eq3A_323 = arith.constant 0 : i32
    %eq3A_324 = arith.cmpi eq, %arg0, %eq3A_323 : i32
    %convert_element_type3A = arith.extui %eq3A_324 : i1 to i32
    %cond3A = arith.constant 0 : i32
    %cond3A_325 = arith.cmpi ne, %convert_element_type3A, %cond3A : i32
    scf.if %cond3A_325 {
      %broadcast_in_dim3A_456 = arith.constant 0.000000e+00 : f32
      %broadcast_in_dim3A_457 = vector.broadcast %broadcast_in_dim3A_456 : f32 to vector<1x64xf32>
      %swap3A_458 = arith.constant 0 : index
      %swap3A_459 = arith.constant 0 : index
      %swap3A_460 = vector.load %arg6[%swap3A_458, %swap3A_459] : memref<1x64xf32, #tpu.memory_space<vmem>>, vector<1x64xf32>
      tpu.vector_store %arg6[%swap3A_458, %swap3A_459], %broadcast_in_dim3A_457 {strides = array<i32>} : memref<1x64xf32, #tpu.memory_space<vmem>>, vector<1x64xf32>,
      %swap3A_461 = arith.constant 0 : index
      %swap3A_462 = arith.constant 0 : index
      %swap3A_463 = vector.load %arg7[%swap3A_461, %swap3A_462] : memref<1x64xf32, #tpu.memory_space<vmem>>, vector<1x64xf32>
      tpu.vector_store %arg7[%swap3A_461, %swap3A_462], %broadcast_in_dim3A_457 {strides = array<i32>} : memref<1x64xf32, #tpu.memory_space<vmem>>, vector<1x64xf32>,
      %swap3A_464 = arith.constant 0 : index
      %swap3A_465 = arith.constant 0 : index
      %swap3A_466 = vector.load %arg8[%swap3A_464, %swap3A_465] : memref<1x64xf32, #tpu.memory_space<vmem>>, vector<1x64xf32>
      tpu.vector_store %arg8[%swap3A_464, %swap3A_465], %broadcast_in_dim3A_457 {strides = array<i32>} : memref<1x64xf32, #tpu.memory_space<vmem>>, vector<1x64xf32>,
      %swap3A_467 = arith.constant 0 : index
      %swap3A_468 = arith.constant 0 : index
      %swap3A_469 = vector.load %arg9[%swap3A_467, %swap3A_468] : memref<1x64xf32, #tpu.memory_space<vmem>>, vector<1x64xf32>
      tpu.vector_store %arg9[%swap3A_467, %swap3A_468], %broadcast_in_dim3A_457 {strides = array<i32>} : memref<1x64xf32, #tpu.memory_space<vmem>>, vector<1x64xf32>,
    } else {
    }
    %get3A_326 = arith.constant 0 : index
    %get3A_327 = arith.constant 0 : index
    %get3A_328 = vector.load %arg6[%get3A_326, %get3A_327] : memref<1x64xf32, #tpu.memory_space<vmem>>, vector<1x64xf32>
    %sub3A_329 = arith.constant 0.000000e+00 : f32
    %sub3A_330 = vector.broadcast %sub3A_329 : f32 to vector<256x1xf32>
    %sub3A_331 = arith.subf %broadcast_in_dim3A_109, %sub3A_330 : vector<256x1xf32>
    %mul3A_332 = arith.constant 5.000000e+01 : f32
    %mul3A_333 = vector.broadcast %mul3A_332 : f32 to vector<256x1xf32>
    %mul3A_334 = arith.mulf %sub3A_331, %mul3A_333 : vector<256x1xf32>
    %floor3A = math.floor %mul3A_334 : vector<256x1xf32>
    %jit3A_335 = arith.constant 0.000000e+00 : f32
    %jit3A_336 = arith.constant 4.900000e+01 : f32
    %max3A_337 = vector.broadcast %jit3A_335 : f32 to vector<256x1xf32>
    %max3A_338 = arith.maximumf %max3A_337, %floor3A : vector<256x1xf32>
    %min3A_339 = vector.broadcast %jit3A_336 : f32 to vector<256x1xf32>
    %min3A_340 = arith.minimumf %min3A_339, %max3A_338 : vector<256x1xf32>
    %convert_element_type3A_341 = arith.fptosi %min3A_340 : vector<256x1xf32> to vector<256x1xi32>
    %iota3A = tpu.iota {dimensions = array<i32: 1>} : vector<1x64xi32>
    %eq3A_342 = vector.broadcast %convert_element_type3A_341 : vector<256x1xi32> to vector<256x64xi32>
    %eq3A_343 = vector.broadcast %iota3A : vector<1x64xi32> to vector<256x64xi32>
    %eq3A_344 = arith.cmpi eq, %eq3A_342, %eq3A_343 : vector<256x64xi32>
    %jit3A_345 = arith.constant 1.000000e+00 : f32
    %jit3A_346 = arith.constant 0.000000e+00 : f32
    %broadcast_in_dim3A_347 = vector.broadcast %jit3A_345 : f32 to vector<256x64xf32>
    %broadcast_in_dim3A_348 = vector.broadcast %jit3A_346 : f32 to vector<256x64xf32>
    %select_n3A_349 = arith.select %eq3A_344, %broadcast_in_dim3A_347, %broadcast_in_dim3A_348 : vector<256x64xi1>, vector<256x64xf32>
    %reduce_sum3A_350 = arith.constant dense<0.000000e+00> : vector<64xf32>
    %reduce_sum3A_351 = vector.multi_reduction <add>, %select_n3A_349, %reduce_sum3A_350 [0] : vector<256x64xf32> to vector<64xf32>
    %broadcast_in_dim3A_352 = vector.shape_cast %reduce_sum3A_351 : vector<64xf32> to vector<1x64xf32>
    %add3A_353 = arith.addf %get3A_328, %broadcast_in_dim3A_352 : vector<1x64xf32>
    %swap3A_354 = arith.constant 0 : index
    %swap3A_355 = arith.constant 0 : index
    %swap3A_356 = vector.load %arg6[%swap3A_354, %swap3A_355] : memref<1x64xf32, #tpu.memory_space<vmem>>, vector<1x64xf32>
    tpu.vector_store %arg6[%swap3A_354, %swap3A_355], %add3A_353 {strides = array<i32>} : memref<1x64xf32, #tpu.memory_space<vmem>>, vector<1x64xf32>,
    %get3A_357 = arith.constant 0 : index
    %get3A_358 = arith.constant 0 : index
    %get3A_359 = vector.load %arg7[%get3A_357, %get3A_358] : memref<1x64xf32, #tpu.memory_space<vmem>>, vector<1x64xf32>
    %sub3A_360 = arith.constant 0.000000e+00 : f32
    %sub3A_361 = vector.broadcast %sub3A_360 : f32 to vector<256x1xf32>
    %sub3A_362 = arith.subf %mul3A_103, %sub3A_361 : vector<256x1xf32>
    %mul3A_363 = arith.constant 5.000000e+01 : f32
    %mul3A_364 = vector.broadcast %mul3A_363 : f32 to vector<256x1xf32>
    %mul3A_365 = arith.mulf %sub3A_362, %mul3A_364 : vector<256x1xf32>
    %floor3A_366 = math.floor %mul3A_365 : vector<256x1xf32>
    %jit3A_367 = arith.constant 0.000000e+00 : f32
    %jit3A_368 = arith.constant 4.900000e+01 : f32
    %max3A_369 = vector.broadcast %jit3A_367 : f32 to vector<256x1xf32>
    %max3A_370 = arith.maximumf %max3A_369, %floor3A_366 : vector<256x1xf32>
    %min3A_371 = vector.broadcast %jit3A_368 : f32 to vector<256x1xf32>
    %min3A_372 = arith.minimumf %min3A_371, %max3A_370 : vector<256x1xf32>
    %convert_element_type3A_373 = arith.fptosi %min3A_372 : vector<256x1xf32> to vector<256x1xi32>
    %iota3A_374 = tpu.iota {dimensions = array<i32: 1>} : vector<1x64xi32>
    %eq3A_375 = vector.broadcast %convert_element_type3A_373 : vector<256x1xi32> to vector<256x64xi32>
    %eq3A_376 = vector.broadcast %iota3A_374 : vector<1x64xi32> to vector<256x64xi32>
    %eq3A_377 = arith.cmpi eq, %eq3A_375, %eq3A_376 : vector<256x64xi32>
    %jit3A_378 = arith.constant 1.000000e+00 : f32
    %jit3A_379 = arith.constant 0.000000e+00 : f32
    %broadcast_in_dim3A_380 = vector.broadcast %jit3A_378 : f32 to vector<256x64xf32>
    %broadcast_in_dim3A_381 = vector.broadcast %jit3A_379 : f32 to vector<256x64xf32>
    %select_n3A_382 = arith.select %eq3A_377, %broadcast_in_dim3A_380, %broadcast_in_dim3A_381 : vector<256x64xi1>, vector<256x64xf32>
    %reduce_sum3A_383 = arith.constant dense<0.000000e+00> : vector<64xf32>
    %reduce_sum3A_384 = vector.multi_reduction <add>, %select_n3A_382, %reduce_sum3A_383 [0] : vector<256x64xf32> to vector<64xf32>
    %broadcast_in_dim3A_385 = vector.shape_cast %reduce_sum3A_384 : vector<64xf32> to vector<1x64xf32>
    %add3A_386 = arith.addf %get3A_359, %broadcast_in_dim3A_385 : vector<1x64xf32>
    %swap3A_387 = arith.constant 0 : index
    %swap3A_388 = arith.constant 0 : index
    %swap3A_389 = vector.load %arg7[%swap3A_387, %swap3A_388] : memref<1x64xf32, #tpu.memory_space<vmem>>, vector<1x64xf32>
    tpu.vector_store %arg7[%swap3A_387, %swap3A_388], %add3A_386 {strides = array<i32>} : memref<1x64xf32, #tpu.memory_space<vmem>>, vector<1x64xf32>,
    %get3A_390 = arith.constant 0 : index
    %get3A_391 = arith.constant 0 : index
    %get3A_392 = vector.load %arg9[%get3A_390, %get3A_391] : memref<1x64xf32, #tpu.memory_space<vmem>>, vector<1x64xf32>
    %sub3A_393 = arith.constant 0.000000e+00 : f32
    %sub3A_394 = vector.broadcast %sub3A_393 : f32 to vector<256x1xf32>
    %sub3A_395 = arith.subf %div3A_322, %sub3A_394 : vector<256x1xf32>
    %mul3A_396 = arith.constant 5.000000e+01 : f32
    %mul3A_397 = vector.broadcast %mul3A_396 : f32 to vector<256x1xf32>
    %mul3A_398 = arith.mulf %sub3A_395, %mul3A_397 : vector<256x1xf32>
    %floor3A_399 = math.floor %mul3A_398 : vector<256x1xf32>
    %jit3A_400 = arith.constant 0.000000e+00 : f32
    %jit3A_401 = arith.constant 4.900000e+01 : f32
    %max3A_402 = vector.broadcast %jit3A_400 : f32 to vector<256x1xf32>
    %max3A_403 = arith.maximumf %max3A_402, %floor3A_399 : vector<256x1xf32>
    %min3A_404 = vector.broadcast %jit3A_401 : f32 to vector<256x1xf32>
    %min3A_405 = arith.minimumf %min3A_404, %max3A_403 : vector<256x1xf32>
    %convert_element_type3A_406 = arith.fptosi %min3A_405 : vector<256x1xf32> to vector<256x1xi32>
    %iota3A_407 = tpu.iota {dimensions = array<i32: 1>} : vector<1x64xi32>
    %eq3A_408 = vector.broadcast %convert_element_type3A_406 : vector<256x1xi32> to vector<256x64xi32>
    %eq3A_409 = vector.broadcast %iota3A_407 : vector<1x64xi32> to vector<256x64xi32>
    %eq3A_410 = arith.cmpi eq, %eq3A_408, %eq3A_409 : vector<256x64xi32>
    %jit3A_411 = arith.constant 1.000000e+00 : f32
    %jit3A_412 = arith.constant 0.000000e+00 : f32
    %broadcast_in_dim3A_413 = vector.broadcast %jit3A_411 : f32 to vector<256x64xf32>
    %broadcast_in_dim3A_414 = vector.broadcast %jit3A_412 : f32 to vector<256x64xf32>
    %select_n3A_415 = arith.select %eq3A_410, %broadcast_in_dim3A_413, %broadcast_in_dim3A_414 : vector<256x64xi1>, vector<256x64xf32>
    %reduce_sum3A_416 = arith.constant dense<0.000000e+00> : vector<64xf32>
    %reduce_sum3A_417 = vector.multi_reduction <add>, %select_n3A_415, %reduce_sum3A_416 [0] : vector<256x64xf32> to vector<64xf32>
    %broadcast_in_dim3A_418 = vector.shape_cast %reduce_sum3A_417 : vector<64xf32> to vector<1x64xf32>
    %add3A_419 = arith.addf %get3A_392, %broadcast_in_dim3A_418 : vector<1x64xf32>
    %swap3A_420 = arith.constant 0 : index
    %swap3A_421 = arith.constant 0 : index
    %swap3A_422 = vector.load %arg9[%swap3A_420, %swap3A_421] : memref<1x64xf32, #tpu.memory_space<vmem>>, vector<1x64xf32>
    tpu.vector_store %arg9[%swap3A_420, %swap3A_421], %add3A_419 {strides = array<i32>} : memref<1x64xf32, #tpu.memory_space<vmem>>, vector<1x64xf32>,
    %get3A_423 = arith.constant 0 : index
    %get3A_424 = arith.constant 0 : index
    %get3A_425 = vector.load %arg8[%get3A_423, %get3A_424] : memref<1x64xf32, #tpu.memory_space<vmem>>, vector<1x64xf32>
    %sub3A_426 = arith.constant -1.000000e+00 : f32
    %sub3A_427 = vector.broadcast %sub3A_426 : f32 to vector<256x1xf32>
    %sub3A_428 = arith.subf %div3A, %sub3A_427 : vector<256x1xf32>
    %mul3A_429 = arith.constant 2.500000e+01 : f32
    %mul3A_430 = vector.broadcast %mul3A_429 : f32 to vector<256x1xf32>
    %mul3A_431 = arith.mulf %sub3A_428, %mul3A_430 : vector<256x1xf32>
    %floor3A_432 = math.floor %mul3A_431 : vector<256x1xf32>
    %jit3A_433 = arith.constant 0.000000e+00 : f32
    %jit3A_434 = arith.constant 4.900000e+01 : f32
    %max3A_435 = vector.broadcast %jit3A_433 : f32 to vector<256x1xf32>
    %max3A_436 = arith.maximumf %max3A_435, %floor3A_432 : vector<256x1xf32>
    %min3A_437 = vector.broadcast %jit3A_434 : f32 to vector<256x1xf32>
    %min3A_438 = arith.minimumf %min3A_437, %max3A_436 : vector<256x1xf32>
    %convert_element_type3A_439 = arith.fptosi %min3A_438 : vector<256x1xf32> to vector<256x1xi32>
    %iota3A_440 = tpu.iota {dimensions = array<i32: 1>} : vector<1x64xi32>
    %eq3A_441 = vector.broadcast %convert_element_type3A_439 : vector<256x1xi32> to vector<256x64xi32>
    %eq3A_442 = vector.broadcast %iota3A_440 : vector<1x64xi32> to vector<256x64xi32>
    %eq3A_443 = arith.cmpi eq, %eq3A_441, %eq3A_442 : vector<256x64xi32>
    %jit3A_444 = arith.constant 1.000000e+00 : f32
    %jit3A_445 = arith.constant 0.000000e+00 : f32
    %broadcast_in_dim3A_446 = vector.broadcast %jit3A_444 : f32 to vector<256x64xf32>
    %broadcast_in_dim3A_447 = vector.broadcast %jit3A_445 : f32 to vector<256x64xf32>
    %select_n3A_448 = arith.select %eq3A_443, %broadcast_in_dim3A_446, %broadcast_in_dim3A_447 : vector<256x64xi1>, vector<256x64xf32>
    %reduce_sum3A_449 = arith.constant dense<0.000000e+00> : vector<64xf32>
    %reduce_sum3A_450 = vector.multi_reduction <add>, %select_n3A_448, %reduce_sum3A_449 [0] : vector<256x64xf32> to vector<64xf32>
    %broadcast_in_dim3A_451 = vector.shape_cast %reduce_sum3A_450 : vector<64xf32> to vector<1x64xf32>
    %add3A_452 = arith.addf %get3A_425, %broadcast_in_dim3A_451 : vector<1x64xf32>
    %swap3A_453 = arith.constant 0 : index
    %swap3A_454 = arith.constant 0 : index
    %swap3A_455 = vector.load %arg8[%swap3A_453, %swap3A_454] : memref<1x64xf32, #tpu.memory_space<vmem>>, vector<1x64xf32>
    tpu.vector_store %arg8[%swap3A_453, %swap3A_454], %add3A_452 {strides = array<i32>} : memref<1x64xf32, #tpu.memory_space<vmem>>, vector<1x64xf32>,
    return
  }
  func.func @transform_0(%arg0: i32) -> (i32, i32, i32) {
    %c0_i32 = arith.constant 0 : i32
    %c0_i32_0 = arith.constant 0 : i32
    %c0_i32_1 = arith.constant 0 : i32
    return %c0_i32, %arg0, %c0_i32_0 : i32, i32, i32
  }
  func.func @transform_1(%arg0: i32) -> (i32, i32) {
    %c0_i32 = arith.constant 0 : i32
    %c0_i32_0 = arith.constant 0 : i32
    return %arg0, %c0_i32 : i32, i32
  }
  func.func @transform_2(%arg0: i32) -> (i32, i32) {
    %c0_i32 = arith.constant 0 : i32
    %c0_i32_0 = arith.constant 0 : i32
    return %arg0, %c0_i32 : i32, i32
  }
  func.func @transform_3(%arg0: i32) -> (i32, i32) {
    %c0_i32 = arith.constant 0 : i32
    %c0_i32_0 = arith.constant 0 : i32
    return %arg0, %c0_i32 : i32, i32
  }
  func.func @transform_4(%arg0: i32) -> (i32, i32) {
    %c0_i32 = arith.constant 0 : i32
    %c0_i32_0 = arith.constant 0 : i32
    return %arg0, %c0_i32 : i32, i32
  }
  func.func @transform_5(%arg0: i32) -> (i32, i32) {
    %c0_i32 = arith.constant 0 : i32
    %c0_i32_0 = arith.constant 0 : i32
    %c0_i32_1 = arith.constant 0 : i32
    return %c0_i32, %c0_i32_0 : i32, i32
  }
  func.func @transform_6(%arg0: i32) -> (i32, i32) {
    %c0_i32 = arith.constant 0 : i32
    %c0_i32_0 = arith.constant 0 : i32
    %c0_i32_1 = arith.constant 0 : i32
    return %c0_i32, %c0_i32_0 : i32, i32
  }
  func.func @transform_7(%arg0: i32) -> (i32, i32) {
    %c0_i32 = arith.constant 0 : i32
    %c0_i32_0 = arith.constant 0 : i32
    %c0_i32_1 = arith.constant 0 : i32
    return %c0_i32, %c0_i32_0 : i32, i32
  }
  func.func @transform_8(%arg0: i32) -> (i32, i32) {
    %c0_i32 = arith.constant 0 : i32
    %c0_i32_0 = arith.constant 0 : i32
    %c0_i32_1 = arith.constant 0 : i32
    return %c0_i32, %c0_i32_0 : i32, i32
  }
}

</mosaic_0001>

<sc_bundles>
// kernel: kernel.4.cloned.1.call-start
scs
__scs_entry_jumppad:
0x0: {  	(pc) =	sbr.rel $0x88, $3  }
0x1: {  	(tag) =	ssettag $0x0;
	lr =	simm.s32 $0x1  }
0x2: {  	[smem:$0x3F9E] =	sst lr;
	_ =	strace $0xD0000000  }
0x3: {  	_ = 	snop  }
0x4: {  	_ = 	snop  }
0x5: {  	_ = 	snop  }
0x6: {  	_ = 	snop  }
0x7: {  	_ = 	snop  }
__scs_overlays_trampoline_lowered:
0x8: {  	[smem:$0x3FAD] =	sst s0  }
0x9: {  	[smem:$0x3FAE] =	sst s1  }
0xa: {  	[smem:$0x3FAF] =	sst s2  }
0xb: {  	[smem:$0x3FB0] =	sst s3  }
0xc: {  	[smem:$0x3FB1] =	sst s4  }
0xd: {  	[smem:$0x3FB2] =	sst s5  }
0xe: {  	[smem:$0x3FB3] =	sst s6  }
0xf: {  	[smem:$0x3FB4] =	sst s7  }
0x10: {  	[smem:$0x3FB5] =	sst s8  }
0x11: {  	[smem:$0x3FB6] =	sst s9;
	s0 =	simm.s32 @!p0 $0x0  }
0x12: {  	s1 =	sld [smem:$0x3F9C];
	s0 =	simm.s32 @p0 $0x1  }
0x13: {  	[smem:$0x3FB7] =	sst s0;
	s0 =	simm.s32 @!p1 $0x0  }
0x14: {  	s2 =	sld [smem:$0x3F9B];
	s0 =	simm.s32 @p1 $0x1  }
0x15: {  	[smem:$0x3FB8] =	sst s0;
	s0 =	simm.s32 @!p2 $0x0  }
0x16: {  	s3 =	sld [smem:$0x3FDB];
	s0 =	simm.s32 @p2 $0x1  }
0x17: {  	s4 =	simm.s32 $0x1BF5;
	[smem:$0x3FBA] =	sst s0  }
0x18: {  	s0 =	sld [smem:$0x3F9D];
	_ =	swait.ge [sflag:s4], $0x0  }
0x19: {  	s7 =	sld [smem:$0x3F9E]  }
0x1a: {  	s8 =	sadd.s32 $0xFFFFE003, lr  }
0x1b: {  	s9 =	sadd.s32 $0xFFFFFEF7, lr;
	s5 =	simm.s32 $0xFFFFFFFF;
	p2 =	slt.u32 s8, $0xFFFFF086  }
0x1c: {  	p1 =	slt.u32 s9, $0xF7A;
	s5 =	simm.s32 @!p2 $0x0  }
0x1d: {  	s5 =	simm.s32 @p1 $0x1;
	p0 =	seq.s32 s7, s2  }
0x1e: {  	s7 =	smul.u32 @!p0 $0xF7A, s2;
	p2 =	seq.s32 @!p0 s5, $0x0  }
0x1f: {  	s9 =	smul.u32 $0xF7A, s1;
	s8 =	simm.s32 @!p0 $0x1BF5;
	p2 =	por !p2, p0  }
0x20: {  	[sflag:s8] =	ssyncset.s32 @!p0 $0xFFFFF086;
	s6 =	sadd.s32 @!p0 s3, s7;
	s7 =	simm.s32 @!p0 $0x108  }
0x21: {  	s3 =	sadd.s32 s3, s9;
	s6 =	sadd.s32 @!p0 $0x88, s6;
	s7 =	simm.s32 @p2 $0x1082  }
0x22: {  	[simem:s7], [sflag:s8] =	dma.local @!p0 [hbm:s6], $0xF7A  }
0x23: {  	s9 =	sor.u32 $0xD0000000, s2;
	s6 =	simm.s32 $0x108;
	_ =	swait.ge @!p0 [sflag:s8], $0x0  }
0x24: {  	s3 =	sadd.s32 $0x88, s3;
	s6 =	simm.s32 @!p1 $0x1082;
	[sflag:s4] =	ssyncset.s32 $0xFFFFF086  }
0x25: {  	[simem:s6], [sflag:s4] =	dma.local [hbm:s3], $0xF7A  }
0x26: {  	[smem:$0x3F9E] =	sst s1;
	(tag) =	ssettag s2;
	_ =	strace s9  }
0x27: {  	s1 =	sld [smem:$0x3FAE]  }
0x28: {  	s2 =	sld [smem:$0x3FAF]  }
0x29: {  	s4 =	sld [smem:$0x3FB1]  }
0x2a: {  	p0 =	seq.s32 s5, $0x0;
	s5 =	sld [smem:$0x3FB2]  }
0x2b: {  	s6 =	sld [smem:$0x3FB3]  }
0x2c: {  	s7 =	sld [smem:$0x3FB4]  }
0x2d: {  	s3 =	simm.s32 $0x108;
	s8 =	sld [smem:$0x3FB5]  }
0x2e: {  	s3 =	simm.s32 @!p0 $0x1082;
	s9 =	sld [smem:$0x3FB6]  }
0x2f: {  	lr =	sadd.s32 s0, s3;
	s0 =	sld [smem:$0x3FAD]  }
0x30: {  	s3 =	sld [smem:$0x3FB0]  }
0x31: {  	[smem:$0x3FB9] =	sst s10  }
0x32: {  	s10 =	sld [smem:$0x3FB7];
	_ =	sdelay $0x3  }
0x33: {  	p0 =	seq.s32 s10, $0x1;
	s10 =	sld [smem:$0x3FB9];
	_ =	sdelay $0x3  }
0x34: {  	[smem:$0x3FB9] =	sst s10  }
0x35: {  	s10 =	sld [smem:$0x3FB8];
	_ =	sdelay $0x3  }
0x36: {  	p1 =	seq.s32 s10, $0x1;
	s10 =	sld [smem:$0x3FB9];
	_ =	sdelay $0x3  }
0x37: {  	[smem:$0x3FB9] =	sst s10  }
0x38: {  	s10 =	sld [smem:$0x3FBA]  }
0x39: {  	_ = 	snop;
	(pc) =	sbr.ind lr, $3  }
0x3a: {  	_ = 	snop  }
0x3b: {  	_ = 	snop  }
0x3c: {  	p2 =	seq.s32 s10, $0x1;
	s10 =	sld [smem:$0x3FB9]  }
0x3d: {  	_ =	shalt  }
0x3e: {  	_ =	shalt  }
0x3f: {  	_ =	shalt  }
0x40: {  	_ =	shalt  }
0x41: {  	_ =	shalt  }
0x42: {  	_ =	shalt  }
0x43: {  	_ =	shalt  }
0x44: {  	_ =	shalt  }
0x45: {  	_ =	shalt  }
0x46: {  	_ =	shalt  }
0x47: {  	_ =	shalt  }
0x48: {  	_ =	shalt  }
0x49: {  	_ =	shalt  }
0x4a: {  	_ =	shalt  }
0x4b: {  	_ =	shalt  }
0x4c: {  	_ =	shalt  }
0x4d: {  	_ =	shalt  }
0x4e: {  	_ =	shalt  }
0x4f: {  	_ =	shalt  }
0x50: {  	_ =	shalt  }
0x51: {  	_ =	shalt  }
0x52: {  	_ =	shalt  }
0x53: {  	_ =	shalt  }
0x54: {  	_ =	shalt  }
0x55: {  	_ =	shalt  }
0x56: {  	_ =	shalt  }
0x57: {  	_ =	shalt  }
0x58: {  	_ =	shalt  }
0x59: {  	_ =	shalt  }
0x5a: {  	_ =	shalt  }
0x5b: {  	_ =	shalt  }
0x5c: {  	_ =	shalt  }
0x5d: {  	_ =	shalt  }
0x5e: {  	_ =	shalt  }
0x5f: {  	_ =	shalt  }
0x60: {  	_ =	shalt  }
0x61: {  	_ =	shalt  }
0x62: {  	_ =	shalt  }
0x63: {  	_ =	shalt  }
0x64: {  	_ =	shalt  }
0x65: {  	_ =	shalt  }
0x66: {  	_ =	shalt  }
0x67: {  	_ =	shalt  }
0x68: {  	_ =	shalt  }
0x69: {  	_ =	shalt  }
0x6a: {  	_ =	shalt  }
0x6b: {  	_ =	shalt  }
0x6c: {  	_ =	shalt  }
0x6d: {  	_ =	shalt  }
0x6e: {  	_ =	shalt  }
0x6f: {  	_ =	shalt  }
0x70: {  	_ =	shalt  }
0x71: {  	_ =	shalt  }
0x72: {  	_ =	shalt  }
0x73: {  	_ =	shalt  }
0x74: {  	_ =	shalt  }
0x75: {  	_ =	shalt  }
0x76: {  	_ =	shalt  }
0x77: {  	_ =	shalt  }
0x78: {  	_ =	shalt  }
0x79: {  	_ =	shalt  }
0x7a: {  	_ =	shalt  }
0x7b: {  	_ =	shalt  }
0x7c: {  	_ =	shalt  }
0x7d: {  	_ =	shalt  }
0x7e: {  	_ =	shalt  }
0x7f: {  	_ =	shalt  }
0x80: {  	_ =	shalt  }
0x81: {  	_ =	shalt  }
0x82: {  	_ =	shalt  }
0x83: {  	_ =	shalt  }
0x84: {  	_ =	shalt  }
0x85: {  	_ =	shalt  }
0x86: {  	_ =	shalt  }
0x87: {  	_ =	shalt  }
.Lfunc_end0:
.L_simem_size_0:
called_computation_lowered:
.L_overlay_start_0:
0x88: {  	s2 =	sld [smem:$0x3FD9]  }
0x89: {  	s3 =	sld [smem:$0x3FFE];
	_ =	sdelay $0x1  }
0x8a: {  	s1 =	srdreg.scid  }
0x8b: {  	s0 =	sand.u32 $0x1, s1  }
0x8c: {  	s16 =	sshll.u32 s0, $0xA;
	s2 =	sadd.s32 s3, s2  }
0x8d: {  	s2 =	sadd.s32 s2, s16  }
0x8e: {  	[smem:$0x3FC5] =	sst s2  }
0x8f: {  	_ = 	snop  }
0x90: {  	(tm) =	ssettm $0x1  }
0x91: {  	s17 =	sld [smem:$0x3FFB];
	_ =	sdelay $0x3  }
0x92: {  	_ =	strace s17  }
0x93: {  	s2 =	sld [smem:$0x3FFC];
	_ =	sdelay $0x3  }
0x94: {  	_ =	strace s2  }
0x95: {  	s2 =	sld [smem:$0x3FFD];
	_ =	sdelay $0x3  }
0x96: {  	_ =	strace s2  }
0x97: {  	_ =	strace $0x8FFFFFFF  }
0x98: {  	s18 =	sld [smem:$0x3FDB];
	_ =	sdelay $0x1  }
0x99: {  	s19 =	simm.s32 $_scs_section_size  }
0x9a: {  	s4 =	simm.s32 $_size__tile_overlayer_lowered;
	s5 =	simm.s32 $_tile_overlayer_lowered  }
0x9b: {  	s22 =	simm.s32 $0x1BFF;
	s21 =	sshll.u32 s5, $0x1;
	s2 =	sadd.s32 s19, s18  }
0x9c: {  	s6 =	simm.s32 $0x0;
	s20 =	sshll.u32 s4, $0x1;
	s4 =	sadd.s32 s21, s2  }
0x9d: {  	[timem:s6], [sflag:s22] =	dma.local [hbm:s4], s20  }
0x9e: {  	_ =	swait.ge [sflag:s22], s20  }
0x9f: {  	s3 =	ssub.s32 $0x0, s20;
	[sflag:s22] =	ssyncset.done $0x0  }
0xa0: {  	[sflag:s22] =	ssyncadd.s32 s3;
	_ =	sdelay $0x1  }
0xa1: {  	s23 =	simm.s32 $0x1B8B  }
0xa2: {  	_ =	swait.ge [sflag:s23], $0x1  }
0xa3: {  	[sflag:s23] =	ssyncset.done $0x0  }
0xa4: {  	s25 =	simm.s32 $0x1B8E;
	s24 =	sld [smem:$0x3FFE];
	[sflag:s23] =	ssyncadd.s32 $0xFFFFFFFF  }
0xa5: {  	s26 =	simm.s32 $execute0_lowered;
	[smem:$0x3FD2] =	sst s25  }
0xa6: {  	s4 =	sshll.u32 s26, $0x1;
	_ =	strace $0x80000046;
	[dreg:$0x1] =	wrdreg $0xFFFFFFFF  }
0xa7: {  	s28 =	simm.s32 $_size_execute0_lowered;
	s2 =	sadd.s32 s2, s4;
	[dreg:$0x0] =	wrdreg $0x0  }
0xa8: {  	s4 =	sshll.u32 s28, $0x1;
	[dreg:$0x2] =	wrdreg s2  }
0xa9: {  	[dreg:$0x3] =	wrdreg s4  }
0xaa: {  	[dreg:$0x4] =	wrdreg $0xC0  }
0xab: {  	_ =	task [dreg:s6], $0x5FFFF  }
0xac: {  	[dreg:$0x1] =	wrdreg $0xFFFFFFFF  }
0xad: {  	[dreg:$0x0] =	wrdreg $0x60  }
0xae: {  	[dreg:$0x2] =	wrdreg s24  }
0xaf: {  	[dreg:$0x3] =	wrdreg $0x128800  }
0xb0: {  	[dreg:$0x4] =	wrdreg $0x9  }
0xb1: {  	_ =	task.clear_ibuf [dreg:s6], $0x5FFFF;
	_ =	strace $0x90000046  }
0xb2: {  	s29 =	simm.s32 $0x9;
	_ =	strace $0x80000048  }
0xb3: {  	_ =	swait.ge [sflag:s29], $0x1  }
0xb4: {  	[sflag:s29] =	ssyncadd.s32 $0xFFFFFFFF  }
0xb5: {  	_ =	strace $0x90000048  }
0xb6: {  	_ =	sfence  }
0xb7: {  	s30 =	sld [smem:$0x0];
	_ =	sdelay $0x2  }
0xb8: {  	s31 =	sshll.u32 s1, $0xD;
	s1 =	sshrl.u32 s1, $0x2  }
0xb9: {  	s3 =	sand.u32 $0x4000, s31;
	s1 =	sadd.s32 s1, s30  }
0xba: {  	s0 =	sor.u32 s3, s0;
	s1 =	sshll.u32 s1, $0x11  }
0xbb: {  	s0 =	sor.u32 s1, s0  }
0xbc: {  	s0 =	sadd.s32 $0x8F2B, s0  }
0xbd: {  	[sflag:s0] =	ssyncadd.remote.s32 $0x1  }
0xbe: {  	_ =	sfence.sel $0xFFFF  }
0xbf: {  	[dreg:$0x0] =	wrdreg $0xFFFFFFFF;
	(pc) =	sbr.abs _section_cstart, $3  }
0xc0: {  	[dreg:$0x1] =	wrdreg $0xFFFFFFFF  }
0xc1: {  	_ =	task.clear_ibuf [dreg:s6], $0x2FFFF;
	_ =	strace $0x9FFFFFFF  }
0xc2: {  	(tm) =	ssettm $0x7FFFFFFF  }
0xc3: {  	_ =	shalt  }
tec
execute0_lowered:
.L_overlay_start_1:
0x0: {  	(tag) =	ssettag $0x1  }
0x1: {  	s5 =	rddreg [dreg:$0x0]  }
0x2: {  	s1 =	rddreg [dreg:$0x1]  }
0x3: {  	s0 =	rddreg [dreg:$0x2]  }
0x4: {  	s2 =	simm.s32 $0x0;
	s3 =	srdreg.scid;
	s17 =	stileid.u32  }
0x5: {  	s10 =	simm.s32 $0x400000;
	s11 =	simm.s32 $0x1;
	s12 =	simm.s32 $0x10000  }
0x6: {  	s13 =	simm.s32 $0x11000;
	s14 =	simm.s32 $0x11400;
	s15 =	simm.s32 $0x11800  }
0x7: {  	s16 =	simm.s32 $0x11C00;
	s18 =	simm.s32 $0x12080;
	s19 =	simm.s32 $0x0  }
0x8: {  	[smem:$0x7FF] =	sst s2;
	s6 =	sand.u32 $0x1, s3;
	s3 =	sadd.s32 $0x1000, s5  }
0x9: {  	s4 =	sadd.s32 $0x201000, s5;
	s9 =	sshll.u32 s17, $0x8;
	s31 =	sshll.u32 s17, $0x7  }
.Ltmp0:
0xa: {  	p0 =	sne.s32 s17, $0x0;
	s17 =	simm.s32 $0x12000;
	(pc) =	sbr.rel .LBB2_1-.Ltmp0, $4  }
0xb: {  	_ =	strace $0x80000047;
	s7 =	sshll.u32 s6, $0x4;
	s30 =	ssub.s32 $0x2, s6  }
0xc: {  	s6 =	sshll.u32 s6, $0xC;
	s7 =	sadd.s32 s7, s5;
	s8 =	sshrl.u32 s30, $0x1  }
0xd: {  	v1 =	vlaneseq.u32;
	s5 =	sor.u32 s9, s6;
	s6 =	sadd.s32 s31, s1;
	s8 =	ssub.s32 s30, s8  }
0xe: {  	v0 =	vimm.f32 $1.000000000e+00;
	v1 =	vmul.u32 $0x40, v1;
	s9 =	simm.s32 $0x4000;
	s7 =	sadd.s32 $0x221000, s7;
	s8 =	smax.u32 s8, $0x1  }
.LBB2_7:
0xf: {  	s19 =	sadd.s32 $0x1, s19  }
0x10: {  	p1 =	sne.s32 s19, s8  }
.Ltmp1:
0x11: {  	_ = 	snop;
	(pc) =	sbr.rel @!p1 .LBB2_8-.Ltmp1, $1  }
0x12: {  	_ =	sdelay $0x3  }
.LBB2_1:
0x13: {  	v2 =	vimm.f32 $0.0e+00  }
0x14: {  	[tilespmem:$0x11000] =	vst v2  }
0x15: {  	[tilespmem:$0x11010] =	vst v2  }
0x16: {  	[tilespmem:$0x11020] =	vst v2  }
0x17: {  	[tilespmem:$0x11030] =	vst v2  }
0x18: {  	[tilespmem:$0x11040] =	vst v2  }
0x19: {  	[tilespmem:$0x11050] =	vst v2  }
0x1a: {  	[tilespmem:$0x11060] =	vst v2  }
0x1b: {  	[tilespmem:$0x11070] =	vst v2  }
0x1c: {  	[tilespmem:$0x11080] =	vst v2  }
0x1d: {  	[tilespmem:$0x11090] =	vst v2  }
0x1e: {  	[tilespmem:$0x110A0] =	vst v2  }
0x1f: {  	[tilespmem:$0x110B0] =	vst v2  }
0x20: {  	[tilespmem:$0x110C0] =	vst v2  }
0x21: {  	[tilespmem:$0x110D0] =	vst v2  }
0x22: {  	[tilespmem:$0x110E0] =	vst v2  }
0x23: {  	[tilespmem:$0x110F0] =	vst v2  }
0x24: {  	[tilespmem:$0x11100] =	vst v2  }
0x25: {  	[tilespmem:$0x11110] =	vst v2  }
0x26: {  	[tilespmem:$0x11120] =	vst v2  }
0x27: {  	[tilespmem:$0x11130] =	vst v2  }
0x28: {  	[tilespmem:$0x11140] =	vst v2  }
0x29: {  	[tilespmem:$0x11150] =	vst v2  }
0x2a: {  	[tilespmem:$0x11160] =	vst v2  }
0x2b: {  	[tilespmem:$0x11170] =	vst v2  }
0x2c: {  	[tilespmem:$0x11180] =	vst v2  }
0x2d: {  	[tilespmem:$0x11190] =	vst v2  }
0x2e: {  	[tilespmem:$0x111A0] =	vst v2  }
0x2f: {  	[tilespmem:$0x111B0] =	vst v2  }
0x30: {  	[tilespmem:$0x111C0] =	vst v2  }
0x31: {  	[tilespmem:$0x111D0] =	vst v2  }
0x32: {  	[tilespmem:$0x111E0] =	vst v2  }
0x33: {  	[tilespmem:$0x111F0] =	vst v2  }
0x34: {  	[tilespmem:$0x11200] =	vst v2  }
0x35: {  	[tilespmem:$0x11210] =	vst v2  }
0x36: {  	[tilespmem:$0x11220] =	vst v2  }
0x37: {  	[tilespmem:$0x11230] =	vst v2  }
0x38: {  	[tilespmem:$0x11240] =	vst v2  }
0x39: {  	[tilespmem:$0x11250] =	vst v2  }
0x3a: {  	[tilespmem:$0x11260] =	vst v2  }
0x3b: {  	[tilespmem:$0x11270] =	vst v2  }
0x3c: {  	[tilespmem:$0x11280] =	vst v2  }
0x3d: {  	[tilespmem:$0x11290] =	vst v2  }
0x3e: {  	[tilespmem:$0x112A0] =	vst v2  }
0x3f: {  	[tilespmem:$0x112B0] =	vst v2  }
0x40: {  	[tilespmem:$0x112C0] =	vst v2  }
0x41: {  	[tilespmem:$0x112D0] =	vst v2  }
0x42: {  	[tilespmem:$0x112E0] =	vst v2  }
0x43: {  	[tilespmem:$0x112F0] =	vst v2  }
0x44: {  	[tilespmem:$0x11300] =	vst v2  }
0x45: {  	[tilespmem:$0x11310] =	vst v2  }
0x46: {  	[tilespmem:$0x11320] =	vst v2  }
0x47: {  	[tilespmem:$0x11330] =	vst v2  }
0x48: {  	[tilespmem:$0x11340] =	vst v2  }
0x49: {  	[tilespmem:$0x11350] =	vst v2  }
0x4a: {  	[tilespmem:$0x11360] =	vst v2  }
0x4b: {  	[tilespmem:$0x11370] =	vst v2  }
0x4c: {  	[tilespmem:$0x11380] =	vst v2  }
0x4d: {  	[tilespmem:$0x11390] =	vst v2  }
0x4e: {  	[tilespmem:$0x113A0] =	vst v2  }
0x4f: {  	[tilespmem:$0x113B0] =	vst v2  }
0x50: {  	[tilespmem:$0x113C0] =	vst v2  }
0x51: {  	[tilespmem:$0x113D0] =	vst v2  }
0x52: {  	[tilespmem:$0x113E0] =	vst v2  }
0x53: {  	[tilespmem:$0x113F0] =	vst v2  }
0x54: {  	[tilespmem:$0x11400] =	vst v2  }
0x55: {  	[tilespmem:$0x11410] =	vst v2  }
0x56: {  	[tilespmem:$0x11420] =	vst v2  }
0x57: {  	[tilespmem:$0x11430] =	vst v2  }
0x58: {  	[tilespmem:$0x11440] =	vst v2  }
0x59: {  	[tilespmem:$0x11450] =	vst v2  }
0x5a: {  	[tilespmem:$0x11460] =	vst v2  }
0x5b: {  	[tilespmem:$0x11470] =	vst v2  }
0x5c: {  	[tilespmem:$0x11480] =	vst v2  }
0x5d: {  	[tilespmem:$0x11490] =	vst v2  }
0x5e: {  	[tilespmem:$0x114A0] =	vst v2  }
0x5f: {  	[tilespmem:$0x114B0] =	vst v2  }
0x60: {  	[tilespmem:$0x114C0] =	vst v2  }
0x61: {  	[tilespmem:$0x114D0] =	vst v2  }
0x62: {  	[tilespmem:$0x114E0] =	vst v2  }
0x63: {  	[tilespmem:$0x114F0] =	vst v2  }
0x64: {  	[tilespmem:$0x11500] =	vst v2  }
0x65: {  	[tilespmem:$0x11510] =	vst v2  }
0x66: {  	[tilespmem:$0x11520] =	vst v2  }
0x67: {  	[tilespmem:$0x11530] =	vst v2  }
0x68: {  	[tilespmem:$0x11540] =	vst v2  }
0x69: {  	[tilespmem:$0x11550] =	vst v2  }
0x6a: {  	[tilespmem:$0x11560] =	vst v2  }
0x6b: {  	[tilespmem:$0x11570] =	vst v2  }
0x6c: {  	[tilespmem:$0x11580] =	vst v2  }
0x6d: {  	[tilespmem:$0x11590] =	vst v2  }
0x6e: {  	[tilespmem:$0x115A0] =	vst v2  }
0x6f: {  	[tilespmem:$0x115B0] =	vst v2  }
0x70: {  	[tilespmem:$0x115C0] =	vst v2  }
0x71: {  	[tilespmem:$0x115D0] =	vst v2  }
0x72: {  	[tilespmem:$0x115E0] =	vst v2  }
0x73: {  	[tilespmem:$0x115F0] =	vst v2  }
0x74: {  	[tilespmem:$0x11600] =	vst v2  }
0x75: {  	[tilespmem:$0x11610] =	vst v2  }
0x76: {  	[tilespmem:$0x11620] =	vst v2  }
0x77: {  	[tilespmem:$0x11630] =	vst v2  }
0x78: {  	[tilespmem:$0x11640] =	vst v2  }
0x79: {  	[tilespmem:$0x11650] =	vst v2  }
0x7a: {  	[tilespmem:$0x11660] =	vst v2  }
0x7b: {  	[tilespmem:$0x11670] =	vst v2  }
0x7c: {  	[tilespmem:$0x11680] =	vst v2  }
0x7d: {  	[tilespmem:$0x11690] =	vst v2  }
0x7e: {  	[tilespmem:$0x116A0] =	vst v2  }
0x7f: {  	[tilespmem:$0x116B0] =	vst v2  }
0x80: {  	[tilespmem:$0x116C0] =	vst v2  }
0x81: {  	[tilespmem:$0x116D0] =	vst v2  }
0x82: {  	[tilespmem:$0x116E0] =	vst v2  }
0x83: {  	[tilespmem:$0x116F0] =	vst v2  }
0x84: {  	[tilespmem:$0x11700] =	vst v2  }
0x85: {  	[tilespmem:$0x11710] =	vst v2  }
0x86: {  	[tilespmem:$0x11720] =	vst v2  }
0x87: {  	[tilespmem:$0x11730] =	vst v2  }
0x88: {  	[tilespmem:$0x11740] =	vst v2  }
0x89: {  	[tilespmem:$0x11750] =	vst v2  }
0x8a: {  	[tilespmem:$0x11760] =	vst v2  }
0x8b: {  	[tilespmem:$0x11770] =	vst v2  }
0x8c: {  	[tilespmem:$0x11780] =	vst v2  }
0x8d: {  	[tilespmem:$0x11790] =	vst v2  }
0x8e: {  	[tilespmem:$0x117A0] =	vst v2  }
0x8f: {  	[tilespmem:$0x117B0] =	vst v2  }
0x90: {  	[tilespmem:$0x117C0] =	vst v2  }
0x91: {  	[tilespmem:$0x117D0] =	vst v2  }
0x92: {  	[tilespmem:$0x117E0] =	vst v2  }
0x93: {  	[tilespmem:$0x117F0] =	vst v2  }
0x94: {  	[tilespmem:$0x11800] =	vst v2  }
0x95: {  	[tilespmem:$0x11810] =	vst v2  }
0x96: {  	[tilespmem:$0x11820] =	vst v2  }
0x97: {  	[tilespmem:$0x11830] =	vst v2  }
0x98: {  	[tilespmem:$0x11840] =	vst v2  }
0x99: {  	[tilespmem:$0x11850] =	vst v2  }
0x9a: {  	[tilespmem:$0x11860] =	vst v2  }
0x9b: {  	[tilespmem:$0x11870] =	vst v2  }
0x9c: {  	[tilespmem:$0x11880] =	vst v2  }
0x9d: {  	[tilespmem:$0x11890] =	vst v2  }
0x9e: {  	[tilespmem:$0x118A0] =	vst v2  }
0x9f: {  	[tilespmem:$0x118B0] =	vst v2  }
0xa0: {  	[tilespmem:$0x118C0] =	vst v2  }
0xa1: {  	[tilespmem:$0x118D0] =	vst v2  }
0xa2: {  	[tilespmem:$0x118E0] =	vst v2  }
0xa3: {  	[tilespmem:$0x118F0] =	vst v2  }
0xa4: {  	[tilespmem:$0x11900] =	vst v2  }
0xa5: {  	[tilespmem:$0x11910] =	vst v2  }
0xa6: {  	[tilespmem:$0x11920] =	vst v2  }
0xa7: {  	[tilespmem:$0x11930] =	vst v2  }
0xa8: {  	[tilespmem:$0x11940] =	vst v2  }
0xa9: {  	[tilespmem:$0x11950] =	vst v2  }
0xaa: {  	[tilespmem:$0x11960] =	vst v2  }
0xab: {  	[tilespmem:$0x11970] =	vst v2  }
0xac: {  	[tilespmem:$0x11980] =	vst v2  }
0xad: {  	[tilespmem:$0x11990] =	vst v2  }
0xae: {  	[tilespmem:$0x119A0] =	vst v2  }
0xaf: {  	[tilespmem:$0x119B0] =	vst v2  }
0xb0: {  	[tilespmem:$0x119C0] =	vst v2  }
0xb1: {  	[tilespmem:$0x119D0] =	vst v2  }
0xb2: {  	[tilespmem:$0x119E0] =	vst v2  }
0xb3: {  	[tilespmem:$0x119F0] =	vst v2  }
0xb4: {  	[tilespmem:$0x11A00] =	vst v2  }
0xb5: {  	[tilespmem:$0x11A10] =	vst v2  }
0xb6: {  	[tilespmem:$0x11A20] =	vst v2  }
0xb7: {  	[tilespmem:$0x11A30] =	vst v2  }
0xb8: {  	[tilespmem:$0x11A40] =	vst v2  }
0xb9: {  	[tilespmem:$0x11A50] =	vst v2  }
0xba: {  	[tilespmem:$0x11A60] =	vst v2  }
0xbb: {  	[tilespmem:$0x11A70] =	vst v2  }
0xbc: {  	[tilespmem:$0x11A80] =	vst v2  }
0xbd: {  	[tilespmem:$0x11A90] =	vst v2  }
0xbe: {  	[tilespmem:$0x11AA0] =	vst v2  }
0xbf: {  	[tilespmem:$0x11AB0] =	vst v2  }
0xc0: {  	[tilespmem:$0x11AC0] =	vst v2  }
0xc1: {  	[tilespmem:$0x11AD0] =	vst v2  }
0xc2: {  	[tilespmem:$0x11AE0] =	vst v2  }
0xc3: {  	[tilespmem:$0x11AF0] =	vst v2  }
0xc4: {  	[tilespmem:$0x11B00] =	vst v2  }
0xc5: {  	[tilespmem:$0x11B10] =	vst v2  }
0xc6: {  	[tilespmem:$0x11B20] =	vst v2  }
0xc7: {  	[tilespmem:$0x11B30] =	vst v2  }
0xc8: {  	[tilespmem:$0x11B40] =	vst v2  }
0xc9: {  	[tilespmem:$0x11B50] =	vst v2  }
0xca: {  	[tilespmem:$0x11B60] =	vst v2  }
0xcb: {  	[tilespmem:$0x11B70] =	vst v2  }
0xcc: {  	[tilespmem:$0x11B80] =	vst v2  }
0xcd: {  	[tilespmem:$0x11B90] =	vst v2  }
0xce: {  	[tilespmem:$0x11BA0] =	vst v2  }
0xcf: {  	[tilespmem:$0x11BB0] =	vst v2  }
0xd0: {  	[tilespmem:$0x11BC0] =	vst v2  }
0xd1: {  	[tilespmem:$0x11BD0] =	vst v2  }
0xd2: {  	[tilespmem:$0x11BE0] =	vst v2  }
0xd3: {  	[tilespmem:$0x11BF0] =	vst v2  }
0xd4: {  	[tilespmem:$0x11C00] =	vst v2  }
0xd5: {  	[tilespmem:$0x11C10] =	vst v2  }
0xd6: {  	[tilespmem:$0x11C20] =	vst v2  }
0xd7: {  	[tilespmem:$0x11C30] =	vst v2  }
0xd8: {  	[tilespmem:$0x11C40] =	vst v2  }
0xd9: {  	[tilespmem:$0x11C50] =	vst v2  }
0xda: {  	[tilespmem:$0x11C60] =	vst v2  }
0xdb: {  	[tilespmem:$0x11C70] =	vst v2  }
0xdc: {  	[tilespmem:$0x11C80] =	vst v2  }
0xdd: {  	[tilespmem:$0x11C90] =	vst v2  }
0xde: {  	[tilespmem:$0x11CA0] =	vst v2  }
0xdf: {  	[tilespmem:$0x11CB0] =	vst v2  }
0xe0: {  	[tilespmem:$0x11CC0] =	vst v2  }
0xe1: {  	[tilespmem:$0x11CD0] =	vst v2  }
0xe2: {  	[tilespmem:$0x11CE0] =	vst v2  }
0xe3: {  	[tilespmem:$0x11CF0] =	vst v2  }
0xe4: {  	[tilespmem:$0x11D00] =	vst v2  }
0xe5: {  	[tilespmem:$0x11D10] =	vst v2  }
0xe6: {  	[tilespmem:$0x11D20] =	vst v2  }
0xe7: {  	[tilespmem:$0x11D30] =	vst v2  }
0xe8: {  	[tilespmem:$0x11D40] =	vst v2  }
0xe9: {  	[tilespmem:$0x11D50] =	vst v2  }
0xea: {  	[tilespmem:$0x11D60] =	vst v2  }
0xeb: {  	[tilespmem:$0x11D70] =	vst v2  }
0xec: {  	[tilespmem:$0x11D80] =	vst v2  }
0xed: {  	[tilespmem:$0x11D90] =	vst v2  }
0xee: {  	[tilespmem:$0x11DA0] =	vst v2  }
0xef: {  	[tilespmem:$0x11DB0] =	vst v2  }
0xf0: {  	[tilespmem:$0x11DC0] =	vst v2  }
0xf1: {  	[tilespmem:$0x11DD0] =	vst v2  }
0xf2: {  	[tilespmem:$0x11DE0] =	vst v2  }
0xf3: {  	[tilespmem:$0x11DF0] =	vst v2  }
0xf4: {  	[tilespmem:$0x11E00] =	vst v2  }
0xf5: {  	[tilespmem:$0x11E10] =	vst v2  }
0xf6: {  	[tilespmem:$0x11E20] =	vst v2  }
0xf7: {  	[tilespmem:$0x11E30] =	vst v2  }
0xf8: {  	[tilespmem:$0x11E40] =	vst v2  }
0xf9: {  	[tilespmem:$0x11E50] =	vst v2  }
0xfa: {  	[tilespmem:$0x11E60] =	vst v2  }
0xfb: {  	[tilespmem:$0x11E70] =	vst v2  }
0xfc: {  	[tilespmem:$0x11E80] =	vst v2  }
0xfd: {  	[tilespmem:$0x11E90] =	vst v2  }
0xfe: {  	[tilespmem:$0x11EA0] =	vst v2  }
0xff: {  	[tilespmem:$0x11EB0] =	vst v2  }
0x100: {  	[tilespmem:$0x11EC0] =	vst v2  }
0x101: {  	[tilespmem:$0x11ED0] =	vst v2  }
0x102: {  	[tilespmem:$0x11EE0] =	vst v2  }
0x103: {  	[tilespmem:$0x11EF0] =	vst v2  }
0x104: {  	[tilespmem:$0x11F00] =	vst v2  }
0x105: {  	[tilespmem:$0x11F10] =	vst v2  }
0x106: {  	[tilespmem:$0x11F20] =	vst v2  }
0x107: {  	[tilespmem:$0x11F30] =	vst v2  }
0x108: {  	[tilespmem:$0x11F40] =	vst v2  }
0x109: {  	[tilespmem:$0x11F50] =	vst v2  }
0x10a: {  	[tilespmem:$0x11F60] =	vst v2  }
0x10b: {  	[tilespmem:$0x11F70] =	vst v2  }
0x10c: {  	[tilespmem:$0x11F80] =	vst v2  }
0x10d: {  	[tilespmem:$0x11F90] =	vst v2  }
0x10e: {  	[tilespmem:$0x11FA0] =	vst v2  }
0x10f: {  	[tilespmem:$0x11FB0] =	vst v2  }
0x110: {  	[tilespmem:$0x11FC0] =	vst v2  }
0x111: {  	[tilespmem:$0x11FD0] =	vst v2  }
0x112: {  	[tilespmem:$0x11FE0] =	vst v2  }
0x113: {  	[tilespmem:$0x11FF0] =	vst v2  }
0x114: {  	[tilespmem:$0x12000] =	vst v2  }
0x115: {  	[tilespmem:$0x12010] =	vst v2  }
0x116: {  	[tilespmem:$0x12020] =	vst v2  }
0x117: {  	[tilespmem:$0x12030] =	vst v2  }
0x118: {  	[tilespmem:$0x12040] =	vst v2  }
0x119: {  	[tilespmem:$0x12050] =	vst v2  }
0x11a: {  	[tilespmem:$0x12060] =	vst v2  }
0x11b: {  	s20 =	simm.s32 $0x0;
	[tilespmem:$0x12070] =	vst v2  }
.LBB2_2:
0x11c: {  	s21 =	sshll.u32 s20, $0x5  }
0x11d: {  	s22 =	sadd.s32 s5, s21  }
0x11e: {  	s21 =	sshll.u32 s22, $0x6  }
0x11f: {  	s23 =	sadd.s32 s3, s21;
	s21 =	simm.s32 $0x0  }
0x120: {  	[tilespmem:s21], [sflag:$0x1] =	stream.strided.gather [hbm4b:s23+s9], $0x10000, s10, s9, $0x38;
	[tilespmem:$0x12900] =	vst v63  }
0x121: {  	_ =	swait.ge [sflag:s11], $0x10000  }
0x122: {  	s22 =	sshll.u32 s22, $0x4;
	[sflag:s11] =	ssyncset.done $0x0  }
0x123: {  	s22 =	sadd.s32 s4, s22;
	[sflag:s11] =	ssyncadd.s32 $0xFFFF0000  }
0x124: {  	[tilespmem:s12], [sflag:$0x1] =	stream.linear.gather [hbm4b:s22+s21], $0x1000, $0x38;
	[tilespmem:$0x12900] =	vst v63  }
0x125: {  	_ =	swait.ge [sflag:s11], $0x1000  }
0x126: {  	[sflag:s11] =	ssyncset.done $0x0  }
0x127: {  	s23 =	simm.s32 $0x0;
	s22 =	simm.s32 $0x0;
	[sflag:s11] =	ssyncadd.s32 $0xFFFFF000  }
.LBB2_3:
0x128: {  	s24 =	sshll.u32 s23, $0x7  }
0x129: {  	v6 =	vmov s24  }
0x12a: {  	s30 =	sand.u32 $0x3000, s21;
	s25 =	sand.u32 $0x380, s22  }
0x12b: {  	s24 =	sor.u32 s25, s30  }
0x12c: {  	v3 =	vor.u32 $0x1, v6;
	v7 =	vld [tilespmem:s24+$0x0]  }
0x12d: {  	v5 =	vor.u32 $0x2, v6;
	v8 =	vld [tilespmem:s24+$0x4000]  }
0x12e: {  	v4 =	vld.idx.msk [tilespmem:v6+s12+$0x0], $0xffff;
	v6 =	vor.u32 $0x3, v6  }
0x12f: {  	v9 =	vld [tilespmem:s24+$0x8000]  }
0x130: {  	v10 =	vld [tilespmem:s24+$0xC000]  }
0x131: {  	v3 =	vld.idx.msk [tilespmem:v3+s12+$0x0], $0xffff  }
0x132: {  	v5 =	vld.idx.msk [tilespmem:v5+s12+$0x0], $0xffff  }
0x133: {  	v6 =	vld.idx.msk [tilespmem:v6+s12+$0x0], $0xffff;
	_ =	sdelay $0x2  }
0x134: {  	v11 =	vmax.f32 v7, v4;
	v7 =	vsub.f32 v9, v7  }
0x135: {  	v12 =	vmax.f32 v8, v3;
	v13 =	vmin.f32 v9, v5;
	v8 =	vsub.f32 v10, v8  }
0x136: {  	v25 =	vsub.f32 v5, v4;
	v24 =	vmin.f32 v10, v6;
	v14 =	vsub.f32 v6, v3  }
0x137: {  	v11 =	vsub.f32 v13, v11;
	v9 =	vsub.f32 v24, v12  }
0x138: {  	v8 =	vmul.f32 v8, v7;
	v7 =	vmul.f32 v14, v25  }
0x139: {  	v26 =	vmax.f32 v11, $0.0e+00;
	v9 =	vmax.f32 v9, $0.0e+00  }
0x13a: {  	v9 =	vmul.f32 v9, v26;
	v8 =	vadd.f32 v8, v7;
	_ =	sdelay $0x1  }
0x13b: {  	v8 =	vsub.f32 v8, v9;
	_ =	sdelay $0x1  }
0x13c: {  	v8 =	vmax.f32 v8, $9.999999970e-07  }
0x13d: {  	(erf) = vrcp.f32 v8;
	_ =	sdelay $0x8  }
0x13e: {  	v8 =	vpop (erf)  }
0x13f: {  	v8 =	vmul.f32 v8, v9;
	_ =	sdelay $0x1  }
0x140: {  	v8 =	vmul.f32 $5.000000000e+01, v8;
	_ =	sdelay $0x1  }
0x141: {  	v8 =	vtrunc.f32 v8  }
0x142: {  	v8 =	vcvt.f32.s32 v8;
	_ =	sdelay $0x1  }
0x143: {  	vm0 =	vlt.s32 v8, $0x31  }
0x144: {  	vm11 =	vgt.s32 v8, $0x0;
	v27 =	vnsel vm0, $0x31, v8  }
0x145: {  	v29 =	vadd.s32 v1, v27;
	_ =	sdelay $0x3  }
0x146: {  	v28 =	vimm.s32 $0x0  }
0x147: {  	v8 =	vsel vm11, $0xFFFFFFFF, v28;
	[tilespmem:v29+s13+$0x0] =	vst.idx.add.f32.msk vm11, v0  }
0x148: {  	[tilespmem:$0x1FF00] =	vst v8;
	v8 =	vld [tilespmem:s24+$0x10]  }
0x149: {  	v30 =	vld [tilespmem:s24+$0x4010]  }
0x14a: {  	v31 =	vld [tilespmem:s24+$0x8010]  }
0x14b: {  	v32 =	vld [tilespmem:s24+$0xC010];
	_ =	sdelay $0x3  }
0x14c: {  	v33 =	vmax.f32 v8, v4;
	v34 =	vmax.f32 v30, v3;
	v35 =	vmin.f32 v31, v5  }
0x14d: {  	v15 =	vmin.f32 v32, v6;
	v8 =	vsub.f32 v31, v8;
	v9 =	vsub.f32 v32, v30  }
0x14e: {  	v36 =	vsub.f32 v35, v33;
	v37 =	vsub.f32 v15, v34  }
0x14f: {  	v8 =	vmul.f32 v9, v8  }
0x150: {  	v38 =	vmax.f32 v36, $0.0e+00;
	v39 =	vmax.f32 v37, $0.0e+00  }
0x151: {  	v9 =	vmul.f32 v39, v38;
	v8 =	vadd.f32 v8, v7;
	_ =	sdelay $0x1  }
0x152: {  	v8 =	vsub.f32 v8, v9;
	_ =	sdelay $0x1  }
0x153: {  	v8 =	vmax.f32 v8, $9.999999970e-07  }
0x154: {  	(erf) = vrcp.f32 v8;
	_ =	sdelay $0x8  }
0x155: {  	v8 =	vpop (erf)  }
0x156: {  	v8 =	vmul.f32 v8, v9;
	_ =	sdelay $0x1  }
0x157: {  	v8 =	vmul.f32 $5.000000000e+01, v8;
	_ =	sdelay $0x1  }
0x158: {  	v8 =	vtrunc.f32 v8  }
0x159: {  	v8 =	vcvt.f32.s32 v8;
	_ =	sdelay $0x1  }
0x15a: {  	vm12 =	vlt.s32 v8, $0x31  }
0x15b: {  	vm13 =	vgt.s32 v8, $0x0;
	v40 =	vnsel vm12, $0x31, v8  }
0x15c: {  	v42 =	vadd.s32 v1, v40;
	_ =	sdelay $0x3  }
0x15d: {  	v41 =	vimm.s32 $0x0  }
0x15e: {  	v8 =	vsel vm13, $0xFFFFFFFF, v41;
	[tilespmem:v42+s14+$0x0] =	vst.idx.add.f32.msk vm13, v0  }
0x15f: {  	[tilespmem:$0x1FF10] =	vst v8;
	v8 =	vld [tilespmem:s24+$0x20]  }
0x160: {  	v43 =	vld [tilespmem:s24+$0x4020]  }
0x161: {  	v44 =	vld [tilespmem:s24+$0x8020]  }
0x162: {  	v45 =	vld [tilespmem:s24+$0xC020];
	_ =	sdelay $0x3  }
0x163: {  	v46 =	vmax.f32 v8, v4;
	v47 =	vmax.f32 v43, v3;
	v48 =	vmin.f32 v44, v5  }
0x164: {  	v49 =	vmin.f32 v45, v6;
	v8 =	vsub.f32 v44, v8;
	v9 =	vsub.f32 v45, v43  }
0x165: {  	v50 =	vsub.f32 v48, v46;
	v51 =	vsub.f32 v49, v47  }
0x166: {  	v8 =	vmul.f32 v9, v8  }
0x167: {  	v52 =	vmax.f32 v50, $0.0e+00;
	v53 =	vmax.f32 v51, $0.0e+00  }
0x168: {  	v9 =	vmul.f32 v53, v52;
	v8 =	vadd.f32 v8, v7;
	_ =	sdelay $0x1  }
0x169: {  	v8 =	vsub.f32 v8, v9;
	_ =	sdelay $0x1  }
0x16a: {  	v8 =	vmax.f32 v8, $9.999999970e-07  }
0x16b: {  	(erf) = vrcp.f32 v8;
	_ =	sdelay $0x8  }
0x16c: {  	v8 =	vpop (erf)  }
0x16d: {  	v8 =	vmul.f32 v8, v9;
	_ =	sdelay $0x1  }
0x16e: {  	v8 =	vmul.f32 $5.000000000e+01, v8;
	_ =	sdelay $0x1  }
0x16f: {  	v8 =	vtrunc.f32 v8  }
0x170: {  	v8 =	vcvt.f32.s32 v8;
	_ =	sdelay $0x1  }
0x171: {  	vm14 =	vlt.s32 v8, $0x31  }
0x172: {  	vm15 =	vgt.s32 v8, $0x0;
	v54 =	vnsel vm14, $0x31, v8  }
0x173: {  	v56 =	vadd.s32 v1, v54;
	_ =	sdelay $0x3  }
0x174: {  	v55 =	vimm.s32 $0x0  }
0x175: {  	v8 =	vsel vm15, $0xFFFFFFFF, v55;
	[tilespmem:v56+s15+$0x0] =	vst.idx.add.f32.msk vm15, v0  }
0x176: {  	[tilespmem:$0x1FF20] =	vst v8;
	v8 =	vld [tilespmem:s24+$0x30]  }
0x177: {  	v57 =	vld [tilespmem:s24+$0x4030]  }
0x178: {  	v58 =	vld [tilespmem:s24+$0x8030]  }
0x179: {  	v59 =	vld [tilespmem:s24+$0xC030];
	_ =	sdelay $0x3  }
0x17a: {  	v60 =	vmax.f32 v8, v4;
	v61 =	vmax.f32 v57, v3;
	v62 =	vmin.f32 v58, v5  }
0x17b: {  	v63 =	vmin.f32 v59, v6;
	v8 =	vsub.f32 v58, v8;
	v9 =	vsub.f32 v59, v57  }
0x17c: {  	v12 =	vsub.f32 v62, v60;
	v13 =	vsub.f32 v63, v61  }
0x17d: {  	v8 =	vmul.f32 v9, v8  }
0x17e: {  	v14 =	vmax.f32 v12, $0.0e+00;
	v15 =	vmax.f32 v13, $0.0e+00  }
0x17f: {  	v9 =	vmul.f32 v15, v14;
	v8 =	vadd.f32 v8, v7;
	_ =	sdelay $0x1  }
0x180: {  	v8 =	vsub.f32 v8, v9;
	_ =	sdelay $0x1  }
0x181: {  	v8 =	vmax.f32 v8, $9.999999970e-07  }
0x182: {  	(erf) = vrcp.f32 v8;
	_ =	sdelay $0x8  }
0x183: {  	v8 =	vpop (erf)  }
0x184: {  	v8 =	vmul.f32 v8, v9;
	_ =	sdelay $0x1  }
0x185: {  	v8 =	vmul.f32 $5.000000000e+01, v8;
	_ =	sdelay $0x1  }
0x186: {  	v8 =	vtrunc.f32 v8  }
0x187: {  	v8 =	vcvt.f32.s32 v8;
	_ =	sdelay $0x1  }
0x188: {  	vm4 =	vlt.s32 v8, $0x31  }
0x189: {  	vm5 =	vgt.s32 v8, $0x0;
	v16 =	vnsel vm4, $0x31, v8  }
0x18a: {  	v18 =	vadd.s32 v1, v16;
	_ =	sdelay $0x3  }
0x18b: {  	v17 =	vimm.s32 $0x0  }
0x18c: {  	v8 =	vsel vm5, $0xFFFFFFFF, v17;
	[tilespmem:v18+s16+$0x0] =	vst.idx.add.f32.msk vm5, v0  }
0x18d: {  	[tilespmem:$0x1FF30] =	vst v8;
	v8 =	vld [tilespmem:s24+$0x40]  }
0x18e: {  	v19 =	vld [tilespmem:s24+$0x4040]  }
0x18f: {  	v20 =	vld [tilespmem:s24+$0x8040]  }
0x190: {  	v21 =	vld [tilespmem:s24+$0xC040];
	_ =	sdelay $0x3  }
0x191: {  	v22 =	vmax.f32 v8, v4;
	v23 =	vmax.f32 v19, v3;
	v24 =	vmin.f32 v20, v5  }
0x192: {  	v25 =	vmin.f32 v21, v6;
	v8 =	vsub.f32 v20, v8;
	v9 =	vsub.f32 v21, v19  }
0x193: {  	v26 =	vsub.f32 v24, v22;
	v27 =	vsub.f32 v25, v23  }
0x194: {  	v8 =	vmul.f32 v9, v8  }
0x195: {  	v28 =	vmax.f32 v26, $0.0e+00;
	v29 =	vmax.f32 v27, $0.0e+00  }
0x196: {  	v9 =	vmul.f32 v29, v28;
	v8 =	vadd.f32 v8, v7;
	_ =	sdelay $0x1  }
0x197: {  	v8 =	vsub.f32 v8, v9;
	_ =	sdelay $0x1  }
0x198: {  	v8 =	vmax.f32 v8, $9.999999970e-07  }
0x199: {  	(erf) = vrcp.f32 v8;
	_ =	sdelay $0x8  }
0x19a: {  	v8 =	vpop (erf)  }
0x19b: {  	v8 =	vmul.f32 v8, v9;
	_ =	sdelay $0x1  }
0x19c: {  	v8 =	vmul.f32 $5.000000000e+01, v8;
	_ =	sdelay $0x1  }
0x19d: {  	v8 =	vtrunc.f32 v8  }
0x19e: {  	v8 =	vcvt.f32.s32 v8;
	_ =	sdelay $0x1  }
0x19f: {  	vm6 =	vlt.s32 v8, $0x31  }
0x1a0: {  	vm7 =	vgt.s32 v8, $0x0;
	v30 =	vnsel vm6, $0x31, v8  }
0x1a1: {  	v32 =	vadd.s32 v1, v30;
	_ =	sdelay $0x3  }
0x1a2: {  	v31 =	vimm.s32 $0x0  }
0x1a3: {  	v8 =	vsel vm7, $0xFFFFFFFF, v31;
	[tilespmem:v32+s13+$0x0] =	vst.idx.add.f32.msk vm7, v0  }
0x1a4: {  	[tilespmem:$0x1FF40] =	vst v8;
	v8 =	vld [tilespmem:s24+$0x50]  }
0x1a5: {  	v33 =	vld [tilespmem:s24+$0x4050]  }
0x1a6: {  	v34 =	vld [tilespmem:s24+$0x8050]  }
0x1a7: {  	v35 =	vld [tilespmem:s24+$0xC050];
	_ =	sdelay $0x3  }
0x1a8: {  	v36 =	vmax.f32 v8, v4;
	v37 =	vmax.f32 v33, v3;
	v38 =	vmin.f32 v34, v5  }
0x1a9: {  	v39 =	vmin.f32 v35, v6;
	v8 =	vsub.f32 v34, v8;
	v9 =	vsub.f32 v35, v33  }
0x1aa: {  	v40 =	vsub.f32 v38, v36;
	v41 =	vsub.f32 v39, v37  }
0x1ab: {  	v8 =	vmul.f32 v9, v8  }
0x1ac: {  	v42 =	vmax.f32 v40, $0.0e+00;
	v43 =	vmax.f32 v41, $0.0e+00  }
0x1ad: {  	v9 =	vmul.f32 v43, v42;
	v8 =	vadd.f32 v8, v7;
	_ =	sdelay $0x1  }
0x1ae: {  	v8 =	vsub.f32 v8, v9;
	_ =	sdelay $0x1  }
0x1af: {  	v8 =	vmax.f32 v8, $9.999999970e-07  }
0x1b0: {  	(erf) = vrcp.f32 v8;
	_ =	sdelay $0x8  }
0x1b1: {  	v8 =	vpop (erf)  }
0x1b2: {  	v8 =	vmul.f32 v8, v9;
	_ =	sdelay $0x1  }
0x1b3: {  	v8 =	vmul.f32 $5.000000000e+01, v8;
	_ =	sdelay $0x1  }
0x1b4: {  	v8 =	vtrunc.f32 v8  }
0x1b5: {  	v8 =	vcvt.f32.s32 v8;
	_ =	sdelay $0x1  }
0x1b6: {  	vm8 =	vlt.s32 v8, $0x31  }
0x1b7: {  	vm9 =	vgt.s32 v8, $0x0;
	v44 =	vnsel vm8, $0x31, v8  }
0x1b8: {  	v46 =	vadd.s32 v1, v44;
	_ =	sdelay $0x3  }
0x1b9: {  	v45 =	vimm.s32 $0x0  }
0x1ba: {  	v8 =	vsel vm9, $0xFFFFFFFF, v45;
	[tilespmem:v46+s14+$0x0] =	vst.idx.add.f32.msk vm9, v0  }
0x1bb: {  	[tilespmem:$0x1FF50] =	vst v8;
	v8 =	vld [tilespmem:s24+$0x60]  }
0x1bc: {  	v47 =	vld [tilespmem:s24+$0x4060]  }
0x1bd: {  	v48 =	vld [tilespmem:s24+$0x8060]  }
0x1be: {  	v49 =	vld [tilespmem:s24+$0xC060];
	_ =	sdelay $0x3  }
0x1bf: {  	v50 =	vmax.f32 v8, v4;
	v51 =	vmax.f32 v47, v3;
	v52 =	vmin.f32 v48, v5  }
0x1c0: {  	v53 =	vmin.f32 v49, v6;
	v8 =	vsub.f32 v48, v8;
	v9 =	vsub.f32 v49, v47  }
0x1c1: {  	v54 =	vsub.f32 v52, v50;
	v55 =	vsub.f32 v53, v51  }
0x1c2: {  	v8 =	vmul.f32 v9, v8  }
0x1c3: {  	v56 =	vmax.f32 v54, $0.0e+00;
	v57 =	vmax.f32 v55, $0.0e+00  }
0x1c4: {  	v9 =	vmul.f32 v57, v56;
	v8 =	vadd.f32 v8, v7;
	_ =	sdelay $0x1  }
0x1c5: {  	v8 =	vsub.f32 v8, v9;
	_ =	sdelay $0x1  }
0x1c6: {  	v8 =	vmax.f32 v8, $9.999999970e-07  }
0x1c7: {  	(erf) = vrcp.f32 v8;
	_ =	sdelay $0x8  }
0x1c8: {  	v8 =	vpop (erf)  }
0x1c9: {  	v8 =	vmul.f32 v8, v9;
	_ =	sdelay $0x1  }
0x1ca: {  	v8 =	vmul.f32 $5.000000000e+01, v8;
	_ =	sdelay $0x1  }
0x1cb: {  	v8 =	vtrunc.f32 v8  }
0x1cc: {  	v8 =	vcvt.f32.s32 v8;
	_ =	sdelay $0x1  }
0x1cd: {  	vm10 =	vlt.s32 v8, $0x31  }
0x1ce: {  	vm11 =	vgt.s32 v8, $0x0;
	v58 =	vnsel vm10, $0x31, v8  }
0x1cf: {  	v60 =	vadd.s32 v1, v58;
	_ =	sdelay $0x3  }
0x1d0: {  	v59 =	vimm.s32 $0x0  }
0x1d1: {  	v8 =	vsel vm11, $0xFFFFFFFF, v59;
	[tilespmem:v60+s15+$0x0] =	vst.idx.add.f32.msk vm11, v0  }
0x1d2: {  	[tilespmem:$0x1FF60] =	vst v8;
	v8 =	vld [tilespmem:s24+$0x70]  }
0x1d3: {  	v61 =	vld [tilespmem:s24+$0x4070]  }
0x1d4: {  	v62 =	vld [tilespmem:s24+$0x8070]  }
0x1d5: {  	v63 =	vld [tilespmem:s24+$0xC070];
	_ =	sdelay $0x3  }
0x1d6: {  	v18 =	vmax.f32 v8, v4;
	v19 =	vmax.f32 v61, v3;
	v20 =	vmin.f32 v62, v5  }
0x1d7: {  	v21 =	vmin.f32 v63, v6;
	v8 =	vsub.f32 v62, v8;
	v9 =	vsub.f32 v63, v61  }
0x1d8: {  	v22 =	vsub.f32 v20, v18;
	v23 =	vsub.f32 v21, v19  }
0x1d9: {  	v8 =	vmul.f32 v9, v8  }
0x1da: {  	v24 =	vmax.f32 v22, $0.0e+00;
	v25 =	vmax.f32 v23, $0.0e+00  }
0x1db: {  	v9 =	vmul.f32 v25, v24;
	v8 =	vadd.f32 v8, v7;
	_ =	sdelay $0x1  }
0x1dc: {  	v8 =	vsub.f32 v8, v9;
	_ =	sdelay $0x1  }
0x1dd: {  	v8 =	vmax.f32 v8, $9.999999970e-07  }
0x1de: {  	(erf) = vrcp.f32 v8;
	_ =	sdelay $0x8  }
0x1df: {  	v8 =	vpop (erf)  }
0x1e0: {  	v8 =	vmul.f32 v8, v9;
	_ =	sdelay $0x1  }
0x1e1: {  	v8 =	vmul.f32 $5.000000000e+01, v8;
	_ =	sdelay $0x1  }
0x1e2: {  	v8 =	vtrunc.f32 v8  }
0x1e3: {  	v8 =	vcvt.f32.s32 v8;
	_ =	sdelay $0x1  }
0x1e4: {  	vm12 =	vlt.s32 v8, $0x31  }
0x1e5: {  	vm13 =	vgt.s32 v8, $0x0;
	v26 =	vnsel vm12, $0x31, v8  }
0x1e6: {  	v28 =	vadd.s32 v1, v26;
	_ =	sdelay $0x3  }
0x1e7: {  	v27 =	vimm.s32 $0x0  }
0x1e8: {  	v8 =	vsel vm13, $0xFFFFFFFF, v27;
	[tilespmem:v28+s16+$0x0] =	vst.idx.add.f32.msk vm13, v0  }
0x1e9: {  	[tilespmem:$0x1FF70] =	vst v8;
	v8 =	vld [tilespmem:s24+$0x400]  }
0x1ea: {  	v29 =	vld [tilespmem:s24+$0x4400]  }
0x1eb: {  	v30 =	vld [tilespmem:s24+$0x8400]  }
0x1ec: {  	v31 =	vld [tilespmem:s24+$0xC400];
	_ =	sdelay $0x3  }
0x1ed: {  	v32 =	vmax.f32 v8, v4;
	v33 =	vmax.f32 v29, v3;
	v34 =	vmin.f32 v30, v5  }
0x1ee: {  	v35 =	vmin.f32 v31, v6;
	v8 =	vsub.f32 v30, v8;
	v9 =	vsub.f32 v31, v29  }
0x1ef: {  	v36 =	vsub.f32 v34, v32;
	v37 =	vsub.f32 v35, v33  }
0x1f0: {  	v8 =	vmul.f32 v9, v8  }
0x1f1: {  	v38 =	vmax.f32 v36, $0.0e+00;
	v39 =	vmax.f32 v37, $0.0e+00  }
0x1f2: {  	v9 =	vmul.f32 v39, v38;
	v8 =	vadd.f32 v8, v7;
	_ =	sdelay $0x1  }
0x1f3: {  	v8 =	vsub.f32 v8, v9;
	_ =	sdelay $0x1  }
0x1f4: {  	v8 =	vmax.f32 v8, $9.999999970e-07  }
0x1f5: {  	(erf) = vrcp.f32 v8;
	_ =	sdelay $0x8  }
0x1f6: {  	v8 =	vpop (erf)  }
0x1f7: {  	v8 =	vmul.f32 v8, v9;
	_ =	sdelay $0x1  }
0x1f8: {  	v8 =	vmul.f32 $5.000000000e+01, v8;
	_ =	sdelay $0x1  }
0x1f9: {  	v8 =	vtrunc.f32 v8  }
0x1fa: {  	v8 =	vcvt.f32.s32 v8;
	_ =	sdelay $0x1  }
0x1fb: {  	vm14 =	vlt.s32 v8, $0x31  }
0x1fc: {  	vm15 =	vgt.s32 v8, $0x0;
	v40 =	vnsel vm14, $0x31, v8  }
0x1fd: {  	v42 =	vadd.s32 v1, v40;
	_ =	sdelay $0x3  }
0x1fe: {  	v41 =	vimm.s32 $0x0  }
0x1ff: {  	v8 =	vsel vm15, $0xFFFFFFFF, v41;
	[tilespmem:v42+s13+$0x0] =	vst.idx.add.f32.msk vm15, v0  }
0x200: {  	[tilespmem:$0x1FF80] =	vst v8;
	v8 =	vld [tilespmem:s24+$0x410]  }
0x201: {  	v43 =	vld [tilespmem:s24+$0x4410]  }
0x202: {  	v44 =	vld [tilespmem:s24+$0x8410]  }
0x203: {  	v45 =	vld [tilespmem:s24+$0xC410];
	_ =	sdelay $0x3  }
0x204: {  	v46 =	vmax.f32 v8, v4;
	v47 =	vmax.f32 v43, v3;
	v48 =	vmin.f32 v44, v5  }
0x205: {  	v49 =	vmin.f32 v45, v6;
	v8 =	vsub.f32 v44, v8;
	v9 =	vsub.f32 v45, v43  }
0x206: {  	v50 =	vsub.f32 v48, v46;
	v51 =	vsub.f32 v49, v47  }
0x207: {  	v8 =	vmul.f32 v9, v8  }
0x208: {  	v52 =	vmax.f32 v50, $0.0e+00;
	v53 =	vmax.f32 v51, $0.0e+00  }
0x209: {  	v9 =	vmul.f32 v53, v52;
	v8 =	vadd.f32 v8, v7;
	_ =	sdelay $0x1  }
0x20a: {  	v8 =	vsub.f32 v8, v9;
	_ =	sdelay $0x1  }
0x20b: {  	v8 =	vmax.f32 v8, $9.999999970e-07  }
0x20c: {  	(erf) = vrcp.f32 v8;
	_ =	sdelay $0x8  }
0x20d: {  	v8 =	vpop (erf)  }
0x20e: {  	v8 =	vmul.f32 v8, v9;
	_ =	sdelay $0x1  }
0x20f: {  	v8 =	vmul.f32 $5.000000000e+01, v8;
	_ =	sdelay $0x1  }
0x210: {  	v8 =	vtrunc.f32 v8  }
0x211: {  	v8 =	vcvt.f32.s32 v8;
	_ =	sdelay $0x1  }
0x212: {  	vm4 =	vlt.s32 v8, $0x31  }
0x213: {  	vm5 =	vgt.s32 v8, $0x0;
	v54 =	vnsel vm4, $0x31, v8  }
0x214: {  	v56 =	vadd.s32 v1, v54;
	_ =	sdelay $0x3  }
0x215: {  	v55 =	vimm.s32 $0x0  }
0x216: {  	v8 =	vsel vm5, $0xFFFFFFFF, v55;
	[tilespmem:v56+s14+$0x0] =	vst.idx.add.f32.msk vm5, v0  }
0x217: {  	[tilespmem:$0x1FF90] =	vst v8;
	v8 =	vld [tilespmem:s24+$0x420]  }
0x218: {  	v57 =	vld [tilespmem:s24+$0x4420]  }
0x219: {  	v58 =	vld [tilespmem:s24+$0x8420]  }
0x21a: {  	v59 =	vld [tilespmem:s24+$0xC420];
	_ =	sdelay $0x3  }
0x21b: {  	v60 =	vmax.f32 v8, v4;
	v61 =	vmax.f32 v57, v3;
	v62 =	vmin.f32 v58, v5  }
0x21c: {  	v63 =	vmin.f32 v59, v6;
	v8 =	vsub.f32 v58, v8;
	v9 =	vsub.f32 v59, v57  }
0x21d: {  	v12 =	vsub.f32 v62, v60;
	v14 =	vsub.f32 v63, v61  }
0x21e: {  	v8 =	vmul.f32 v9, v8  }
0x21f: {  	v15 =	vmax.f32 v12, $0.0e+00;
	v16 =	vmax.f32 v14, $0.0e+00  }
0x220: {  	v9 =	vmul.f32 v16, v15;
	v8 =	vadd.f32 v8, v7;
	_ =	sdelay $0x1  }
0x221: {  	v8 =	vsub.f32 v8, v9;
	_ =	sdelay $0x1  }
0x222: {  	v8 =	vmax.f32 v8, $9.999999970e-07  }
0x223: {  	(erf) = vrcp.f32 v8;
	_ =	sdelay $0x8  }
0x224: {  	v8 =	vpop (erf)  }
0x225: {  	v8 =	vmul.f32 v8, v9;
	_ =	sdelay $0x1  }
0x226: {  	v8 =	vmul.f32 $5.000000000e+01, v8;
	_ =	sdelay $0x1  }
0x227: {  	v8 =	vtrunc.f32 v8  }
0x228: {  	v8 =	vcvt.f32.s32 v8;
	_ =	sdelay $0x1  }
0x229: {  	vm6 =	vlt.s32 v8, $0x31  }
0x22a: {  	vm7 =	vgt.s32 v8, $0x0;
	v17 =	vnsel vm6, $0x31, v8  }
0x22b: {  	v19 =	vadd.s32 v1, v17;
	_ =	sdelay $0x3  }
0x22c: {  	v18 =	vimm.s32 $0x0  }
0x22d: {  	v8 =	vsel vm7, $0xFFFFFFFF, v18;
	[tilespmem:v19+s15+$0x0] =	vst.idx.add.f32.msk vm7, v0  }
0x22e: {  	[tilespmem:$0x1FFA0] =	vst v8;
	v8 =	vld [tilespmem:s24+$0x430]  }
0x22f: {  	v20 =	vld [tilespmem:s24+$0x4430]  }
0x230: {  	v21 =	vld [tilespmem:s24+$0x8430]  }
0x231: {  	v22 =	vld [tilespmem:s24+$0xC430];
	_ =	sdelay $0x3  }
0x232: {  	v23 =	vmax.f32 v8, v4;
	v24 =	vmax.f32 v20, v3;
	v25 =	vmin.f32 v21, v5  }
0x233: {  	v26 =	vmin.f32 v22, v6;
	v8 =	vsub.f32 v21, v8;
	v9 =	vsub.f32 v22, v20  }
0x234: {  	v27 =	vsub.f32 v25, v23;
	v28 =	vsub.f32 v26, v24  }
0x235: {  	v8 =	vmul.f32 v9, v8  }
0x236: {  	v29 =	vmax.f32 v27, $0.0e+00;
	v30 =	vmax.f32 v28, $0.0e+00  }
0x237: {  	v9 =	vmul.f32 v30, v29;
	v8 =	vadd.f32 v8, v7;
	_ =	sdelay $0x1  }
0x238: {  	v8 =	vsub.f32 v8, v9;
	_ =	sdelay $0x1  }
0x239: {  	v8 =	vmax.f32 v8, $9.999999970e-07  }
0x23a: {  	(erf) = vrcp.f32 v8;
	_ =	sdelay $0x8  }
0x23b: {  	v8 =	vpop (erf)  }
0x23c: {  	v8 =	vmul.f32 v8, v9;
	_ =	sdelay $0x1  }
0x23d: {  	v8 =	vmul.f32 $5.000000000e+01, v8;
	_ =	sdelay $0x1  }
0x23e: {  	v8 =	vtrunc.f32 v8  }
0x23f: {  	v8 =	vcvt.f32.s32 v8;
	_ =	sdelay $0x1  }
0x240: {  	vm8 =	vlt.s32 v8, $0x31  }
0x241: {  	vm9 =	vgt.s32 v8, $0x0;
	v31 =	vnsel vm8, $0x31, v8  }
0x242: {  	v33 =	vadd.s32 v1, v31;
	_ =	sdelay $0x3  }
0x243: {  	v32 =	vimm.s32 $0x0  }
0x244: {  	v8 =	vsel vm9, $0xFFFFFFFF, v32;
	[tilespmem:v33+s16+$0x0] =	vst.idx.add.f32.msk vm9, v0  }
0x245: {  	[tilespmem:$0x1FFB0] =	vst v8;
	v8 =	vld [tilespmem:s24+$0x440]  }
0x246: {  	v34 =	vld [tilespmem:s24+$0x4440]  }
0x247: {  	v35 =	vld [tilespmem:s24+$0x8440]  }
0x248: {  	v36 =	vld [tilespmem:s24+$0xC440];
	_ =	sdelay $0x3  }
0x249: {  	v37 =	vmax.f32 v8, v4;
	v38 =	vmax.f32 v34, v3;
	v39 =	vmin.f32 v35, v5  }
0x24a: {  	v40 =	vmin.f32 v36, v6;
	v8 =	vsub.f32 v35, v8;
	v9 =	vsub.f32 v36, v34  }
0x24b: {  	v41 =	vsub.f32 v39, v37;
	v42 =	vsub.f32 v40, v38  }
0x24c: {  	v8 =	vmul.f32 v9, v8  }
0x24d: {  	v43 =	vmax.f32 v41, $0.0e+00;
	v44 =	vmax.f32 v42, $0.0e+00  }
0x24e: {  	v9 =	vmul.f32 v44, v43;
	v8 =	vadd.f32 v8, v7;
	_ =	sdelay $0x1  }
0x24f: {  	v8 =	vsub.f32 v8, v9;
	_ =	sdelay $0x1  }
0x250: {  	v8 =	vmax.f32 v8, $9.999999970e-07  }
0x251: {  	(erf) = vrcp.f32 v8;
	_ =	sdelay $0x8  }
0x252: {  	v8 =	vpop (erf)  }
0x253: {  	v8 =	vmul.f32 v8, v9;
	_ =	sdelay $0x1  }
0x254: {  	v8 =	vmul.f32 $5.000000000e+01, v8;
	_ =	sdelay $0x1  }
0x255: {  	v8 =	vtrunc.f32 v8  }
0x256: {  	v8 =	vcvt.f32.s32 v8;
	_ =	sdelay $0x1  }
0x257: {  	vm10 =	vlt.s32 v8, $0x31  }
0x258: {  	vm11 =	vgt.s32 v8, $0x0;
	v45 =	vnsel vm10, $0x31, v8  }
0x259: {  	v47 =	vadd.s32 v1, v45;
	_ =	sdelay $0x3  }
0x25a: {  	v46 =	vimm.s32 $0x0  }
0x25b: {  	v8 =	vsel vm11, $0xFFFFFFFF, v46;
	[tilespmem:v47+s13+$0x0] =	vst.idx.add.f32.msk vm11, v0  }
0x25c: {  	[tilespmem:$0x1FFC0] =	vst v8;
	v8 =	vld [tilespmem:s24+$0x450]  }
0x25d: {  	v48 =	vld [tilespmem:s24+$0x4450]  }
0x25e: {  	v49 =	vld [tilespmem:s24+$0x8450]  }
0x25f: {  	v50 =	vld [tilespmem:s24+$0xC450];
	_ =	sdelay $0x3  }
0x260: {  	v51 =	vmax.f32 v8, v4;
	v52 =	vmax.f32 v48, v3;
	v53 =	vmin.f32 v49, v5  }
0x261: {  	v54 =	vmin.f32 v50, v6;
	v8 =	vsub.f32 v49, v8;
	v9 =	vsub.f32 v50, v48  }
0x262: {  	v55 =	vsub.f32 v53, v51;
	v56 =	vsub.f32 v54, v52  }
0x263: {  	v8 =	vmul.f32 v9, v8  }
0x264: {  	v57 =	vmax.f32 v55, $0.0e+00;
	v58 =	vmax.f32 v56, $0.0e+00  }
0x265: {  	v9 =	vmul.f32 v58, v57;
	v8 =	vadd.f32 v8, v7;
	_ =	sdelay $0x1  }
0x266: {  	v8 =	vsub.f32 v8, v9;
	_ =	sdelay $0x1  }
0x267: {  	v8 =	vmax.f32 v8, $9.999999970e-07  }
0x268: {  	(erf) = vrcp.f32 v8;
	_ =	sdelay $0x8  }
0x269: {  	v8 =	vpop (erf)  }
0x26a: {  	v8 =	vmul.f32 v8, v9;
	_ =	sdelay $0x1  }
0x26b: {  	v8 =	vmul.f32 $5.000000000e+01, v8;
	_ =	sdelay $0x1  }
0x26c: {  	v8 =	vtrunc.f32 v8  }
0x26d: {  	v8 =	vcvt.f32.s32 v8;
	_ =	sdelay $0x1  }
0x26e: {  	vm12 =	vlt.s32 v8, $0x31  }
0x26f: {  	vm13 =	vgt.s32 v8, $0x0;
	v59 =	vnsel vm12, $0x31, v8  }
0x270: {  	v61 =	vadd.s32 v1, v59;
	_ =	sdelay $0x3  }
0x271: {  	v60 =	vimm.s32 $0x0  }
0x272: {  	v8 =	vsel vm13, $0xFFFFFFFF, v60;
	[tilespmem:v61+s14+$0x0] =	vst.idx.add.f32.msk vm13, v0  }
0x273: {  	[tilespmem:$0x1FFD0] =	vst v8;
	v8 =	vld [tilespmem:s24+$0x460]  }
0x274: {  	v62 =	vld [tilespmem:s24+$0x4460]  }
0x275: {  	v63 =	vld [tilespmem:s24+$0x8460]  }
0x276: {  	v18 =	vld [tilespmem:s24+$0xC460];
	_ =	sdelay $0x3  }
0x277: {  	v19 =	vmax.f32 v8, v4;
	v20 =	vmax.f32 v62, v3;
	v21 =	vmin.f32 v63, v5  }
0x278: {  	v22 =	vmin.f32 v18, v6;
	v8 =	vsub.f32 v63, v8;
	v9 =	vsub.f32 v18, v62  }
0x279: {  	v23 =	vsub.f32 v21, v19;
	v24 =	vsub.f32 v22, v20  }
0x27a: {  	v8 =	vmul.f32 v9, v8  }
0x27b: {  	v25 =	vmax.f32 v23, $0.0e+00;
	v26 =	vmax.f32 v24, $0.0e+00  }
0x27c: {  	v9 =	vmul.f32 v26, v25;
	v8 =	vadd.f32 v8, v7;
	_ =	sdelay $0x1  }
0x27d: {  	v8 =	vsub.f32 v8, v9;
	_ =	sdelay $0x1  }
0x27e: {  	v8 =	vmax.f32 v8, $9.999999970e-07  }
0x27f: {  	(erf) = vrcp.f32 v8;
	_ =	sdelay $0x8  }
0x280: {  	v8 =	vpop (erf)  }
0x281: {  	v8 =	vmul.f32 v8, v9;
	_ =	sdelay $0x1  }
0x282: {  	v8 =	vmul.f32 $5.000000000e+01, v8;
	_ =	sdelay $0x1  }
0x283: {  	v8 =	vtrunc.f32 v8  }
0x284: {  	v8 =	vcvt.f32.s32 v8;
	_ =	sdelay $0x1  }
0x285: {  	vm14 =	vlt.s32 v8, $0x31  }
0x286: {  	vm15 =	vgt.s32 v8, $0x0;
	v27 =	vnsel vm14, $0x31, v8  }
0x287: {  	v29 =	vadd.s32 v1, v27;
	_ =	sdelay $0x3  }
0x288: {  	v28 =	vimm.s32 $0x0  }
0x289: {  	v8 =	vsel vm15, $0xFFFFFFFF, v28;
	[tilespmem:v29+s15+$0x0] =	vst.idx.add.f32.msk vm15, v0  }
0x28a: {  	[tilespmem:$0x1FFE0] =	vst v8;
	v8 =	vld [tilespmem:s24+$0x470]  }
0x28b: {  	v30 =	vld [tilespmem:s24+$0x4470]  }
0x28c: {  	v31 =	vld [tilespmem:s24+$0x8470]  }
0x28d: {  	v32 =	vld [tilespmem:s24+$0xC470];
	_ =	sdelay $0x3  }
0x28e: {  	v33 =	vmax.f32 v8, v4;
	v34 =	vmax.f32 v30, v3;
	v35 =	vmin.f32 v31, v5  }
0x28f: {  	v36 =	vmin.f32 v32, v6;
	v8 =	vsub.f32 v31, v8;
	v9 =	vsub.f32 v32, v30  }
0x290: {  	v37 =	vsub.f32 v35, v33;
	v38 =	vsub.f32 v36, v34  }
0x291: {  	v8 =	vmul.f32 v9, v8  }
0x292: {  	v39 =	vmax.f32 v37, $0.0e+00;
	v40 =	vmax.f32 v38, $0.0e+00  }
0x293: {  	v9 =	vmul.f32 v40, v39;
	v8 =	vadd.f32 v8, v7;
	_ =	sdelay $0x1  }
0x294: {  	v8 =	vsub.f32 v8, v9;
	_ =	sdelay $0x1  }
0x295: {  	v8 =	vmax.f32 v8, $9.999999970e-07  }
0x296: {  	(erf) = vrcp.f32 v8;
	_ =	sdelay $0x8  }
0x297: {  	v8 =	vpop (erf)  }
0x298: {  	v8 =	vmul.f32 v8, v9;
	_ =	sdelay $0x1  }
0x299: {  	v8 =	vmul.f32 $5.000000000e+01, v8;
	_ =	sdelay $0x1  }
0x29a: {  	v8 =	vtrunc.f32 v8  }
0x29b: {  	v8 =	vcvt.f32.s32 v8;
	_ =	sdelay $0x1  }
0x29c: {  	vm4 =	vlt.s32 v8, $0x31  }
0x29d: {  	vm5 =	vgt.s32 v8, $0x0;
	v41 =	vnsel vm4, $0x31, v8  }
0x29e: {  	v43 =	vadd.s32 v1, v41;
	_ =	sdelay $0x3  }
0x29f: {  	v42 =	vimm.s32 $0x0  }
0x2a0: {  	v8 =	vsel vm5, $0xFFFFFFFF, v42;
	[tilespmem:v43+s16+$0x0] =	vst.idx.add.f32.msk vm5, v0  }
0x2a1: {  	[tilespmem:$0x1FFF0] =	vst v8;
	v8 =	vld [tilespmem:s24+$0x800]  }
0x2a2: {  	v44 =	vld [tilespmem:s24+$0x4800]  }
0x2a3: {  	v45 =	vld [tilespmem:s24+$0x8800]  }
0x2a4: {  	v46 =	vld [tilespmem:s24+$0xC800];
	_ =	sdelay $0x3  }
0x2a5: {  	v47 =	vmax.f32 v8, v4;
	v48 =	vmax.f32 v44, v3;
	v49 =	vmin.f32 v45, v5  }
0x2a6: {  	v50 =	vmin.f32 v46, v6;
	v8 =	vsub.f32 v45, v8;
	v9 =	vsub.f32 v46, v44  }
0x2a7: {  	v51 =	vsub.f32 v49, v47;
	v52 =	vsub.f32 v50, v48  }
0x2a8: {  	v8 =	vmul.f32 v9, v8  }
0x2a9: {  	v53 =	vmax.f32 v51, $0.0e+00;
	v54 =	vmax.f32 v52, $0.0e+00  }
0x2aa: {  	v9 =	vmul.f32 v54, v53;
	v8 =	vadd.f32 v8, v7;
	_ =	sdelay $0x1  }
0x2ab: {  	v8 =	vsub.f32 v8, v9;
	_ =	sdelay $0x1  }
0x2ac: {  	v8 =	vmax.f32 v8, $9.999999970e-07  }
0x2ad: {  	(erf) = vrcp.f32 v8;
	_ =	sdelay $0x8  }
0x2ae: {  	v8 =	vpop (erf)  }
0x2af: {  	v8 =	vmul.f32 v8, v9;
	_ =	sdelay $0x1  }
0x2b0: {  	v8 =	vmul.f32 $5.000000000e+01, v8;
	_ =	sdelay $0x1  }
0x2b1: {  	v8 =	vtrunc.f32 v8  }
0x2b2: {  	v8 =	vcvt.f32.s32 v8;
	_ =	sdelay $0x1  }
0x2b3: {  	vm6 =	vlt.s32 v8, $0x31  }
0x2b4: {  	vm14 =	vgt.s32 v8, $0x0;
	v55 =	vnsel vm6, $0x31, v8  }
0x2b5: {  	v56 =	vadd.s32 v1, v55;
	_ =	sdelay $0x4  }
0x2b6: {  	[tilespmem:v56+s13+$0x0] =	vst.idx.add.f32.msk vm14, v0  }
0x2b7: {  	v8 =	vld [tilespmem:s24+$0x810]  }
0x2b8: {  	v57 =	vld [tilespmem:s24+$0x4810]  }
0x2b9: {  	v58 =	vld [tilespmem:s24+$0x8810]  }
0x2ba: {  	v59 =	vld [tilespmem:s24+$0xC810];
	_ =	sdelay $0x3  }
0x2bb: {  	v60 =	vmax.f32 v8, v4;
	v61 =	vmax.f32 v57, v3;
	v62 =	vmin.f32 v58, v5  }
0x2bc: {  	v63 =	vmin.f32 v59, v6;
	v8 =	vsub.f32 v58, v8;
	v9 =	vsub.f32 v59, v57  }
0x2bd: {  	v12 =	vsub.f32 v62, v60;
	v13 =	vsub.f32 v63, v61  }
0x2be: {  	v8 =	vmul.f32 v9, v8  }
0x2bf: {  	v14 =	vmax.f32 v12, $0.0e+00;
	v15 =	vmax.f32 v13, $0.0e+00  }
0x2c0: {  	v9 =	vmul.f32 v15, v14;
	v8 =	vadd.f32 v8, v7;
	_ =	sdelay $0x1  }
0x2c1: {  	v8 =	vsub.f32 v8, v9;
	_ =	sdelay $0x1  }
0x2c2: {  	v8 =	vmax.f32 v8, $9.999999970e-07  }
0x2c3: {  	(erf) = vrcp.f32 v8;
	_ =	sdelay $0x8  }
0x2c4: {  	v8 =	vpop (erf)  }
0x2c5: {  	v8 =	vmul.f32 v8, v9;
	_ =	sdelay $0x1  }
0x2c6: {  	v8 =	vmul.f32 $5.000000000e+01, v8;
	_ =	sdelay $0x1  }
0x2c7: {  	v8 =	vtrunc.f32 v8  }
0x2c8: {  	v8 =	vcvt.f32.s32 v8;
	_ =	sdelay $0x1  }
0x2c9: {  	vm7 =	vlt.s32 v8, $0x31  }
0x2ca: {  	vm13 =	vgt.s32 v8, $0x0;
	v16 =	vnsel vm7, $0x31, v8  }
0x2cb: {  	v17 =	vadd.s32 v1, v16;
	_ =	sdelay $0x4  }
0x2cc: {  	[tilespmem:v17+s14+$0x0] =	vst.idx.add.f32.msk vm13, v0  }
0x2cd: {  	v8 =	vld [tilespmem:s24+$0x820]  }
0x2ce: {  	v18 =	vld [tilespmem:s24+$0x4820]  }
0x2cf: {  	v19 =	vld [tilespmem:s24+$0x8820]  }
0x2d0: {  	v20 =	vld [tilespmem:s24+$0xC820];
	_ =	sdelay $0x3  }
0x2d1: {  	v21 =	vmax.f32 v8, v4;
	v22 =	vmax.f32 v18, v3;
	v23 =	vmin.f32 v19, v5  }
0x2d2: {  	v24 =	vmin.f32 v20, v6;
	v8 =	vsub.f32 v19, v8;
	v9 =	vsub.f32 v20, v18  }
0x2d3: {  	v25 =	vsub.f32 v23, v21;
	v26 =	vsub.f32 v24, v22  }
0x2d4: {  	v8 =	vmul.f32 v9, v8  }
0x2d5: {  	v27 =	vmax.f32 v25, $0.0e+00;
	v28 =	vmax.f32 v26, $0.0e+00  }
0x2d6: {  	v9 =	vmul.f32 v28, v27;
	v8 =	vadd.f32 v8, v7;
	_ =	sdelay $0x1  }
0x2d7: {  	v8 =	vsub.f32 v8, v9;
	_ =	sdelay $0x1  }
0x2d8: {  	v8 =	vmax.f32 v8, $9.999999970e-07  }
0x2d9: {  	(erf) = vrcp.f32 v8;
	_ =	sdelay $0x8  }
0x2da: {  	v8 =	vpop (erf)  }
0x2db: {  	v8 =	vmul.f32 v8, v9;
	_ =	sdelay $0x1  }
0x2dc: {  	v8 =	vmul.f32 $5.000000000e+01, v8;
	_ =	sdelay $0x1  }
0x2dd: {  	v8 =	vtrunc.f32 v8  }
0x2de: {  	v8 =	vcvt.f32.s32 v8;
	_ =	sdelay $0x1  }
0x2df: {  	vm8 =	vlt.s32 v8, $0x31  }
0x2e0: {  	vm12 =	vgt.s32 v8, $0x0;
	v29 =	vnsel vm8, $0x31, v8  }
0x2e1: {  	v30 =	vadd.s32 v1, v29;
	_ =	sdelay $0x4  }
0x2e2: {  	[tilespmem:v30+s15+$0x0] =	vst.idx.add.f32.msk vm12, v0  }
0x2e3: {  	v8 =	vld [tilespmem:s24+$0x830]  }
0x2e4: {  	v31 =	vld [tilespmem:s24+$0x4830]  }
0x2e5: {  	v32 =	vld [tilespmem:s24+$0x8830]  }
0x2e6: {  	v33 =	vld [tilespmem:s24+$0xC830];
	_ =	sdelay $0x3  }
0x2e7: {  	v34 =	vmax.f32 v8, v4;
	v35 =	vmax.f32 v31, v3;
	v36 =	vmin.f32 v32, v5  }
0x2e8: {  	v37 =	vmin.f32 v33, v6;
	v8 =	vsub.f32 v32, v8;
	v9 =	vsub.f32 v33, v31  }
0x2e9: {  	v38 =	vsub.f32 v36, v34;
	v39 =	vsub.f32 v37, v35  }
0x2ea: {  	v8 =	vmul.f32 v9, v8  }
0x2eb: {  	v40 =	vmax.f32 v38, $0.0e+00;
	v41 =	vmax.f32 v39, $0.0e+00  }
0x2ec: {  	v9 =	vmul.f32 v41, v40;
	v8 =	vadd.f32 v8, v7;
	_ =	sdelay $0x1  }
0x2ed: {  	v8 =	vsub.f32 v8, v9;
	_ =	sdelay $0x1  }
0x2ee: {  	v8 =	vmax.f32 v8, $9.999999970e-07  }
0x2ef: {  	(erf) = vrcp.f32 v8;
	_ =	sdelay $0x8  }
0x2f0: {  	v8 =	vpop (erf)  }
0x2f1: {  	v8 =	vmul.f32 v8, v9;
	_ =	sdelay $0x1  }
0x2f2: {  	v8 =	vmul.f32 $5.000000000e+01, v8;
	_ =	sdelay $0x1  }
0x2f3: {  	v8 =	vtrunc.f32 v8  }
0x2f4: {  	v8 =	vcvt.f32.s32 v8;
	_ =	sdelay $0x1  }
0x2f5: {  	vm9 =	vlt.s32 v8, $0x31  }
0x2f6: {  	vm11 =	vgt.s32 v8, $0x0;
	v42 =	vnsel vm9, $0x31, v8  }
0x2f7: {  	v43 =	vadd.s32 v1, v42;
	_ =	sdelay $0x4  }
0x2f8: {  	[tilespmem:v43+s16+$0x0] =	vst.idx.add.f32.msk vm11, v0  }
0x2f9: {  	v8 =	vld [tilespmem:s24+$0x840]  }
0x2fa: {  	v44 =	vld [tilespmem:s24+$0x4840]  }
0x2fb: {  	v45 =	vld [tilespmem:s24+$0x8840]  }
0x2fc: {  	v46 =	vld [tilespmem:s24+$0xC840];
	_ =	sdelay $0x3  }
0x2fd: {  	v47 =	vmax.f32 v8, v4;
	v48 =	vmax.f32 v44, v3;
	v49 =	vmin.f32 v45, v5  }
0x2fe: {  	v50 =	vmin.f32 v46, v6;
	v8 =	vsub.f32 v45, v8;
	v9 =	vsub.f32 v46, v44  }
0x2ff: {  	v51 =	vsub.f32 v49, v47;
	v52 =	vsub.f32 v50, v48  }
0x300: {  	v8 =	vmul.f32 v9, v8  }
0x301: {  	v53 =	vmax.f32 v51, $0.0e+00;
	v54 =	vmax.f32 v52, $0.0e+00  }
0x302: {  	v9 =	vmul.f32 v54, v53;
	v8 =	vadd.f32 v8, v7;
	_ =	sdelay $0x1  }
0x303: {  	v8 =	vsub.f32 v8, v9;
	_ =	sdelay $0x1  }
0x304: {  	v8 =	vmax.f32 v8, $9.999999970e-07  }
0x305: {  	(erf) = vrcp.f32 v8;
	_ =	sdelay $0x8  }
0x306: {  	v8 =	vpop (erf)  }
0x307: {  	v8 =	vmul.f32 v8, v9;
	_ =	sdelay $0x1  }
0x308: {  	v8 =	vmul.f32 $5.000000000e+01, v8;
	_ =	sdelay $0x1  }
0x309: {  	v8 =	vtrunc.f32 v8  }
0x30a: {  	v8 =	vcvt.f32.s32 v8;
	_ =	sdelay $0x1  }
0x30b: {  	vm10 =	vlt.s32 v8, $0x31  }
0x30c: {  	v55 =	vnsel vm10, $0x31, v8;
	vm10 =	vgt.s32 v8, $0x0  }
0x30d: {  	v56 =	vadd.s32 v1, v55;
	_ =	sdelay $0x4  }
0x30e: {  	[tilespmem:v56+s13+$0x0] =	vst.idx.add.f32.msk vm10, v0  }
0x30f: {  	v8 =	vld [tilespmem:s24+$0x850]  }
0x310: {  	v57 =	vld [tilespmem:s24+$0x4850]  }
0x311: {  	v58 =	vld [tilespmem:s24+$0x8850]  }
0x312: {  	v59 =	vld [tilespmem:s24+$0xC850];
	_ =	sdelay $0x3  }
0x313: {  	v60 =	vmax.f32 v8, v4;
	v61 =	vmax.f32 v57, v3;
	v62 =	vmin.f32 v58, v5  }
0x314: {  	v63 =	vmin.f32 v59, v6;
	v8 =	vsub.f32 v58, v8;
	v9 =	vsub.f32 v59, v57  }
0x315: {  	v12 =	vsub.f32 v62, v60;
	v13 =	vsub.f32 v63, v61  }
0x316: {  	v8 =	vmul.f32 v9, v8  }
0x317: {  	v14 =	vmax.f32 v12, $0.0e+00;
	v15 =	vmax.f32 v13, $0.0e+00  }
0x318: {  	v9 =	vmul.f32 v15, v14;
	v8 =	vadd.f32 v8, v7;
	_ =	sdelay $0x1  }
0x319: {  	v8 =	vsub.f32 v8, v9;
	_ =	sdelay $0x1  }
0x31a: {  	v8 =	vmax.f32 v8, $9.999999970e-07  }
0x31b: {  	(erf) = vrcp.f32 v8;
	_ =	sdelay $0x8  }
0x31c: {  	v8 =	vpop (erf)  }
0x31d: {  	v8 =	vmul.f32 v8, v9;
	_ =	sdelay $0x1  }
0x31e: {  	v8 =	vmul.f32 $5.000000000e+01, v8;
	_ =	sdelay $0x1  }
0x31f: {  	v8 =	vtrunc.f32 v8  }
0x320: {  	v8 =	vcvt.f32.s32 v8;
	_ =	sdelay $0x1  }
0x321: {  	vm15 =	vlt.s32 v8, $0x31  }
0x322: {  	vm9 =	vgt.s32 v8, $0x0;
	v16 =	vnsel vm15, $0x31, v8  }
0x323: {  	v17 =	vadd.s32 v1, v16;
	_ =	sdelay $0x4  }
0x324: {  	[tilespmem:v17+s14+$0x0] =	vst.idx.add.f32.msk vm9, v0  }
0x325: {  	v8 =	vld [tilespmem:s24+$0x860]  }
0x326: {  	v18 =	vld [tilespmem:s24+$0x4860]  }
0x327: {  	v19 =	vld [tilespmem:s24+$0x8860]  }
0x328: {  	v20 =	vld [tilespmem:s24+$0xC860];
	_ =	sdelay $0x3  }
0x329: {  	v21 =	vmax.f32 v8, v4;
	v22 =	vmax.f32 v18, v3;
	v23 =	vmin.f32 v19, v5  }
0x32a: {  	v24 =	vmin.f32 v20, v6;
	v8 =	vsub.f32 v19, v8;
	v9 =	vsub.f32 v20, v18  }
0x32b: {  	v25 =	vsub.f32 v23, v21;
	v26 =	vsub.f32 v24, v22  }
0x32c: {  	v8 =	vmul.f32 v9, v8  }
0x32d: {  	v27 =	vmax.f32 v25, $0.0e+00;
	v28 =	vmax.f32 v26, $0.0e+00  }
0x32e: {  	v9 =	vmul.f32 v28, v27;
	v8 =	vadd.f32 v8, v7;
	_ =	sdelay $0x1  }
0x32f: {  	v8 =	vsub.f32 v8, v9;
	_ =	sdelay $0x1  }
0x330: {  	v8 =	vmax.f32 v8, $9.999999970e-07  }
0x331: {  	(erf) = vrcp.f32 v8;
	_ =	sdelay $0x8  }
0x332: {  	v8 =	vpop (erf)  }
0x333: {  	v8 =	vmul.f32 v8, v9;
	_ =	sdelay $0x1  }
0x334: {  	v8 =	vmul.f32 $5.000000000e+01, v8;
	_ =	sdelay $0x1  }
0x335: {  	v8 =	vtrunc.f32 v8  }
0x336: {  	v8 =	vcvt.f32.s32 v8;
	_ =	sdelay $0x1  }
0x337: {  	vm4 =	vlt.s32 v8, $0x31  }
0x338: {  	vm8 =	vgt.s32 v8, $0x0;
	v29 =	vnsel vm4, $0x31, v8  }
0x339: {  	v30 =	vadd.s32 v1, v29;
	_ =	sdelay $0x4  }
0x33a: {  	[tilespmem:v30+s15+$0x0] =	vst.idx.add.f32.msk vm8, v0  }
0x33b: {  	v8 =	vld [tilespmem:s24+$0x870]  }
0x33c: {  	v31 =	vld [tilespmem:s24+$0x4870]  }
0x33d: {  	v32 =	vld [tilespmem:s24+$0x8870]  }
0x33e: {  	v33 =	vld [tilespmem:s24+$0xC870];
	_ =	sdelay $0x3  }
0x33f: {  	v34 =	vmax.f32 v8, v4;
	v35 =	vmax.f32 v31, v3;
	v36 =	vmin.f32 v32, v5  }
0x340: {  	v37 =	vmin.f32 v33, v6;
	v8 =	vsub.f32 v32, v8;
	v9 =	vsub.f32 v33, v31  }
0x341: {  	v38 =	vsub.f32 v36, v34;
	v39 =	vsub.f32 v37, v35  }
0x342: {  	v8 =	vmul.f32 v9, v8  }
0x343: {  	v40 =	vmax.f32 v38, $0.0e+00;
	v41 =	vmax.f32 v39, $0.0e+00  }
0x344: {  	v9 =	vmul.f32 v41, v40;
	v8 =	vadd.f32 v8, v7;
	_ =	sdelay $0x1  }
0x345: {  	v8 =	vsub.f32 v8, v9;
	_ =	sdelay $0x1  }
0x346: {  	v8 =	vmax.f32 v8, $9.999999970e-07  }
0x347: {  	(erf) = vrcp.f32 v8;
	_ =	sdelay $0x8  }
0x348: {  	v8 =	vpop (erf)  }
0x349: {  	v8 =	vmul.f32 v8, v9;
	_ =	sdelay $0x1  }
0x34a: {  	v8 =	vmul.f32 $5.000000000e+01, v8;
	_ =	sdelay $0x1  }
0x34b: {  	v8 =	vtrunc.f32 v8  }
0x34c: {  	v8 =	vcvt.f32.s32 v8;
	_ =	sdelay $0x1  }
0x34d: {  	vm5 =	vlt.s32 v8, $0x31  }
0x34e: {  	vm7 =	vgt.s32 v8, $0x0;
	v42 =	vnsel vm5, $0x31, v8  }
0x34f: {  	v43 =	vadd.s32 v1, v42;
	_ =	sdelay $0x3  }
0x350: {  	s31 =	sand.u32 $0xFFFFF000, s21  }
0x351: {  	s28 =	sadd.s32 s31, s22;
	[tilespmem:v43+s16+$0x0] =	vst.idx.add.f32.msk vm7, v0  }
0x352: {  	s25 =	sor.u32 $0x4C00, s28;
	v8 =	vld [tilespmem:s24+$0xC00]  }
0x353: {  	s26 =	sor.u32 $0x8C00, s28;
	v44 =	vld [tilespmem:s25+$0x0]  }
0x354: {  	s28 =	sor.u32 $0xCC00, s28;
	v45 =	vld [tilespmem:s26+$0x0]  }
0x355: {  	v46 =	vld [tilespmem:s28+$0x0];
	_ =	sdelay $0x3  }
0x356: {  	v47 =	vmax.f32 v8, v4;
	v48 =	vmax.f32 v44, v3;
	v49 =	vmin.f32 v45, v5  }
0x357: {  	v50 =	vmin.f32 v46, v6;
	v8 =	vsub.f32 v45, v8;
	v9 =	vsub.f32 v46, v44  }
0x358: {  	v51 =	vsub.f32 v49, v47;
	v52 =	vsub.f32 v50, v48  }
0x359: {  	v8 =	vmul.f32 v9, v8  }
0x35a: {  	v53 =	vmax.f32 v51, $0.0e+00;
	v54 =	vmax.f32 v52, $0.0e+00  }
0x35b: {  	v9 =	vmul.f32 v54, v53;
	v8 =	vadd.f32 v8, v7;
	_ =	sdelay $0x1  }
0x35c: {  	v8 =	vsub.f32 v8, v9;
	_ =	sdelay $0x1  }
0x35d: {  	v8 =	vmax.f32 v8, $9.999999970e-07  }
0x35e: {  	(erf) = vrcp.f32 v8;
	_ =	sdelay $0x8  }
0x35f: {  	v8 =	vpop (erf)  }
0x360: {  	v8 =	vmul.f32 v8, v9;
	_ =	sdelay $0x1  }
0x361: {  	v8 =	vmul.f32 $5.000000000e+01, v8;
	_ =	sdelay $0x1  }
0x362: {  	v8 =	vtrunc.f32 v8  }
0x363: {  	v8 =	vcvt.f32.s32 v8;
	_ =	sdelay $0x1  }
0x364: {  	vm6 =	vlt.s32 v8, $0x31  }
0x365: {  	v55 =	vnsel vm6, $0x31, v8;
	vm6 =	vgt.s32 v8, $0x0  }
0x366: {  	v56 =	vadd.s32 v1, v55;
	_ =	sdelay $0x4  }
0x367: {  	[tilespmem:v56+s13+$0x0] =	vst.idx.add.f32.msk vm6, v0  }
0x368: {  	v8 =	vld [tilespmem:s24+$0xC10]  }
0x369: {  	v57 =	vld [tilespmem:s25+$0x10]  }
0x36a: {  	v58 =	vld [tilespmem:s26+$0x10]  }
0x36b: {  	v59 =	vld [tilespmem:s28+$0x10];
	_ =	sdelay $0x3  }
0x36c: {  	v60 =	vmax.f32 v8, v4;
	v61 =	vmax.f32 v57, v3;
	v62 =	vmin.f32 v58, v5  }
0x36d: {  	v63 =	vmin.f32 v59, v6;
	v8 =	vsub.f32 v58, v8;
	v9 =	vsub.f32 v59, v57  }
0x36e: {  	v12 =	vsub.f32 v62, v60;
	v13 =	vsub.f32 v63, v61  }
0x36f: {  	v8 =	vmul.f32 v9, v8  }
0x370: {  	v14 =	vmax.f32 v12, $0.0e+00;
	v15 =	vmax.f32 v13, $0.0e+00  }
0x371: {  	v9 =	vmul.f32 v15, v14;
	v8 =	vadd.f32 v8, v7;
	_ =	sdelay $0x1  }
0x372: {  	v8 =	vsub.f32 v8, v9;
	_ =	sdelay $0x1  }
0x373: {  	v8 =	vmax.f32 v8, $9.999999970e-07  }
0x374: {  	(erf) = vrcp.f32 v8;
	_ =	sdelay $0x8  }
0x375: {  	v8 =	vpop (erf)  }
0x376: {  	v8 =	vmul.f32 v8, v9;
	_ =	sdelay $0x1  }
0x377: {  	v8 =	vmul.f32 $5.000000000e+01, v8;
	_ =	sdelay $0x1  }
0x378: {  	v8 =	vtrunc.f32 v8  }
0x379: {  	v8 =	vcvt.f32.s32 v8;
	_ =	sdelay $0x1  }
0x37a: {  	vm15 =	vlt.s32 v8, $0x31  }
0x37b: {  	vm5 =	vgt.s32 v8, $0x0;
	v16 =	vnsel vm15, $0x31, v8  }
0x37c: {  	v17 =	vadd.s32 v1, v16;
	_ =	sdelay $0x4  }
0x37d: {  	[tilespmem:v17+s14+$0x0] =	vst.idx.add.f32.msk vm5, v0  }
0x37e: {  	v8 =	vld [tilespmem:s24+$0xC20]  }
0x37f: {  	v18 =	vld [tilespmem:s25+$0x20]  }
0x380: {  	v19 =	vld [tilespmem:s26+$0x20]  }
0x381: {  	v20 =	vld [tilespmem:s28+$0x20];
	_ =	sdelay $0x3  }
0x382: {  	v21 =	vmax.f32 v8, v4;
	v22 =	vmax.f32 v18, v3;
	v23 =	vmin.f32 v19, v5  }
0x383: {  	v24 =	vmin.f32 v20, v6;
	v8 =	vsub.f32 v19, v8;
	v9 =	vsub.f32 v20, v18  }
0x384: {  	v25 =	vsub.f32 v23, v21;
	v26 =	vsub.f32 v24, v22  }
0x385: {  	v8 =	vmul.f32 v9, v8  }
0x386: {  	v27 =	vmax.f32 v25, $0.0e+00;
	v28 =	vmax.f32 v26, $0.0e+00  }
0x387: {  	v9 =	vmul.f32 v28, v27;
	v8 =	vadd.f32 v8, v7;
	_ =	sdelay $0x1  }
0x388: {  	v8 =	vsub.f32 v8, v9;
	_ =	sdelay $0x1  }
0x389: {  	v8 =	vmax.f32 v8, $9.999999970e-07  }
0x38a: {  	(erf) = vrcp.f32 v8;
	_ =	sdelay $0x8  }
0x38b: {  	v8 =	vpop (erf)  }
0x38c: {  	v8 =	vmul.f32 v8, v9;
	_ =	sdelay $0x1  }
0x38d: {  	v8 =	vmul.f32 $5.000000000e+01, v8;
	_ =	sdelay $0x1  }
0x38e: {  	v8 =	vtrunc.f32 v8  }
0x38f: {  	v8 =	vcvt.f32.s32 v8;
	_ =	sdelay $0x1  }
0x390: {  	vm4 =	vlt.s32 v8, $0x31  }
0x391: {  	v29 =	vnsel vm4, $0x31, v8;
	vm4 =	vgt.s32 v8, $0x0  }
0x392: {  	v30 =	vadd.s32 v1, v29;
	_ =	sdelay $0x4  }
0x393: {  	[tilespmem:v30+s15+$0x0] =	vst.idx.add.f32.msk vm4, v0  }
0x394: {  	v8 =	vld [tilespmem:s24+$0xC30]  }
0x395: {  	v31 =	vld [tilespmem:s25+$0x30]  }
0x396: {  	v32 =	vld [tilespmem:s26+$0x30]  }
0x397: {  	v33 =	vld [tilespmem:s28+$0x30];
	_ =	sdelay $0x3  }
0x398: {  	v34 =	vmax.f32 v8, v4;
	v35 =	vmax.f32 v31, v3;
	v36 =	vmin.f32 v32, v5  }
0x399: {  	v37 =	vmin.f32 v33, v6;
	v8 =	vsub.f32 v32, v8;
	v9 =	vsub.f32 v33, v31  }
0x39a: {  	v38 =	vsub.f32 v36, v34;
	v39 =	vsub.f32 v37, v35  }
0x39b: {  	v8 =	vmul.f32 v9, v8  }
0x39c: {  	v40 =	vmax.f32 v38, $0.0e+00;
	v41 =	vmax.f32 v39, $0.0e+00  }
0x39d: {  	v9 =	vmul.f32 v41, v40;
	v8 =	vadd.f32 v8, v7;
	_ =	sdelay $0x1  }
0x39e: {  	v8 =	vsub.f32 v8, v9;
	_ =	sdelay $0x1  }
0x39f: {  	v8 =	vmax.f32 v8, $9.999999970e-07  }
0x3a0: {  	(erf) = vrcp.f32 v8;
	_ =	sdelay $0x8  }
0x3a1: {  	v8 =	vpop (erf)  }
0x3a2: {  	v8 =	vmul.f32 v8, v9;
	_ =	sdelay $0x1  }
0x3a3: {  	v8 =	vmul.f32 $5.000000000e+01, v8;
	_ =	sdelay $0x1  }
0x3a4: {  	v8 =	vtrunc.f32 v8  }
0x3a5: {  	v8 =	vcvt.f32.s32 v8;
	_ =	sdelay $0x1  }
0x3a6: {  	vm15 =	vlt.s32 v8, $0x31  }
0x3a7: {  	vm3 =	vgt.s32 v8, $0x0;
	v42 =	vnsel vm15, $0x31, v8  }
0x3a8: {  	v43 =	vadd.s32 v1, v42;
	_ =	sdelay $0x4  }
0x3a9: {  	[tilespmem:v43+s16+$0x0] =	vst.idx.add.f32.msk vm3, v0  }
0x3aa: {  	v8 =	vld [tilespmem:s24+$0xC40]  }
0x3ab: {  	v44 =	vld [tilespmem:s25+$0x40]  }
0x3ac: {  	v45 =	vld [tilespmem:s26+$0x40]  }
0x3ad: {  	v46 =	vld [tilespmem:s28+$0x40];
	_ =	sdelay $0x3  }
0x3ae: {  	v47 =	vmax.f32 v8, v4;
	v48 =	vmax.f32 v44, v3;
	v49 =	vmin.f32 v45, v5  }
0x3af: {  	v50 =	vmin.f32 v46, v6;
	v8 =	vsub.f32 v45, v8;
	v9 =	vsub.f32 v46, v44  }
0x3b0: {  	v51 =	vsub.f32 v49, v47;
	v52 =	vsub.f32 v50, v48  }
0x3b1: {  	v8 =	vmul.f32 v9, v8  }
0x3b2: {  	v53 =	vmax.f32 v51, $0.0e+00;
	v54 =	vmax.f32 v52, $0.0e+00  }
0x3b3: {  	v9 =	vmul.f32 v54, v53;
	v8 =	vadd.f32 v8, v7;
	_ =	sdelay $0x1  }
0x3b4: {  	v8 =	vsub.f32 v8, v9;
	_ =	sdelay $0x1  }
0x3b5: {  	v8 =	vmax.f32 v8, $9.999999970e-07  }
0x3b6: {  	(erf) = vrcp.f32 v8;
	_ =	sdelay $0x8  }
0x3b7: {  	v8 =	vpop (erf)  }
0x3b8: {  	v8 =	vmul.f32 v8, v9;
	_ =	sdelay $0x1  }
0x3b9: {  	v8 =	vmul.f32 $5.000000000e+01, v8;
	_ =	sdelay $0x1  }
0x3ba: {  	v8 =	vtrunc.f32 v8  }
0x3bb: {  	v8 =	vcvt.f32.s32 v8;
	_ =	sdelay $0x1  }
0x3bc: {  	vm15 =	vlt.s32 v8, $0x31  }
0x3bd: {  	vm2 =	vgt.s32 v8, $0x0;
	v55 =	vnsel vm15, $0x31, v8  }
0x3be: {  	v56 =	vadd.s32 v1, v55;
	_ =	sdelay $0x4  }
0x3bf: {  	[tilespmem:v56+s13+$0x0] =	vst.idx.add.f32.msk vm2, v0  }
0x3c0: {  	v8 =	vld [tilespmem:s24+$0xC50]  }
0x3c1: {  	v57 =	vld [tilespmem:s25+$0x50]  }
0x3c2: {  	v58 =	vld [tilespmem:s26+$0x50]  }
0x3c3: {  	v59 =	vld [tilespmem:s28+$0x50];
	_ =	sdelay $0x3  }
0x3c4: {  	v60 =	vmax.f32 v8, v4;
	v61 =	vmax.f32 v57, v3;
	v62 =	vmin.f32 v58, v5  }
0x3c5: {  	v8 =	vsub.f32 v58, v8;
	v63 =	vmin.f32 v59, v6;
	v9 =	vsub.f32 v59, v57  }
0x3c6: {  	v12 =	vsub.f32 v62, v60;
	v10 =	vsub.f32 v63, v61  }
0x3c7: {  	v8 =	vmul.f32 v9, v8  }
0x3c8: {  	v14 =	vmax.f32 v12, $0.0e+00;
	v10 =	vmax.f32 v10, $0.0e+00  }
0x3c9: {  	v9 =	vmul.f32 v10, v14;
	v8 =	vadd.f32 v8, v7;
	_ =	sdelay $0x1  }
0x3ca: {  	v8 =	vsub.f32 v8, v9;
	_ =	sdelay $0x1  }
0x3cb: {  	v8 =	vmax.f32 v8, $9.999999970e-07  }
0x3cc: {  	(erf) = vrcp.f32 v8;
	_ =	sdelay $0x8  }
0x3cd: {  	v8 =	vpop (erf)  }
0x3ce: {  	v8 =	vmul.f32 v8, v9;
	_ =	sdelay $0x1  }
0x3cf: {  	v8 =	vmul.f32 $5.000000000e+01, v8;
	_ =	sdelay $0x1  }
0x3d0: {  	v8 =	vtrunc.f32 v8  }
0x3d1: {  	v8 =	vcvt.f32.s32 v8;
	_ =	sdelay $0x1  }
0x3d2: {  	vm15 =	vlt.s32 v8, $0x31  }
0x3d3: {  	vm1 =	vgt.s32 v8, $0x0;
	v15 =	vnsel vm15, $0x31, v8  }
0x3d4: {  	v16 =	vadd.s32 v1, v15;
	_ =	sdelay $0x4  }
0x3d5: {  	[tilespmem:v16+s14+$0x0] =	vst.idx.add.f32.msk vm1, v0  }
0x3d6: {  	v8 =	vld [tilespmem:s24+$0xC60]  }
0x3d7: {  	v17 =	vld [tilespmem:s25+$0x60]  }
0x3d8: {  	v18 =	vld [tilespmem:s26+$0x60]  }
0x3d9: {  	v19 =	vld [tilespmem:s28+$0x60];
	_ =	sdelay $0x3  }
0x3da: {  	v20 =	vmax.f32 v8, v4;
	v21 =	vmax.f32 v17, v3;
	v8 =	vsub.f32 v18, v8  }
0x3db: {  	v10 =	vmin.f32 v18, v5;
	v9 =	vsub.f32 v19, v17;
	v11 =	vmin.f32 v19, v6  }
0x3dc: {  	v10 =	vsub.f32 v10, v20;
	v11 =	vsub.f32 v11, v21  }
0x3dd: {  	v8 =	vmul.f32 v9, v8  }
0x3de: {  	v24 =	vld [tilespmem:$0x1FF00];
	v22 =	vmax.f32 v10, $0.0e+00;
	v23 =	vmax.f32 v11, $0.0e+00  }
0x3df: {  	v9 =	vmul.f32 v23, v22;
	v8 =	vadd.f32 v8, v7  }
0x3e0: {  	v25 =	vld [tilespmem:$0x1FF10]  }
0x3e1: {  	v8 =	vsub.f32 v8, v9  }
0x3e2: {  	v26 =	vld [tilespmem:$0x1FF20]  }
0x3e3: {  	vm15 =	vnez.u8 v24;
	v8 =	vmax.f32 v8, $9.999999970e-07  }
0x3e4: {  	v27 =	vld [tilespmem:$0x1FF30];
	v10 =	vsel vm15, $0x0, v0;
	(erf) = vrcp.f32 v8  }
0x3e5: {  	vm15 =	vnez.u8 v25;
	v2 =	vadd.f32 v10, v2  }
0x3e6: {  	v28 =	vld [tilespmem:$0x1FF40];
	v8 =	vsel vm15, $0x0, v0  }
0x3e7: {  	vm15 =	vnez.u8 v26;
	v2 =	vadd.f32 v8, v2  }
0x3e8: {  	v30 =	vld [tilespmem:$0x1FF50];
	v8 =	vsel vm15, $0x0, v0  }
0x3e9: {  	vm15 =	vnez.u8 v27;
	v2 =	vadd.f32 v8, v2  }
0x3ea: {  	v31 =	vld [tilespmem:$0x1FF60];
	v8 =	vsel vm15, $0x0, v0  }
0x3eb: {  	vm15 =	vnez.u8 v28;
	v2 =	vadd.f32 v8, v2  }
0x3ec: {  	v32 =	vld [tilespmem:$0x1FF70];
	v8 =	vsel vm15, $0x0, v0  }
0x3ed: {  	vm15 =	vnez.u8 v30;
	v2 =	vadd.f32 v8, v2;
	v29 =	vpop (erf)  }
0x3ee: {  	v33 =	vld [tilespmem:$0x1FF80];
	v10 =	vsel vm15, $0x0, v0;
	v8 =	vmul.f32 v29, v9  }
0x3ef: {  	vm15 =	vnez.u8 v31;
	v2 =	vadd.f32 v10, v2  }
0x3f0: {  	v34 =	vld [tilespmem:$0x1FF90];
	v9 =	vsel vm15, $0x0, v0;
	v8 =	vmul.f32 $5.000000000e+01, v8  }
0x3f1: {  	vm15 =	vnez.u8 v32;
	v2 =	vadd.f32 v9, v2  }
0x3f2: {  	v37 =	vld [tilespmem:$0x1FFA0];
	v9 =	vsel vm15, $0x0, v0;
	v8 =	vtrunc.f32 v8  }
0x3f3: {  	vm15 =	vnez.u8 v33;
	v2 =	vadd.f32 v9, v2;
	v8 =	vcvt.f32.s32 v8  }
0x3f4: {  	v38 =	vld [tilespmem:$0x1FFB0];
	v9 =	vsel vm15, $0x0, v0  }
0x3f5: {  	vm15 =	vnez.u8 v34;
	v2 =	vadd.f32 v9, v2;
	vm0 =	vlt.s32 v8, $0x31  }
0x3f6: {  	v39 =	vld [tilespmem:$0x1FFC0];
	v9 =	vsel vm15, $0x0, v0;
	v35 =	vnsel vm0, $0x31, v8;
	vm0 =	vgt.s32 v8, $0x0  }
0x3f7: {  	vm15 =	vnez.u8 v37;
	v2 =	vadd.f32 v9, v2;
	v36 =	vadd.s32 v1, v35  }
0x3f8: {  	v40 =	vld [tilespmem:$0x1FFD0];
	v9 =	vsel vm15, $0x0, v0  }
0x3f9: {  	vm15 =	vnez.u8 v38;
	v2 =	vadd.f32 v9, v2  }
0x3fa: {  	v43 =	vld [tilespmem:$0x1FFE0];
	v9 =	vsel vm15, $0x0, v0  }
0x3fb: {  	v45 =	vld [tilespmem:$0x1FFF0];
	vm15 =	vnez.u8 v39;
	v2 =	vadd.f32 v9, v2  }
0x3fc: {  	v9 =	vsel vm15, $0x0, v0;
	[tilespmem:v36+s15+$0x0] =	vst.idx.add.f32.msk vm0, v0  }
0x3fd: {  	vm15 =	vnez.u8 v40;
	v2 =	vadd.f32 v9, v2;
	v8 =	vld [tilespmem:s24+$0xC70]  }
0x3fe: {  	v9 =	vsel vm15, $0x0, v0;
	v41 =	vld [tilespmem:s25+$0x70]  }
0x3ff: {  	vm15 =	vnez.u8 v43;
	v2 =	vadd.f32 v9, v2;
	v42 =	vld [tilespmem:s26+$0x70]  }
0x400: {  	v11 =	vsel vm15, $0x0, v0;
	v44 =	vld [tilespmem:s28+$0x70]  }
0x401: {  	vm15 =	vnez.u8 v45;
	v2 =	vadd.f32 v11, v2  }
0x402: {  	v11 =	vsel vm15, $0x0, v0  }
0x403: {  	v2 =	vadd.f32 v11, v2  }
0x404: {  	v4 =	vmax.f32 v8, v4;
	v5 =	vmin.f32 v42, v5;
	v8 =	vsub.f32 v42, v8  }
0x405: {  	v3 =	vmax.f32 v41, v3;
	v6 =	vmin.f32 v44, v6;
	v46 =	vsub.f32 v44, v41  }
0x406: {  	v4 =	vsub.f32 v5, v4;
	v3 =	vsub.f32 v6, v3  }
0x407: {  	v47 =	vsel vm14, $0x0, v0;
	v48 =	vmul.f32 v46, v8  }
0x408: {  	v2 =	vadd.f32 v47, v2;
	v4 =	vmax.f32 v4, $0.0e+00;
	v3 =	vmax.f32 v3, $0.0e+00  }
0x409: {  	v49 =	vsel vm13, $0x0, v0;
	v3 =	vmul.f32 v3, v4;
	v50 =	vadd.f32 v48, v7  }
0x40a: {  	v2 =	vadd.f32 v49, v2  }
0x40b: {  	v51 =	vsel vm12, $0x0, v0;
	v4 =	vsub.f32 v50, v3  }
0x40c: {  	v2 =	vadd.f32 v51, v2  }
0x40d: {  	v52 =	vsel vm11, $0x0, v0;
	v4 =	vmax.f32 v4, $9.999999970e-07  }
0x40e: {  	v2 =	vadd.f32 v52, v2;
	(erf) = vrcp.f32 v4  }
0x40f: {  	v53 =	vsel vm10, $0x0, v0  }
0x410: {  	v2 =	vadd.f32 v53, v2  }
0x411: {  	v54 =	vsel vm9, $0x0, v0  }
0x412: {  	v2 =	vadd.f32 v54, v2  }
0x413: {  	v55 =	vsel vm8, $0x0, v0  }
0x414: {  	v2 =	vadd.f32 v55, v2  }
0x415: {  	v56 =	vsel vm7, $0x0, v0  }
0x416: {  	v2 =	vadd.f32 v56, v2  }
0x417: {  	v57 =	vsel vm6, $0x0, v0;
	v58 =	vpop (erf)  }
0x418: {  	v2 =	vadd.f32 v57, v2;
	v3 =	vmul.f32 v58, v3  }
0x419: {  	v59 =	vsel vm5, $0x0, v0  }
0x41a: {  	v2 =	vadd.f32 v59, v2;
	v3 =	vmul.f32 $5.000000000e+01, v3  }
0x41b: {  	v60 =	vsel vm4, $0x0, v0  }
0x41c: {  	v2 =	vadd.f32 v60, v2;
	v3 =	vtrunc.f32 v3  }
0x41d: {  	v61 =	vsel vm3, $0x0, v0;
	v3 =	vcvt.f32.s32 v3  }
0x41e: {  	v2 =	vadd.f32 v61, v2  }
0x41f: {  	v62 =	vsel vm2, $0x0, v0;
	vm14 =	vlt.s32 v3, $0x31  }
0x420: {  	v2 =	vadd.f32 v62, v2;
	vm15 =	vgt.s32 v3, $0x0;
	v63 =	vnsel vm14, $0x31, v3  }
0x421: {  	p1 =	sne.s32 s23, $0x1F;
	v3 =	vsel vm1, $0x0, v0;
	v4 =	vadd.s32 v1, v63  }
.Ltmp2:
0x422: {  	v2 =	vadd.f32 v3, v2;
	(pc) =	sbr.rel @p1 .LBB2_3-.Ltmp2, $4  }
0x423: {  	v3 =	vsel vm0, $0x0, v0  }
0x424: {  	v2 =	vadd.f32 v3, v2  }
0x425: {  	v3 =	vsel vm15, $0x0, v0  }
0x426: {  	s21 =	sadd.s32 $0x200, s21;
	s23 =	sadd.s32 $0x1, s23;
	s22 =	sadd.s32 $0x80, s22;
	v2 =	vadd.f32 v3, v2;
	[tilespmem:v4+s16+$0x0] =	vst.idx.add.f32.msk vm15, v0  }
0x427: {  	s20 =	sadd.s32 $0x1, s20  }
0x428: {  	p1 =	sne.s32 s20, $0x8  }
.Ltmp3:
0x429: {  	_ = 	snop;
	(pc) =	sbr.rel @p1 .LBB2_2-.Ltmp3, $1  }
0x42a: {  	_ =	sdelay $0x3  }
0x42b: {  	v3 =	vld [tilespmem:$0x115C0];
	_ =	sdelay $0x4  }
0x42c: {  	[tilespmem:$0x1FA90] =	vst v3;
	v3 =	vld [tilespmem:$0x11600];
	_ =	sdelay $0x4  }
0x42d: {  	[tilespmem:$0x1FAA0] =	vst v3;
	v3 =	vld [tilespmem:$0x11640];
	_ =	sdelay $0x4  }
0x42e: {  	[tilespmem:$0x1FAB0] =	vst v3;
	v3 =	vld [tilespmem:$0x11680];
	_ =	sdelay $0x4  }
0x42f: {  	[tilespmem:$0x1FAC0] =	vst v3;
	v3 =	vld [tilespmem:$0x116C0];
	_ =	sdelay $0x4  }
0x430: {  	[tilespmem:$0x1FAD0] =	vst v3;
	v3 =	vld [tilespmem:$0x11700];
	_ =	sdelay $0x4  }
0x431: {  	[tilespmem:$0x1FAE0] =	vst v3;
	v3 =	vld [tilespmem:$0x11740];
	_ =	sdelay $0x4  }
0x432: {  	[tilespmem:$0x1FAF0] =	vst v3;
	v3 =	vld [tilespmem:$0x11780];
	_ =	sdelay $0x4  }
0x433: {  	[tilespmem:$0x1FB00] =	vst v3;
	v3 =	vld [tilespmem:$0x117C0];
	_ =	sdelay $0x4  }
0x434: {  	[tilespmem:$0x1FB10] =	vst v3;
	v3 =	vld [tilespmem:$0x11800];
	_ =	sdelay $0x4  }
0x435: {  	[tilespmem:$0x1FB20] =	vst v3;
	v3 =	vld [tilespmem:$0x11840];
	_ =	sdelay $0x4  }
0x436: {  	[tilespmem:$0x1FB30] =	vst v3;
	v3 =	vld [tilespmem:$0x11880];
	_ =	sdelay $0x4  }
0x437: {  	[tilespmem:$0x1FB40] =	vst v3;
	v3 =	vld [tilespmem:$0x118C0];
	_ =	sdelay $0x4  }
0x438: {  	[tilespmem:$0x1FB50] =	vst v3;
	v3 =	vld [tilespmem:$0x11900];
	_ =	sdelay $0x4  }
0x439: {  	[tilespmem:$0x1FB70] =	vst v3;
	v3 =	vld [tilespmem:$0x11940];
	_ =	sdelay $0x4  }
0x43a: {  	[tilespmem:$0x1FB90] =	vst v3;
	v3 =	vld [tilespmem:$0x11980];
	_ =	sdelay $0x4  }
0x43b: {  	[tilespmem:$0x1FBB0] =	vst v3;
	v3 =	vld [tilespmem:$0x119C0];
	_ =	sdelay $0x4  }
0x43c: {  	[tilespmem:$0x1FBD0] =	vst v3;
	v3 =	vld [tilespmem:$0x11A00];
	_ =	sdelay $0x4  }
0x43d: {  	[tilespmem:$0x1FBF0] =	vst v3;
	v3 =	vld [tilespmem:$0x11A40];
	_ =	sdelay $0x4  }
0x43e: {  	[tilespmem:$0x1FC10] =	vst v3;
	v3 =	vld [tilespmem:$0x11A80];
	_ =	sdelay $0x4  }
0x43f: {  	[tilespmem:$0x1FC30] =	vst v3;
	v3 =	vld [tilespmem:$0x11AC0];
	_ =	sdelay $0x4  }
0x440: {  	[tilespmem:$0x1FC50] =	vst v3;
	v3 =	vld [tilespmem:$0x11B00];
	_ =	sdelay $0x4  }
0x441: {  	[tilespmem:$0x1FC70] =	vst v3;
	v3 =	vld [tilespmem:$0x11B40];
	_ =	sdelay $0x4  }
0x442: {  	[tilespmem:$0x1FC90] =	vst v3;
	v3 =	vld [tilespmem:$0x11B80];
	_ =	sdelay $0x4  }
0x443: {  	[tilespmem:$0x1FCB0] =	vst v3;
	v3 =	vld [tilespmem:$0x11BC0];
	_ =	sdelay $0x4  }
0x444: {  	[tilespmem:$0x1FCD0] =	vst v3;
	v3 =	vld [tilespmem:$0x11C00];
	_ =	sdelay $0x4  }
0x445: {  	[tilespmem:$0x1FCF0] =	vst v3;
	v3 =	vld [tilespmem:$0x11C40];
	_ =	sdelay $0x4  }
0x446: {  	[tilespmem:$0x1FD10] =	vst v3;
	v3 =	vld [tilespmem:$0x11C80];
	_ =	sdelay $0x4  }
0x447: {  	[tilespmem:$0x1FD30] =	vst v3;
	v3 =	vld [tilespmem:$0x11CC0];
	_ =	sdelay $0x4  }
0x448: {  	[tilespmem:$0x1FD50] =	vst v3;
	v3 =	vld [tilespmem:$0x11D00];
	_ =	sdelay $0x4  }
0x449: {  	[tilespmem:$0x1FD70] =	vst v3;
	v3 =	vld [tilespmem:$0x11D40];
	_ =	sdelay $0x4  }
0x44a: {  	[tilespmem:$0x1FD90] =	vst v3;
	v3 =	vld [tilespmem:$0x11D80];
	_ =	sdelay $0x4  }
0x44b: {  	[tilespmem:$0x1FDB0] =	vst v3;
	v3 =	vld [tilespmem:$0x11DC0];
	_ =	sdelay $0x4  }
0x44c: {  	[tilespmem:$0x1FDD0] =	vst v3;
	v3 =	vld [tilespmem:$0x11E00];
	_ =	sdelay $0x4  }
0x44d: {  	[tilespmem:$0x1FDF0] =	vst v3;
	v3 =	vld [tilespmem:$0x11E40];
	_ =	sdelay $0x4  }
0x44e: {  	[tilespmem:$0x1FE10] =	vst v3;
	v3 =	vld [tilespmem:$0x11E80];
	_ =	sdelay $0x4  }
0x44f: {  	[tilespmem:$0x1FE30] =	vst v3;
	v3 =	vld [tilespmem:$0x11EC0];
	_ =	sdelay $0x4  }
0x450: {  	[tilespmem:$0x1FE50] =	vst v3;
	v3 =	vld [tilespmem:$0x11F00];
	_ =	sdelay $0x4  }
0x451: {  	[tilespmem:$0x1FE70] =	vst v3;
	v3 =	vld [tilespmem:$0x11F40];
	_ =	sdelay $0x4  }
0x452: {  	[tilespmem:$0x1FE90] =	vst v3;
	v3 =	vld [tilespmem:$0x11F80];
	_ =	sdelay $0x4  }
0x453: {  	[tilespmem:$0x1FEB0] =	vst v3;
	v3 =	vld [tilespmem:$0x11FC0];
	_ =	sdelay $0x4  }
0x454: {  	[tilespmem:$0x1FED0] =	vst v3;
	v3 =	vld [tilespmem:$0x11890];
	_ =	sdelay $0x4  }
0x455: {  	[tilespmem:$0x1FB60] =	vst v3;
	v3 =	vld [tilespmem:$0x118D0];
	_ =	sdelay $0x4  }
0x456: {  	[tilespmem:$0x1FB80] =	vst v3;
	v3 =	vld [tilespmem:$0x11910];
	_ =	sdelay $0x4  }
0x457: {  	[tilespmem:$0x1FBA0] =	vst v3;
	v3 =	vld [tilespmem:$0x11950];
	_ =	sdelay $0x4  }
0x458: {  	[tilespmem:$0x1FBC0] =	vst v3;
	v3 =	vld [tilespmem:$0x11990]  }
0x459: {  	v17 =	vld [tilespmem:$0x11000]  }
0x45a: {  	v20 =	vld [tilespmem:$0x11040]  }
0x45b: {  	v23 =	vld [tilespmem:$0x11080]  }
0x45c: {  	v25 =	vld [tilespmem:$0x110C0]  }
0x45d: {  	[tilespmem:$0x1FBE0] =	vst v3;
	v3 =	vld [tilespmem:$0x119D0]  }
0x45e: {  	v27 =	vld [tilespmem:$0x11100]  }
0x45f: {  	v29 =	vld [tilespmem:$0x11140]  }
0x460: {  	v31 =	vld [tilespmem:$0x11180]  }
0x461: {  	v33 =	vld [tilespmem:$0x111C0]  }
0x462: {  	[tilespmem:$0x1FC00] =	vst v3;
	v3 =	vld [tilespmem:$0x11A10]  }
0x463: {  	v35 =	vld [tilespmem:$0x11200]  }
0x464: {  	v37 =	vld [tilespmem:$0x11240]  }
0x465: {  	v39 =	vld [tilespmem:$0x11280]  }
0x466: {  	v41 =	vld [tilespmem:$0x112C0]  }
0x467: {  	[tilespmem:$0x1FC20] =	vst v3;
	v3 =	vld [tilespmem:$0x11A50]  }
0x468: {  	v43 =	vld [tilespmem:$0x11300]  }
0x469: {  	v45 =	vld [tilespmem:$0x11340]  }
0x46a: {  	v47 =	vld [tilespmem:$0x11380]  }
0x46b: {  	v49 =	vld [tilespmem:$0x113C0]  }
0x46c: {  	[tilespmem:$0x1FC40] =	vst v3;
	v3 =	vld [tilespmem:$0x11A90]  }
0x46d: {  	v51 =	vld [tilespmem:$0x11400]  }
0x46e: {  	v53 =	vld [tilespmem:$0x11440]  }
0x46f: {  	v55 =	vld [tilespmem:$0x11480]  }
0x470: {  	v57 =	vld [tilespmem:$0x114C0]  }
0x471: {  	[tilespmem:$0x1FC60] =	vst v3;
	v3 =	vld [tilespmem:$0x11AD0]  }
0x472: {  	v59 =	vld [tilespmem:$0x11500]  }
0x473: {  	v61 =	vld [tilespmem:$0x11540]  }
0x474: {  	v63 =	vld [tilespmem:$0x11580]  }
0x475: {  	v6 =	vld [tilespmem:$0x11010]  }
0x476: {  	[tilespmem:$0x1FC80] =	vst v3;
	v3 =	vld [tilespmem:$0x11B10]  }
0x477: {  	v8 =	vld [tilespmem:$0x11050]  }
0x478: {  	v9 =	vld [tilespmem:$0x11090]  }
0x479: {  	v10 =	vld [tilespmem:$0x110D0]  }
0x47a: {  	v11 =	vld [tilespmem:$0x11110]  }
0x47b: {  	[tilespmem:$0x1FCA0] =	vst v3;
	v3 =	vld [tilespmem:$0x11B50]  }
0x47c: {  	v12 =	vld [tilespmem:$0x11150]  }
0x47d: {  	v13 =	vld [tilespmem:$0x11190]  }
0x47e: {  	v14 =	vld [tilespmem:$0x111D0]  }
0x47f: {  	v15 =	vld [tilespmem:$0x11210]  }
0x480: {  	[tilespmem:$0x1FCC0] =	vst v3;
	v3 =	vld [tilespmem:$0x11B90]  }
0x481: {  	v16 =	vld [tilespmem:$0x11250]  }
0x482: {  	v18 =	vld [tilespmem:$0x11290]  }
0x483: {  	v19 =	vld [tilespmem:$0x112D0]  }
0x484: {  	v21 =	vld [tilespmem:$0x11310]  }
0x485: {  	[tilespmem:$0x1FCE0] =	vst v3;
	v3 =	vld [tilespmem:$0x11BD0]  }
0x486: {  	v22 =	vld [tilespmem:$0x11350]  }
0x487: {  	v24 =	vld [tilespmem:$0x11390]  }
0x488: {  	v26 =	vld [tilespmem:$0x113D0]  }
0x489: {  	v28 =	vld [tilespmem:$0x11410]  }
0x48a: {  	[tilespmem:$0x1FD00] =	vst v3;
	v3 =	vld [tilespmem:$0x11C10]  }
0x48b: {  	v30 =	vld [tilespmem:$0x11450]  }
0x48c: {  	v32 =	vld [tilespmem:$0x11490]  }
0x48d: {  	v34 =	vld [tilespmem:$0x114D0]  }
0x48e: {  	v36 =	vld [tilespmem:$0x11510]  }
0x48f: {  	[tilespmem:$0x1FD20] =	vst v3;
	v3 =	vld [tilespmem:$0x11C50]  }
0x490: {  	v38 =	vld [tilespmem:$0x11550]  }
0x491: {  	v40 =	vld [tilespmem:$0x11590]  }
0x492: {  	v42 =	vld [tilespmem:$0x115D0]  }
0x493: {  	v44 =	vld [tilespmem:$0x11610]  }
0x494: {  	[tilespmem:$0x1FD40] =	vst v3;
	v3 =	vld [tilespmem:$0x11C90]  }
0x495: {  	v46 =	vld [tilespmem:$0x11650]  }
0x496: {  	v48 =	vld [tilespmem:$0x11690]  }
0x497: {  	v50 =	vld [tilespmem:$0x116D0]  }
0x498: {  	v52 =	vld [tilespmem:$0x11710]  }
0x499: {  	[tilespmem:$0x1FD60] =	vst v3;
	v3 =	vld [tilespmem:$0x11CD0]  }
0x49a: {  	v54 =	vld [tilespmem:$0x11750]  }
0x49b: {  	v56 =	vld [tilespmem:$0x11790]  }
0x49c: {  	v58 =	vld [tilespmem:$0x117D0]  }
0x49d: {  	v60 =	vld [tilespmem:$0x11810]  }
0x49e: {  	[tilespmem:$0x1FD80] =	vst v3;
	v3 =	vld [tilespmem:$0x11D10]  }
0x49f: {  	v62 =	vld [tilespmem:$0x11850]  }
0x4a0: {  	v4 =	vld [tilespmem:$0x11030]  }
0x4a1: {  	v5 =	vld [tilespmem:$0x11060];
	v17 =	vadd.f32 $0.0e+00, v17  }
0x4a2: {  	v7 =	vld [tilespmem:$0x110A0]  }
0x4a3: {  	v6 =	vadd.f32 $0.0e+00, v6;
	v17 =	vadd.f32 v20, v17;
	[tilespmem:$0x1FDA0] =	vst v3;
	v3 =	vld [tilespmem:$0x11D50]  }
0x4a4: {  	v20 =	vld [tilespmem:$0x11070]  }
0x4a5: {  	v6 =	vadd.f32 v8, v6;
	v8 =	vld [tilespmem:$0x110E0];
	v17 =	vadd.f32 v23, v17  }
0x4a6: {  	v23 =	vld [tilespmem:$0x110B0]  }
0x4a7: {  	v6 =	vadd.f32 v9, v6;
	v17 =	vadd.f32 v25, v17;
	v25 =	vld [tilespmem:$0x11120]  }
0x4a8: {  	v4 =	vadd.f32 $0.0e+00, v4;
	[tilespmem:$0x1FDC0] =	vst v3;
	v3 =	vld [tilespmem:$0x11D90]  }
0x4a9: {  	v6 =	vadd.f32 v10, v6;
	v10 =	vld [tilespmem:$0x11160]  }
0x4aa: {  	v4 =	vadd.f32 v20, v4;
	v20 =	vld [tilespmem:$0x111A0];
	v17 =	vadd.f32 v27, v17  }
0x4ab: {  	v27 =	vld [tilespmem:$0x11130]  }
0x4ac: {  	v6 =	vadd.f32 v11, v6;
	v17 =	vadd.f32 v29, v17;
	v29 =	vld [tilespmem:$0x111F0]  }
0x4ad: {  	[tilespmem:$0x1FDE0] =	vst v3;
	v3 =	vld [tilespmem:$0x11DD0]  }
0x4ae: {  	v6 =	vadd.f32 v12, v6;
	v12 =	vld [tilespmem:$0x112A0]  }
0x4af: {  	v4 =	vadd.f32 v23, v4;
	v23 =	vadd.f32 v31, v17;
	v31 =	vld [tilespmem:$0x11220]  }
0x4b0: {  	v6 =	vadd.f32 v13, v6;
	v13 =	vld [tilespmem:$0x112B0]  }
0x4b1: {  	v17 =	vld [tilespmem:$0x11330]  }
0x4b2: {  	[tilespmem:$0x1FE00] =	vst v3;
	v3 =	vld [tilespmem:$0x11E10]  }
0x4b3: {  	v11 =	vadd.f32 v33, v23;
	v33 =	vld [tilespmem:$0x11230]  }
0x4b4: {  	v6 =	vadd.f32 v14, v6;
	v14 =	vld [tilespmem:$0x112E0]  }
0x4b5: {  	v23 =	vld [tilespmem:$0x113F0]  }
0x4b6: {  	v11 =	vadd.f32 v35, v11;
	v35 =	vld [tilespmem:$0x11260]  }
0x4b7: {  	v6 =	vadd.f32 v15, v6;
	[tilespmem:$0x1FE20] =	vst v3;
	v3 =	vld [tilespmem:$0x11E50]  }
0x4b8: {  	v15 =	vld [tilespmem:$0x112F0]  }
0x4b9: {  	v11 =	vadd.f32 v37, v11;
	v37 =	vld [tilespmem:$0x11270];
	v6 =	vadd.f32 v16, v6  }
0x4ba: {  	v16 =	vld [tilespmem:$0x11320]  }
0x4bb: {  	v6 =	vadd.f32 v18, v6;
	v18 =	vld [tilespmem:$0x11360]  }
0x4bc: {  	[tilespmem:$0x1FE40] =	vst v3;
	v3 =	vld [tilespmem:$0x11E90]  }
0x4bd: {  	v11 =	vadd.f32 v39, v11;
	v39 =	vld [tilespmem:$0x11570]  }
0x4be: {  	v6 =	vadd.f32 v19, v6;
	v19 =	vld [tilespmem:$0x11370]  }
0x4bf: {  	v11 =	vadd.f32 v41, v11;
	v41 =	vld [tilespmem:$0x115A0]  }
0x4c0: {  	v6 =	vadd.f32 v21, v6;
	v21 =	vld [tilespmem:$0x113B0]  }
0x4c1: {  	[tilespmem:$0x1FE60] =	vst v3;
	v3 =	vld [tilespmem:$0x11ED0]  }
0x4c2: {  	v11 =	vadd.f32 v43, v11;
	v43 =	vld [tilespmem:$0x115B0];
	v6 =	vadd.f32 v22, v6  }
0x4c3: {  	v22 =	vld [tilespmem:$0x113E0]  }
0x4c4: {  	v11 =	vadd.f32 v45, v11;
	v45 =	vld [tilespmem:$0x115E0];
	v6 =	vadd.f32 v24, v6  }
0x4c5: {  	v24 =	vld [tilespmem:$0x11420]  }
0x4c6: {  	v6 =	vadd.f32 v26, v6;
	[tilespmem:$0x1FE80] =	vst v3;
	v3 =	vld [tilespmem:$0x11F10]  }
0x4c7: {  	v11 =	vadd.f32 v47, v11;
	v47 =	vld [tilespmem:$0x1FA90]  }
0x4c8: {  	v26 =	vld [tilespmem:$0x11460];
	v6 =	vadd.f32 v28, v6  }
0x4c9: {  	v11 =	vadd.f32 v49, v11;
	v49 =	vld [tilespmem:$0x115F0]  }
0x4ca: {  	v28 =	vld [tilespmem:$0x114A0];
	v6 =	vadd.f32 v30, v6  }
0x4cb: {  	v11 =	vadd.f32 v51, v11;
	[tilespmem:$0x1FEA0] =	vst v3;
	v3 =	vld [tilespmem:$0x11F50]  }
0x4cc: {  	v51 =	vld [tilespmem:$0x11620];
	v6 =	vadd.f32 v32, v6  }
0x4cd: {  	v11 =	vadd.f32 v53, v11;
	v30 =	vld [tilespmem:$0x114E0]  }
0x4ce: {  	v53 =	vld [tilespmem:$0x1FAA0];
	v6 =	vadd.f32 v34, v6  }
0x4cf: {  	v11 =	vadd.f32 v55, v11;
	v55 =	vld [tilespmem:$0x11630]  }
0x4d0: {  	v6 =	vadd.f32 v36, v6;
	[tilespmem:$0x1FEC0] =	vst v3;
	v3 =	vld [tilespmem:$0x11F90]  }
0x4d1: {  	v32 =	vld [tilespmem:$0x117F0];
	v11 =	vadd.f32 v57, v11  }
0x4d2: {  	v57 =	vld [tilespmem:$0x11660];
	v6 =	vadd.f32 v38, v6  }
0x4d3: {  	v11 =	vadd.f32 v59, v11;
	v59 =	vld [tilespmem:$0x1FAB0]  }
0x4d4: {  	v36 =	vld [tilespmem:$0x11860];
	v6 =	vadd.f32 v40, v6  }
0x4d5: {  	[tilespmem:$0x1FEE0] =	vst v3;
	v3 =	vld [tilespmem:$0x11FD0]  }
0x4d6: {  	v11 =	vadd.f32 v61, v11;
	v61 =	vld [tilespmem:$0x11670];
	v6 =	vadd.f32 v42, v6  }
0x4d7: {  	v38 =	vld [tilespmem:$0x11870]  }
0x4d8: {  	v11 =	vadd.f32 v63, v11;
	v63 =	vld [tilespmem:$0x116A0];
	v6 =	vadd.f32 v44, v6  }
0x4d9: {  	v34 =	vld [tilespmem:$0x1FB20]  }
0x4da: {  	v6 =	vadd.f32 v46, v6;
	[tilespmem:$0x1FEF0] =	vst v3;
	v3 =	vld [tilespmem:$0x11020]  }
0x4db: {  	v42 =	vld [tilespmem:$0x118E0]  }
0x4dc: {  	v44 =	vld [tilespmem:$0x118F0];
	v6 =	vadd.f32 v48, v6  }
0x4dd: {  	v46 =	vld [tilespmem:$0x11920]  }
0x4de: {  	v48 =	vld [tilespmem:$0x11930];
	v6 =	vadd.f32 v50, v6  }
0x4df: {  	v50 =	vld [tilespmem:$0x11960];
	v3 =	vadd.f32 $0.0e+00, v3  }
0x4e0: {  	v6 =	vadd.f32 v52, v6;
	v40 =	vld [tilespmem:$0x1FB40]  }
0x4e1: {  	v3 =	vadd.f32 v5, v3;
	v5 =	vld [tilespmem:$0x110F0]  }
0x4e2: {  	v52 =	vld [tilespmem:$0x11970];
	v6 =	vadd.f32 v54, v6  }
0x4e3: {  	v54 =	vld [tilespmem:$0x119A0];
	v3 =	vadd.f32 v7, v3  }
0x4e4: {  	v6 =	vadd.f32 v56, v6;
	v56 =	vld [tilespmem:$0x119B0]  }
0x4e5: {  	v3 =	vadd.f32 v8, v3;
	v8 =	vld [tilespmem:$0x11170]  }
0x4e6: {  	v6 =	vadd.f32 v58, v6;
	v58 =	vld [tilespmem:$0x119E0];
	v4 =	vadd.f32 v5, v4  }
0x4e7: {  	v3 =	vadd.f32 v25, v3;
	v25 =	vld [tilespmem:$0x111B0]  }
0x4e8: {  	v11 =	vadd.f32 v47, v11;
	v4 =	vadd.f32 v27, v4;
	v27 =	vld [tilespmem:$0x111E0]  }
0x4e9: {  	v6 =	vadd.f32 v60, v6;
	v60 =	vld [tilespmem:$0x119F0];
	v3 =	vadd.f32 v10, v3  }
0x4ea: {  	v11 =	vadd.f32 v53, v11;
	v47 =	vld [tilespmem:$0x1FB70];
	v4 =	vadd.f32 v8, v4  }
0x4eb: {  	v6 =	vadd.f32 v62, v6;
	v62 =	vld [tilespmem:$0x11A20];
	v3 =	vadd.f32 v20, v3  }
0x4ec: {  	v11 =	vadd.f32 v59, v11;
	v59 =	vld [tilespmem:$0x1FBD0];
	v4 =	vadd.f32 v25, v4  }
0x4ed: {  	(xrf2) =	vadd.scan.msk.f32 $0xffff, v2;
	v2 =	vld [tilespmem:$0x1FE10];
	v3 =	vadd.f32 v27, v3  }
0x4ee: {  	v53 =	vld [tilespmem:$0x1FBA0];
	v4 =	vadd.f32 v29, v4  }
0x4ef: {  	v20 =	vld [tilespmem:$0x113A0];
	v3 =	vadd.f32 v31, v3  }
0x4f0: {  	v25 =	vld [tilespmem:$0x11430];
	v4 =	vadd.f32 v33, v4  }
0x4f1: {  	v27 =	vld [tilespmem:$0x11470];
	v3 =	vadd.f32 v35, v3  }
0x4f2: {  	v29 =	vld [tilespmem:$0x114B0];
	v4 =	vadd.f32 v37, v4  }
0x4f3: {  	v31 =	vld [tilespmem:$0x114F0];
	v3 =	vadd.f32 v12, v3  }
0x4f4: {  	v33 =	vld [tilespmem:$0x11520];
	v4 =	vadd.f32 v13, v4  }
0x4f5: {  	v35 =	vld [tilespmem:$0x11530];
	v3 =	vadd.f32 v14, v3  }
0x4f6: {  	v37 =	vld [tilespmem:$0x11560];
	v4 =	vadd.f32 v15, v4  }
0x4f7: {  	v3 =	vadd.f32 v16, v3;
	v16 =	vld [tilespmem:$0x1FAC0]  }
0x4f8: {  	v4 =	vadd.f32 v17, v4;
	v17 =	vld [tilespmem:$0x116B0]  }
0x4f9: {  	v3 =	vadd.f32 v18, v3;
	v18 =	vld [tilespmem:$0x116E0]  }
0x4fa: {  	v4 =	vadd.f32 v19, v4;
	v19 =	vld [tilespmem:$0x1FAD0]  }
0x4fb: {  	v3 =	vadd.f32 v20, v3;
	v20 =	vld [tilespmem:$0x116F0]  }
0x4fc: {  	v4 =	vadd.f32 v21, v4;
	v21 =	vld [tilespmem:$0x11720]  }
0x4fd: {  	v11 =	vadd.f32 v16, v11;
	v16 =	vld [tilespmem:$0x11A30]  }
0x4fe: {  	v3 =	vadd.f32 v22, v3;
	v22 =	vld [tilespmem:$0x1FAE0]  }
0x4ff: {  	v4 =	vadd.f32 v23, v4;
	v23 =	vld [tilespmem:$0x11730]  }
0x500: {  	v3 =	vadd.f32 v24, v3;
	v24 =	vld [tilespmem:$0x11760]  }
0x501: {  	v11 =	vadd.f32 v19, v11;
	v19 =	vld [tilespmem:$0x1FC10]  }
0x502: {  	v4 =	vadd.f32 v25, v4;
	v25 =	vld [tilespmem:$0x1FAF0]  }
0x503: {  	v3 =	vadd.f32 v26, v3;
	v26 =	vld [tilespmem:$0x11770]  }
0x504: {  	v4 =	vadd.f32 v27, v4;
	v27 =	vld [tilespmem:$0x117A0]  }
0x505: {  	v11 =	vadd.f32 v22, v11;
	v22 =	vld [tilespmem:$0x11AA0]  }
0x506: {  	v3 =	vadd.f32 v28, v3;
	v28 =	vld [tilespmem:$0x1FB00]  }
0x507: {  	v4 =	vadd.f32 v29, v4;
	v29 =	vld [tilespmem:$0x117B0]  }
0x508: {  	v3 =	vadd.f32 v30, v3;
	v30 =	vld [tilespmem:$0x117E0]  }
0x509: {  	v11 =	vadd.f32 v25, v11;
	v25 =	vld [tilespmem:$0x1FC40]  }
0x50a: {  	v4 =	vadd.f32 v31, v4;
	v31 =	vld [tilespmem:$0x1FB10]  }
0x50b: {  	v3 =	vadd.f32 v33, v3;
	v33 =	vld [tilespmem:$0x11820]  }
0x50c: {  	v4 =	vadd.f32 v35, v4;
	v35 =	vld [tilespmem:$0x11830]  }
0x50d: {  	v11 =	vadd.f32 v28, v11;
	v28 =	vld [tilespmem:$0x11AF0]  }
0x50e: {  	v3 =	vadd.f32 v37, v3;
	v37 =	vld [tilespmem:$0x1FB30]  }
0x50f: {  	v4 =	vadd.f32 v39, v4;
	v39 =	vld [tilespmem:$0x118A0]  }
0x510: {  	v3 =	vadd.f32 v41, v3;
	v41 =	vld [tilespmem:$0x118B0]  }
0x511: {  	v11 =	vadd.f32 v31, v11;
	v31 =	vld [tilespmem:$0x1FC70]  }
0x512: {  	v4 =	vadd.f32 v43, v4;
	v43 =	vld [tilespmem:$0x1FB50]  }
0x513: {  	v3 =	vadd.f32 v45, v3;
	v45 =	vld [tilespmem:$0x1FB60]  }
0x514: {  	v11 =	vadd.f32 v34, v11;
	v34 =	vld [tilespmem:$0x11B60]  }
0x515: {  	v4 =	vadd.f32 v49, v4;
	v49 =	vld [tilespmem:$0x1FB80]  }
0x516: {  	v3 =	vadd.f32 v51, v3;
	v51 =	vld [tilespmem:$0x1FB90]  }
0x517: {  	v11 =	vadd.f32 v37, v11;
	v37 =	vld [tilespmem:$0x1FCA0]  }
0x518: {  	v4 =	vadd.f32 v55, v4;
	v55 =	vld [tilespmem:$0x1FBB0]  }
0x519: {  	v3 =	vadd.f32 v57, v3;
	v57 =	vld [tilespmem:$0x1FBC0]  }
0x51a: {  	v11 =	vadd.f32 v40, v11;
	v40 =	vld [tilespmem:$0x11BB0]  }
0x51b: {  	v4 =	vadd.f32 v61, v4;
	v61 =	vld [tilespmem:$0x1FBE0]  }
0x51c: {  	v6 =	vadd.f32 v45, v6;
	v45 =	vld [tilespmem:$0x1FCE0]  }
0x51d: {  	v3 =	vadd.f32 v63, v3;
	v63 =	vld [tilespmem:$0x1FBF0]  }
0x51e: {  	v11 =	vadd.f32 v43, v11;
	v43 =	vld [tilespmem:$0x1FCD0]  }
0x51f: {  	v4 =	vadd.f32 v17, v4;
	v17 =	vld [tilespmem:$0x1FC00]  }
0x520: {  	v6 =	vadd.f32 v49, v6;
	v49 =	vld [tilespmem:$0x1FD00]  }
0x521: {  	v3 =	vadd.f32 v18, v3;
	v18 =	vld [tilespmem:$0x11A60]  }
0x522: {  	v11 =	vadd.f32 v47, v11;
	v47 =	vld [tilespmem:$0x1FCF0]  }
0x523: {  	v4 =	vadd.f32 v20, v4;
	v20 =	vld [tilespmem:$0x11A70]  }
0x524: {  	v6 =	vadd.f32 v53, v6;
	v53 =	vld [tilespmem:$0x1FD20]  }
0x525: {  	v3 =	vadd.f32 v21, v3;
	v21 =	vld [tilespmem:$0x1FC20]  }
0x526: {  	v11 =	vadd.f32 v51, v11;
	v51 =	vld [tilespmem:$0x1FD10]  }
0x527: {  	v4 =	vadd.f32 v23, v4;
	v23 =	vld [tilespmem:$0x1FC30]  }
0x528: {  	v6 =	vadd.f32 v57, v6;
	v57 =	vld [tilespmem:$0x1FD40]  }
0x529: {  	v3 =	vadd.f32 v24, v3;
	v24 =	vld [tilespmem:$0x11AB0]  }
0x52a: {  	v11 =	vadd.f32 v55, v11;
	v55 =	vld [tilespmem:$0x1FD30]  }
0x52b: {  	v4 =	vadd.f32 v26, v4;
	v26 =	vld [tilespmem:$0x11AE0]  }
0x52c: {  	v6 =	vadd.f32 v61, v6;
	v61 =	vld [tilespmem:$0x1FD60]  }
0x52d: {  	v3 =	vadd.f32 v27, v3;
	v27 =	vld [tilespmem:$0x1FC50]  }
0x52e: {  	v11 =	vadd.f32 v59, v11;
	v59 =	vld [tilespmem:$0x1FD50]  }
0x52f: {  	v4 =	vadd.f32 v29, v4;
	v29 =	vld [tilespmem:$0x1FC60]  }
0x530: {  	v6 =	vadd.f32 v17, v6;
	v17 =	vld [tilespmem:$0x1FD80]  }
0x531: {  	v3 =	vadd.f32 v30, v3;
	v30 =	vld [tilespmem:$0x11B20]  }
0x532: {  	v11 =	vadd.f32 v63, v11;
	v63 =	vld [tilespmem:$0x1FD70]  }
0x533: {  	v4 =	vadd.f32 v32, v4;
	v32 =	vld [tilespmem:$0x11B30]  }
0x534: {  	v6 =	vadd.f32 v21, v6;
	v21 =	vld [tilespmem:$0x1FDA0]  }
0x535: {  	v3 =	vadd.f32 v33, v3;
	v33 =	vld [tilespmem:$0x1FC80]  }
0x536: {  	v11 =	vadd.f32 v19, v11;
	v19 =	vld [tilespmem:$0x1FD90]  }
0x537: {  	v4 =	vadd.f32 v35, v4;
	v35 =	vld [tilespmem:$0x1FC90]  }
0x538: {  	v6 =	vadd.f32 v25, v6;
	v25 =	vld [tilespmem:$0x1FDC0]  }
0x539: {  	v3 =	vadd.f32 v36, v3;
	v36 =	vld [tilespmem:$0x11B70]  }
0x53a: {  	v11 =	vadd.f32 v23, v11;
	v23 =	vld [tilespmem:$0x1FDB0];
	v4 =	vadd.f32 v38, v4  }
0x53b: {  	v38 =	vld [tilespmem:$0x11BA0];
	v3 =	vadd.f32 v39, v3  }
0x53c: {  	v6 =	vadd.f32 v29, v6;
	v29 =	vld [tilespmem:$0x1FDE0];
	v4 =	vadd.f32 v41, v4  }
0x53d: {  	v39 =	vld [tilespmem:$0x1FCB0];
	v3 =	vadd.f32 v42, v3  }
0x53e: {  	v11 =	vadd.f32 v27, v11;
	v27 =	vld [tilespmem:$0x1FDD0];
	v4 =	vadd.f32 v44, v4  }
0x53f: {  	v41 =	vld [tilespmem:$0x1FCC0];
	v3 =	vadd.f32 v46, v3  }
0x540: {  	v6 =	vadd.f32 v33, v6;
	v33 =	vld [tilespmem:$0x1FE00];
	v4 =	vadd.f32 v48, v4  }
0x541: {  	v42 =	vld [tilespmem:$0x11BE0];
	v3 =	vadd.f32 v50, v3  }
0x542: {  	v11 =	vadd.f32 v31, v11;
	v31 =	vld [tilespmem:$0x1FDF0];
	v4 =	vadd.f32 v52, v4  }
0x543: {  	v44 =	vld [tilespmem:$0x11BF0];
	v3 =	vadd.f32 v54, v3  }
0x544: {  	v6 =	vadd.f32 v37, v6;
	v37 =	vld [tilespmem:$0x11EA0];
	v4 =	vadd.f32 v56, v4  }
0x545: {  	v46 =	vld [tilespmem:$0x11C20];
	v3 =	vadd.f32 v58, v3  }
0x546: {  	v11 =	vadd.f32 v35, v11;
	v35 =	vld [tilespmem:$0x11E70];
	v4 =	vadd.f32 v60, v4  }
0x547: {  	v48 =	vld [tilespmem:$0x11C30];
	v3 =	vadd.f32 v62, v3  }
0x548: {  	v50 =	vld [tilespmem:$0x11C60];
	v4 =	vadd.f32 v16, v4  }
0x549: {  	v11 =	vadd.f32 v39, v11;
	v39 =	vld [tilespmem:$0x11EB0];
	v3 =	vadd.f32 v18, v3  }
0x54a: {  	v6 =	vadd.f32 v41, v6;
	v41 =	vld [tilespmem:$0x11EE0];
	v4 =	vadd.f32 v20, v4  }
0x54b: {  	v52 =	vld [tilespmem:$0x11C70];
	v3 =	vadd.f32 v22, v3  }
0x54c: {  	v54 =	vld [tilespmem:$0x11CA0];
	v4 =	vadd.f32 v24, v4  }
0x54d: {  	v11 =	vadd.f32 v43, v11;
	v43 =	vld [tilespmem:$0x11EF0];
	v3 =	vadd.f32 v26, v3  }
0x54e: {  	v6 =	vadd.f32 v45, v6;
	v45 =	vld [tilespmem:$0x11F20];
	v4 =	vadd.f32 v28, v4  }
0x54f: {  	v56 =	vld [tilespmem:$0x11CB0];
	v3 =	vadd.f32 v30, v3  }
0x550: {  	v58 =	vld [tilespmem:$0x11CE0];
	v4 =	vadd.f32 v32, v4  }
0x551: {  	v11 =	vadd.f32 v47, v11;
	v47 =	vld [tilespmem:$0x11F30];
	v3 =	vadd.f32 v34, v3  }
0x552: {  	v6 =	vadd.f32 v49, v6;
	v49 =	vld [tilespmem:$0x11F60];
	v4 =	vadd.f32 v36, v4  }
0x553: {  	v60 =	vld [tilespmem:$0x11CF0];
	v3 =	vadd.f32 v38, v3  }
0x554: {  	v62 =	vld [tilespmem:$0x11D20];
	v4 =	vadd.f32 v40, v4  }
0x555: {  	v11 =	vadd.f32 v51, v11;
	v51 =	vld [tilespmem:$0x11F70];
	v3 =	vadd.f32 v42, v3  }
0x556: {  	v6 =	vadd.f32 v53, v6;
	v53 =	vld [tilespmem:$0x11FA0];
	v4 =	vadd.f32 v44, v4  }
0x557: {  	v16 =	vld [tilespmem:$0x11D30];
	v11 =	vadd.f32 v55, v11;
	v3 =	vadd.f32 v46, v3  }
0x558: {  	v6 =	vadd.f32 v57, v6;
	v18 =	vld [tilespmem:$0x11D60];
	v4 =	vadd.f32 v48, v4  }
0x559: {  	v20 =	vld [tilespmem:$0x11D70];
	v11 =	vadd.f32 v59, v11;
	v3 =	vadd.f32 v50, v3  }
0x55a: {  	v6 =	vadd.f32 v61, v6;
	v22 =	vld [tilespmem:$0x11DA0];
	v4 =	vadd.f32 v52, v4  }
0x55b: {  	v24 =	vld [tilespmem:$0x11DB0];
	v11 =	vadd.f32 v63, v11;
	v3 =	vadd.f32 v54, v3  }
0x55c: {  	v6 =	vadd.f32 v17, v6;
	v26 =	vld [tilespmem:$0x11DE0];
	v4 =	vadd.f32 v56, v4  }
0x55d: {  	v28 =	vld [tilespmem:$0x11DF0];
	v11 =	vadd.f32 v19, v11;
	v3 =	vadd.f32 v58, v3  }
0x55e: {  	v6 =	vadd.f32 v21, v6;
	v30 =	vld [tilespmem:$0x11E20];
	v4 =	vadd.f32 v60, v4  }
0x55f: {  	v32 =	vld [tilespmem:$0x11E30];
	v11 =	vadd.f32 v23, v11;
	v3 =	vadd.f32 v62, v3  }
0x560: {  	v6 =	vadd.f32 v25, v6;
	v34 =	vld [tilespmem:$0x11E60];
	v4 =	vadd.f32 v16, v4  }
0x561: {  	v36 =	vld [tilespmem:$0x1FE20];
	v11 =	vadd.f32 v27, v11;
	v3 =	vadd.f32 v18, v3  }
0x562: {  	v6 =	vadd.f32 v29, v6;
	v38 =	vld [tilespmem:$0x1FE30];
	v4 =	vadd.f32 v20, v4  }
0x563: {  	v40 =	vld [tilespmem:$0x1FE40];
	v11 =	vadd.f32 v31, v11;
	v3 =	vadd.f32 v22, v3  }
0x564: {  	v6 =	vadd.f32 v33, v6;
	v42 =	vld [tilespmem:$0x1FE50];
	v4 =	vadd.f32 v24, v4  }
0x565: {  	v44 =	vld [tilespmem:$0x1FE60];
	v2 =	vadd.f32 v2, v11;
	v3 =	vadd.f32 v26, v3  }
0x566: {  	v6 =	vadd.f32 v36, v6;
	v46 =	vld [tilespmem:$0x1FE70];
	v4 =	vadd.f32 v28, v4  }
0x567: {  	v48 =	vld [tilespmem:$0x1FE80];
	v2 =	vadd.f32 v38, v2;
	v3 =	vadd.f32 v30, v3  }
0x568: {  	v6 =	vadd.f32 v40, v6;
	v50 =	vld [tilespmem:$0x1FE90];
	v4 =	vadd.f32 v32, v4  }
0x569: {  	v52 =	vld [tilespmem:$0x1FEA0];
	v2 =	vadd.f32 v42, v2;
	v3 =	vadd.f32 v34, v3  }
0x56a: {  	v6 =	vadd.f32 v44, v6;
	v54 =	vld [tilespmem:$0x1FEB0];
	v4 =	vadd.f32 v35, v4  }
0x56b: {  	v57 =	vld [tilespmem:$0x1FEC0];
	v2 =	vadd.f32 v46, v2;
	v3 =	vadd.f32 v37, v3  }
0x56c: {  	v59 =	vld [tilespmem:$0x1FED0];
	v6 =	vadd.f32 v48, v6;
	v4 =	vadd.f32 v39, v4  }
0x56d: {  	v61 =	vld [tilespmem:$0x1FEE0];
	v2 =	vadd.f32 v50, v2;
	v3 =	vadd.f32 v41, v3  }
0x56e: {  	v63 =	vld [tilespmem:$0x1FEF0];
	v6 =	vadd.f32 v52, v6;
	v4 =	vadd.f32 v43, v4  }
0x56f: {  	v55, _, _ =	vpop (xrf2);
	v56 =	vld [tilespmem:$0x11FB0];
	v2 =	vadd.f32 v54, v2;
	v3 =	vadd.f32 v45, v3  }
0x570: {  	v11 =	vbroadcast v55, $0xF;
	v58 =	vld [tilespmem:$0x11FE0];
	v6 =	vadd.f32 v57, v6;
	v4 =	vadd.f32 v47, v4  }
0x571: {  	vm0 =	vmmov $0x1;
	v60 =	vld [tilespmem:$0x11FF0];
	v2 =	vadd.f32 v59, v2;
	v3 =	vadd.f32 v49, v3  }
0x572: {  	v62 =	vnsel vm0, $0x0, v11;
	v6 =	vadd.f32 v61, v6;
	v4 =	vadd.f32 v51, v4  }
0x573: {  	v2 =	vadd.f32 v2, v62;
	v3 =	vadd.f32 v53, v3  }
0x574: {  	v6 =	vadd.f32 v63, v6;
	v4 =	vadd.f32 v56, v4  }
0x575: {  	[tilespmem:$0x12000] =	vst v2;
	v2 =	vadd.f32 v58, v3  }
0x576: {  	[tilespmem:$0x12010] =	vst v6;
	v3 =	vadd.f32 v60, v4  }
0x577: {  	[tilespmem:$0x12020] =	vst v2  }
0x578: {  	[tilespmem:$0x12030] =	vst v3  }
0x579: {  	[spmem:s6] =	stream.linear.scatter [tilespmem:s17], [sflag:$0x1], $0x80, $0x38;
	[tilespmem:$0x12900] =	vst v63  }
.Ltmp4:
0x57a: {  	_ =	swait.ge [sflag:s11], $0x80;
	(pc) =	sbr.rel @p0 .LBB2_7-.Ltmp4, $3  }
0x57b: {  	[sflag:s11] =	ssyncset.done $0x0  }
0x57c: {  	[sflag:s11] =	ssyncadd.s32 $0xFFFFFF80  }
0x57d: {  	[bflag:$0x0] =	sbarrier.arrive $0xFFFF;
	_ =	sdelay $0x1  }
0x57e: {  	[tilespmem:s18], [sflag:$0x1] =	stream.linear.gather [spmem:s1], $0x800, $0x38;
	[tilespmem:$0x12900] =	vst v63  }
0x57f: {  	_ =	swait.ge [sflag:s11], $0x800  }
0x580: {  	[sflag:s11] =	ssyncset.done $0x0  }
0x581: {  	[sflag:s11] =	ssyncadd.s32 $0xFFFFF800  }
0x582: {  	v2 =	vld [tilespmem:$0x12080]  }
0x583: {  	v3 =	vld [tilespmem:$0x12100]  }
0x584: {  	v4 =	vld [tilespmem:$0x12180]  }
0x585: {  	v5 =	vld [tilespmem:$0x12200]  }
0x586: {  	v6 =	vld [tilespmem:$0x12280]  }
0x587: {  	v7 =	vld [tilespmem:$0x12300]  }
0x588: {  	v8 =	vld [tilespmem:$0x12380]  }
0x589: {  	v9 =	vld [tilespmem:$0x12400]  }
0x58a: {  	v10 =	vld [tilespmem:$0x12480]  }
0x58b: {  	v11 =	vld [tilespmem:$0x12500]  }
0x58c: {  	v12 =	vld [tilespmem:$0x12580]  }
0x58d: {  	v13 =	vld [tilespmem:$0x12600]  }
0x58e: {  	v14 =	vld [tilespmem:$0x12680]  }
0x58f: {  	v15 =	vld [tilespmem:$0x12700]  }
0x590: {  	v16 =	vld [tilespmem:$0x12780]  }
0x591: {  	v17 =	vld [tilespmem:$0x12800]  }
0x592: {  	v18 =	vld [tilespmem:$0x12090]  }
0x593: {  	v19 =	vld [tilespmem:$0x12110]  }
0x594: {  	v20 =	vld [tilespmem:$0x12190]  }
0x595: {  	v21 =	vld [tilespmem:$0x12210]  }
0x596: {  	v22 =	vld [tilespmem:$0x12290]  }
0x597: {  	v23 =	vld [tilespmem:$0x12310]  }
0x598: {  	v24 =	vld [tilespmem:$0x12390]  }
0x599: {  	v25 =	vld [tilespmem:$0x12410]  }
0x59a: {  	v26 =	vld [tilespmem:$0x12490]  }
0x59b: {  	v27 =	vld [tilespmem:$0x12510]  }
0x59c: {  	v28 =	vld [tilespmem:$0x12590]  }
0x59d: {  	v29 =	vld [tilespmem:$0x12610]  }
0x59e: {  	v30 =	vld [tilespmem:$0x12690]  }
0x59f: {  	v31 =	vld [tilespmem:$0x12710]  }
0x5a0: {  	v32 =	vld [tilespmem:$0x12790]  }
0x5a1: {  	v33 =	vld [tilespmem:$0x12810]  }
0x5a2: {  	v34 =	vld [tilespmem:$0x120A0]  }
0x5a3: {  	v35 =	vld [tilespmem:$0x120B0]  }
0x5a4: {  	v36 =	vld [tilespmem:$0x12120]  }
0x5a5: {  	v37 =	vld [tilespmem:$0x12130];
	v2 =	vadd.f32 $0.0e+00, v2  }
0x5a6: {  	v38 =	vld [tilespmem:$0x121A0];
	v18 =	vadd.f32 $0.0e+00, v18  }
0x5a7: {  	v61 =	vld [tilespmem:$0x121B0];
	v2 =	vadd.f32 v3, v2;
	v3 =	vadd.f32 $0.0e+00, v34  }
0x5a8: {  	v62 =	vld [tilespmem:$0x12220];
	v35 =	vadd.f32 $0.0e+00, v35;
	v18 =	vadd.f32 v19, v18  }
0x5a9: {  	v63 =	vld [tilespmem:$0x12230];
	v2 =	vadd.f32 v4, v2;
	v3 =	vadd.f32 v36, v3  }
0x5aa: {  	v18 =	vadd.f32 v20, v18;
	v36 =	vadd.f32 v37, v35;
	v37 =	vld [tilespmem:$0x122A0]  }
0x5ab: {  	v39 =	vld [tilespmem:$0x122B0];
	v2 =	vadd.f32 v5, v2;
	v3 =	vadd.f32 v38, v3  }
0x5ac: {  	v40 =	vld [tilespmem:$0x12320];
	v18 =	vadd.f32 v21, v18;
	v20 =	vadd.f32 v61, v36  }
0x5ad: {  	v41 =	vld [tilespmem:$0x12330];
	v2 =	vadd.f32 v6, v2;
	v3 =	vadd.f32 v62, v3  }
0x5ae: {  	v42 =	vld [tilespmem:$0x123A0];
	v18 =	vadd.f32 v22, v18;
	v4 =	vadd.f32 v63, v20  }
0x5af: {  	v43 =	vld [tilespmem:$0x123B0];
	v2 =	vadd.f32 v7, v2;
	v3 =	vadd.f32 v37, v3  }
0x5b0: {  	v44 =	vld [tilespmem:$0x12420];
	v18 =	vadd.f32 v23, v18;
	v4 =	vadd.f32 v39, v4  }
0x5b1: {  	v45 =	vld [tilespmem:$0x12430];
	v2 =	vadd.f32 v8, v2;
	v3 =	vadd.f32 v40, v3  }
0x5b2: {  	v46 =	vld [tilespmem:$0x124A0];
	v18 =	vadd.f32 v24, v18;
	v4 =	vadd.f32 v41, v4  }
0x5b3: {  	v47 =	vld [tilespmem:$0x124B0];
	v2 =	vadd.f32 v9, v2;
	v3 =	vadd.f32 v42, v3  }
0x5b4: {  	v48 =	vld [tilespmem:$0x12520];
	v18 =	vadd.f32 v25, v18;
	v4 =	vadd.f32 v43, v4  }
0x5b5: {  	v49 =	vld [tilespmem:$0x12530];
	v2 =	vadd.f32 v10, v2;
	v3 =	vadd.f32 v44, v3  }
0x5b6: {  	v51 =	vld [tilespmem:$0x125A0];
	v50 =	vadd.f32 v26, v18;
	v4 =	vadd.f32 v45, v4  }
0x5b7: {  	v52 =	vld [tilespmem:$0x125B0];
	v2 =	vadd.f32 v11, v2;
	v3 =	vadd.f32 v46, v3  }
0x5b8: {  	v53 =	vld [tilespmem:$0x12620];
	v10 =	vadd.f32 v27, v50;
	v4 =	vadd.f32 v47, v4  }
0x5b9: {  	v54 =	vld [tilespmem:$0x12630];
	v2 =	vadd.f32 v12, v2;
	v3 =	vadd.f32 v48, v3  }
0x5ba: {  	v55 =	vld [tilespmem:$0x126A0];
	v10 =	vadd.f32 v28, v10;
	v4 =	vadd.f32 v49, v4  }
0x5bb: {  	v56 =	vld [tilespmem:$0x126B0];
	v2 =	vadd.f32 v13, v2;
	v3 =	vadd.f32 v51, v3  }
0x5bc: {  	v57 =	vld [tilespmem:$0x12720];
	v10 =	vadd.f32 v29, v10;
	v4 =	vadd.f32 v52, v4  }
0x5bd: {  	v58 =	vld [tilespmem:$0x12730];
	v2 =	vadd.f32 v14, v2;
	v3 =	vadd.f32 v53, v3  }
0x5be: {  	v59 =	vld [tilespmem:$0x127A0];
	v10 =	vadd.f32 v30, v10;
	v4 =	vadd.f32 v54, v4  }
0x5bf: {  	v60 =	vld [tilespmem:$0x127B0];
	v2 =	vadd.f32 v15, v2;
	v3 =	vadd.f32 v55, v3  }
0x5c0: {  	v61 =	vld [tilespmem:$0x12820];
	v10 =	vadd.f32 v31, v10;
	v4 =	vadd.f32 v56, v4  }
0x5c1: {  	v62 =	vld [tilespmem:$0x12830];
	v2 =	vadd.f32 v16, v2;
	v3 =	vadd.f32 v57, v3  }
0x5c2: {  	v10 =	vadd.f32 v32, v10;
	v4 =	vadd.f32 v58, v4  }
0x5c3: {  	v2 =	vadd.f32 v17, v2;
	v3 =	vadd.f32 v59, v3  }
0x5c4: {  	v63 =	vadd.f32 v33, v10;
	v4 =	vadd.f32 v60, v4  }
0x5c5: {  	[tilespmem:$0x12000] =	vst v2;
	v2 =	vadd.f32 v61, v3  }
0x5c6: {  	[tilespmem:$0x12010] =	vst v63;
	v3 =	vadd.f32 v62, v4  }
0x5c7: {  	[tilespmem:$0x12020] =	vst v2  }
.Ltmp5:
0x5c8: {  	[tilespmem:$0x12030] =	vst v3;
	(pc) =	sbr.rel .LBB2_7-.Ltmp5, $4  }
0x5c9: {  	[hbm4b:s7+s2] =	stream.linear.scatter [tilespmem:s17], [sflag:$0x1], $0x80, $0x38;
	[tilespmem:$0x12900] =	vst v63  }
0x5ca: {  	_ =	swait.ge [sflag:s11], $0x80  }
0x5cb: {  	[sflag:s11] =	ssyncset.done $0x0  }
0x5cc: {  	[sflag:s11] =	ssyncadd.s32 $0xFFFFFF80  }
.LBB2_8:
0x5cd: {  	_ =	sfence.sel $0x180000  }
0x5ce: {  	[bflag:$0x0] =	sbarrier.arrive $0xFFFF  }
0x5cf: {  	_ =	strace $0x90000047  }
0x5d0: {  	s0 =	sadd.s32 @!p0 $0x100000, s0;
	[bflag:$0x2] =	sbarrier.arrive $0xFFFF  }
0x5d1: {  	[sflag:s0] =	ssyncadd.tile.s32 @!p0 $0x1;
	_ =	shalt  }
.Lfunc_end2:
_tile_overlayer_lowered:
.L_overlay_start_2:
0x5d2: {  	(tag) =	ssettag $0x2  }
0x5d3: {  	s0 =	rddreg [dreg:$0x0];
	s2 =	stileid.u32  }
0x5d4: {  	s1 =	rddreg [dreg:$0x1];
	p0 =	sne.s32 s2, $0x0  }
0x5d5: {  	s3 =	rddreg [dreg:$0x2];
	[bflag:$0x3] =	sbarrier.arrive $0xFFFF;
	s2 =	simm.s32 @!p0 $0x1C01  }
0x5d6: {  	[timem:s3], [sflag:s2] =	dma.local @!p0 [hbm:s0], s1  }
0x5d7: {  	s0 =	simm.s32 @!p0 $0x1  }
0x5d8: {  	_ =	swait.ge @!p0 [sflag:s0], s1  }
0x5d9: {  	s1 =	ssub.s32 @!p0 $0x0, s1;
	[sflag:s0] =	ssyncset.done @!p0 $0x0  }
0x5da: {  	[sflag:s0] =	ssyncadd.s32 @!p0 s1  }
0x5db: {  	[bflag:$0x3] =	sbarrier.arrive $0xFFFF  }
0x5dc: {  	_ =	shalt  }

</sc_bundles>
